<compile_context>
chip_gen: v7x
topology: tpu7x:2x2x1
jax: 0.10.2.dev20260603
libtpu: 0.0.44.dev20260713+nightly
codegen_flags: <defaults>
</compile_context>

<pallas_src>
import functools

import jax
import jax.numpy as jnp
from jax import lax
from jax.experimental import pallas as pl
from jax.experimental.pallas import tpu as pltpu
from jax.experimental.pallas import tpu_sc as plsc

N = 10000
E = 320000
F = 128
NC = 2
NS = 16
NW = NC * NS
EP = E // NW
CHUNK = 80
NCHUNK = EP // CHUNK
GC = 5
GE = GC * CHUNK
NG = NCHUNK // GC
NP = 10240
RPT = NP // NS
ZR = 64
F32 = jnp.float32
_SC_PARAMS = pltpu.CompilerParams(use_tc_tiling_on_sc=False,
                                  needs_layout_passes=False)


def _mesh():
    return plsc.VectorSubcoreMesh(
        core_axis_name="c", subcore_axis_name="s",
        num_cores=NC, num_subcores=NS)


def _zero_f32(ref, nrows, ncols):
    z = jnp.zeros((16,), F32)

    def body(i, _):
        for b in range(ncols // 16):
            ref[i, pl.ds(b * 16, 16)] = z
        return 0

    lax.fori_loop(0, nrows, body, 0)


def _make_agg_kernel(with_deg):
    out_type = [jax.ShapeDtypeStruct((NC, NP, F), F32)]
    scratch = [
        pltpu.VMEM((GE,), jnp.int32),
        pltpu.VMEM((GE,), jnp.int32),
        pltpu.VMEM((GE,), jnp.int32),
        pltpu.VMEM((GE,), jnp.int32),
        pltpu.VMEM((CHUNK, F), F32),
        pltpu.VMEM((CHUNK, F), F32),
        pltpu.VMEM((ZR, F), F32),
        pltpu.VMEM_SHARED((NP, F), F32),
        pltpu.SemaphoreType.DMA,
        pltpu.SemaphoreType.DMA,
        pltpu.SemaphoreType.DMA,
    ]
    if with_deg:
        out_type.append(jax.ShapeDtypeStruct((NC, NP, 16), F32))
        scratch += [
            pltpu.VMEM((CHUNK, 16), F32),
            pltpu.VMEM((ZR, 16), F32),
            pltpu.VMEM_SHARED((NP, 16), F32),
        ]

    def body(table, ei, *refs):
        if with_deg:
            (parts_out, deg_out, gs0, gs1, gd0, gd1, rows0, rows1, zbuf,
             acc_sh, gsem, isem, ssem, ones_v, dbuf, deg_sh) = refs
        else:
            (parts_out, gs0, gs1, gd0, gd1, rows0, rows1, zbuf, acc_sh,
             gsem, isem, ssem) = refs
        rows = (rows0, rows1)
        gsrc = (gs0, gs1)
        gdst = (gd0, gd1)
        c = lax.axis_index("c")
        s = lax.axis_index("s")
        wid = s * NC + c
        ebase = wid * EP

        _zero_f32(zbuf, ZR, F)
        for j in range(RPT // ZR):
            pltpu.sync_copy(zbuf, acc_sh.at[pl.ds(s * RPT + j * ZR, ZR)])
        if with_deg:
            _zero_f32(dbuf, ZR, 16)
            for j in range(RPT // ZR):
                pltpu.sync_copy(dbuf, deg_sh.at[pl.ds(s * RPT + j * ZR, ZR)])
            one = jnp.ones((16,), F32)

            def fill_ones(i, _):
                ones_v[i, :] = one
                return 0

            lax.fori_loop(0, CHUNK, fill_ones, 0)
        plsc.subcore_barrier()

        def fire_idx(g, p):
            pltpu.async_copy(ei.at[0, pl.ds(ebase + g * GE, GE)], gsrc[p],
                             isem)
            pltpu.async_copy(ei.at[1, pl.ds(ebase + g * GE, GE)], gdst[p],
                             isem)

        def drain_idx(p):
            pltpu.make_async_copy(ei.at[0, pl.ds(0, GE)], gsrc[p],
                                  isem).wait()
            pltpu.make_async_copy(ei.at[1, pl.ds(0, GE)], gdst[p],
                                  isem).wait()

        def fire_gather(idx, buf):
            pltpu.async_copy(table.at[idx], buf, gsem)

        def drain_gather(buf):
            pltpu.make_async_copy(table.at[pl.ds(0, CHUNK)], buf, gsem).wait()

        def fire_scatter(idx, buf):
            pltpu.async_copy(buf, acc_sh.at[idx], ssem, add=True)
            if with_deg:
                pltpu.async_copy(ones_v, deg_sh.at[idx], ssem, add=True)

        def drain_scatter():
            pltpu.make_async_copy(
                table.at[pl.ds(0, CHUNK)], rows0, ssem).wait()
            if with_deg:
                pltpu.make_async_copy(
                    deg_out.at[0, pl.ds(0, CHUNK)], ones_v, ssem).wait()

        def emit_group(g, gpar, drain_next, fire_next2, fire_last):
            for i in range(GC):
                kpar = (gpar + i) % 2
                if i == 3 and drain_next:
                    drain_idx(1 - gpar)
                drain_gather(rows[kpar])
                if i == 0:
                    @pl.when(g >= 1)
                    def _():
                        drain_scatter()
                else:
                    drain_scatter()
                if i < GC - 1:
                    fire_gather(gsrc[gpar].at[pl.ds((i + 1) * CHUNK, CHUNK)],
                                rows[1 - kpar])
                elif fire_last:
                    fire_gather(gsrc[1 - gpar].at[pl.ds(0, CHUNK)],
                                rows[1 - kpar])
                fire_scatter(gdst[gpar].at[pl.ds(i * CHUNK, CHUNK)],
                             rows[kpar])
            if fire_next2 == "always":
                fire_idx(g + 2, gpar)
            elif fire_next2 == "guard":
                @pl.when(g + 2 <= NG - 1)
                def _():
                    fire_idx(g + 2, gpar)

        fire_idx(0, 0)
        drain_idx(0)
        fire_idx(1, 1)
        fire_gather(gsrc[0].at[pl.ds(0, CHUNK)], rows0)

        def pair_body(t, _):
            emit_group(2 * t, 0, True, "always", True)
            emit_group(2 * t + 1, 1, True, "guard", True)
            return 0

        lax.fori_loop(0, (NG - 1) // 2, pair_body, 0)
        emit_group(NG - 1, 0, False, None, False)
        drain_scatter()
        plsc.subcore_barrier()

        pltpu.sync_copy(acc_sh.at[pl.ds(s * RPT, RPT)],
                        parts_out.at[c, pl.ds(s * RPT, RPT)])
        if with_deg:
            pltpu.sync_copy(deg_sh.at[pl.ds(s * RPT, RPT)],
                            deg_out.at[c, pl.ds(s * RPT, RPT)])

    return pl.kernel(body, tuple(out_type), mesh=_mesh(),
                     scratch_types=scratch, compiler_params=_SC_PARAMS)


@functools.lru_cache(maxsize=None)
def _get_agg_kernel(with_deg):
    return _make_agg_kernel(with_deg)


def _predictor_sc(A, B, pei, wp2):

    def body(a_hbm, b_hbm, pei, w_hbm, out,
             u_v, v_v, ra0, ra1, rb0, rb1, w_v, s0, s1, gsem, ssem):
        ras = (ra0, ra1)
        rbs = (rb0, rb1)
        s16 = (s0, s1)
        c = lax.axis_index("c")
        s = lax.axis_index("s")
        wid = s * NC + c
        ebase = wid * EP
        pltpu.sync_copy(pei.at[0, pl.ds(ebase, EP)], u_v)
        pltpu.sync_copy(pei.at[1, pl.ds(ebase, EP)], v_v)
        pltpu.sync_copy(w_hbm, w_v)
        wbs = [w_v[pl.ds(b * 16, 16)] for b in range(F // 16)]

        def fire_gathers(k, ra, rb):
            pltpu.async_copy(
                a_hbm.at[u_v.at[pl.ds(k * CHUNK, CHUNK)]], ra, gsem)
            pltpu.async_copy(
                b_hbm.at[v_v.at[pl.ds(k * CHUNK, CHUNK)]], rb, gsem)

        def drain_gathers(ra, rb):
            pltpu.make_async_copy(a_hbm.at[pl.ds(0, CHUNK)], ra, gsem).wait()
            pltpu.make_async_copy(b_hbm.at[pl.ds(0, CHUNK)], rb, gsem).wait()

        def compute(ra, rb, sbuf):
            @plsc.parallel_loop(0, CHUNK, step=1, unroll=4)
            def edge_body(e):
                acc = jnp.zeros((16,), F32)
                for b in range(F // 16):
                    av = ra[e, pl.ds(b * 16, 16)]
                    bv = rb[e, pl.ds(b * 16, 16)]
                    acc = acc + jnp.maximum(av + bv, 0.0) * wbs[b]
                sbuf[pl.ds(e * 16, 16)] = acc

        def drain_store(sbuf):
            pltpu.make_async_copy(
                out.at[pl.ds(0, CHUNK * 16)], sbuf, ssem).wait()

        fire_gathers(0, ra0, rb0)

        def chunk_body(j, _):
            for h in range(2):
                k = 2 * j + h
                drain_gathers(ras[h], rbs[h])
                fire_gathers(k + 1, ras[1 - h], rbs[1 - h])

                @pl.when(k >= 2)
                def _():
                    drain_store(s16[h])

                compute(ras[h], rbs[h], s16[h])
                pltpu.async_copy(
                    s16[h],
                    out.at[pl.ds((ebase + k * CHUNK) * 16, CHUNK * 16)],
                    ssem)
            return 0

        lax.fori_loop(0, (NCHUNK - 1) // 2, chunk_body, 0)
        k = NCHUNK - 1
        drain_gathers(ras[0], rbs[0])
        drain_store(s16[0])
        compute(ras[0], rbs[0], s16[0])
        drain_store(s16[1])
        pltpu.sync_copy(s16[0],
                        out.at[pl.ds((ebase + k * CHUNK) * 16, CHUNK * 16)])

    return pl.kernel(
        body,
        jax.ShapeDtypeStruct((E * 16,), F32),
        mesh=_mesh(),
        scratch_types=[
            pltpu.VMEM((EP,), jnp.int32),
            pltpu.VMEM((EP,), jnp.int32),
            pltpu.VMEM((CHUNK, F), F32),
            pltpu.VMEM((CHUNK, F), F32),
            pltpu.VMEM((CHUNK, F), F32),
            pltpu.VMEM((CHUNK, F), F32),
            pltpu.VMEM((F,), F32),
            pltpu.VMEM((CHUNK * 16,), F32),
            pltpu.VMEM((CHUNK * 16,), F32),
            pltpu.SemaphoreType.DMA,
            pltpu.SemaphoreType.DMA,
        ],
        compiler_params=_SC_PARAMS,
    )(A, B, pei, wp2)



_RB = 1000
_RBP = 1024


def _mm_body(x_ref, w_ref, o_ref):
    o_ref[...] = jnp.dot(x_ref[...], w_ref[...], preferred_element_type=F32)


def _tc_matmul(x, w):
    return pl.pallas_call(
        _mm_body,
        grid=(N // _RB,),
        in_specs=[
            pl.BlockSpec((_RB, F), lambda i: (i, 0)),
            pl.BlockSpec((F, F), lambda i: (0, 0)),
        ],
        out_specs=pl.BlockSpec((_RB, F), lambda i: (i, 0)),
        out_shape=jax.ShapeDtypeStruct((N, F), F32),
    )(x, w)


def _deg_from16(d_ref):
    deg = jnp.sum(d_ref[...], axis=(0, 2)) * (1.0 / 16.0)
    return jnp.maximum(deg, 1.0)


def _lay1_body(p_ref, d_ref, b1_ref, w2_ref, o_ref):
    acc = p_ref[0] + p_ref[1]
    deg = _deg_from16(d_ref)
    h = jnp.maximum(acc / deg[:, None] + b1_ref[...], 0.0)
    o_ref[...] = jnp.dot(h, w2_ref[...], preferred_element_type=F32)


def _tc_layer1(parts, deg16, b1, w2):
    return pl.pallas_call(
        _lay1_body,
        grid=(NP // _RBP,),
        in_specs=[
            pl.BlockSpec((NC, _RBP, F), lambda i: (0, i, 0)),
            pl.BlockSpec((NC, _RBP, 16), lambda i: (0, i, 0)),
            pl.BlockSpec((1, F), lambda i: (0, 0)),
            pl.BlockSpec((F, F), lambda i: (0, 0)),
        ],
        out_specs=pl.BlockSpec((_RBP, F), lambda i: (i, 0)),
        out_shape=jax.ShapeDtypeStruct((NP, F), F32),
    )(parts, deg16, b1, w2)


def _lay2_body(p_ref, d_ref, b2_ref, wp1_ref, bp1_ref, a_ref, b_ref):
    acc = p_ref[0] + p_ref[1]
    deg = _deg_from16(d_ref)
    h2 = acc / deg[:, None] + b2_ref[...]
    a_ref[...] = (jnp.dot(h2, wp1_ref[0:F, :], preferred_element_type=F32)
                  + bp1_ref[...])
    b_ref[...] = jnp.dot(h2, wp1_ref[F:2 * F, :], preferred_element_type=F32)


def _tc_layer2(parts, deg16, b2, wp1, bp1):
    return pl.pallas_call(
        _lay2_body,
        grid=(NP // _RBP,),
        in_specs=[
            pl.BlockSpec((NC, _RBP, F), lambda i: (0, i, 0)),
            pl.BlockSpec((NC, _RBP, 16), lambda i: (0, i, 0)),
            pl.BlockSpec((1, F), lambda i: (0, 0)),
            pl.BlockSpec((2 * F, F), lambda i: (0, 0)),
            pl.BlockSpec((1, F), lambda i: (0, 0)),
        ],
        out_specs=[
            pl.BlockSpec((_RBP, F), lambda i: (i, 0)),
            pl.BlockSpec((_RBP, F), lambda i: (i, 0)),
        ],
        out_shape=[
            jax.ShapeDtypeStruct((NP, F), F32),
            jax.ShapeDtypeStruct((NP, F), F32),
        ],
    )(parts, deg16, b2, wp1, bp1)


_ER = E * 16 // F
_EB = 4000


def _red_body(s_ref, bp2_ref, o_ref):
    m = (jnp.arange(F)[:, None] // 16 == jnp.arange(8)[None, :]).astype(F32)
    o_ref[...] = (jnp.dot(s_ref[...], m, preferred_element_type=F32)
                  + bp2_ref[0, 0])


def _tc_reduce(s16, bp2):
    return pl.pallas_call(
        _red_body,
        grid=(_ER // _EB,),
        in_specs=[
            pl.BlockSpec((_EB, F), lambda i: (i, 0)),
            pl.BlockSpec((1, 1), lambda i: (0, 0)),
        ],
        out_specs=pl.BlockSpec((_EB, 8), lambda i: (i, 0)),
        out_shape=jax.ShapeDtypeStruct((_ER, 8), F32),
    )(s16, bp2)


def kernel(x, edge_index, pred_edge_index, W1, b1, W2, b2, Wp1, bp1, Wp2, bp2):
    ei = edge_index.astype(jnp.int32)
    pei = pred_edge_index.astype(jnp.int32)

    xw = _tc_matmul(x, W1)
    parts1, deg16 = _get_agg_kernel(True)(xw, ei)
    hw = _tc_layer1(parts1, deg16, b1.reshape(1, F), W2)
    (parts2,) = _get_agg_kernel(False)(hw, ei)
    A, B = _tc_layer2(parts2, deg16, b2.reshape(1, F), Wp1, bp1.reshape(1, F))
    s16 = _predictor_sc(A, B, pei, Wp2.reshape(F)).reshape(_ER, F)
    return _tc_reduce(s16, bp2.reshape(1, 1)).reshape(E, 1)

# --- scband reference (transcript-rebuilt; emitter-appended) ---
"""Pipeline reference for scband-model-49890340110359 (READ-ONLY COPY).

The authoritative reference and input builder live on the scoring server;
editing this copy changes nothing except your own understanding.
"""

import jax, jax.numpy as jnp
import numpy as np

N_NODES = 10000
N_EDGES = 320000
IN_F = 128
HID_F = 128
OUT_F = 128
N_CLS = 1


def setup_inputs(seed: int = 0) -> dict:
    key = jax.random.key(seed)
    ks = jax.random.split(key, 12)
    x = jax.random.normal(ks[0], (N_NODES, IN_F), dtype=jnp.float32)
    edge_index = jax.random.randint(ks[1], (2, N_EDGES), 0, N_NODES, dtype=jnp.int64)
    pred_edge_index = jax.random.randint(ks[2], (2, N_EDGES), 0, N_NODES, dtype=jnp.int64)
    W1 = jax.random.normal(ks[3], (IN_F, HID_F), dtype=jnp.float32) * (1.0 / np.sqrt(IN_F))
    b1 = jnp.zeros((HID_F,), dtype=jnp.float32)
    W2 = jax.random.normal(ks[4], (HID_F, OUT_F), dtype=jnp.float32) * (1.0 / np.sqrt(HID_F))
    b2 = jnp.zeros((OUT_F,), dtype=jnp.float32)
    Wp1 = jax.random.normal(ks[5], (2 * OUT_F, OUT_F), dtype=jnp.float32) * (1.0 / np.sqrt(2 * OUT_F))
    bp1 = jnp.zeros((OUT_F,), dtype=jnp.float32)
    Wp2 = jax.random.normal(ks[6], (OUT_F, N_CLS), dtype=jnp.float32) * (1.0 / np.sqrt(OUT_F))
    bp2 = jnp.zeros((N_CLS,), dtype=jnp.float32)
    return {"x": x, "edge_index": edge_index, "pred_edge_index": pred_edge_index,
            "W1": W1, "b1": b1, "W2": W2, "b2": b2,
            "Wp1": Wp1, "bp1": bp1, "Wp2": Wp2, "bp2": bp2}


def reference(x, edge_index, pred_edge_index, W1, b1, W2, b2, Wp1, bp1, Wp2, bp2):
    # Two-layer GCN (mean aggregation over incoming edges) followed by an
    # edge-level MLP predictor on pred_edge_index (DGL MLPPredictor style).
    src = edge_index[0]
    dst = edge_index[1]
    n = x.shape[0]
    deg = jnp.zeros((n,), dtype=jnp.float32).at[dst].add(1.0)
    deg = jnp.clip(deg, 1.0, None)[:, None]
    # layer 1: aggregate -> linear -> relu
    agg1 = jax.ops.segment_sum(jnp.take(x, src, axis=0), dst, num_segments=n) / deg
    h = jax.nn.relu(agg1 @ W1 + b1)
    # layer 2: aggregate -> linear
    agg2 = jax.ops.segment_sum(jnp.take(h, src, axis=0), dst, num_segments=n) / deg
    h2 = agg2 @ W2 + b2
    # edge predictor: concat(h_u, h_v) -> MLP
    u = pred_edge_index[0]
    v = pred_edge_index[1]
    e = jnp.concatenate([jnp.take(h2, u, axis=0), jnp.take(h2, v, axis=0)], axis=1)
    score = jax.nn.relu(e @ Wp1 + bp1) @ Wp2 + bp2
    return score

if __name__ == "__main__":
    import jax
    _d = setup_inputs()
    print(jax.jit(kernel)(*tuple(_d.values())))

</pallas_src>

<mosaic_0001>
#map = affine_map<(d0, d1) -> (0, 0)>
#map1 = affine_map<(d0, d1) -> (0, 0, 0)>
module attributes {stable_mosaic.version = 14 : i64} {
  func.func @body(%arg0: i32, %arg1: i32, %arg2: memref<10000x128xf32, #tpu.memory_space<hbm>>, %arg3: memref<2x320000xi32, #tpu.memory_space<hbm>>, %arg4: memref<2x10240x128xf32, #tpu.memory_space<hbm>>, %arg5: memref<2x10240x16xf32, #tpu.memory_space<hbm>>, %arg6: memref<400xi32, #tpu.memory_space<vmem>>, %arg7: memref<400xi32, #tpu.memory_space<vmem>>, %arg8: memref<400xi32, #tpu.memory_space<vmem>>, %arg9: memref<400xi32, #tpu.memory_space<vmem>>, %arg10: memref<80x128xf32, #tpu.memory_space<vmem>>, %arg11: memref<80x128xf32, #tpu.memory_space<vmem>>, %arg12: memref<64x128xf32, #tpu.memory_space<vmem>>, %arg13: memref<10240x128xf32, #tpu.memory_space<vmem_shared>>, %arg14: memref<!tpu.dma_semaphore, #tpu.memory_space<semaphore_mem>>, %arg15: memref<!tpu.dma_semaphore, #tpu.memory_space<semaphore_mem>>, %arg16: memref<!tpu.dma_semaphore, #tpu.memory_space<semaphore_mem>>, %arg17: memref<80x16xf32, #tpu.memory_space<vmem>>, %arg18: memref<64x16xf32, #tpu.memory_space<vmem>>, %arg19: memref<10240x16xf32, #tpu.memory_space<vmem_shared>>) attributes {dimension_semantics = [#tpu.dimension_semantics<core_parallel>, #tpu.dimension_semantics<subcore_parallel>], iteration_bounds = array<i64: 2, 16>, scalar_prefetch = 0 : i64, scratch_operands = 14 : i64, tpu.core_type = #tpu.core_type<sc_vector_subcore>, window_params = [{transform_indices = #map}, {transform_indices = #map}, {transform_indices = #map1}, {transform_indices = #map1}]} {
    %mul3A = arith.constant 2 : i32
    %mul3A_0 = arith.muli %arg1, %mul3A : i32
    %add3A = arith.addi %mul3A_0, %arg0 : i32
    %mul3A_1 = arith.constant 10000 : i32
    %mul3A_2 = arith.muli %add3A, %mul3A_1 : i32
    %broadcast_in_dim3A = arith.constant 0.000000e+00 : f32
    %broadcast_in_dim3A_3 = vector.broadcast %broadcast_in_dim3A : f32 to vector<16xf32>
    %scan3A = arith.constant 0 : i32
    %scan3A_4 = arith.constant 0 : i32
    %scan3A_5 = arith.constant 64 : i32
    %scan3A_6 = arith.addi %scan3A_4, %scan3A_5 : i32
    %scan3A_7 = arith.constant 1 : i32
    %scan3A_8 = scf.for %scan3A_359 = %scan3A_4 to %scan3A_6 step %scan3A_7 iter_args(%scan3A_360 = %scan3A) -> (i32)  : i32 {
      %swap3A = arith.index_cast %scan3A_359 : i32 to index
      %swap3A_361 = arith.constant 0 : index
      %swap3A_362 = tpu.vector_load %arg12[%swap3A, %swap3A_361] {strides = array<i32>} : memref<64x128xf32, #tpu.memory_space<vmem>>, vector<16xf32>,
      tpu.vector_store %arg12[%swap3A, %swap3A_361], %broadcast_in_dim3A_3 {strides = array<i32>} : memref<64x128xf32, #tpu.memory_space<vmem>>, vector<16xf32>,
      %swap3A_363 = arith.index_cast %scan3A_359 : i32 to index
      %swap3A_364 = arith.constant 16 : index
      %swap3A_365 = tpu.vector_load %arg12[%swap3A_363, %swap3A_364] {strides = array<i32>} : memref<64x128xf32, #tpu.memory_space<vmem>>, vector<16xf32>,
      tpu.vector_store %arg12[%swap3A_363, %swap3A_364], %broadcast_in_dim3A_3 {strides = array<i32>} : memref<64x128xf32, #tpu.memory_space<vmem>>, vector<16xf32>,
      %swap3A_366 = arith.index_cast %scan3A_359 : i32 to index
      %swap3A_367 = arith.constant 32 : index
      %swap3A_368 = tpu.vector_load %arg12[%swap3A_366, %swap3A_367] {strides = array<i32>} : memref<64x128xf32, #tpu.memory_space<vmem>>, vector<16xf32>,
      tpu.vector_store %arg12[%swap3A_366, %swap3A_367], %broadcast_in_dim3A_3 {strides = array<i32>} : memref<64x128xf32, #tpu.memory_space<vmem>>, vector<16xf32>,
      %swap3A_369 = arith.index_cast %scan3A_359 : i32 to index
      %swap3A_370 = arith.constant 48 : index
      %swap3A_371 = tpu.vector_load %arg12[%swap3A_369, %swap3A_370] {strides = array<i32>} : memref<64x128xf32, #tpu.memory_space<vmem>>, vector<16xf32>,
      tpu.vector_store %arg12[%swap3A_369, %swap3A_370], %broadcast_in_dim3A_3 {strides = array<i32>} : memref<64x128xf32, #tpu.memory_space<vmem>>, vector<16xf32>,
      %swap3A_372 = arith.index_cast %scan3A_359 : i32 to index
      %swap3A_373 = arith.constant 64 : index
      %swap3A_374 = tpu.vector_load %arg12[%swap3A_372, %swap3A_373] {strides = array<i32>} : memref<64x128xf32, #tpu.memory_space<vmem>>, vector<16xf32>,
      tpu.vector_store %arg12[%swap3A_372, %swap3A_373], %broadcast_in_dim3A_3 {strides = array<i32>} : memref<64x128xf32, #tpu.memory_space<vmem>>, vector<16xf32>,
      %swap3A_375 = arith.index_cast %scan3A_359 : i32 to index
      %swap3A_376 = arith.constant 80 : index
      %swap3A_377 = tpu.vector_load %arg12[%swap3A_375, %swap3A_376] {strides = array<i32>} : memref<64x128xf32, #tpu.memory_space<vmem>>, vector<16xf32>,
      tpu.vector_store %arg12[%swap3A_375, %swap3A_376], %broadcast_in_dim3A_3 {strides = array<i32>} : memref<64x128xf32, #tpu.memory_space<vmem>>, vector<16xf32>,
      %swap3A_378 = arith.index_cast %scan3A_359 : i32 to index
      %swap3A_379 = arith.constant 96 : index
      %swap3A_380 = tpu.vector_load %arg12[%swap3A_378, %swap3A_379] {strides = array<i32>} : memref<64x128xf32, #tpu.memory_space<vmem>>, vector<16xf32>,
      tpu.vector_store %arg12[%swap3A_378, %swap3A_379], %broadcast_in_dim3A_3 {strides = array<i32>} : memref<64x128xf32, #tpu.memory_space<vmem>>, vector<16xf32>,
      %swap3A_381 = arith.index_cast %scan3A_359 : i32 to index
      %swap3A_382 = arith.constant 112 : index
      %swap3A_383 = tpu.vector_load %arg12[%swap3A_381, %swap3A_382] {strides = array<i32>} : memref<64x128xf32, #tpu.memory_space<vmem>>, vector<16xf32>,
      tpu.vector_store %arg12[%swap3A_381, %swap3A_382], %broadcast_in_dim3A_3 {strides = array<i32>} : memref<64x128xf32, #tpu.memory_space<vmem>>, vector<16xf32>,
      %scan3A_384 = arith.constant 0 : i32
      scf.yield %scan3A_384 : i32
    }
    %scan3A_9 = arith.constant 64 : i32
    %mul3A_10 = arith.constant 640 : i32
    %mul3A_11 = arith.muli %arg1, %mul3A_10 : i32
    %add3A_12 = arith.constant 0 : i32
    %add3A_13 = arith.addi %mul3A_11, %add3A_12 : i32
    "tpu.region"() ({
      %run_scoped3A = tpu.sem_alloc : memref<!tpu.dma_semaphore, #tpu.memory_space<semaphore_mem>>
      %dma_start3A_359 = arith.constant 0 : i32
      %dma_start3A_360 = tpu.memref_slice %arg13[%add3A_13, %dma_start3A_359] : memref<10240x128xf32, #tpu.memory_space<vmem_shared>> -> memref<64x128xf32, #tpu.memory_space<vmem_shared>>
      %dma_start3A_361 = arith.constant 0 : i32
      %dma_start3A_362 = tpu.memref_slice %arg13[%add3A_13, %dma_start3A_361] : memref<10240x128xf32, #tpu.memory_space<vmem_shared>> -> memref<64x128xf32, #tpu.memory_space<vmem_shared>>
      tpu.enqueue_dma source(%arg12 : memref<64x128xf32, #tpu.memory_space<vmem>>) target(%dma_start3A_362 : memref<64x128xf32, #tpu.memory_space<vmem_shared>>) target_semaphore(%run_scoped3A : memref<!tpu.dma_semaphore, #tpu.memory_space<semaphore_mem>>)
      %dma_wait3A_363 = arith.constant 0 : i32
      %dma_wait3A_364 = tpu.memref_slice %arg13[%add3A_13, %dma_wait3A_363] : memref<10240x128xf32, #tpu.memory_space<vmem_shared>> -> memref<64x128xf32, #tpu.memory_space<vmem_shared>>
      %dma_wait3A_365 = arith.constant 0 : i32
      %dma_wait3A_366 = tpu.memref_slice %arg13[%add3A_13, %dma_wait3A_365] : memref<10240x128xf32, #tpu.memory_space<vmem_shared>> -> memref<64x128xf32, #tpu.memory_space<vmem_shared>>
      tpu.wait_dma2 semaphore(%run_scoped3A : memref<!tpu.dma_semaphore, #tpu.memory_space<semaphore_mem>>) src(%arg12 : memref<64x128xf32, #tpu.memory_space<vmem>>) dst(%dma_wait3A_366 : memref<64x128xf32, #tpu.memory_space<vmem_shared>>)
      tpu.yield
    }) : () -> ()
    %mul3A_14 = arith.constant 640 : i32
    %mul3A_15 = arith.muli %arg1, %mul3A_14 : i32
    %add3A_16 = arith.constant 64 : i32
    %add3A_17 = arith.addi %mul3A_15, %add3A_16 : i32
    "tpu.region"() ({
      %run_scoped3A = tpu.sem_alloc : memref<!tpu.dma_semaphore, #tpu.memory_space<semaphore_mem>>
      %dma_start3A_359 = arith.constant 0 : i32
      %dma_start3A_360 = tpu.memref_slice %arg13[%add3A_17, %dma_start3A_359] : memref<10240x128xf32, #tpu.memory_space<vmem_shared>> -> memref<64x128xf32, #tpu.memory_space<vmem_shared>>
      %dma_start3A_361 = arith.constant 0 : i32
      %dma_start3A_362 = tpu.memref_slice %arg13[%add3A_17, %dma_start3A_361] : memref<10240x128xf32, #tpu.memory_space<vmem_shared>> -> memref<64x128xf32, #tpu.memory_space<vmem_shared>>
      tpu.enqueue_dma source(%arg12 : memref<64x128xf32, #tpu.memory_space<vmem>>) target(%dma_start3A_362 : memref<64x128xf32, #tpu.memory_space<vmem_shared>>) target_semaphore(%run_scoped3A : memref<!tpu.dma_semaphore, #tpu.memory_space<semaphore_mem>>)
      %dma_wait3A_363 = arith.constant 0 : i32
      %dma_wait3A_364 = tpu.memref_slice %arg13[%add3A_17, %dma_wait3A_363] : memref<10240x128xf32, #tpu.memory_space<vmem_shared>> -> memref<64x128xf32, #tpu.memory_space<vmem_shared>>
      %dma_wait3A_365 = arith.constant 0 : i32
      %dma_wait3A_366 = tpu.memref_slice %arg13[%add3A_17, %dma_wait3A_365] : memref<10240x128xf32, #tpu.memory_space<vmem_shared>> -> memref<64x128xf32, #tpu.memory_space<vmem_shared>>
      tpu.wait_dma2 semaphore(%run_scoped3A : memref<!tpu.dma_semaphore, #tpu.memory_space<semaphore_mem>>) src(%arg12 : memref<64x128xf32, #tpu.memory_space<vmem>>) dst(%dma_wait3A_366 : memref<64x128xf32, #tpu.memory_space<vmem_shared>>)
      tpu.yield
    }) : () -> ()
    %mul3A_18 = arith.constant 640 : i32
    %mul3A_19 = arith.muli %arg1, %mul3A_18 : i32
    %add3A_20 = arith.constant 128 : i32
    %add3A_21 = arith.addi %mul3A_19, %add3A_20 : i32
    "tpu.region"() ({
      %run_scoped3A = tpu.sem_alloc : memref<!tpu.dma_semaphore, #tpu.memory_space<semaphore_mem>>
      %dma_start3A_359 = arith.constant 0 : i32
      %dma_start3A_360 = tpu.memref_slice %arg13[%add3A_21, %dma_start3A_359] : memref<10240x128xf32, #tpu.memory_space<vmem_shared>> -> memref<64x128xf32, #tpu.memory_space<vmem_shared>>
      %dma_start3A_361 = arith.constant 0 : i32
      %dma_start3A_362 = tpu.memref_slice %arg13[%add3A_21, %dma_start3A_361] : memref<10240x128xf32, #tpu.memory_space<vmem_shared>> -> memref<64x128xf32, #tpu.memory_space<vmem_shared>>
      tpu.enqueue_dma source(%arg12 : memref<64x128xf32, #tpu.memory_space<vmem>>) target(%dma_start3A_362 : memref<64x128xf32, #tpu.memory_space<vmem_shared>>) target_semaphore(%run_scoped3A : memref<!tpu.dma_semaphore, #tpu.memory_space<semaphore_mem>>)
      %dma_wait3A_363 = arith.constant 0 : i32
      %dma_wait3A_364 = tpu.memref_slice %arg13[%add3A_21, %dma_wait3A_363] : memref<10240x128xf32, #tpu.memory_space<vmem_shared>> -> memref<64x128xf32, #tpu.memory_space<vmem_shared>>
      %dma_wait3A_365 = arith.constant 0 : i32
      %dma_wait3A_366 = tpu.memref_slice %arg13[%add3A_21, %dma_wait3A_365] : memref<10240x128xf32, #tpu.memory_space<vmem_shared>> -> memref<64x128xf32, #tpu.memory_space<vmem_shared>>
      tpu.wait_dma2 semaphore(%run_scoped3A : memref<!tpu.dma_semaphore, #tpu.memory_space<semaphore_mem>>) src(%arg12 : memref<64x128xf32, #tpu.memory_space<vmem>>) dst(%dma_wait3A_366 : memref<64x128xf32, #tpu.memory_space<vmem_shared>>)
      tpu.yield
    }) : () -> ()
    %mul3A_22 = arith.constant 640 : i32
    %mul3A_23 = arith.muli %arg1, %mul3A_22 : i32
    %add3A_24 = arith.constant 192 : i32
    %add3A_25 = arith.addi %mul3A_23, %add3A_24 : i32
    "tpu.region"() ({
      %run_scoped3A = tpu.sem_alloc : memref<!tpu.dma_semaphore, #tpu.memory_space<semaphore_mem>>
      %dma_start3A_359 = arith.constant 0 : i32
      %dma_start3A_360 = tpu.memref_slice %arg13[%add3A_25, %dma_start3A_359] : memref<10240x128xf32, #tpu.memory_space<vmem_shared>> -> memref<64x128xf32, #tpu.memory_space<vmem_shared>>
      %dma_start3A_361 = arith.constant 0 : i32
      %dma_start3A_362 = tpu.memref_slice %arg13[%add3A_25, %dma_start3A_361] : memref<10240x128xf32, #tpu.memory_space<vmem_shared>> -> memref<64x128xf32, #tpu.memory_space<vmem_shared>>
      tpu.enqueue_dma source(%arg12 : memref<64x128xf32, #tpu.memory_space<vmem>>) target(%dma_start3A_362 : memref<64x128xf32, #tpu.memory_space<vmem_shared>>) target_semaphore(%run_scoped3A : memref<!tpu.dma_semaphore, #tpu.memory_space<semaphore_mem>>)
      %dma_wait3A_363 = arith.constant 0 : i32
      %dma_wait3A_364 = tpu.memref_slice %arg13[%add3A_25, %dma_wait3A_363] : memref<10240x128xf32, #tpu.memory_space<vmem_shared>> -> memref<64x128xf32, #tpu.memory_space<vmem_shared>>
      %dma_wait3A_365 = arith.constant 0 : i32
      %dma_wait3A_366 = tpu.memref_slice %arg13[%add3A_25, %dma_wait3A_365] : memref<10240x128xf32, #tpu.memory_space<vmem_shared>> -> memref<64x128xf32, #tpu.memory_space<vmem_shared>>
      tpu.wait_dma2 semaphore(%run_scoped3A : memref<!tpu.dma_semaphore, #tpu.memory_space<semaphore_mem>>) src(%arg12 : memref<64x128xf32, #tpu.memory_space<vmem>>) dst(%dma_wait3A_366 : memref<64x128xf32, #tpu.memory_space<vmem_shared>>)
      tpu.yield
    }) : () -> ()
    %mul3A_26 = arith.constant 640 : i32
    %mul3A_27 = arith.muli %arg1, %mul3A_26 : i32
    %add3A_28 = arith.constant 256 : i32
    %add3A_29 = arith.addi %mul3A_27, %add3A_28 : i32
    "tpu.region"() ({
      %run_scoped3A = tpu.sem_alloc : memref<!tpu.dma_semaphore, #tpu.memory_space<semaphore_mem>>
      %dma_start3A_359 = arith.constant 0 : i32
      %dma_start3A_360 = tpu.memref_slice %arg13[%add3A_29, %dma_start3A_359] : memref<10240x128xf32, #tpu.memory_space<vmem_shared>> -> memref<64x128xf32, #tpu.memory_space<vmem_shared>>
      %dma_start3A_361 = arith.constant 0 : i32
      %dma_start3A_362 = tpu.memref_slice %arg13[%add3A_29, %dma_start3A_361] : memref<10240x128xf32, #tpu.memory_space<vmem_shared>> -> memref<64x128xf32, #tpu.memory_space<vmem_shared>>
      tpu.enqueue_dma source(%arg12 : memref<64x128xf32, #tpu.memory_space<vmem>>) target(%dma_start3A_362 : memref<64x128xf32, #tpu.memory_space<vmem_shared>>) target_semaphore(%run_scoped3A : memref<!tpu.dma_semaphore, #tpu.memory_space<semaphore_mem>>)
      %dma_wait3A_363 = arith.constant 0 : i32
      %dma_wait3A_364 = tpu.memref_slice %arg13[%add3A_29, %dma_wait3A_363] : memref<10240x128xf32, #tpu.memory_space<vmem_shared>> -> memref<64x128xf32, #tpu.memory_space<vmem_shared>>
      %dma_wait3A_365 = arith.constant 0 : i32
      %dma_wait3A_366 = tpu.memref_slice %arg13[%add3A_29, %dma_wait3A_365] : memref<10240x128xf32, #tpu.memory_space<vmem_shared>> -> memref<64x128xf32, #tpu.memory_space<vmem_shared>>
      tpu.wait_dma2 semaphore(%run_scoped3A : memref<!tpu.dma_semaphore, #tpu.memory_space<semaphore_mem>>) src(%arg12 : memref<64x128xf32, #tpu.memory_space<vmem>>) dst(%dma_wait3A_366 : memref<64x128xf32, #tpu.memory_space<vmem_shared>>)
      tpu.yield
    }) : () -> ()
    %mul3A_30 = arith.constant 640 : i32
    %mul3A_31 = arith.muli %arg1, %mul3A_30 : i32
    %add3A_32 = arith.constant 320 : i32
    %add3A_33 = arith.addi %mul3A_31, %add3A_32 : i32
    "tpu.region"() ({
      %run_scoped3A = tpu.sem_alloc : memref<!tpu.dma_semaphore, #tpu.memory_space<semaphore_mem>>
      %dma_start3A_359 = arith.constant 0 : i32
      %dma_start3A_360 = tpu.memref_slice %arg13[%add3A_33, %dma_start3A_359] : memref<10240x128xf32, #tpu.memory_space<vmem_shared>> -> memref<64x128xf32, #tpu.memory_space<vmem_shared>>
      %dma_start3A_361 = arith.constant 0 : i32
      %dma_start3A_362 = tpu.memref_slice %arg13[%add3A_33, %dma_start3A_361] : memref<10240x128xf32, #tpu.memory_space<vmem_shared>> -> memref<64x128xf32, #tpu.memory_space<vmem_shared>>
      tpu.enqueue_dma source(%arg12 : memref<64x128xf32, #tpu.memory_space<vmem>>) target(%dma_start3A_362 : memref<64x128xf32, #tpu.memory_space<vmem_shared>>) target_semaphore(%run_scoped3A : memref<!tpu.dma_semaphore, #tpu.memory_space<semaphore_mem>>)
      %dma_wait3A_363 = arith.constant 0 : i32
      %dma_wait3A_364 = tpu.memref_slice %arg13[%add3A_33, %dma_wait3A_363] : memref<10240x128xf32, #tpu.memory_space<vmem_shared>> -> memref<64x128xf32, #tpu.memory_space<vmem_shared>>
      %dma_wait3A_365 = arith.constant 0 : i32
      %dma_wait3A_366 = tpu.memref_slice %arg13[%add3A_33, %dma_wait3A_365] : memref<10240x128xf32, #tpu.memory_space<vmem_shared>> -> memref<64x128xf32, #tpu.memory_space<vmem_shared>>
      tpu.wait_dma2 semaphore(%run_scoped3A : memref<!tpu.dma_semaphore, #tpu.memory_space<semaphore_mem>>) src(%arg12 : memref<64x128xf32, #tpu.memory_space<vmem>>) dst(%dma_wait3A_366 : memref<64x128xf32, #tpu.memory_space<vmem_shared>>)
      tpu.yield
    }) : () -> ()
    %mul3A_34 = arith.constant 640 : i32
    %mul3A_35 = arith.muli %arg1, %mul3A_34 : i32
    %add3A_36 = arith.constant 384 : i32
    %add3A_37 = arith.addi %mul3A_35, %add3A_36 : i32
    "tpu.region"() ({
      %run_scoped3A = tpu.sem_alloc : memref<!tpu.dma_semaphore, #tpu.memory_space<semaphore_mem>>
      %dma_start3A_359 = arith.constant 0 : i32
      %dma_start3A_360 = tpu.memref_slice %arg13[%add3A_37, %dma_start3A_359] : memref<10240x128xf32, #tpu.memory_space<vmem_shared>> -> memref<64x128xf32, #tpu.memory_space<vmem_shared>>
      %dma_start3A_361 = arith.constant 0 : i32
      %dma_start3A_362 = tpu.memref_slice %arg13[%add3A_37, %dma_start3A_361] : memref<10240x128xf32, #tpu.memory_space<vmem_shared>> -> memref<64x128xf32, #tpu.memory_space<vmem_shared>>
      tpu.enqueue_dma source(%arg12 : memref<64x128xf32, #tpu.memory_space<vmem>>) target(%dma_start3A_362 : memref<64x128xf32, #tpu.memory_space<vmem_shared>>) target_semaphore(%run_scoped3A : memref<!tpu.dma_semaphore, #tpu.memory_space<semaphore_mem>>)
      %dma_wait3A_363 = arith.constant 0 : i32
      %dma_wait3A_364 = tpu.memref_slice %arg13[%add3A_37, %dma_wait3A_363] : memref<10240x128xf32, #tpu.memory_space<vmem_shared>> -> memref<64x128xf32, #tpu.memory_space<vmem_shared>>
      %dma_wait3A_365 = arith.constant 0 : i32
      %dma_wait3A_366 = tpu.memref_slice %arg13[%add3A_37, %dma_wait3A_365] : memref<10240x128xf32, #tpu.memory_space<vmem_shared>> -> memref<64x128xf32, #tpu.memory_space<vmem_shared>>
      tpu.wait_dma2 semaphore(%run_scoped3A : memref<!tpu.dma_semaphore, #tpu.memory_space<semaphore_mem>>) src(%arg12 : memref<64x128xf32, #tpu.memory_space<vmem>>) dst(%dma_wait3A_366 : memref<64x128xf32, #tpu.memory_space<vmem_shared>>)
      tpu.yield
    }) : () -> ()
    %mul3A_38 = arith.constant 640 : i32
    %mul3A_39 = arith.muli %arg1, %mul3A_38 : i32
    %add3A_40 = arith.constant 448 : i32
    %add3A_41 = arith.addi %mul3A_39, %add3A_40 : i32
    "tpu.region"() ({
      %run_scoped3A = tpu.sem_alloc : memref<!tpu.dma_semaphore, #tpu.memory_space<semaphore_mem>>
      %dma_start3A_359 = arith.constant 0 : i32
      %dma_start3A_360 = tpu.memref_slice %arg13[%add3A_41, %dma_start3A_359] : memref<10240x128xf32, #tpu.memory_space<vmem_shared>> -> memref<64x128xf32, #tpu.memory_space<vmem_shared>>
      %dma_start3A_361 = arith.constant 0 : i32
      %dma_start3A_362 = tpu.memref_slice %arg13[%add3A_41, %dma_start3A_361] : memref<10240x128xf32, #tpu.memory_space<vmem_shared>> -> memref<64x128xf32, #tpu.memory_space<vmem_shared>>
      tpu.enqueue_dma source(%arg12 : memref<64x128xf32, #tpu.memory_space<vmem>>) target(%dma_start3A_362 : memref<64x128xf32, #tpu.memory_space<vmem_shared>>) target_semaphore(%run_scoped3A : memref<!tpu.dma_semaphore, #tpu.memory_space<semaphore_mem>>)
      %dma_wait3A_363 = arith.constant 0 : i32
      %dma_wait3A_364 = tpu.memref_slice %arg13[%add3A_41, %dma_wait3A_363] : memref<10240x128xf32, #tpu.memory_space<vmem_shared>> -> memref<64x128xf32, #tpu.memory_space<vmem_shared>>
      %dma_wait3A_365 = arith.constant 0 : i32
      %dma_wait3A_366 = tpu.memref_slice %arg13[%add3A_41, %dma_wait3A_365] : memref<10240x128xf32, #tpu.memory_space<vmem_shared>> -> memref<64x128xf32, #tpu.memory_space<vmem_shared>>
      tpu.wait_dma2 semaphore(%run_scoped3A : memref<!tpu.dma_semaphore, #tpu.memory_space<semaphore_mem>>) src(%arg12 : memref<64x128xf32, #tpu.memory_space<vmem>>) dst(%dma_wait3A_366 : memref<64x128xf32, #tpu.memory_space<vmem_shared>>)
      tpu.yield
    }) : () -> ()
    %mul3A_42 = arith.constant 640 : i32
    %mul3A_43 = arith.muli %arg1, %mul3A_42 : i32
    %add3A_44 = arith.constant 512 : i32
    %add3A_45 = arith.addi %mul3A_43, %add3A_44 : i32
    "tpu.region"() ({
      %run_scoped3A = tpu.sem_alloc : memref<!tpu.dma_semaphore, #tpu.memory_space<semaphore_mem>>
      %dma_start3A_359 = arith.constant 0 : i32
      %dma_start3A_360 = tpu.memref_slice %arg13[%add3A_45, %dma_start3A_359] : memref<10240x128xf32, #tpu.memory_space<vmem_shared>> -> memref<64x128xf32, #tpu.memory_space<vmem_shared>>
      %dma_start3A_361 = arith.constant 0 : i32
      %dma_start3A_362 = tpu.memref_slice %arg13[%add3A_45, %dma_start3A_361] : memref<10240x128xf32, #tpu.memory_space<vmem_shared>> -> memref<64x128xf32, #tpu.memory_space<vmem_shared>>
      tpu.enqueue_dma source(%arg12 : memref<64x128xf32, #tpu.memory_space<vmem>>) target(%dma_start3A_362 : memref<64x128xf32, #tpu.memory_space<vmem_shared>>) target_semaphore(%run_scoped3A : memref<!tpu.dma_semaphore, #tpu.memory_space<semaphore_mem>>)
      %dma_wait3A_363 = arith.constant 0 : i32
      %dma_wait3A_364 = tpu.memref_slice %arg13[%add3A_45, %dma_wait3A_363] : memref<10240x128xf32, #tpu.memory_space<vmem_shared>> -> memref<64x128xf32, #tpu.memory_space<vmem_shared>>
      %dma_wait3A_365 = arith.constant 0 : i32
      %dma_wait3A_366 = tpu.memref_slice %arg13[%add3A_45, %dma_wait3A_365] : memref<10240x128xf32, #tpu.memory_space<vmem_shared>> -> memref<64x128xf32, #tpu.memory_space<vmem_shared>>
      tpu.wait_dma2 semaphore(%run_scoped3A : memref<!tpu.dma_semaphore, #tpu.memory_space<semaphore_mem>>) src(%arg12 : memref<64x128xf32, #tpu.memory_space<vmem>>) dst(%dma_wait3A_366 : memref<64x128xf32, #tpu.memory_space<vmem_shared>>)
      tpu.yield
    }) : () -> ()
    %mul3A_46 = arith.constant 640 : i32
    %mul3A_47 = arith.muli %arg1, %mul3A_46 : i32
    %add3A_48 = arith.constant 576 : i32
    %add3A_49 = arith.addi %mul3A_47, %add3A_48 : i32
    "tpu.region"() ({
      %run_scoped3A = tpu.sem_alloc : memref<!tpu.dma_semaphore, #tpu.memory_space<semaphore_mem>>
      %dma_start3A_359 = arith.constant 0 : i32
      %dma_start3A_360 = tpu.memref_slice %arg13[%add3A_49, %dma_start3A_359] : memref<10240x128xf32, #tpu.memory_space<vmem_shared>> -> memref<64x128xf32, #tpu.memory_space<vmem_shared>>
      %dma_start3A_361 = arith.constant 0 : i32
      %dma_start3A_362 = tpu.memref_slice %arg13[%add3A_49, %dma_start3A_361] : memref<10240x128xf32, #tpu.memory_space<vmem_shared>> -> memref<64x128xf32, #tpu.memory_space<vmem_shared>>
      tpu.enqueue_dma source(%arg12 : memref<64x128xf32, #tpu.memory_space<vmem>>) target(%dma_start3A_362 : memref<64x128xf32, #tpu.memory_space<vmem_shared>>) target_semaphore(%run_scoped3A : memref<!tpu.dma_semaphore, #tpu.memory_space<semaphore_mem>>)
      %dma_wait3A_363 = arith.constant 0 : i32
      %dma_wait3A_364 = tpu.memref_slice %arg13[%add3A_49, %dma_wait3A_363] : memref<10240x128xf32, #tpu.memory_space<vmem_shared>> -> memref<64x128xf32, #tpu.memory_space<vmem_shared>>
      %dma_wait3A_365 = arith.constant 0 : i32
      %dma_wait3A_366 = tpu.memref_slice %arg13[%add3A_49, %dma_wait3A_365] : memref<10240x128xf32, #tpu.memory_space<vmem_shared>> -> memref<64x128xf32, #tpu.memory_space<vmem_shared>>
      tpu.wait_dma2 semaphore(%run_scoped3A : memref<!tpu.dma_semaphore, #tpu.memory_space<semaphore_mem>>) src(%arg12 : memref<64x128xf32, #tpu.memory_space<vmem>>) dst(%dma_wait3A_366 : memref<64x128xf32, #tpu.memory_space<vmem_shared>>)
      tpu.yield
    }) : () -> ()
    %broadcast_in_dim3A_50 = arith.constant 0.000000e+00 : f32
    %broadcast_in_dim3A_51 = vector.broadcast %broadcast_in_dim3A_50 : f32 to vector<16xf32>
    %scan3A_52 = arith.constant 0 : i32
    %scan3A_53 = arith.constant 0 : i32
    %scan3A_54 = arith.constant 64 : i32
    %scan3A_55 = arith.addi %scan3A_53, %scan3A_54 : i32
    %scan3A_56 = arith.constant 1 : i32
    %scan3A_57 = scf.for %scan3A_359 = %scan3A_53 to %scan3A_55 step %scan3A_56 iter_args(%scan3A_360 = %scan3A_52) -> (i32)  : i32 {
      %swap3A = arith.index_cast %scan3A_359 : i32 to index
      %swap3A_361 = arith.constant 0 : index
      %swap3A_362 = tpu.vector_load %arg18[%swap3A, %swap3A_361] {strides = array<i32>} : memref<64x16xf32, #tpu.memory_space<vmem>>, vector<16xf32>,
      tpu.vector_store %arg18[%swap3A, %swap3A_361], %broadcast_in_dim3A_51 {strides = array<i32>} : memref<64x16xf32, #tpu.memory_space<vmem>>, vector<16xf32>,
      %scan3A_363 = arith.constant 0 : i32
      scf.yield %scan3A_363 : i32
    }
    %scan3A_58 = arith.constant 64 : i32
    %mul3A_59 = arith.constant 640 : i32
    %mul3A_60 = arith.muli %arg1, %mul3A_59 : i32
    %add3A_61 = arith.constant 0 : i32
    %add3A_62 = arith.addi %mul3A_60, %add3A_61 : i32
    "tpu.region"() ({
      %run_scoped3A = tpu.sem_alloc : memref<!tpu.dma_semaphore, #tpu.memory_space<semaphore_mem>>
      %dma_start3A_359 = arith.constant 0 : i32
      %dma_start3A_360 = tpu.memref_slice %arg19[%add3A_62, %dma_start3A_359] : memref<10240x16xf32, #tpu.memory_space<vmem_shared>> -> memref<64x16xf32, #tpu.memory_space<vmem_shared>>
      %dma_start3A_361 = arith.constant 0 : i32
      %dma_start3A_362 = tpu.memref_slice %arg19[%add3A_62, %dma_start3A_361] : memref<10240x16xf32, #tpu.memory_space<vmem_shared>> -> memref<64x16xf32, #tpu.memory_space<vmem_shared>>
      tpu.enqueue_dma source(%arg18 : memref<64x16xf32, #tpu.memory_space<vmem>>) target(%dma_start3A_362 : memref<64x16xf32, #tpu.memory_space<vmem_shared>>) target_semaphore(%run_scoped3A : memref<!tpu.dma_semaphore, #tpu.memory_space<semaphore_mem>>)
      %dma_wait3A_363 = arith.constant 0 : i32
      %dma_wait3A_364 = tpu.memref_slice %arg19[%add3A_62, %dma_wait3A_363] : memref<10240x16xf32, #tpu.memory_space<vmem_shared>> -> memref<64x16xf32, #tpu.memory_space<vmem_shared>>
      %dma_wait3A_365 = arith.constant 0 : i32
      %dma_wait3A_366 = tpu.memref_slice %arg19[%add3A_62, %dma_wait3A_365] : memref<10240x16xf32, #tpu.memory_space<vmem_shared>> -> memref<64x16xf32, #tpu.memory_space<vmem_shared>>
      tpu.wait_dma2 semaphore(%run_scoped3A : memref<!tpu.dma_semaphore, #tpu.memory_space<semaphore_mem>>) src(%arg18 : memref<64x16xf32, #tpu.memory_space<vmem>>) dst(%dma_wait3A_366 : memref<64x16xf32, #tpu.memory_space<vmem_shared>>)
      tpu.yield
    }) : () -> ()
    %mul3A_63 = arith.constant 640 : i32
    %mul3A_64 = arith.muli %arg1, %mul3A_63 : i32
    %add3A_65 = arith.constant 64 : i32
    %add3A_66 = arith.addi %mul3A_64, %add3A_65 : i32
    "tpu.region"() ({
      %run_scoped3A = tpu.sem_alloc : memref<!tpu.dma_semaphore, #tpu.memory_space<semaphore_mem>>
      %dma_start3A_359 = arith.constant 0 : i32
      %dma_start3A_360 = tpu.memref_slice %arg19[%add3A_66, %dma_start3A_359] : memref<10240x16xf32, #tpu.memory_space<vmem_shared>> -> memref<64x16xf32, #tpu.memory_space<vmem_shared>>
      %dma_start3A_361 = arith.constant 0 : i32
      %dma_start3A_362 = tpu.memref_slice %arg19[%add3A_66, %dma_start3A_361] : memref<10240x16xf32, #tpu.memory_space<vmem_shared>> -> memref<64x16xf32, #tpu.memory_space<vmem_shared>>
      tpu.enqueue_dma source(%arg18 : memref<64x16xf32, #tpu.memory_space<vmem>>) target(%dma_start3A_362 : memref<64x16xf32, #tpu.memory_space<vmem_shared>>) target_semaphore(%run_scoped3A : memref<!tpu.dma_semaphore, #tpu.memory_space<semaphore_mem>>)
      %dma_wait3A_363 = arith.constant 0 : i32
      %dma_wait3A_364 = tpu.memref_slice %arg19[%add3A_66, %dma_wait3A_363] : memref<10240x16xf32, #tpu.memory_space<vmem_shared>> -> memref<64x16xf32, #tpu.memory_space<vmem_shared>>
      %dma_wait3A_365 = arith.constant 0 : i32
      %dma_wait3A_366 = tpu.memref_slice %arg19[%add3A_66, %dma_wait3A_365] : memref<10240x16xf32, #tpu.memory_space<vmem_shared>> -> memref<64x16xf32, #tpu.memory_space<vmem_shared>>
      tpu.wait_dma2 semaphore(%run_scoped3A : memref<!tpu.dma_semaphore, #tpu.memory_space<semaphore_mem>>) src(%arg18 : memref<64x16xf32, #tpu.memory_space<vmem>>) dst(%dma_wait3A_366 : memref<64x16xf32, #tpu.memory_space<vmem_shared>>)
      tpu.yield
    }) : () -> ()
    %mul3A_67 = arith.constant 640 : i32
    %mul3A_68 = arith.muli %arg1, %mul3A_67 : i32
    %add3A_69 = arith.constant 128 : i32
    %add3A_70 = arith.addi %mul3A_68, %add3A_69 : i32
    "tpu.region"() ({
      %run_scoped3A = tpu.sem_alloc : memref<!tpu.dma_semaphore, #tpu.memory_space<semaphore_mem>>
      %dma_start3A_359 = arith.constant 0 : i32
      %dma_start3A_360 = tpu.memref_slice %arg19[%add3A_70, %dma_start3A_359] : memref<10240x16xf32, #tpu.memory_space<vmem_shared>> -> memref<64x16xf32, #tpu.memory_space<vmem_shared>>
      %dma_start3A_361 = arith.constant 0 : i32
      %dma_start3A_362 = tpu.memref_slice %arg19[%add3A_70, %dma_start3A_361] : memref<10240x16xf32, #tpu.memory_space<vmem_shared>> -> memref<64x16xf32, #tpu.memory_space<vmem_shared>>
      tpu.enqueue_dma source(%arg18 : memref<64x16xf32, #tpu.memory_space<vmem>>) target(%dma_start3A_362 : memref<64x16xf32, #tpu.memory_space<vmem_shared>>) target_semaphore(%run_scoped3A : memref<!tpu.dma_semaphore, #tpu.memory_space<semaphore_mem>>)
      %dma_wait3A_363 = arith.constant 0 : i32
      %dma_wait3A_364 = tpu.memref_slice %arg19[%add3A_70, %dma_wait3A_363] : memref<10240x16xf32, #tpu.memory_space<vmem_shared>> -> memref<64x16xf32, #tpu.memory_space<vmem_shared>>
      %dma_wait3A_365 = arith.constant 0 : i32
      %dma_wait3A_366 = tpu.memref_slice %arg19[%add3A_70, %dma_wait3A_365] : memref<10240x16xf32, #tpu.memory_space<vmem_shared>> -> memref<64x16xf32, #tpu.memory_space<vmem_shared>>
      tpu.wait_dma2 semaphore(%run_scoped3A : memref<!tpu.dma_semaphore, #tpu.memory_space<semaphore_mem>>) src(%arg18 : memref<64x16xf32, #tpu.memory_space<vmem>>) dst(%dma_wait3A_366 : memref<64x16xf32, #tpu.memory_space<vmem_shared>>)
      tpu.yield
    }) : () -> ()
    %mul3A_71 = arith.constant 640 : i32
    %mul3A_72 = arith.muli %arg1, %mul3A_71 : i32
    %add3A_73 = arith.constant 192 : i32
    %add3A_74 = arith.addi %mul3A_72, %add3A_73 : i32
    "tpu.region"() ({
      %run_scoped3A = tpu.sem_alloc : memref<!tpu.dma_semaphore, #tpu.memory_space<semaphore_mem>>
      %dma_start3A_359 = arith.constant 0 : i32
      %dma_start3A_360 = tpu.memref_slice %arg19[%add3A_74, %dma_start3A_359] : memref<10240x16xf32, #tpu.memory_space<vmem_shared>> -> memref<64x16xf32, #tpu.memory_space<vmem_shared>>
      %dma_start3A_361 = arith.constant 0 : i32
      %dma_start3A_362 = tpu.memref_slice %arg19[%add3A_74, %dma_start3A_361] : memref<10240x16xf32, #tpu.memory_space<vmem_shared>> -> memref<64x16xf32, #tpu.memory_space<vmem_shared>>
      tpu.enqueue_dma source(%arg18 : memref<64x16xf32, #tpu.memory_space<vmem>>) target(%dma_start3A_362 : memref<64x16xf32, #tpu.memory_space<vmem_shared>>) target_semaphore(%run_scoped3A : memref<!tpu.dma_semaphore, #tpu.memory_space<semaphore_mem>>)
      %dma_wait3A_363 = arith.constant 0 : i32
      %dma_wait3A_364 = tpu.memref_slice %arg19[%add3A_74, %dma_wait3A_363] : memref<10240x16xf32, #tpu.memory_space<vmem_shared>> -> memref<64x16xf32, #tpu.memory_space<vmem_shared>>
      %dma_wait3A_365 = arith.constant 0 : i32
      %dma_wait3A_366 = tpu.memref_slice %arg19[%add3A_74, %dma_wait3A_365] : memref<10240x16xf32, #tpu.memory_space<vmem_shared>> -> memref<64x16xf32, #tpu.memory_space<vmem_shared>>
      tpu.wait_dma2 semaphore(%run_scoped3A : memref<!tpu.dma_semaphore, #tpu.memory_space<semaphore_mem>>) src(%arg18 : memref<64x16xf32, #tpu.memory_space<vmem>>) dst(%dma_wait3A_366 : memref<64x16xf32, #tpu.memory_space<vmem_shared>>)
      tpu.yield
    }) : () -> ()
    %mul3A_75 = arith.constant 640 : i32
    %mul3A_76 = arith.muli %arg1, %mul3A_75 : i32
    %add3A_77 = arith.constant 256 : i32
    %add3A_78 = arith.addi %mul3A_76, %add3A_77 : i32
    "tpu.region"() ({
      %run_scoped3A = tpu.sem_alloc : memref<!tpu.dma_semaphore, #tpu.memory_space<semaphore_mem>>
      %dma_start3A_359 = arith.constant 0 : i32
      %dma_start3A_360 = tpu.memref_slice %arg19[%add3A_78, %dma_start3A_359] : memref<10240x16xf32, #tpu.memory_space<vmem_shared>> -> memref<64x16xf32, #tpu.memory_space<vmem_shared>>
      %dma_start3A_361 = arith.constant 0 : i32
      %dma_start3A_362 = tpu.memref_slice %arg19[%add3A_78, %dma_start3A_361] : memref<10240x16xf32, #tpu.memory_space<vmem_shared>> -> memref<64x16xf32, #tpu.memory_space<vmem_shared>>
      tpu.enqueue_dma source(%arg18 : memref<64x16xf32, #tpu.memory_space<vmem>>) target(%dma_start3A_362 : memref<64x16xf32, #tpu.memory_space<vmem_shared>>) target_semaphore(%run_scoped3A : memref<!tpu.dma_semaphore, #tpu.memory_space<semaphore_mem>>)
      %dma_wait3A_363 = arith.constant 0 : i32
      %dma_wait3A_364 = tpu.memref_slice %arg19[%add3A_78, %dma_wait3A_363] : memref<10240x16xf32, #tpu.memory_space<vmem_shared>> -> memref<64x16xf32, #tpu.memory_space<vmem_shared>>
      %dma_wait3A_365 = arith.constant 0 : i32
      %dma_wait3A_366 = tpu.memref_slice %arg19[%add3A_78, %dma_wait3A_365] : memref<10240x16xf32, #tpu.memory_space<vmem_shared>> -> memref<64x16xf32, #tpu.memory_space<vmem_shared>>
      tpu.wait_dma2 semaphore(%run_scoped3A : memref<!tpu.dma_semaphore, #tpu.memory_space<semaphore_mem>>) src(%arg18 : memref<64x16xf32, #tpu.memory_space<vmem>>) dst(%dma_wait3A_366 : memref<64x16xf32, #tpu.memory_space<vmem_shared>>)
      tpu.yield
    }) : () -> ()
    %mul3A_79 = arith.constant 640 : i32
    %mul3A_80 = arith.muli %arg1, %mul3A_79 : i32
    %add3A_81 = arith.constant 320 : i32
    %add3A_82 = arith.addi %mul3A_80, %add3A_81 : i32
    "tpu.region"() ({
      %run_scoped3A = tpu.sem_alloc : memref<!tpu.dma_semaphore, #tpu.memory_space<semaphore_mem>>
      %dma_start3A_359 = arith.constant 0 : i32
      %dma_start3A_360 = tpu.memref_slice %arg19[%add3A_82, %dma_start3A_359] : memref<10240x16xf32, #tpu.memory_space<vmem_shared>> -> memref<64x16xf32, #tpu.memory_space<vmem_shared>>
      %dma_start3A_361 = arith.constant 0 : i32
      %dma_start3A_362 = tpu.memref_slice %arg19[%add3A_82, %dma_start3A_361] : memref<10240x16xf32, #tpu.memory_space<vmem_shared>> -> memref<64x16xf32, #tpu.memory_space<vmem_shared>>
      tpu.enqueue_dma source(%arg18 : memref<64x16xf32, #tpu.memory_space<vmem>>) target(%dma_start3A_362 : memref<64x16xf32, #tpu.memory_space<vmem_shared>>) target_semaphore(%run_scoped3A : memref<!tpu.dma_semaphore, #tpu.memory_space<semaphore_mem>>)
      %dma_wait3A_363 = arith.constant 0 : i32
      %dma_wait3A_364 = tpu.memref_slice %arg19[%add3A_82, %dma_wait3A_363] : memref<10240x16xf32, #tpu.memory_space<vmem_shared>> -> memref<64x16xf32, #tpu.memory_space<vmem_shared>>
      %dma_wait3A_365 = arith.constant 0 : i32
      %dma_wait3A_366 = tpu.memref_slice %arg19[%add3A_82, %dma_wait3A_365] : memref<10240x16xf32, #tpu.memory_space<vmem_shared>> -> memref<64x16xf32, #tpu.memory_space<vmem_shared>>
      tpu.wait_dma2 semaphore(%run_scoped3A : memref<!tpu.dma_semaphore, #tpu.memory_space<semaphore_mem>>) src(%arg18 : memref<64x16xf32, #tpu.memory_space<vmem>>) dst(%dma_wait3A_366 : memref<64x16xf32, #tpu.memory_space<vmem_shared>>)
      tpu.yield
    }) : () -> ()
    %mul3A_83 = arith.constant 640 : i32
    %mul3A_84 = arith.muli %arg1, %mul3A_83 : i32
    %add3A_85 = arith.constant 384 : i32
    %add3A_86 = arith.addi %mul3A_84, %add3A_85 : i32
    "tpu.region"() ({
      %run_scoped3A = tpu.sem_alloc : memref<!tpu.dma_semaphore, #tpu.memory_space<semaphore_mem>>
      %dma_start3A_359 = arith.constant 0 : i32
      %dma_start3A_360 = tpu.memref_slice %arg19[%add3A_86, %dma_start3A_359] : memref<10240x16xf32, #tpu.memory_space<vmem_shared>> -> memref<64x16xf32, #tpu.memory_space<vmem_shared>>
      %dma_start3A_361 = arith.constant 0 : i32
      %dma_start3A_362 = tpu.memref_slice %arg19[%add3A_86, %dma_start3A_361] : memref<10240x16xf32, #tpu.memory_space<vmem_shared>> -> memref<64x16xf32, #tpu.memory_space<vmem_shared>>
      tpu.enqueue_dma source(%arg18 : memref<64x16xf32, #tpu.memory_space<vmem>>) target(%dma_start3A_362 : memref<64x16xf32, #tpu.memory_space<vmem_shared>>) target_semaphore(%run_scoped3A : memref<!tpu.dma_semaphore, #tpu.memory_space<semaphore_mem>>)
      %dma_wait3A_363 = arith.constant 0 : i32
      %dma_wait3A_364 = tpu.memref_slice %arg19[%add3A_86, %dma_wait3A_363] : memref<10240x16xf32, #tpu.memory_space<vmem_shared>> -> memref<64x16xf32, #tpu.memory_space<vmem_shared>>
      %dma_wait3A_365 = arith.constant 0 : i32
      %dma_wait3A_366 = tpu.memref_slice %arg19[%add3A_86, %dma_wait3A_365] : memref<10240x16xf32, #tpu.memory_space<vmem_shared>> -> memref<64x16xf32, #tpu.memory_space<vmem_shared>>
      tpu.wait_dma2 semaphore(%run_scoped3A : memref<!tpu.dma_semaphore, #tpu.memory_space<semaphore_mem>>) src(%arg18 : memref<64x16xf32, #tpu.memory_space<vmem>>) dst(%dma_wait3A_366 : memref<64x16xf32, #tpu.memory_space<vmem_shared>>)
      tpu.yield
    }) : () -> ()
    %mul3A_87 = arith.constant 640 : i32
    %mul3A_88 = arith.muli %arg1, %mul3A_87 : i32
    %add3A_89 = arith.constant 448 : i32
    %add3A_90 = arith.addi %mul3A_88, %add3A_89 : i32
    "tpu.region"() ({
      %run_scoped3A = tpu.sem_alloc : memref<!tpu.dma_semaphore, #tpu.memory_space<semaphore_mem>>
      %dma_start3A_359 = arith.constant 0 : i32
      %dma_start3A_360 = tpu.memref_slice %arg19[%add3A_90, %dma_start3A_359] : memref<10240x16xf32, #tpu.memory_space<vmem_shared>> -> memref<64x16xf32, #tpu.memory_space<vmem_shared>>
      %dma_start3A_361 = arith.constant 0 : i32
      %dma_start3A_362 = tpu.memref_slice %arg19[%add3A_90, %dma_start3A_361] : memref<10240x16xf32, #tpu.memory_space<vmem_shared>> -> memref<64x16xf32, #tpu.memory_space<vmem_shared>>
      tpu.enqueue_dma source(%arg18 : memref<64x16xf32, #tpu.memory_space<vmem>>) target(%dma_start3A_362 : memref<64x16xf32, #tpu.memory_space<vmem_shared>>) target_semaphore(%run_scoped3A : memref<!tpu.dma_semaphore, #tpu.memory_space<semaphore_mem>>)
      %dma_wait3A_363 = arith.constant 0 : i32
      %dma_wait3A_364 = tpu.memref_slice %arg19[%add3A_90, %dma_wait3A_363] : memref<10240x16xf32, #tpu.memory_space<vmem_shared>> -> memref<64x16xf32, #tpu.memory_space<vmem_shared>>
      %dma_wait3A_365 = arith.constant 0 : i32
      %dma_wait3A_366 = tpu.memref_slice %arg19[%add3A_90, %dma_wait3A_365] : memref<10240x16xf32, #tpu.memory_space<vmem_shared>> -> memref<64x16xf32, #tpu.memory_space<vmem_shared>>
      tpu.wait_dma2 semaphore(%run_scoped3A : memref<!tpu.dma_semaphore, #tpu.memory_space<semaphore_mem>>) src(%arg18 : memref<64x16xf32, #tpu.memory_space<vmem>>) dst(%dma_wait3A_366 : memref<64x16xf32, #tpu.memory_space<vmem_shared>>)
      tpu.yield
    }) : () -> ()
    %mul3A_91 = arith.constant 640 : i32
    %mul3A_92 = arith.muli %arg1, %mul3A_91 : i32
    %add3A_93 = arith.constant 512 : i32
    %add3A_94 = arith.addi %mul3A_92, %add3A_93 : i32
    "tpu.region"() ({
      %run_scoped3A = tpu.sem_alloc : memref<!tpu.dma_semaphore, #tpu.memory_space<semaphore_mem>>
      %dma_start3A_359 = arith.constant 0 : i32
      %dma_start3A_360 = tpu.memref_slice %arg19[%add3A_94, %dma_start3A_359] : memref<10240x16xf32, #tpu.memory_space<vmem_shared>> -> memref<64x16xf32, #tpu.memory_space<vmem_shared>>
      %dma_start3A_361 = arith.constant 0 : i32
      %dma_start3A_362 = tpu.memref_slice %arg19[%add3A_94, %dma_start3A_361] : memref<10240x16xf32, #tpu.memory_space<vmem_shared>> -> memref<64x16xf32, #tpu.memory_space<vmem_shared>>
      tpu.enqueue_dma source(%arg18 : memref<64x16xf32, #tpu.memory_space<vmem>>) target(%dma_start3A_362 : memref<64x16xf32, #tpu.memory_space<vmem_shared>>) target_semaphore(%run_scoped3A : memref<!tpu.dma_semaphore, #tpu.memory_space<semaphore_mem>>)
      %dma_wait3A_363 = arith.constant 0 : i32
      %dma_wait3A_364 = tpu.memref_slice %arg19[%add3A_94, %dma_wait3A_363] : memref<10240x16xf32, #tpu.memory_space<vmem_shared>> -> memref<64x16xf32, #tpu.memory_space<vmem_shared>>
      %dma_wait3A_365 = arith.constant 0 : i32
      %dma_wait3A_366 = tpu.memref_slice %arg19[%add3A_94, %dma_wait3A_365] : memref<10240x16xf32, #tpu.memory_space<vmem_shared>> -> memref<64x16xf32, #tpu.memory_space<vmem_shared>>
      tpu.wait_dma2 semaphore(%run_scoped3A : memref<!tpu.dma_semaphore, #tpu.memory_space<semaphore_mem>>) src(%arg18 : memref<64x16xf32, #tpu.memory_space<vmem>>) dst(%dma_wait3A_366 : memref<64x16xf32, #tpu.memory_space<vmem_shared>>)
      tpu.yield
    }) : () -> ()
    %mul3A_95 = arith.constant 640 : i32
    %mul3A_96 = arith.muli %arg1, %mul3A_95 : i32
    %add3A_97 = arith.constant 576 : i32
    %add3A_98 = arith.addi %mul3A_96, %add3A_97 : i32
    "tpu.region"() ({
      %run_scoped3A = tpu.sem_alloc : memref<!tpu.dma_semaphore, #tpu.memory_space<semaphore_mem>>
      %dma_start3A_359 = arith.constant 0 : i32
      %dma_start3A_360 = tpu.memref_slice %arg19[%add3A_98, %dma_start3A_359] : memref<10240x16xf32, #tpu.memory_space<vmem_shared>> -> memref<64x16xf32, #tpu.memory_space<vmem_shared>>
      %dma_start3A_361 = arith.constant 0 : i32
      %dma_start3A_362 = tpu.memref_slice %arg19[%add3A_98, %dma_start3A_361] : memref<10240x16xf32, #tpu.memory_space<vmem_shared>> -> memref<64x16xf32, #tpu.memory_space<vmem_shared>>
      tpu.enqueue_dma source(%arg18 : memref<64x16xf32, #tpu.memory_space<vmem>>) target(%dma_start3A_362 : memref<64x16xf32, #tpu.memory_space<vmem_shared>>) target_semaphore(%run_scoped3A : memref<!tpu.dma_semaphore, #tpu.memory_space<semaphore_mem>>)
      %dma_wait3A_363 = arith.constant 0 : i32
      %dma_wait3A_364 = tpu.memref_slice %arg19[%add3A_98, %dma_wait3A_363] : memref<10240x16xf32, #tpu.memory_space<vmem_shared>> -> memref<64x16xf32, #tpu.memory_space<vmem_shared>>
      %dma_wait3A_365 = arith.constant 0 : i32
      %dma_wait3A_366 = tpu.memref_slice %arg19[%add3A_98, %dma_wait3A_365] : memref<10240x16xf32, #tpu.memory_space<vmem_shared>> -> memref<64x16xf32, #tpu.memory_space<vmem_shared>>
      tpu.wait_dma2 semaphore(%run_scoped3A : memref<!tpu.dma_semaphore, #tpu.memory_space<semaphore_mem>>) src(%arg18 : memref<64x16xf32, #tpu.memory_space<vmem>>) dst(%dma_wait3A_366 : memref<64x16xf32, #tpu.memory_space<vmem_shared>>)
      tpu.yield
    }) : () -> ()
    %broadcast_in_dim3A_99 = arith.constant 1.000000e+00 : f32
    %broadcast_in_dim3A_100 = vector.broadcast %broadcast_in_dim3A_99 : f32 to vector<16xf32>
    %scan3A_101 = arith.constant 0 : i32
    %scan3A_102 = arith.constant 0 : i32
    %scan3A_103 = arith.constant 80 : i32
    %scan3A_104 = arith.addi %scan3A_102, %scan3A_103 : i32
    %scan3A_105 = arith.constant 1 : i32
    %scan3A_106 = scf.for %scan3A_359 = %scan3A_102 to %scan3A_104 step %scan3A_105 iter_args(%scan3A_360 = %scan3A_101) -> (i32)  : i32 {
      %swap3A = arith.index_cast %scan3A_359 : i32 to index
      %swap3A_361 = arith.constant 0 : index
      %swap3A_362 = tpu.vector_load %arg17[%swap3A, %swap3A_361] {strides = array<i32>} : memref<80x16xf32, #tpu.memory_space<vmem>>, vector<16xf32>,
      tpu.vector_store %arg17[%swap3A, %swap3A_361], %broadcast_in_dim3A_100 {strides = array<i32>} : memref<80x16xf32, #tpu.memory_space<vmem>>, vector<16xf32>,
      %scan3A_363 = arith.constant 0 : i32
      scf.yield %scan3A_363 : i32
    }
    %scan3A_107 = arith.constant 80 : i32
    %barrier3A = arith.constant 0 : index
    tpu.barrier barrier_id(%barrier3A)
    %add3A_108 = arith.constant 0 : i32
    %add3A_109 = arith.addi %mul3A_2, %add3A_108 : i32
    %dma_start3A = arith.constant 0 : i32
    %dma_start3A_110 = tpu.memref_slice %arg3[%dma_start3A, %add3A_109] : memref<2x320000xi32, #tpu.memory_space<hbm>> -> memref<1x400xi32, #tpu.memory_space<hbm>>
    %dma_start3A_111 = tpu.memref_squeeze %dma_start3A_110 : memref<1x400xi32, #tpu.memory_space<hbm>> -> memref<400xi32, #tpu.memory_space<hbm>>
    %dma_start3A_112 = tpu.memref_slice %arg3[%dma_start3A, %add3A_109] : memref<2x320000xi32, #tpu.memory_space<hbm>> -> memref<1x400xi32, #tpu.memory_space<hbm>>
    %dma_start3A_113 = tpu.memref_squeeze %dma_start3A_112 : memref<1x400xi32, #tpu.memory_space<hbm>> -> memref<400xi32, #tpu.memory_space<hbm>>
    tpu.enqueue_dma source(%dma_start3A_113 : memref<400xi32, #tpu.memory_space<hbm>>) target(%arg6 : memref<400xi32, #tpu.memory_space<vmem>>) target_semaphore(%arg15 : memref<!tpu.dma_semaphore, #tpu.memory_space<semaphore_mem>>)
    %add3A_114 = arith.constant 0 : i32
    %add3A_115 = arith.addi %mul3A_2, %add3A_114 : i32
    %dma_start3A_116 = arith.constant 1 : i32
    %dma_start3A_117 = tpu.memref_slice %arg3[%dma_start3A_116, %add3A_115] : memref<2x320000xi32, #tpu.memory_space<hbm>> -> memref<1x400xi32, #tpu.memory_space<hbm>>
    %dma_start3A_118 = tpu.memref_squeeze %dma_start3A_117 : memref<1x400xi32, #tpu.memory_space<hbm>> -> memref<400xi32, #tpu.memory_space<hbm>>
    %dma_start3A_119 = tpu.memref_slice %arg3[%dma_start3A_116, %add3A_115] : memref<2x320000xi32, #tpu.memory_space<hbm>> -> memref<1x400xi32, #tpu.memory_space<hbm>>
    %dma_start3A_120 = tpu.memref_squeeze %dma_start3A_119 : memref<1x400xi32, #tpu.memory_space<hbm>> -> memref<400xi32, #tpu.memory_space<hbm>>
    tpu.enqueue_dma source(%dma_start3A_120 : memref<400xi32, #tpu.memory_space<hbm>>) target(%arg8 : memref<400xi32, #tpu.memory_space<vmem>>) target_semaphore(%arg15 : memref<!tpu.dma_semaphore, #tpu.memory_space<semaphore_mem>>)
    %dma_wait3A = arith.constant 0 : i32
    %dma_wait3A_121 = arith.constant 0 : i32
    %dma_wait3A_122 = tpu.memref_slice %arg3[%dma_wait3A, %dma_wait3A_121] : memref<2x320000xi32, #tpu.memory_space<hbm>> -> memref<1x400xi32, #tpu.memory_space<hbm>>
    %dma_wait3A_123 = tpu.memref_squeeze %dma_wait3A_122 : memref<1x400xi32, #tpu.memory_space<hbm>> -> memref<400xi32, #tpu.memory_space<hbm>>
    %dma_wait3A_124 = arith.constant 0 : i32
    %dma_wait3A_125 = tpu.memref_slice %arg3[%dma_wait3A, %dma_wait3A_124] : memref<2x320000xi32, #tpu.memory_space<hbm>> -> memref<1x400xi32, #tpu.memory_space<hbm>>
    %dma_wait3A_126 = tpu.memref_squeeze %dma_wait3A_125 : memref<1x400xi32, #tpu.memory_space<hbm>> -> memref<400xi32, #tpu.memory_space<hbm>>
    tpu.wait_dma2 semaphore(%arg15 : memref<!tpu.dma_semaphore, #tpu.memory_space<semaphore_mem>>) src(%dma_wait3A_126 : memref<400xi32, #tpu.memory_space<hbm>>) dst(%arg6 : memref<400xi32, #tpu.memory_space<vmem>>)
    %dma_wait3A_127 = arith.constant 1 : i32
    %dma_wait3A_128 = arith.constant 0 : i32
    %dma_wait3A_129 = tpu.memref_slice %arg3[%dma_wait3A_127, %dma_wait3A_128] : memref<2x320000xi32, #tpu.memory_space<hbm>> -> memref<1x400xi32, #tpu.memory_space<hbm>>
    %dma_wait3A_130 = tpu.memref_squeeze %dma_wait3A_129 : memref<1x400xi32, #tpu.memory_space<hbm>> -> memref<400xi32, #tpu.memory_space<hbm>>
    %dma_wait3A_131 = arith.constant 0 : i32
    %dma_wait3A_132 = tpu.memref_slice %arg3[%dma_wait3A_127, %dma_wait3A_131] : memref<2x320000xi32, #tpu.memory_space<hbm>> -> memref<1x400xi32, #tpu.memory_space<hbm>>
    %dma_wait3A_133 = tpu.memref_squeeze %dma_wait3A_132 : memref<1x400xi32, #tpu.memory_space<hbm>> -> memref<400xi32, #tpu.memory_space<hbm>>
    tpu.wait_dma2 semaphore(%arg15 : memref<!tpu.dma_semaphore, #tpu.memory_space<semaphore_mem>>) src(%dma_wait3A_133 : memref<400xi32, #tpu.memory_space<hbm>>) dst(%arg8 : memref<400xi32, #tpu.memory_space<vmem>>)
    %add3A_134 = arith.constant 400 : i32
    %add3A_135 = arith.addi %mul3A_2, %add3A_134 : i32
    %dma_start3A_136 = arith.constant 0 : i32
    %dma_start3A_137 = tpu.memref_slice %arg3[%dma_start3A_136, %add3A_135] : memref<2x320000xi32, #tpu.memory_space<hbm>> -> memref<1x400xi32, #tpu.memory_space<hbm>>
    %dma_start3A_138 = tpu.memref_squeeze %dma_start3A_137 : memref<1x400xi32, #tpu.memory_space<hbm>> -> memref<400xi32, #tpu.memory_space<hbm>>
    %dma_start3A_139 = tpu.memref_slice %arg3[%dma_start3A_136, %add3A_135] : memref<2x320000xi32, #tpu.memory_space<hbm>> -> memref<1x400xi32, #tpu.memory_space<hbm>>
    %dma_start3A_140 = tpu.memref_squeeze %dma_start3A_139 : memref<1x400xi32, #tpu.memory_space<hbm>> -> memref<400xi32, #tpu.memory_space<hbm>>
    tpu.enqueue_dma source(%dma_start3A_140 : memref<400xi32, #tpu.memory_space<hbm>>) target(%arg7 : memref<400xi32, #tpu.memory_space<vmem>>) target_semaphore(%arg15 : memref<!tpu.dma_semaphore, #tpu.memory_space<semaphore_mem>>)
    %add3A_141 = arith.constant 400 : i32
    %add3A_142 = arith.addi %mul3A_2, %add3A_141 : i32
    %dma_start3A_143 = arith.constant 1 : i32
    %dma_start3A_144 = tpu.memref_slice %arg3[%dma_start3A_143, %add3A_142] : memref<2x320000xi32, #tpu.memory_space<hbm>> -> memref<1x400xi32, #tpu.memory_space<hbm>>
    %dma_start3A_145 = tpu.memref_squeeze %dma_start3A_144 : memref<1x400xi32, #tpu.memory_space<hbm>> -> memref<400xi32, #tpu.memory_space<hbm>>
    %dma_start3A_146 = tpu.memref_slice %arg3[%dma_start3A_143, %add3A_142] : memref<2x320000xi32, #tpu.memory_space<hbm>> -> memref<1x400xi32, #tpu.memory_space<hbm>>
    %dma_start3A_147 = tpu.memref_squeeze %dma_start3A_146 : memref<1x400xi32, #tpu.memory_space<hbm>> -> memref<400xi32, #tpu.memory_space<hbm>>
    tpu.enqueue_dma source(%dma_start3A_147 : memref<400xi32, #tpu.memory_space<hbm>>) target(%arg9 : memref<400xi32, #tpu.memory_space<vmem>>) target_semaphore(%arg15 : memref<!tpu.dma_semaphore, #tpu.memory_space<semaphore_mem>>)
    %dma_start3A_148 = arith.constant 0 : i32
    %dma_start3A_149 = tpu.memref_slice %arg6[%dma_start3A_148] : memref<400xi32, #tpu.memory_space<vmem>> -> memref<80xi32, #tpu.memory_space<vmem>>
    %dma_start3A_150 = arith.constant 0 : i32
    %dma_start3A_151 = arith.constant 0 : i32
    %dma_start3A_152 = tpu.memref_slice %arg2[%dma_start3A_150, %dma_start3A_151] : memref<10000x128xf32, #tpu.memory_space<hbm>> -> memref<10000x128xf32, #tpu.memory_space<hbm>>
    tpu.enqueue_indirect_dma source(%dma_start3A_152 : memref<10000x128xf32, #tpu.memory_space<hbm>>) target(%arg10 : memref<80x128xf32, #tpu.memory_space<vmem>>) offsets(%dma_start3A_149 : memref<80xi32, #tpu.memory_space<vmem>>) semaphore(%arg14 : memref<!tpu.dma_semaphore, #tpu.memory_space<semaphore_mem>>)
    %scan3A_153 = arith.constant 0 : i32
    %scan3A_154 = arith.constant 0 : i32
    %scan3A_155 = arith.constant 12 : i32
    %scan3A_156 = arith.addi %scan3A_154, %scan3A_155 : i32
    %scan3A_157 = arith.constant 1 : i32
    %scan3A_158 = scf.for %scan3A_359 = %scan3A_154 to %scan3A_156 step %scan3A_157 iter_args(%scan3A_360 = %scan3A_153) -> (i32)  : i32 {
      %mul3A_361 = arith.constant 2 : i32
      %mul3A_362 = arith.muli %mul3A_361, %scan3A_359 : i32
      %dma_wait3A_363 = arith.constant 0 : i32
      %dma_wait3A_364 = arith.constant 0 : i32
      %dma_wait3A_365 = tpu.memref_slice %arg2[%dma_wait3A_363, %dma_wait3A_364] : memref<10000x128xf32, #tpu.memory_space<hbm>> -> memref<80x128xf32, #tpu.memory_space<hbm>>
      %dma_wait3A_366 = arith.constant 0 : i32
      %dma_wait3A_367 = arith.constant 0 : i32
      %dma_wait3A_368 = tpu.memref_slice %arg2[%dma_wait3A_366, %dma_wait3A_367] : memref<10000x128xf32, #tpu.memory_space<hbm>> -> memref<80x128xf32, #tpu.memory_space<hbm>>
      tpu.wait_dma2 semaphore(%arg14 : memref<!tpu.dma_semaphore, #tpu.memory_space<semaphore_mem>>) src(%dma_wait3A_368 : memref<80x128xf32, #tpu.memory_space<hbm>>) dst(%arg10 : memref<80x128xf32, #tpu.memory_space<vmem>>)
      %ge3A = arith.constant 1 : i32
      %ge3A_369 = arith.cmpi sge, %mul3A_362, %ge3A : i32
      %convert_element_type3A = arith.extui %ge3A_369 : i1 to i32
      %cond3A = arith.constant 0 : i32
      %cond3A_370 = arith.cmpi ne, %convert_element_type3A, %cond3A : i32
      scf.if %cond3A_370 {
        %dma_wait3A_757 = arith.constant 0 : i32
        %dma_wait3A_758 = arith.constant 0 : i32
        %dma_wait3A_759 = tpu.memref_slice %arg2[%dma_wait3A_757, %dma_wait3A_758] : memref<10000x128xf32, #tpu.memory_space<hbm>> -> memref<80x128xf32, #tpu.memory_space<hbm>>
        %dma_wait3A_760 = arith.constant 0 : i32
        %dma_wait3A_761 = arith.constant 0 : i32
        %dma_wait3A_762 = tpu.memref_slice %arg2[%dma_wait3A_760, %dma_wait3A_761] : memref<10000x128xf32, #tpu.memory_space<hbm>> -> memref<80x128xf32, #tpu.memory_space<hbm>>
        tpu.wait_dma2 semaphore(%arg16 : memref<!tpu.dma_semaphore, #tpu.memory_space<semaphore_mem>>) src(%dma_wait3A_762 : memref<80x128xf32, #tpu.memory_space<hbm>>) dst(%arg10 : memref<80x128xf32, #tpu.memory_space<vmem>>)
        %dma_wait3A_763 = arith.constant 0 : i32
        %dma_wait3A_764 = arith.constant 0 : i32
        %dma_wait3A_765 = arith.constant 0 : i32
        %dma_wait3A_766 = tpu.memref_slice %arg5[%dma_wait3A_763, %dma_wait3A_764, %dma_wait3A_765] : memref<2x10240x16xf32, #tpu.memory_space<hbm>> -> memref<1x80x16xf32, #tpu.memory_space<hbm>>
        %dma_wait3A_767 = tpu.memref_squeeze %dma_wait3A_766 : memref<1x80x16xf32, #tpu.memory_space<hbm>> -> memref<80x16xf32, #tpu.memory_space<hbm>>
        %dma_wait3A_768 = arith.constant 0 : i32
        %dma_wait3A_769 = arith.constant 0 : i32
        %dma_wait3A_770 = tpu.memref_slice %arg5[%dma_wait3A_763, %dma_wait3A_768, %dma_wait3A_769] : memref<2x10240x16xf32, #tpu.memory_space<hbm>> -> memref<1x80x16xf32, #tpu.memory_space<hbm>>
        %dma_wait3A_771 = tpu.memref_squeeze %dma_wait3A_770 : memref<1x80x16xf32, #tpu.memory_space<hbm>> -> memref<80x16xf32, #tpu.memory_space<hbm>>
        tpu.wait_dma2 semaphore(%arg16 : memref<!tpu.dma_semaphore, #tpu.memory_space<semaphore_mem>>) src(%dma_wait3A_771 : memref<80x16xf32, #tpu.memory_space<hbm>>) dst(%arg17 : memref<80x16xf32, #tpu.memory_space<vmem>>)
      } else {
      }
      %dma_start3A_371 = arith.constant 80 : i32
      %dma_start3A_372 = tpu.memref_slice %arg6[%dma_start3A_371] : memref<400xi32, #tpu.memory_space<vmem>> -> memref<80xi32, #tpu.memory_space<vmem>>
      %dma_start3A_373 = arith.constant 0 : i32
      %dma_start3A_374 = arith.constant 0 : i32
      %dma_start3A_375 = tpu.memref_slice %arg2[%dma_start3A_373, %dma_start3A_374] : memref<10000x128xf32, #tpu.memory_space<hbm>> -> memref<10000x128xf32, #tpu.memory_space<hbm>>
      tpu.enqueue_indirect_dma source(%dma_start3A_375 : memref<10000x128xf32, #tpu.memory_space<hbm>>) target(%arg11 : memref<80x128xf32, #tpu.memory_space<vmem>>) offsets(%dma_start3A_372 : memref<80xi32, #tpu.memory_space<vmem>>) semaphore(%arg14 : memref<!tpu.dma_semaphore, #tpu.memory_space<semaphore_mem>>)
      %dma_start3A_376 = arith.constant 0 : i32
      %dma_start3A_377 = tpu.memref_slice %arg8[%dma_start3A_376] : memref<400xi32, #tpu.memory_space<vmem>> -> memref<80xi32, #tpu.memory_space<vmem>>
      %dma_start3A_378 = arith.constant 0 : i32
      %dma_start3A_379 = arith.constant 0 : i32
      %dma_start3A_380 = tpu.memref_slice %arg13[%dma_start3A_378, %dma_start3A_379] : memref<10240x128xf32, #tpu.memory_space<vmem_shared>> -> memref<10240x128xf32, #tpu.memory_space<vmem_shared>>
      tpu.enqueue_indirect_dma source(%arg10 : memref<80x128xf32, #tpu.memory_space<vmem>>) target(%dma_start3A_380 : memref<10240x128xf32, #tpu.memory_space<vmem_shared>>) offsets(%dma_start3A_377 : memref<80xi32, #tpu.memory_space<vmem>>) semaphore(%arg16 : memref<!tpu.dma_semaphore, #tpu.memory_space<semaphore_mem>>) {add = true}
      %dma_start3A_381 = arith.constant 0 : i32
      %dma_start3A_382 = tpu.memref_slice %arg8[%dma_start3A_381] : memref<400xi32, #tpu.memory_space<vmem>> -> memref<80xi32, #tpu.memory_space<vmem>>
      %dma_start3A_383 = arith.constant 0 : i32
      %dma_start3A_384 = arith.constant 0 : i32
      %dma_start3A_385 = tpu.memref_slice %arg19[%dma_start3A_383, %dma_start3A_384] : memref<10240x16xf32, #tpu.memory_space<vmem_shared>> -> memref<10240x16xf32, #tpu.memory_space<vmem_shared>>
      tpu.enqueue_indirect_dma source(%arg17 : memref<80x16xf32, #tpu.memory_space<vmem>>) target(%dma_start3A_385 : memref<10240x16xf32, #tpu.memory_space<vmem_shared>>) offsets(%dma_start3A_382 : memref<80xi32, #tpu.memory_space<vmem>>) semaphore(%arg16 : memref<!tpu.dma_semaphore, #tpu.memory_space<semaphore_mem>>) {add = true}
      %dma_wait3A_386 = arith.constant 0 : i32
      %dma_wait3A_387 = arith.constant 0 : i32
      %dma_wait3A_388 = tpu.memref_slice %arg2[%dma_wait3A_386, %dma_wait3A_387] : memref<10000x128xf32, #tpu.memory_space<hbm>> -> memref<80x128xf32, #tpu.memory_space<hbm>>
      %dma_wait3A_389 = arith.constant 0 : i32
      %dma_wait3A_390 = arith.constant 0 : i32
      %dma_wait3A_391 = tpu.memref_slice %arg2[%dma_wait3A_389, %dma_wait3A_390] : memref<10000x128xf32, #tpu.memory_space<hbm>> -> memref<80x128xf32, #tpu.memory_space<hbm>>
      tpu.wait_dma2 semaphore(%arg14 : memref<!tpu.dma_semaphore, #tpu.memory_space<semaphore_mem>>) src(%dma_wait3A_391 : memref<80x128xf32, #tpu.memory_space<hbm>>) dst(%arg11 : memref<80x128xf32, #tpu.memory_space<vmem>>)
      %dma_wait3A_392 = arith.constant 0 : i32
      %dma_wait3A_393 = arith.constant 0 : i32
      %dma_wait3A_394 = tpu.memref_slice %arg2[%dma_wait3A_392, %dma_wait3A_393] : memref<10000x128xf32, #tpu.memory_space<hbm>> -> memref<80x128xf32, #tpu.memory_space<hbm>>
      %dma_wait3A_395 = arith.constant 0 : i32
      %dma_wait3A_396 = arith.constant 0 : i32
      %dma_wait3A_397 = tpu.memref_slice %arg2[%dma_wait3A_395, %dma_wait3A_396] : memref<10000x128xf32, #tpu.memory_space<hbm>> -> memref<80x128xf32, #tpu.memory_space<hbm>>
      tpu.wait_dma2 semaphore(%arg16 : memref<!tpu.dma_semaphore, #tpu.memory_space<semaphore_mem>>) src(%dma_wait3A_397 : memref<80x128xf32, #tpu.memory_space<hbm>>) dst(%arg10 : memref<80x128xf32, #tpu.memory_space<vmem>>)
      %dma_wait3A_398 = arith.constant 0 : i32
      %dma_wait3A_399 = arith.constant 0 : i32
      %dma_wait3A_400 = arith.constant 0 : i32
      %dma_wait3A_401 = tpu.memref_slice %arg5[%dma_wait3A_398, %dma_wait3A_399, %dma_wait3A_400] : memref<2x10240x16xf32, #tpu.memory_space<hbm>> -> memref<1x80x16xf32, #tpu.memory_space<hbm>>
      %dma_wait3A_402 = tpu.memref_squeeze %dma_wait3A_401 : memref<1x80x16xf32, #tpu.memory_space<hbm>> -> memref<80x16xf32, #tpu.memory_space<hbm>>
      %dma_wait3A_403 = arith.constant 0 : i32
      %dma_wait3A_404 = arith.constant 0 : i32
      %dma_wait3A_405 = tpu.memref_slice %arg5[%dma_wait3A_398, %dma_wait3A_403, %dma_wait3A_404] : memref<2x10240x16xf32, #tpu.memory_space<hbm>> -> memref<1x80x16xf32, #tpu.memory_space<hbm>>
      %dma_wait3A_406 = tpu.memref_squeeze %dma_wait3A_405 : memref<1x80x16xf32, #tpu.memory_space<hbm>> -> memref<80x16xf32, #tpu.memory_space<hbm>>
      tpu.wait_dma2 semaphore(%arg16 : memref<!tpu.dma_semaphore, #tpu.memory_space<semaphore_mem>>) src(%dma_wait3A_406 : memref<80x16xf32, #tpu.memory_space<hbm>>) dst(%arg17 : memref<80x16xf32, #tpu.memory_space<vmem>>)
      %dma_start3A_407 = arith.constant 160 : i32
      %dma_start3A_408 = tpu.memref_slice %arg6[%dma_start3A_407] : memref<400xi32, #tpu.memory_space<vmem>> -> memref<80xi32, #tpu.memory_space<vmem>>
      %dma_start3A_409 = arith.constant 0 : i32
      %dma_start3A_410 = arith.constant 0 : i32
      %dma_start3A_411 = tpu.memref_slice %arg2[%dma_start3A_409, %dma_start3A_410] : memref<10000x128xf32, #tpu.memory_space<hbm>> -> memref<10000x128xf32, #tpu.memory_space<hbm>>
      tpu.enqueue_indirect_dma source(%dma_start3A_411 : memref<10000x128xf32, #tpu.memory_space<hbm>>) target(%arg10 : memref<80x128xf32, #tpu.memory_space<vmem>>) offsets(%dma_start3A_408 : memref<80xi32, #tpu.memory_space<vmem>>) semaphore(%arg14 : memref<!tpu.dma_semaphore, #tpu.memory_space<semaphore_mem>>)
      %dma_start3A_412 = arith.constant 80 : i32
      %dma_start3A_413 = tpu.memref_slice %arg8[%dma_start3A_412] : memref<400xi32, #tpu.memory_space<vmem>> -> memref<80xi32, #tpu.memory_space<vmem>>
      %dma_start3A_414 = arith.constant 0 : i32
      %dma_start3A_415 = arith.constant 0 : i32
      %dma_start3A_416 = tpu.memref_slice %arg13[%dma_start3A_414, %dma_start3A_415] : memref<10240x128xf32, #tpu.memory_space<vmem_shared>> -> memref<10240x128xf32, #tpu.memory_space<vmem_shared>>
      tpu.enqueue_indirect_dma source(%arg11 : memref<80x128xf32, #tpu.memory_space<vmem>>) target(%dma_start3A_416 : memref<10240x128xf32, #tpu.memory_space<vmem_shared>>) offsets(%dma_start3A_413 : memref<80xi32, #tpu.memory_space<vmem>>) semaphore(%arg16 : memref<!tpu.dma_semaphore, #tpu.memory_space<semaphore_mem>>) {add = true}
      %dma_start3A_417 = arith.constant 80 : i32
      %dma_start3A_418 = tpu.memref_slice %arg8[%dma_start3A_417] : memref<400xi32, #tpu.memory_space<vmem>> -> memref<80xi32, #tpu.memory_space<vmem>>
      %dma_start3A_419 = arith.constant 0 : i32
      %dma_start3A_420 = arith.constant 0 : i32
      %dma_start3A_421 = tpu.memref_slice %arg19[%dma_start3A_419, %dma_start3A_420] : memref<10240x16xf32, #tpu.memory_space<vmem_shared>> -> memref<10240x16xf32, #tpu.memory_space<vmem_shared>>
      tpu.enqueue_indirect_dma source(%arg17 : memref<80x16xf32, #tpu.memory_space<vmem>>) target(%dma_start3A_421 : memref<10240x16xf32, #tpu.memory_space<vmem_shared>>) offsets(%dma_start3A_418 : memref<80xi32, #tpu.memory_space<vmem>>) semaphore(%arg16 : memref<!tpu.dma_semaphore, #tpu.memory_space<semaphore_mem>>) {add = true}
      %dma_wait3A_422 = arith.constant 0 : i32
      %dma_wait3A_423 = arith.constant 0 : i32
      %dma_wait3A_424 = tpu.memref_slice %arg2[%dma_wait3A_422, %dma_wait3A_423] : memref<10000x128xf32, #tpu.memory_space<hbm>> -> memref<80x128xf32, #tpu.memory_space<hbm>>
      %dma_wait3A_425 = arith.constant 0 : i32
      %dma_wait3A_426 = arith.constant 0 : i32
      %dma_wait3A_427 = tpu.memref_slice %arg2[%dma_wait3A_425, %dma_wait3A_426] : memref<10000x128xf32, #tpu.memory_space<hbm>> -> memref<80x128xf32, #tpu.memory_space<hbm>>
      tpu.wait_dma2 semaphore(%arg14 : memref<!tpu.dma_semaphore, #tpu.memory_space<semaphore_mem>>) src(%dma_wait3A_427 : memref<80x128xf32, #tpu.memory_space<hbm>>) dst(%arg10 : memref<80x128xf32, #tpu.memory_space<vmem>>)
      %dma_wait3A_428 = arith.constant 0 : i32
      %dma_wait3A_429 = arith.constant 0 : i32
      %dma_wait3A_430 = tpu.memref_slice %arg2[%dma_wait3A_428, %dma_wait3A_429] : memref<10000x128xf32, #tpu.memory_space<hbm>> -> memref<80x128xf32, #tpu.memory_space<hbm>>
      %dma_wait3A_431 = arith.constant 0 : i32
      %dma_wait3A_432 = arith.constant 0 : i32
      %dma_wait3A_433 = tpu.memref_slice %arg2[%dma_wait3A_431, %dma_wait3A_432] : memref<10000x128xf32, #tpu.memory_space<hbm>> -> memref<80x128xf32, #tpu.memory_space<hbm>>
      tpu.wait_dma2 semaphore(%arg16 : memref<!tpu.dma_semaphore, #tpu.memory_space<semaphore_mem>>) src(%dma_wait3A_433 : memref<80x128xf32, #tpu.memory_space<hbm>>) dst(%arg10 : memref<80x128xf32, #tpu.memory_space<vmem>>)
      %dma_wait3A_434 = arith.constant 0 : i32
      %dma_wait3A_435 = arith.constant 0 : i32
      %dma_wait3A_436 = arith.constant 0 : i32
      %dma_wait3A_437 = tpu.memref_slice %arg5[%dma_wait3A_434, %dma_wait3A_435, %dma_wait3A_436] : memref<2x10240x16xf32, #tpu.memory_space<hbm>> -> memref<1x80x16xf32, #tpu.memory_space<hbm>>
      %dma_wait3A_438 = tpu.memref_squeeze %dma_wait3A_437 : memref<1x80x16xf32, #tpu.memory_space<hbm>> -> memref<80x16xf32, #tpu.memory_space<hbm>>
      %dma_wait3A_439 = arith.constant 0 : i32
      %dma_wait3A_440 = arith.constant 0 : i32
      %dma_wait3A_441 = tpu.memref_slice %arg5[%dma_wait3A_434, %dma_wait3A_439, %dma_wait3A_440] : memref<2x10240x16xf32, #tpu.memory_space<hbm>> -> memref<1x80x16xf32, #tpu.memory_space<hbm>>
      %dma_wait3A_442 = tpu.memref_squeeze %dma_wait3A_441 : memref<1x80x16xf32, #tpu.memory_space<hbm>> -> memref<80x16xf32, #tpu.memory_space<hbm>>
      tpu.wait_dma2 semaphore(%arg16 : memref<!tpu.dma_semaphore, #tpu.memory_space<semaphore_mem>>) src(%dma_wait3A_442 : memref<80x16xf32, #tpu.memory_space<hbm>>) dst(%arg17 : memref<80x16xf32, #tpu.memory_space<vmem>>)
      %dma_start3A_443 = arith.constant 240 : i32
      %dma_start3A_444 = tpu.memref_slice %arg6[%dma_start3A_443] : memref<400xi32, #tpu.memory_space<vmem>> -> memref<80xi32, #tpu.memory_space<vmem>>
      %dma_start3A_445 = arith.constant 0 : i32
      %dma_start3A_446 = arith.constant 0 : i32
      %dma_start3A_447 = tpu.memref_slice %arg2[%dma_start3A_445, %dma_start3A_446] : memref<10000x128xf32, #tpu.memory_space<hbm>> -> memref<10000x128xf32, #tpu.memory_space<hbm>>
      tpu.enqueue_indirect_dma source(%dma_start3A_447 : memref<10000x128xf32, #tpu.memory_space<hbm>>) target(%arg11 : memref<80x128xf32, #tpu.memory_space<vmem>>) offsets(%dma_start3A_444 : memref<80xi32, #tpu.memory_space<vmem>>) semaphore(%arg14 : memref<!tpu.dma_semaphore, #tpu.memory_space<semaphore_mem>>)
      %dma_start3A_448 = arith.constant 160 : i32
      %dma_start3A_449 = tpu.memref_slice %arg8[%dma_start3A_448] : memref<400xi32, #tpu.memory_space<vmem>> -> memref<80xi32, #tpu.memory_space<vmem>>
      %dma_start3A_450 = arith.constant 0 : i32
      %dma_start3A_451 = arith.constant 0 : i32
      %dma_start3A_452 = tpu.memref_slice %arg13[%dma_start3A_450, %dma_start3A_451] : memref<10240x128xf32, #tpu.memory_space<vmem_shared>> -> memref<10240x128xf32, #tpu.memory_space<vmem_shared>>
      tpu.enqueue_indirect_dma source(%arg10 : memref<80x128xf32, #tpu.memory_space<vmem>>) target(%dma_start3A_452 : memref<10240x128xf32, #tpu.memory_space<vmem_shared>>) offsets(%dma_start3A_449 : memref<80xi32, #tpu.memory_space<vmem>>) semaphore(%arg16 : memref<!tpu.dma_semaphore, #tpu.memory_space<semaphore_mem>>) {add = true}
      %dma_start3A_453 = arith.constant 160 : i32
      %dma_start3A_454 = tpu.memref_slice %arg8[%dma_start3A_453] : memref<400xi32, #tpu.memory_space<vmem>> -> memref<80xi32, #tpu.memory_space<vmem>>
      %dma_start3A_455 = arith.constant 0 : i32
      %dma_start3A_456 = arith.constant 0 : i32
      %dma_start3A_457 = tpu.memref_slice %arg19[%dma_start3A_455, %dma_start3A_456] : memref<10240x16xf32, #tpu.memory_space<vmem_shared>> -> memref<10240x16xf32, #tpu.memory_space<vmem_shared>>
      tpu.enqueue_indirect_dma source(%arg17 : memref<80x16xf32, #tpu.memory_space<vmem>>) target(%dma_start3A_457 : memref<10240x16xf32, #tpu.memory_space<vmem_shared>>) offsets(%dma_start3A_454 : memref<80xi32, #tpu.memory_space<vmem>>) semaphore(%arg16 : memref<!tpu.dma_semaphore, #tpu.memory_space<semaphore_mem>>) {add = true}
      %dma_wait3A_458 = arith.constant 0 : i32
      %dma_wait3A_459 = arith.constant 0 : i32
      %dma_wait3A_460 = tpu.memref_slice %arg3[%dma_wait3A_458, %dma_wait3A_459] : memref<2x320000xi32, #tpu.memory_space<hbm>> -> memref<1x400xi32, #tpu.memory_space<hbm>>
      %dma_wait3A_461 = tpu.memref_squeeze %dma_wait3A_460 : memref<1x400xi32, #tpu.memory_space<hbm>> -> memref<400xi32, #tpu.memory_space<hbm>>
      %dma_wait3A_462 = arith.constant 0 : i32
      %dma_wait3A_463 = tpu.memref_slice %arg3[%dma_wait3A_458, %dma_wait3A_462] : memref<2x320000xi32, #tpu.memory_space<hbm>> -> memref<1x400xi32, #tpu.memory_space<hbm>>
      %dma_wait3A_464 = tpu.memref_squeeze %dma_wait3A_463 : memref<1x400xi32, #tpu.memory_space<hbm>> -> memref<400xi32, #tpu.memory_space<hbm>>
      tpu.wait_dma2 semaphore(%arg15 : memref<!tpu.dma_semaphore, #tpu.memory_space<semaphore_mem>>) src(%dma_wait3A_464 : memref<400xi32, #tpu.memory_space<hbm>>) dst(%arg7 : memref<400xi32, #tpu.memory_space<vmem>>)
      %dma_wait3A_465 = arith.constant 1 : i32
      %dma_wait3A_466 = arith.constant 0 : i32
      %dma_wait3A_467 = tpu.memref_slice %arg3[%dma_wait3A_465, %dma_wait3A_466] : memref<2x320000xi32, #tpu.memory_space<hbm>> -> memref<1x400xi32, #tpu.memory_space<hbm>>
      %dma_wait3A_468 = tpu.memref_squeeze %dma_wait3A_467 : memref<1x400xi32, #tpu.memory_space<hbm>> -> memref<400xi32, #tpu.memory_space<hbm>>
      %dma_wait3A_469 = arith.constant 0 : i32
      %dma_wait3A_470 = tpu.memref_slice %arg3[%dma_wait3A_465, %dma_wait3A_469] : memref<2x320000xi32, #tpu.memory_space<hbm>> -> memref<1x400xi32, #tpu.memory_space<hbm>>
      %dma_wait3A_471 = tpu.memref_squeeze %dma_wait3A_470 : memref<1x400xi32, #tpu.memory_space<hbm>> -> memref<400xi32, #tpu.memory_space<hbm>>
      tpu.wait_dma2 semaphore(%arg15 : memref<!tpu.dma_semaphore, #tpu.memory_space<semaphore_mem>>) src(%dma_wait3A_471 : memref<400xi32, #tpu.memory_space<hbm>>) dst(%arg9 : memref<400xi32, #tpu.memory_space<vmem>>)
      %dma_wait3A_472 = arith.constant 0 : i32
      %dma_wait3A_473 = arith.constant 0 : i32
      %dma_wait3A_474 = tpu.memref_slice %arg2[%dma_wait3A_472, %dma_wait3A_473] : memref<10000x128xf32, #tpu.memory_space<hbm>> -> memref<80x128xf32, #tpu.memory_space<hbm>>
      %dma_wait3A_475 = arith.constant 0 : i32
      %dma_wait3A_476 = arith.constant 0 : i32
      %dma_wait3A_477 = tpu.memref_slice %arg2[%dma_wait3A_475, %dma_wait3A_476] : memref<10000x128xf32, #tpu.memory_space<hbm>> -> memref<80x128xf32, #tpu.memory_space<hbm>>
      tpu.wait_dma2 semaphore(%arg14 : memref<!tpu.dma_semaphore, #tpu.memory_space<semaphore_mem>>) src(%dma_wait3A_477 : memref<80x128xf32, #tpu.memory_space<hbm>>) dst(%arg11 : memref<80x128xf32, #tpu.memory_space<vmem>>)
      %dma_wait3A_478 = arith.constant 0 : i32
      %dma_wait3A_479 = arith.constant 0 : i32
      %dma_wait3A_480 = tpu.memref_slice %arg2[%dma_wait3A_478, %dma_wait3A_479] : memref<10000x128xf32, #tpu.memory_space<hbm>> -> memref<80x128xf32, #tpu.memory_space<hbm>>
      %dma_wait3A_481 = arith.constant 0 : i32
      %dma_wait3A_482 = arith.constant 0 : i32
      %dma_wait3A_483 = tpu.memref_slice %arg2[%dma_wait3A_481, %dma_wait3A_482] : memref<10000x128xf32, #tpu.memory_space<hbm>> -> memref<80x128xf32, #tpu.memory_space<hbm>>
      tpu.wait_dma2 semaphore(%arg16 : memref<!tpu.dma_semaphore, #tpu.memory_space<semaphore_mem>>) src(%dma_wait3A_483 : memref<80x128xf32, #tpu.memory_space<hbm>>) dst(%arg10 : memref<80x128xf32, #tpu.memory_space<vmem>>)
      %dma_wait3A_484 = arith.constant 0 : i32
      %dma_wait3A_485 = arith.constant 0 : i32
      %dma_wait3A_486 = arith.constant 0 : i32
      %dma_wait3A_487 = tpu.memref_slice %arg5[%dma_wait3A_484, %dma_wait3A_485, %dma_wait3A_486] : memref<2x10240x16xf32, #tpu.memory_space<hbm>> -> memref<1x80x16xf32, #tpu.memory_space<hbm>>
      %dma_wait3A_488 = tpu.memref_squeeze %dma_wait3A_487 : memref<1x80x16xf32, #tpu.memory_space<hbm>> -> memref<80x16xf32, #tpu.memory_space<hbm>>
      %dma_wait3A_489 = arith.constant 0 : i32
      %dma_wait3A_490 = arith.constant 0 : i32
      %dma_wait3A_491 = tpu.memref_slice %arg5[%dma_wait3A_484, %dma_wait3A_489, %dma_wait3A_490] : memref<2x10240x16xf32, #tpu.memory_space<hbm>> -> memref<1x80x16xf32, #tpu.memory_space<hbm>>
      %dma_wait3A_492 = tpu.memref_squeeze %dma_wait3A_491 : memref<1x80x16xf32, #tpu.memory_space<hbm>> -> memref<80x16xf32, #tpu.memory_space<hbm>>
      tpu.wait_dma2 semaphore(%arg16 : memref<!tpu.dma_semaphore, #tpu.memory_space<semaphore_mem>>) src(%dma_wait3A_492 : memref<80x16xf32, #tpu.memory_space<hbm>>) dst(%arg17 : memref<80x16xf32, #tpu.memory_space<vmem>>)
      %dma_start3A_493 = arith.constant 320 : i32
      %dma_start3A_494 = tpu.memref_slice %arg6[%dma_start3A_493] : memref<400xi32, #tpu.memory_space<vmem>> -> memref<80xi32, #tpu.memory_space<vmem>>
      %dma_start3A_495 = arith.constant 0 : i32
      %dma_start3A_496 = arith.constant 0 : i32
      %dma_start3A_497 = tpu.memref_slice %arg2[%dma_start3A_495, %dma_start3A_496] : memref<10000x128xf32, #tpu.memory_space<hbm>> -> memref<10000x128xf32, #tpu.memory_space<hbm>>
      tpu.enqueue_indirect_dma source(%dma_start3A_497 : memref<10000x128xf32, #tpu.memory_space<hbm>>) target(%arg10 : memref<80x128xf32, #tpu.memory_space<vmem>>) offsets(%dma_start3A_494 : memref<80xi32, #tpu.memory_space<vmem>>) semaphore(%arg14 : memref<!tpu.dma_semaphore, #tpu.memory_space<semaphore_mem>>)
      %dma_start3A_498 = arith.constant 240 : i32
      %dma_start3A_499 = tpu.memref_slice %arg8[%dma_start3A_498] : memref<400xi32, #tpu.memory_space<vmem>> -> memref<80xi32, #tpu.memory_space<vmem>>
      %dma_start3A_500 = arith.constant 0 : i32
      %dma_start3A_501 = arith.constant 0 : i32
      %dma_start3A_502 = tpu.memref_slice %arg13[%dma_start3A_500, %dma_start3A_501] : memref<10240x128xf32, #tpu.memory_space<vmem_shared>> -> memref<10240x128xf32, #tpu.memory_space<vmem_shared>>
      tpu.enqueue_indirect_dma source(%arg11 : memref<80x128xf32, #tpu.memory_space<vmem>>) target(%dma_start3A_502 : memref<10240x128xf32, #tpu.memory_space<vmem_shared>>) offsets(%dma_start3A_499 : memref<80xi32, #tpu.memory_space<vmem>>) semaphore(%arg16 : memref<!tpu.dma_semaphore, #tpu.memory_space<semaphore_mem>>) {add = true}
      %dma_start3A_503 = arith.constant 240 : i32
      %dma_start3A_504 = tpu.memref_slice %arg8[%dma_start3A_503] : memref<400xi32, #tpu.memory_space<vmem>> -> memref<80xi32, #tpu.memory_space<vmem>>
      %dma_start3A_505 = arith.constant 0 : i32
      %dma_start3A_506 = arith.constant 0 : i32
      %dma_start3A_507 = tpu.memref_slice %arg19[%dma_start3A_505, %dma_start3A_506] : memref<10240x16xf32, #tpu.memory_space<vmem_shared>> -> memref<10240x16xf32, #tpu.memory_space<vmem_shared>>
      tpu.enqueue_indirect_dma source(%arg17 : memref<80x16xf32, #tpu.memory_space<vmem>>) target(%dma_start3A_507 : memref<10240x16xf32, #tpu.memory_space<vmem_shared>>) offsets(%dma_start3A_504 : memref<80xi32, #tpu.memory_space<vmem>>) semaphore(%arg16 : memref<!tpu.dma_semaphore, #tpu.memory_space<semaphore_mem>>) {add = true}
      %dma_wait3A_508 = arith.constant 0 : i32
      %dma_wait3A_509 = arith.constant 0 : i32
      %dma_wait3A_510 = tpu.memref_slice %arg2[%dma_wait3A_508, %dma_wait3A_509] : memref<10000x128xf32, #tpu.memory_space<hbm>> -> memref<80x128xf32, #tpu.memory_space<hbm>>
      %dma_wait3A_511 = arith.constant 0 : i32
      %dma_wait3A_512 = arith.constant 0 : i32
      %dma_wait3A_513 = tpu.memref_slice %arg2[%dma_wait3A_511, %dma_wait3A_512] : memref<10000x128xf32, #tpu.memory_space<hbm>> -> memref<80x128xf32, #tpu.memory_space<hbm>>
      tpu.wait_dma2 semaphore(%arg14 : memref<!tpu.dma_semaphore, #tpu.memory_space<semaphore_mem>>) src(%dma_wait3A_513 : memref<80x128xf32, #tpu.memory_space<hbm>>) dst(%arg10 : memref<80x128xf32, #tpu.memory_space<vmem>>)
      %dma_wait3A_514 = arith.constant 0 : i32
      %dma_wait3A_515 = arith.constant 0 : i32
      %dma_wait3A_516 = tpu.memref_slice %arg2[%dma_wait3A_514, %dma_wait3A_515] : memref<10000x128xf32, #tpu.memory_space<hbm>> -> memref<80x128xf32, #tpu.memory_space<hbm>>
      %dma_wait3A_517 = arith.constant 0 : i32
      %dma_wait3A_518 = arith.constant 0 : i32
      %dma_wait3A_519 = tpu.memref_slice %arg2[%dma_wait3A_517, %dma_wait3A_518] : memref<10000x128xf32, #tpu.memory_space<hbm>> -> memref<80x128xf32, #tpu.memory_space<hbm>>
      tpu.wait_dma2 semaphore(%arg16 : memref<!tpu.dma_semaphore, #tpu.memory_space<semaphore_mem>>) src(%dma_wait3A_519 : memref<80x128xf32, #tpu.memory_space<hbm>>) dst(%arg10 : memref<80x128xf32, #tpu.memory_space<vmem>>)
      %dma_wait3A_520 = arith.constant 0 : i32
      %dma_wait3A_521 = arith.constant 0 : i32
      %dma_wait3A_522 = arith.constant 0 : i32
      %dma_wait3A_523 = tpu.memref_slice %arg5[%dma_wait3A_520, %dma_wait3A_521, %dma_wait3A_522] : memref<2x10240x16xf32, #tpu.memory_space<hbm>> -> memref<1x80x16xf32, #tpu.memory_space<hbm>>
      %dma_wait3A_524 = tpu.memref_squeeze %dma_wait3A_523 : memref<1x80x16xf32, #tpu.memory_space<hbm>> -> memref<80x16xf32, #tpu.memory_space<hbm>>
      %dma_wait3A_525 = arith.constant 0 : i32
      %dma_wait3A_526 = arith.constant 0 : i32
      %dma_wait3A_527 = tpu.memref_slice %arg5[%dma_wait3A_520, %dma_wait3A_525, %dma_wait3A_526] : memref<2x10240x16xf32, #tpu.memory_space<hbm>> -> memref<1x80x16xf32, #tpu.memory_space<hbm>>
      %dma_wait3A_528 = tpu.memref_squeeze %dma_wait3A_527 : memref<1x80x16xf32, #tpu.memory_space<hbm>> -> memref<80x16xf32, #tpu.memory_space<hbm>>
      tpu.wait_dma2 semaphore(%arg16 : memref<!tpu.dma_semaphore, #tpu.memory_space<semaphore_mem>>) src(%dma_wait3A_528 : memref<80x16xf32, #tpu.memory_space<hbm>>) dst(%arg17 : memref<80x16xf32, #tpu.memory_space<vmem>>)
      %dma_start3A_529 = arith.constant 0 : i32
      %dma_start3A_530 = tpu.memref_slice %arg7[%dma_start3A_529] : memref<400xi32, #tpu.memory_space<vmem>> -> memref<80xi32, #tpu.memory_space<vmem>>
      %dma_start3A_531 = arith.constant 0 : i32
      %dma_start3A_532 = arith.constant 0 : i32
      %dma_start3A_533 = tpu.memref_slice %arg2[%dma_start3A_531, %dma_start3A_532] : memref<10000x128xf32, #tpu.memory_space<hbm>> -> memref<10000x128xf32, #tpu.memory_space<hbm>>
      tpu.enqueue_indirect_dma source(%dma_start3A_533 : memref<10000x128xf32, #tpu.memory_space<hbm>>) target(%arg11 : memref<80x128xf32, #tpu.memory_space<vmem>>) offsets(%dma_start3A_530 : memref<80xi32, #tpu.memory_space<vmem>>) semaphore(%arg14 : memref<!tpu.dma_semaphore, #tpu.memory_space<semaphore_mem>>)
      %dma_start3A_534 = arith.constant 320 : i32
      %dma_start3A_535 = tpu.memref_slice %arg8[%dma_start3A_534] : memref<400xi32, #tpu.memory_space<vmem>> -> memref<80xi32, #tpu.memory_space<vmem>>
      %dma_start3A_536 = arith.constant 0 : i32
      %dma_start3A_537 = arith.constant 0 : i32
      %dma_start3A_538 = tpu.memref_slice %arg13[%dma_start3A_536, %dma_start3A_537] : memref<10240x128xf32, #tpu.memory_space<vmem_shared>> -> memref<10240x128xf32, #tpu.memory_space<vmem_shared>>
      tpu.enqueue_indirect_dma source(%arg10 : memref<80x128xf32, #tpu.memory_space<vmem>>) target(%dma_start3A_538 : memref<10240x128xf32, #tpu.memory_space<vmem_shared>>) offsets(%dma_start3A_535 : memref<80xi32, #tpu.memory_space<vmem>>) semaphore(%arg16 : memref<!tpu.dma_semaphore, #tpu.memory_space<semaphore_mem>>) {add = true}
      %dma_start3A_539 = arith.constant 320 : i32
      %dma_start3A_540 = tpu.memref_slice %arg8[%dma_start3A_539] : memref<400xi32, #tpu.memory_space<vmem>> -> memref<80xi32, #tpu.memory_space<vmem>>
      %dma_start3A_541 = arith.constant 0 : i32
      %dma_start3A_542 = arith.constant 0 : i32
      %dma_start3A_543 = tpu.memref_slice %arg19[%dma_start3A_541, %dma_start3A_542] : memref<10240x16xf32, #tpu.memory_space<vmem_shared>> -> memref<10240x16xf32, #tpu.memory_space<vmem_shared>>
      tpu.enqueue_indirect_dma source(%arg17 : memref<80x16xf32, #tpu.memory_space<vmem>>) target(%dma_start3A_543 : memref<10240x16xf32, #tpu.memory_space<vmem_shared>>) offsets(%dma_start3A_540 : memref<80xi32, #tpu.memory_space<vmem>>) semaphore(%arg16 : memref<!tpu.dma_semaphore, #tpu.memory_space<semaphore_mem>>) {add = true}
      %add3A_544 = arith.constant 2 : i32
      %add3A_545 = arith.addi %mul3A_362, %add3A_544 : i32
      %mul3A_546 = arith.constant 400 : i32
      %mul3A_547 = arith.muli %add3A_545, %mul3A_546 : i32
      %add3A_548 = arith.addi %mul3A_2, %mul3A_547 : i32
      %dma_start3A_549 = arith.constant 0 : i32
      %dma_start3A_550 = tpu.memref_slice %arg3[%dma_start3A_549, %add3A_548] : memref<2x320000xi32, #tpu.memory_space<hbm>> -> memref<1x400xi32, #tpu.memory_space<hbm>>
      %dma_start3A_551 = tpu.memref_squeeze %dma_start3A_550 : memref<1x400xi32, #tpu.memory_space<hbm>> -> memref<400xi32, #tpu.memory_space<hbm>>
      %dma_start3A_552 = tpu.memref_slice %arg3[%dma_start3A_549, %add3A_548] : memref<2x320000xi32, #tpu.memory_space<hbm>> -> memref<1x400xi32, #tpu.memory_space<hbm>>
      %dma_start3A_553 = tpu.memref_squeeze %dma_start3A_552 : memref<1x400xi32, #tpu.memory_space<hbm>> -> memref<400xi32, #tpu.memory_space<hbm>>
      tpu.enqueue_dma source(%dma_start3A_553 : memref<400xi32, #tpu.memory_space<hbm>>) target(%arg6 : memref<400xi32, #tpu.memory_space<vmem>>) target_semaphore(%arg15 : memref<!tpu.dma_semaphore, #tpu.memory_space<semaphore_mem>>)
      %mul3A_554 = arith.constant 400 : i32
      %mul3A_555 = arith.muli %add3A_545, %mul3A_554 : i32
      %add3A_556 = arith.addi %mul3A_2, %mul3A_555 : i32
      %dma_start3A_557 = arith.constant 1 : i32
      %dma_start3A_558 = tpu.memref_slice %arg3[%dma_start3A_557, %add3A_556] : memref<2x320000xi32, #tpu.memory_space<hbm>> -> memref<1x400xi32, #tpu.memory_space<hbm>>
      %dma_start3A_559 = tpu.memref_squeeze %dma_start3A_558 : memref<1x400xi32, #tpu.memory_space<hbm>> -> memref<400xi32, #tpu.memory_space<hbm>>
      %dma_start3A_560 = tpu.memref_slice %arg3[%dma_start3A_557, %add3A_556] : memref<2x320000xi32, #tpu.memory_space<hbm>> -> memref<1x400xi32, #tpu.memory_space<hbm>>
      %dma_start3A_561 = tpu.memref_squeeze %dma_start3A_560 : memref<1x400xi32, #tpu.memory_space<hbm>> -> memref<400xi32, #tpu.memory_space<hbm>>
      tpu.enqueue_dma source(%dma_start3A_561 : memref<400xi32, #tpu.memory_space<hbm>>) target(%arg8 : memref<400xi32, #tpu.memory_space<vmem>>) target_semaphore(%arg15 : memref<!tpu.dma_semaphore, #tpu.memory_space<semaphore_mem>>)
      %mul3A_562 = arith.constant 2 : i32
      %mul3A_563 = arith.muli %mul3A_562, %scan3A_359 : i32
      %add3A_564 = arith.constant 1 : i32
      %add3A_565 = arith.addi %mul3A_563, %add3A_564 : i32
      %dma_wait3A_566 = arith.constant 0 : i32
      %dma_wait3A_567 = arith.constant 0 : i32
      %dma_wait3A_568 = tpu.memref_slice %arg2[%dma_wait3A_566, %dma_wait3A_567] : memref<10000x128xf32, #tpu.memory_space<hbm>> -> memref<80x128xf32, #tpu.memory_space<hbm>>
      %dma_wait3A_569 = arith.constant 0 : i32
      %dma_wait3A_570 = arith.constant 0 : i32
      %dma_wait3A_571 = tpu.memref_slice %arg2[%dma_wait3A_569, %dma_wait3A_570] : memref<10000x128xf32, #tpu.memory_space<hbm>> -> memref<80x128xf32, #tpu.memory_space<hbm>>
      tpu.wait_dma2 semaphore(%arg14 : memref<!tpu.dma_semaphore, #tpu.memory_space<semaphore_mem>>) src(%dma_wait3A_571 : memref<80x128xf32, #tpu.memory_space<hbm>>) dst(%arg11 : memref<80x128xf32, #tpu.memory_space<vmem>>)
      %ge3A_572 = arith.constant 1 : i32
      %ge3A_573 = arith.cmpi sge, %add3A_565, %ge3A_572 : i32
      %convert_element_type3A_574 = arith.extui %ge3A_573 : i1 to i32
      %cond3A_575 = arith.constant 0 : i32
      %cond3A_576 = arith.cmpi ne, %convert_element_type3A_574, %cond3A_575 : i32
      scf.if %cond3A_576 {
        %dma_wait3A_757 = arith.constant 0 : i32
        %dma_wait3A_758 = arith.constant 0 : i32
        %dma_wait3A_759 = tpu.memref_slice %arg2[%dma_wait3A_757, %dma_wait3A_758] : memref<10000x128xf32, #tpu.memory_space<hbm>> -> memref<80x128xf32, #tpu.memory_space<hbm>>
        %dma_wait3A_760 = arith.constant 0 : i32
        %dma_wait3A_761 = arith.constant 0 : i32
        %dma_wait3A_762 = tpu.memref_slice %arg2[%dma_wait3A_760, %dma_wait3A_761] : memref<10000x128xf32, #tpu.memory_space<hbm>> -> memref<80x128xf32, #tpu.memory_space<hbm>>
        tpu.wait_dma2 semaphore(%arg16 : memref<!tpu.dma_semaphore, #tpu.memory_space<semaphore_mem>>) src(%dma_wait3A_762 : memref<80x128xf32, #tpu.memory_space<hbm>>) dst(%arg10 : memref<80x128xf32, #tpu.memory_space<vmem>>)
        %dma_wait3A_763 = arith.constant 0 : i32
        %dma_wait3A_764 = arith.constant 0 : i32
        %dma_wait3A_765 = arith.constant 0 : i32
        %dma_wait3A_766 = tpu.memref_slice %arg5[%dma_wait3A_763, %dma_wait3A_764, %dma_wait3A_765] : memref<2x10240x16xf32, #tpu.memory_space<hbm>> -> memref<1x80x16xf32, #tpu.memory_space<hbm>>
        %dma_wait3A_767 = tpu.memref_squeeze %dma_wait3A_766 : memref<1x80x16xf32, #tpu.memory_space<hbm>> -> memref<80x16xf32, #tpu.memory_space<hbm>>
        %dma_wait3A_768 = arith.constant 0 : i32
        %dma_wait3A_769 = arith.constant 0 : i32
        %dma_wait3A_770 = tpu.memref_slice %arg5[%dma_wait3A_763, %dma_wait3A_768, %dma_wait3A_769] : memref<2x10240x16xf32, #tpu.memory_space<hbm>> -> memref<1x80x16xf32, #tpu.memory_space<hbm>>
        %dma_wait3A_771 = tpu.memref_squeeze %dma_wait3A_770 : memref<1x80x16xf32, #tpu.memory_space<hbm>> -> memref<80x16xf32, #tpu.memory_space<hbm>>
        tpu.wait_dma2 semaphore(%arg16 : memref<!tpu.dma_semaphore, #tpu.memory_space<semaphore_mem>>) src(%dma_wait3A_771 : memref<80x16xf32, #tpu.memory_space<hbm>>) dst(%arg17 : memref<80x16xf32, #tpu.memory_space<vmem>>)
      } else {
      }
      %dma_start3A_577 = arith.constant 80 : i32
      %dma_start3A_578 = tpu.memref_slice %arg7[%dma_start3A_577] : memref<400xi32, #tpu.memory_space<vmem>> -> memref<80xi32, #tpu.memory_space<vmem>>
      %dma_start3A_579 = arith.constant 0 : i32
      %dma_start3A_580 = arith.constant 0 : i32
      %dma_start3A_581 = tpu.memref_slice %arg2[%dma_start3A_579, %dma_start3A_580] : memref<10000x128xf32, #tpu.memory_space<hbm>> -> memref<10000x128xf32, #tpu.memory_space<hbm>>
      tpu.enqueue_indirect_dma source(%dma_start3A_581 : memref<10000x128xf32, #tpu.memory_space<hbm>>) target(%arg10 : memref<80x128xf32, #tpu.memory_space<vmem>>) offsets(%dma_start3A_578 : memref<80xi32, #tpu.memory_space<vmem>>) semaphore(%arg14 : memref<!tpu.dma_semaphore, #tpu.memory_space<semaphore_mem>>)
      %dma_start3A_582 = arith.constant 0 : i32
      %dma_start3A_583 = tpu.memref_slice %arg9[%dma_start3A_582] : memref<400xi32, #tpu.memory_space<vmem>> -> memref<80xi32, #tpu.memory_space<vmem>>
      %dma_start3A_584 = arith.constant 0 : i32
      %dma_start3A_585 = arith.constant 0 : i32
      %dma_start3A_586 = tpu.memref_slice %arg13[%dma_start3A_584, %dma_start3A_585] : memref<10240x128xf32, #tpu.memory_space<vmem_shared>> -> memref<10240x128xf32, #tpu.memory_space<vmem_shared>>
      tpu.enqueue_indirect_dma source(%arg11 : memref<80x128xf32, #tpu.memory_space<vmem>>) target(%dma_start3A_586 : memref<10240x128xf32, #tpu.memory_space<vmem_shared>>) offsets(%dma_start3A_583 : memref<80xi32, #tpu.memory_space<vmem>>) semaphore(%arg16 : memref<!tpu.dma_semaphore, #tpu.memory_space<semaphore_mem>>) {add = true}
      %dma_start3A_587 = arith.constant 0 : i32
      %dma_start3A_588 = tpu.memref_slice %arg9[%dma_start3A_587] : memref<400xi32, #tpu.memory_space<vmem>> -> memref<80xi32, #tpu.memory_space<vmem>>
      %dma_start3A_589 = arith.constant 0 : i32
      %dma_start3A_590 = arith.constant 0 : i32
      %dma_start3A_591 = tpu.memref_slice %arg19[%dma_start3A_589, %dma_start3A_590] : memref<10240x16xf32, #tpu.memory_space<vmem_shared>> -> memref<10240x16xf32, #tpu.memory_space<vmem_shared>>
      tpu.enqueue_indirect_dma source(%arg17 : memref<80x16xf32, #tpu.memory_space<vmem>>) target(%dma_start3A_591 : memref<10240x16xf32, #tpu.memory_space<vmem_shared>>) offsets(%dma_start3A_588 : memref<80xi32, #tpu.memory_space<vmem>>) semaphore(%arg16 : memref<!tpu.dma_semaphore, #tpu.memory_space<semaphore_mem>>) {add = true}
      %dma_wait3A_592 = arith.constant 0 : i32
      %dma_wait3A_593 = arith.constant 0 : i32
      %dma_wait3A_594 = tpu.memref_slice %arg2[%dma_wait3A_592, %dma_wait3A_593] : memref<10000x128xf32, #tpu.memory_space<hbm>> -> memref<80x128xf32, #tpu.memory_space<hbm>>
      %dma_wait3A_595 = arith.constant 0 : i32
      %dma_wait3A_596 = arith.constant 0 : i32
      %dma_wait3A_597 = tpu.memref_slice %arg2[%dma_wait3A_595, %dma_wait3A_596] : memref<10000x128xf32, #tpu.memory_space<hbm>> -> memref<80x128xf32, #tpu.memory_space<hbm>>
      tpu.wait_dma2 semaphore(%arg14 : memref<!tpu.dma_semaphore, #tpu.memory_space<semaphore_mem>>) src(%dma_wait3A_597 : memref<80x128xf32, #tpu.memory_space<hbm>>) dst(%arg10 : memref<80x128xf32, #tpu.memory_space<vmem>>)
      %dma_wait3A_598 = arith.constant 0 : i32
      %dma_wait3A_599 = arith.constant 0 : i32
      %dma_wait3A_600 = tpu.memref_slice %arg2[%dma_wait3A_598, %dma_wait3A_599] : memref<10000x128xf32, #tpu.memory_space<hbm>> -> memref<80x128xf32, #tpu.memory_space<hbm>>
      %dma_wait3A_601 = arith.constant 0 : i32
      %dma_wait3A_602 = arith.constant 0 : i32
      %dma_wait3A_603 = tpu.memref_slice %arg2[%dma_wait3A_601, %dma_wait3A_602] : memref<10000x128xf32, #tpu.memory_space<hbm>> -> memref<80x128xf32, #tpu.memory_space<hbm>>
      tpu.wait_dma2 semaphore(%arg16 : memref<!tpu.dma_semaphore, #tpu.memory_space<semaphore_mem>>) src(%dma_wait3A_603 : memref<80x128xf32, #tpu.memory_space<hbm>>) dst(%arg10 : memref<80x128xf32, #tpu.memory_space<vmem>>)
      %dma_wait3A_604 = arith.constant 0 : i32
      %dma_wait3A_605 = arith.constant 0 : i32
      %dma_wait3A_606 = arith.constant 0 : i32
      %dma_wait3A_607 = tpu.memref_slice %arg5[%dma_wait3A_604, %dma_wait3A_605, %dma_wait3A_606] : memref<2x10240x16xf32, #tpu.memory_space<hbm>> -> memref<1x80x16xf32, #tpu.memory_space<hbm>>
      %dma_wait3A_608 = tpu.memref_squeeze %dma_wait3A_607 : memref<1x80x16xf32, #tpu.memory_space<hbm>> -> memref<80x16xf32, #tpu.memory_space<hbm>>
      %dma_wait3A_609 = arith.constant 0 : i32
      %dma_wait3A_610 = arith.constant 0 : i32
      %dma_wait3A_611 = tpu.memref_slice %arg5[%dma_wait3A_604, %dma_wait3A_609, %dma_wait3A_610] : memref<2x10240x16xf32, #tpu.memory_space<hbm>> -> memref<1x80x16xf32, #tpu.memory_space<hbm>>
      %dma_wait3A_612 = tpu.memref_squeeze %dma_wait3A_611 : memref<1x80x16xf32, #tpu.memory_space<hbm>> -> memref<80x16xf32, #tpu.memory_space<hbm>>
      tpu.wait_dma2 semaphore(%arg16 : memref<!tpu.dma_semaphore, #tpu.memory_space<semaphore_mem>>) src(%dma_wait3A_612 : memref<80x16xf32, #tpu.memory_space<hbm>>) dst(%arg17 : memref<80x16xf32, #tpu.memory_space<vmem>>)
      %dma_start3A_613 = arith.constant 160 : i32
      %dma_start3A_614 = tpu.memref_slice %arg7[%dma_start3A_613] : memref<400xi32, #tpu.memory_space<vmem>> -> memref<80xi32, #tpu.memory_space<vmem>>
      %dma_start3A_615 = arith.constant 0 : i32
      %dma_start3A_616 = arith.constant 0 : i32
      %dma_start3A_617 = tpu.memref_slice %arg2[%dma_start3A_615, %dma_start3A_616] : memref<10000x128xf32, #tpu.memory_space<hbm>> -> memref<10000x128xf32, #tpu.memory_space<hbm>>
      tpu.enqueue_indirect_dma source(%dma_start3A_617 : memref<10000x128xf32, #tpu.memory_space<hbm>>) target(%arg11 : memref<80x128xf32, #tpu.memory_space<vmem>>) offsets(%dma_start3A_614 : memref<80xi32, #tpu.memory_space<vmem>>) semaphore(%arg14 : memref<!tpu.dma_semaphore, #tpu.memory_space<semaphore_mem>>)
      %dma_start3A_618 = arith.constant 80 : i32
      %dma_start3A_619 = tpu.memref_slice %arg9[%dma_start3A_618] : memref<400xi32, #tpu.memory_space<vmem>> -> memref<80xi32, #tpu.memory_space<vmem>>
      %dma_start3A_620 = arith.constant 0 : i32
      %dma_start3A_621 = arith.constant 0 : i32
      %dma_start3A_622 = tpu.memref_slice %arg13[%dma_start3A_620, %dma_start3A_621] : memref<10240x128xf32, #tpu.memory_space<vmem_shared>> -> memref<10240x128xf32, #tpu.memory_space<vmem_shared>>
      tpu.enqueue_indirect_dma source(%arg10 : memref<80x128xf32, #tpu.memory_space<vmem>>) target(%dma_start3A_622 : memref<10240x128xf32, #tpu.memory_space<vmem_shared>>) offsets(%dma_start3A_619 : memref<80xi32, #tpu.memory_space<vmem>>) semaphore(%arg16 : memref<!tpu.dma_semaphore, #tpu.memory_space<semaphore_mem>>) {add = true}
      %dma_start3A_623 = arith.constant 80 : i32
      %dma_start3A_624 = tpu.memref_slice %arg9[%dma_start3A_623] : memref<400xi32, #tpu.memory_space<vmem>> -> memref<80xi32, #tpu.memory_space<vmem>>
      %dma_start3A_625 = arith.constant 0 : i32
      %dma_start3A_626 = arith.constant 0 : i32
      %dma_start3A_627 = tpu.memref_slice %arg19[%dma_start3A_625, %dma_start3A_626] : memref<10240x16xf32, #tpu.memory_space<vmem_shared>> -> memref<10240x16xf32, #tpu.memory_space<vmem_shared>>
      tpu.enqueue_indirect_dma source(%arg17 : memref<80x16xf32, #tpu.memory_space<vmem>>) target(%dma_start3A_627 : memref<10240x16xf32, #tpu.memory_space<vmem_shared>>) offsets(%dma_start3A_624 : memref<80xi32, #tpu.memory_space<vmem>>) semaphore(%arg16 : memref<!tpu.dma_semaphore, #tpu.memory_space<semaphore_mem>>) {add = true}
      %dma_wait3A_628 = arith.constant 0 : i32
      %dma_wait3A_629 = arith.constant 0 : i32
      %dma_wait3A_630 = tpu.memref_slice %arg2[%dma_wait3A_628, %dma_wait3A_629] : memref<10000x128xf32, #tpu.memory_space<hbm>> -> memref<80x128xf32, #tpu.memory_space<hbm>>
      %dma_wait3A_631 = arith.constant 0 : i32
      %dma_wait3A_632 = arith.constant 0 : i32
      %dma_wait3A_633 = tpu.memref_slice %arg2[%dma_wait3A_631, %dma_wait3A_632] : memref<10000x128xf32, #tpu.memory_space<hbm>> -> memref<80x128xf32, #tpu.memory_space<hbm>>
      tpu.wait_dma2 semaphore(%arg14 : memref<!tpu.dma_semaphore, #tpu.memory_space<semaphore_mem>>) src(%dma_wait3A_633 : memref<80x128xf32, #tpu.memory_space<hbm>>) dst(%arg11 : memref<80x128xf32, #tpu.memory_space<vmem>>)
      %dma_wait3A_634 = arith.constant 0 : i32
      %dma_wait3A_635 = arith.constant 0 : i32
      %dma_wait3A_636 = tpu.memref_slice %arg2[%dma_wait3A_634, %dma_wait3A_635] : memref<10000x128xf32, #tpu.memory_space<hbm>> -> memref<80x128xf32, #tpu.memory_space<hbm>>
      %dma_wait3A_637 = arith.constant 0 : i32
      %dma_wait3A_638 = arith.constant 0 : i32
      %dma_wait3A_639 = tpu.memref_slice %arg2[%dma_wait3A_637, %dma_wait3A_638] : memref<10000x128xf32, #tpu.memory_space<hbm>> -> memref<80x128xf32, #tpu.memory_space<hbm>>
      tpu.wait_dma2 semaphore(%arg16 : memref<!tpu.dma_semaphore, #tpu.memory_space<semaphore_mem>>) src(%dma_wait3A_639 : memref<80x128xf32, #tpu.memory_space<hbm>>) dst(%arg10 : memref<80x128xf32, #tpu.memory_space<vmem>>)
      %dma_wait3A_640 = arith.constant 0 : i32
      %dma_wait3A_641 = arith.constant 0 : i32
      %dma_wait3A_642 = arith.constant 0 : i32
      %dma_wait3A_643 = tpu.memref_slice %arg5[%dma_wait3A_640, %dma_wait3A_641, %dma_wait3A_642] : memref<2x10240x16xf32, #tpu.memory_space<hbm>> -> memref<1x80x16xf32, #tpu.memory_space<hbm>>
      %dma_wait3A_644 = tpu.memref_squeeze %dma_wait3A_643 : memref<1x80x16xf32, #tpu.memory_space<hbm>> -> memref<80x16xf32, #tpu.memory_space<hbm>>
      %dma_wait3A_645 = arith.constant 0 : i32
      %dma_wait3A_646 = arith.constant 0 : i32
      %dma_wait3A_647 = tpu.memref_slice %arg5[%dma_wait3A_640, %dma_wait3A_645, %dma_wait3A_646] : memref<2x10240x16xf32, #tpu.memory_space<hbm>> -> memref<1x80x16xf32, #tpu.memory_space<hbm>>
      %dma_wait3A_648 = tpu.memref_squeeze %dma_wait3A_647 : memref<1x80x16xf32, #tpu.memory_space<hbm>> -> memref<80x16xf32, #tpu.memory_space<hbm>>
      tpu.wait_dma2 semaphore(%arg16 : memref<!tpu.dma_semaphore, #tpu.memory_space<semaphore_mem>>) src(%dma_wait3A_648 : memref<80x16xf32, #tpu.memory_space<hbm>>) dst(%arg17 : memref<80x16xf32, #tpu.memory_space<vmem>>)
      %dma_start3A_649 = arith.constant 240 : i32
      %dma_start3A_650 = tpu.memref_slice %arg7[%dma_start3A_649] : memref<400xi32, #tpu.memory_space<vmem>> -> memref<80xi32, #tpu.memory_space<vmem>>
      %dma_start3A_651 = arith.constant 0 : i32
      %dma_start3A_652 = arith.constant 0 : i32
      %dma_start3A_653 = tpu.memref_slice %arg2[%dma_start3A_651, %dma_start3A_652] : memref<10000x128xf32, #tpu.memory_space<hbm>> -> memref<10000x128xf32, #tpu.memory_space<hbm>>
      tpu.enqueue_indirect_dma source(%dma_start3A_653 : memref<10000x128xf32, #tpu.memory_space<hbm>>) target(%arg10 : memref<80x128xf32, #tpu.memory_space<vmem>>) offsets(%dma_start3A_650 : memref<80xi32, #tpu.memory_space<vmem>>) semaphore(%arg14 : memref<!tpu.dma_semaphore, #tpu.memory_space<semaphore_mem>>)
      %dma_start3A_654 = arith.constant 160 : i32
      %dma_start3A_655 = tpu.memref_slice %arg9[%dma_start3A_654] : memref<400xi32, #tpu.memory_space<vmem>> -> memref<80xi32, #tpu.memory_space<vmem>>
      %dma_start3A_656 = arith.constant 0 : i32
      %dma_start3A_657 = arith.constant 0 : i32
      %dma_start3A_658 = tpu.memref_slice %arg13[%dma_start3A_656, %dma_start3A_657] : memref<10240x128xf32, #tpu.memory_space<vmem_shared>> -> memref<10240x128xf32, #tpu.memory_space<vmem_shared>>
      tpu.enqueue_indirect_dma source(%arg11 : memref<80x128xf32, #tpu.memory_space<vmem>>) target(%dma_start3A_658 : memref<10240x128xf32, #tpu.memory_space<vmem_shared>>) offsets(%dma_start3A_655 : memref<80xi32, #tpu.memory_space<vmem>>) semaphore(%arg16 : memref<!tpu.dma_semaphore, #tpu.memory_space<semaphore_mem>>) {add = true}
      %dma_start3A_659 = arith.constant 160 : i32
      %dma_start3A_660 = tpu.memref_slice %arg9[%dma_start3A_659] : memref<400xi32, #tpu.memory_space<vmem>> -> memref<80xi32, #tpu.memory_space<vmem>>
      %dma_start3A_661 = arith.constant 0 : i32
      %dma_start3A_662 = arith.constant 0 : i32
      %dma_start3A_663 = tpu.memref_slice %arg19[%dma_start3A_661, %dma_start3A_662] : memref<10240x16xf32, #tpu.memory_space<vmem_shared>> -> memref<10240x16xf32, #tpu.memory_space<vmem_shared>>
      tpu.enqueue_indirect_dma source(%arg17 : memref<80x16xf32, #tpu.memory_space<vmem>>) target(%dma_start3A_663 : memref<10240x16xf32, #tpu.memory_space<vmem_shared>>) offsets(%dma_start3A_660 : memref<80xi32, #tpu.memory_space<vmem>>) semaphore(%arg16 : memref<!tpu.dma_semaphore, #tpu.memory_space<semaphore_mem>>) {add = true}
      %dma_wait3A_664 = arith.constant 0 : i32
      %dma_wait3A_665 = arith.constant 0 : i32
      %dma_wait3A_666 = tpu.memref_slice %arg3[%dma_wait3A_664, %dma_wait3A_665] : memref<2x320000xi32, #tpu.memory_space<hbm>> -> memref<1x400xi32, #tpu.memory_space<hbm>>
      %dma_wait3A_667 = tpu.memref_squeeze %dma_wait3A_666 : memref<1x400xi32, #tpu.memory_space<hbm>> -> memref<400xi32, #tpu.memory_space<hbm>>
      %dma_wait3A_668 = arith.constant 0 : i32
      %dma_wait3A_669 = tpu.memref_slice %arg3[%dma_wait3A_664, %dma_wait3A_668] : memref<2x320000xi32, #tpu.memory_space<hbm>> -> memref<1x400xi32, #tpu.memory_space<hbm>>
      %dma_wait3A_670 = tpu.memref_squeeze %dma_wait3A_669 : memref<1x400xi32, #tpu.memory_space<hbm>> -> memref<400xi32, #tpu.memory_space<hbm>>
      tpu.wait_dma2 semaphore(%arg15 : memref<!tpu.dma_semaphore, #tpu.memory_space<semaphore_mem>>) src(%dma_wait3A_670 : memref<400xi32, #tpu.memory_space<hbm>>) dst(%arg6 : memref<400xi32, #tpu.memory_space<vmem>>)
      %dma_wait3A_671 = arith.constant 1 : i32
      %dma_wait3A_672 = arith.constant 0 : i32
      %dma_wait3A_673 = tpu.memref_slice %arg3[%dma_wait3A_671, %dma_wait3A_672] : memref<2x320000xi32, #tpu.memory_space<hbm>> -> memref<1x400xi32, #tpu.memory_space<hbm>>
      %dma_wait3A_674 = tpu.memref_squeeze %dma_wait3A_673 : memref<1x400xi32, #tpu.memory_space<hbm>> -> memref<400xi32, #tpu.memory_space<hbm>>
      %dma_wait3A_675 = arith.constant 0 : i32
      %dma_wait3A_676 = tpu.memref_slice %arg3[%dma_wait3A_671, %dma_wait3A_675] : memref<2x320000xi32, #tpu.memory_space<hbm>> -> memref<1x400xi32, #tpu.memory_space<hbm>>
      %dma_wait3A_677 = tpu.memref_squeeze %dma_wait3A_676 : memref<1x400xi32, #tpu.memory_space<hbm>> -> memref<400xi32, #tpu.memory_space<hbm>>
      tpu.wait_dma2 semaphore(%arg15 : memref<!tpu.dma_semaphore, #tpu.memory_space<semaphore_mem>>) src(%dma_wait3A_677 : memref<400xi32, #tpu.memory_space<hbm>>) dst(%arg8 : memref<400xi32, #tpu.memory_space<vmem>>)
      %dma_wait3A_678 = arith.constant 0 : i32
      %dma_wait3A_679 = arith.constant 0 : i32
      %dma_wait3A_680 = tpu.memref_slice %arg2[%dma_wait3A_678, %dma_wait3A_679] : memref<10000x128xf32, #tpu.memory_space<hbm>> -> memref<80x128xf32, #tpu.memory_space<hbm>>
      %dma_wait3A_681 = arith.constant 0 : i32
      %dma_wait3A_682 = arith.constant 0 : i32
      %dma_wait3A_683 = tpu.memref_slice %arg2[%dma_wait3A_681, %dma_wait3A_682] : memref<10000x128xf32, #tpu.memory_space<hbm>> -> memref<80x128xf32, #tpu.memory_space<hbm>>
      tpu.wait_dma2 semaphore(%arg14 : memref<!tpu.dma_semaphore, #tpu.memory_space<semaphore_mem>>) src(%dma_wait3A_683 : memref<80x128xf32, #tpu.memory_space<hbm>>) dst(%arg10 : memref<80x128xf32, #tpu.memory_space<vmem>>)
      %dma_wait3A_684 = arith.constant 0 : i32
      %dma_wait3A_685 = arith.constant 0 : i32
      %dma_wait3A_686 = tpu.memref_slice %arg2[%dma_wait3A_684, %dma_wait3A_685] : memref<10000x128xf32, #tpu.memory_space<hbm>> -> memref<80x128xf32, #tpu.memory_space<hbm>>
      %dma_wait3A_687 = arith.constant 0 : i32
      %dma_wait3A_688 = arith.constant 0 : i32
      %dma_wait3A_689 = tpu.memref_slice %arg2[%dma_wait3A_687, %dma_wait3A_688] : memref<10000x128xf32, #tpu.memory_space<hbm>> -> memref<80x128xf32, #tpu.memory_space<hbm>>
      tpu.wait_dma2 semaphore(%arg16 : memref<!tpu.dma_semaphore, #tpu.memory_space<semaphore_mem>>) src(%dma_wait3A_689 : memref<80x128xf32, #tpu.memory_space<hbm>>) dst(%arg10 : memref<80x128xf32, #tpu.memory_space<vmem>>)
      %dma_wait3A_690 = arith.constant 0 : i32
      %dma_wait3A_691 = arith.constant 0 : i32
      %dma_wait3A_692 = arith.constant 0 : i32
      %dma_wait3A_693 = tpu.memref_slice %arg5[%dma_wait3A_690, %dma_wait3A_691, %dma_wait3A_692] : memref<2x10240x16xf32, #tpu.memory_space<hbm>> -> memref<1x80x16xf32, #tpu.memory_space<hbm>>
      %dma_wait3A_694 = tpu.memref_squeeze %dma_wait3A_693 : memref<1x80x16xf32, #tpu.memory_space<hbm>> -> memref<80x16xf32, #tpu.memory_space<hbm>>
      %dma_wait3A_695 = arith.constant 0 : i32
      %dma_wait3A_696 = arith.constant 0 : i32
      %dma_wait3A_697 = tpu.memref_slice %arg5[%dma_wait3A_690, %dma_wait3A_695, %dma_wait3A_696] : memref<2x10240x16xf32, #tpu.memory_space<hbm>> -> memref<1x80x16xf32, #tpu.memory_space<hbm>>
      %dma_wait3A_698 = tpu.memref_squeeze %dma_wait3A_697 : memref<1x80x16xf32, #tpu.memory_space<hbm>> -> memref<80x16xf32, #tpu.memory_space<hbm>>
      tpu.wait_dma2 semaphore(%arg16 : memref<!tpu.dma_semaphore, #tpu.memory_space<semaphore_mem>>) src(%dma_wait3A_698 : memref<80x16xf32, #tpu.memory_space<hbm>>) dst(%arg17 : memref<80x16xf32, #tpu.memory_space<vmem>>)
      %dma_start3A_699 = arith.constant 320 : i32
      %dma_start3A_700 = tpu.memref_slice %arg7[%dma_start3A_699] : memref<400xi32, #tpu.memory_space<vmem>> -> memref<80xi32, #tpu.memory_space<vmem>>
      %dma_start3A_701 = arith.constant 0 : i32
      %dma_start3A_702 = arith.constant 0 : i32
      %dma_start3A_703 = tpu.memref_slice %arg2[%dma_start3A_701, %dma_start3A_702] : memref<10000x128xf32, #tpu.memory_space<hbm>> -> memref<10000x128xf32, #tpu.memory_space<hbm>>
      tpu.enqueue_indirect_dma source(%dma_start3A_703 : memref<10000x128xf32, #tpu.memory_space<hbm>>) target(%arg11 : memref<80x128xf32, #tpu.memory_space<vmem>>) offsets(%dma_start3A_700 : memref<80xi32, #tpu.memory_space<vmem>>) semaphore(%arg14 : memref<!tpu.dma_semaphore, #tpu.memory_space<semaphore_mem>>)
      %dma_start3A_704 = arith.constant 240 : i32
      %dma_start3A_705 = tpu.memref_slice %arg9[%dma_start3A_704] : memref<400xi32, #tpu.memory_space<vmem>> -> memref<80xi32, #tpu.memory_space<vmem>>
      %dma_start3A_706 = arith.constant 0 : i32
      %dma_start3A_707 = arith.constant 0 : i32
      %dma_start3A_708 = tpu.memref_slice %arg13[%dma_start3A_706, %dma_start3A_707] : memref<10240x128xf32, #tpu.memory_space<vmem_shared>> -> memref<10240x128xf32, #tpu.memory_space<vmem_shared>>
      tpu.enqueue_indirect_dma source(%arg10 : memref<80x128xf32, #tpu.memory_space<vmem>>) target(%dma_start3A_708 : memref<10240x128xf32, #tpu.memory_space<vmem_shared>>) offsets(%dma_start3A_705 : memref<80xi32, #tpu.memory_space<vmem>>) semaphore(%arg16 : memref<!tpu.dma_semaphore, #tpu.memory_space<semaphore_mem>>) {add = true}
      %dma_start3A_709 = arith.constant 240 : i32
      %dma_start3A_710 = tpu.memref_slice %arg9[%dma_start3A_709] : memref<400xi32, #tpu.memory_space<vmem>> -> memref<80xi32, #tpu.memory_space<vmem>>
      %dma_start3A_711 = arith.constant 0 : i32
      %dma_start3A_712 = arith.constant 0 : i32
      %dma_start3A_713 = tpu.memref_slice %arg19[%dma_start3A_711, %dma_start3A_712] : memref<10240x16xf32, #tpu.memory_space<vmem_shared>> -> memref<10240x16xf32, #tpu.memory_space<vmem_shared>>
      tpu.enqueue_indirect_dma source(%arg17 : memref<80x16xf32, #tpu.memory_space<vmem>>) target(%dma_start3A_713 : memref<10240x16xf32, #tpu.memory_space<vmem_shared>>) offsets(%dma_start3A_710 : memref<80xi32, #tpu.memory_space<vmem>>) semaphore(%arg16 : memref<!tpu.dma_semaphore, #tpu.memory_space<semaphore_mem>>) {add = true}
      %dma_wait3A_714 = arith.constant 0 : i32
      %dma_wait3A_715 = arith.constant 0 : i32
      %dma_wait3A_716 = tpu.memref_slice %arg2[%dma_wait3A_714, %dma_wait3A_715] : memref<10000x128xf32, #tpu.memory_space<hbm>> -> memref<80x128xf32, #tpu.memory_space<hbm>>
      %dma_wait3A_717 = arith.constant 0 : i32
      %dma_wait3A_718 = arith.constant 0 : i32
      %dma_wait3A_719 = tpu.memref_slice %arg2[%dma_wait3A_717, %dma_wait3A_718] : memref<10000x128xf32, #tpu.memory_space<hbm>> -> memref<80x128xf32, #tpu.memory_space<hbm>>
      tpu.wait_dma2 semaphore(%arg14 : memref<!tpu.dma_semaphore, #tpu.memory_space<semaphore_mem>>) src(%dma_wait3A_719 : memref<80x128xf32, #tpu.memory_space<hbm>>) dst(%arg11 : memref<80x128xf32, #tpu.memory_space<vmem>>)
      %dma_wait3A_720 = arith.constant 0 : i32
      %dma_wait3A_721 = arith.constant 0 : i32
      %dma_wait3A_722 = tpu.memref_slice %arg2[%dma_wait3A_720, %dma_wait3A_721] : memref<10000x128xf32, #tpu.memory_space<hbm>> -> memref<80x128xf32, #tpu.memory_space<hbm>>
      %dma_wait3A_723 = arith.constant 0 : i32
      %dma_wait3A_724 = arith.constant 0 : i32
      %dma_wait3A_725 = tpu.memref_slice %arg2[%dma_wait3A_723, %dma_wait3A_724] : memref<10000x128xf32, #tpu.memory_space<hbm>> -> memref<80x128xf32, #tpu.memory_space<hbm>>
      tpu.wait_dma2 semaphore(%arg16 : memref<!tpu.dma_semaphore, #tpu.memory_space<semaphore_mem>>) src(%dma_wait3A_725 : memref<80x128xf32, #tpu.memory_space<hbm>>) dst(%arg10 : memref<80x128xf32, #tpu.memory_space<vmem>>)
      %dma_wait3A_726 = arith.constant 0 : i32
      %dma_wait3A_727 = arith.constant 0 : i32
      %dma_wait3A_728 = arith.constant 0 : i32
      %dma_wait3A_729 = tpu.memref_slice %arg5[%dma_wait3A_726, %dma_wait3A_727, %dma_wait3A_728] : memref<2x10240x16xf32, #tpu.memory_space<hbm>> -> memref<1x80x16xf32, #tpu.memory_space<hbm>>
      %dma_wait3A_730 = tpu.memref_squeeze %dma_wait3A_729 : memref<1x80x16xf32, #tpu.memory_space<hbm>> -> memref<80x16xf32, #tpu.memory_space<hbm>>
      %dma_wait3A_731 = arith.constant 0 : i32
      %dma_wait3A_732 = arith.constant 0 : i32
      %dma_wait3A_733 = tpu.memref_slice %arg5[%dma_wait3A_726, %dma_wait3A_731, %dma_wait3A_732] : memref<2x10240x16xf32, #tpu.memory_space<hbm>> -> memref<1x80x16xf32, #tpu.memory_space<hbm>>
      %dma_wait3A_734 = tpu.memref_squeeze %dma_wait3A_733 : memref<1x80x16xf32, #tpu.memory_space<hbm>> -> memref<80x16xf32, #tpu.memory_space<hbm>>
      tpu.wait_dma2 semaphore(%arg16 : memref<!tpu.dma_semaphore, #tpu.memory_space<semaphore_mem>>) src(%dma_wait3A_734 : memref<80x16xf32, #tpu.memory_space<hbm>>) dst(%arg17 : memref<80x16xf32, #tpu.memory_space<vmem>>)
      %dma_start3A_735 = arith.constant 0 : i32
      %dma_start3A_736 = tpu.memref_slice %arg6[%dma_start3A_735] : memref<400xi32, #tpu.memory_space<vmem>> -> memref<80xi32, #tpu.memory_space<vmem>>
      %dma_start3A_737 = arith.constant 0 : i32
      %dma_start3A_738 = arith.constant 0 : i32
      %dma_start3A_739 = tpu.memref_slice %arg2[%dma_start3A_737, %dma_start3A_738] : memref<10000x128xf32, #tpu.memory_space<hbm>> -> memref<10000x128xf32, #tpu.memory_space<hbm>>
      tpu.enqueue_indirect_dma source(%dma_start3A_739 : memref<10000x128xf32, #tpu.memory_space<hbm>>) target(%arg10 : memref<80x128xf32, #tpu.memory_space<vmem>>) offsets(%dma_start3A_736 : memref<80xi32, #tpu.memory_space<vmem>>) semaphore(%arg14 : memref<!tpu.dma_semaphore, #tpu.memory_space<semaphore_mem>>)
      %dma_start3A_740 = arith.constant 320 : i32
      %dma_start3A_741 = tpu.memref_slice %arg9[%dma_start3A_740] : memref<400xi32, #tpu.memory_space<vmem>> -> memref<80xi32, #tpu.memory_space<vmem>>
      %dma_start3A_742 = arith.constant 0 : i32
      %dma_start3A_743 = arith.constant 0 : i32
      %dma_start3A_744 = tpu.memref_slice %arg13[%dma_start3A_742, %dma_start3A_743] : memref<10240x128xf32, #tpu.memory_space<vmem_shared>> -> memref<10240x128xf32, #tpu.memory_space<vmem_shared>>
      tpu.enqueue_indirect_dma source(%arg11 : memref<80x128xf32, #tpu.memory_space<vmem>>) target(%dma_start3A_744 : memref<10240x128xf32, #tpu.memory_space<vmem_shared>>) offsets(%dma_start3A_741 : memref<80xi32, #tpu.memory_space<vmem>>) semaphore(%arg16 : memref<!tpu.dma_semaphore, #tpu.memory_space<semaphore_mem>>) {add = true}
      %dma_start3A_745 = arith.constant 320 : i32
      %dma_start3A_746 = tpu.memref_slice %arg9[%dma_start3A_745] : memref<400xi32, #tpu.memory_space<vmem>> -> memref<80xi32, #tpu.memory_space<vmem>>
      %dma_start3A_747 = arith.constant 0 : i32
      %dma_start3A_748 = arith.constant 0 : i32
      %dma_start3A_749 = tpu.memref_slice %arg19[%dma_start3A_747, %dma_start3A_748] : memref<10240x16xf32, #tpu.memory_space<vmem_shared>> -> memref<10240x16xf32, #tpu.memory_space<vmem_shared>>
      tpu.enqueue_indirect_dma source(%arg17 : memref<80x16xf32, #tpu.memory_space<vmem>>) target(%dma_start3A_749 : memref<10240x16xf32, #tpu.memory_space<vmem_shared>>) offsets(%dma_start3A_746 : memref<80xi32, #tpu.memory_space<vmem>>) semaphore(%arg16 : memref<!tpu.dma_semaphore, #tpu.memory_space<semaphore_mem>>) {add = true}
      %add3A_750 = arith.constant 2 : i32
      %add3A_751 = arith.addi %add3A_565, %add3A_750 : i32
      %le3A = arith.constant 24 : i32
      %le3A_752 = arith.cmpi sle, %add3A_751, %le3A : i32
      %convert_element_type3A_753 = arith.extui %le3A_752 : i1 to i32
      %cond3A_754 = arith.constant 0 : i32
      %cond3A_755 = arith.cmpi ne, %convert_element_type3A_753, %cond3A_754 : i32
      scf.if %cond3A_755 {
        %add3A_757 = arith.constant 2 : i32
        %add3A_758 = arith.addi %add3A_565, %add3A_757 : i32
        %mul3A_759 = arith.constant 400 : i32
        %mul3A_760 = arith.muli %add3A_758, %mul3A_759 : i32
        %add3A_761 = arith.addi %mul3A_2, %mul3A_760 : i32
        %dma_start3A_762 = arith.constant 0 : i32
        %dma_start3A_763 = tpu.memref_slice %arg3[%dma_start3A_762, %add3A_761] : memref<2x320000xi32, #tpu.memory_space<hbm>> -> memref<1x400xi32, #tpu.memory_space<hbm>>
        %dma_start3A_764 = tpu.memref_squeeze %dma_start3A_763 : memref<1x400xi32, #tpu.memory_space<hbm>> -> memref<400xi32, #tpu.memory_space<hbm>>
        %dma_start3A_765 = tpu.memref_slice %arg3[%dma_start3A_762, %add3A_761] : memref<2x320000xi32, #tpu.memory_space<hbm>> -> memref<1x400xi32, #tpu.memory_space<hbm>>
        %dma_start3A_766 = tpu.memref_squeeze %dma_start3A_765 : memref<1x400xi32, #tpu.memory_space<hbm>> -> memref<400xi32, #tpu.memory_space<hbm>>
        tpu.enqueue_dma source(%dma_start3A_766 : memref<400xi32, #tpu.memory_space<hbm>>) target(%arg7 : memref<400xi32, #tpu.memory_space<vmem>>) target_semaphore(%arg15 : memref<!tpu.dma_semaphore, #tpu.memory_space<semaphore_mem>>)
        %mul3A_767 = arith.constant 400 : i32
        %mul3A_768 = arith.muli %add3A_758, %mul3A_767 : i32
        %add3A_769 = arith.addi %mul3A_2, %mul3A_768 : i32
        %dma_start3A_770 = arith.constant 1 : i32
        %dma_start3A_771 = tpu.memref_slice %arg3[%dma_start3A_770, %add3A_769] : memref<2x320000xi32, #tpu.memory_space<hbm>> -> memref<1x400xi32, #tpu.memory_space<hbm>>
        %dma_start3A_772 = tpu.memref_squeeze %dma_start3A_771 : memref<1x400xi32, #tpu.memory_space<hbm>> -> memref<400xi32, #tpu.memory_space<hbm>>
        %dma_start3A_773 = tpu.memref_slice %arg3[%dma_start3A_770, %add3A_769] : memref<2x320000xi32, #tpu.memory_space<hbm>> -> memref<1x400xi32, #tpu.memory_space<hbm>>
        %dma_start3A_774 = tpu.memref_squeeze %dma_start3A_773 : memref<1x400xi32, #tpu.memory_space<hbm>> -> memref<400xi32, #tpu.memory_space<hbm>>
        tpu.enqueue_dma source(%dma_start3A_774 : memref<400xi32, #tpu.memory_space<hbm>>) target(%arg9 : memref<400xi32, #tpu.memory_space<vmem>>) target_semaphore(%arg15 : memref<!tpu.dma_semaphore, #tpu.memory_space<semaphore_mem>>)
      } else {
      }
      %scan3A_756 = arith.constant 0 : i32
      scf.yield %scan3A_756 : i32
    }
    %scan3A_159 = arith.constant 12 : i32
    %dma_wait3A_160 = arith.constant 0 : i32
    %dma_wait3A_161 = arith.constant 0 : i32
    %dma_wait3A_162 = tpu.memref_slice %arg2[%dma_wait3A_160, %dma_wait3A_161] : memref<10000x128xf32, #tpu.memory_space<hbm>> -> memref<80x128xf32, #tpu.memory_space<hbm>>
    %dma_wait3A_163 = arith.constant 0 : i32
    %dma_wait3A_164 = arith.constant 0 : i32
    %dma_wait3A_165 = tpu.memref_slice %arg2[%dma_wait3A_163, %dma_wait3A_164] : memref<10000x128xf32, #tpu.memory_space<hbm>> -> memref<80x128xf32, #tpu.memory_space<hbm>>
    tpu.wait_dma2 semaphore(%arg14 : memref<!tpu.dma_semaphore, #tpu.memory_space<semaphore_mem>>) src(%dma_wait3A_165 : memref<80x128xf32, #tpu.memory_space<hbm>>) dst(%arg10 : memref<80x128xf32, #tpu.memory_space<vmem>>)
    %dma_wait3A_166 = arith.constant 0 : i32
    %dma_wait3A_167 = arith.constant 0 : i32
    %dma_wait3A_168 = tpu.memref_slice %arg2[%dma_wait3A_166, %dma_wait3A_167] : memref<10000x128xf32, #tpu.memory_space<hbm>> -> memref<80x128xf32, #tpu.memory_space<hbm>>
    %dma_wait3A_169 = arith.constant 0 : i32
    %dma_wait3A_170 = arith.constant 0 : i32
    %dma_wait3A_171 = tpu.memref_slice %arg2[%dma_wait3A_169, %dma_wait3A_170] : memref<10000x128xf32, #tpu.memory_space<hbm>> -> memref<80x128xf32, #tpu.memory_space<hbm>>
    tpu.wait_dma2 semaphore(%arg16 : memref<!tpu.dma_semaphore, #tpu.memory_space<semaphore_mem>>) src(%dma_wait3A_171 : memref<80x128xf32, #tpu.memory_space<hbm>>) dst(%arg10 : memref<80x128xf32, #tpu.memory_space<vmem>>)
    %dma_wait3A_172 = arith.constant 0 : i32
    %dma_wait3A_173 = arith.constant 0 : i32
    %dma_wait3A_174 = arith.constant 0 : i32
    %dma_wait3A_175 = tpu.memref_slice %arg5[%dma_wait3A_172, %dma_wait3A_173, %dma_wait3A_174] : memref<2x10240x16xf32, #tpu.memory_space<hbm>> -> memref<1x80x16xf32, #tpu.memory_space<hbm>>
    %dma_wait3A_176 = tpu.memref_squeeze %dma_wait3A_175 : memref<1x80x16xf32, #tpu.memory_space<hbm>> -> memref<80x16xf32, #tpu.memory_space<hbm>>
    %dma_wait3A_177 = arith.constant 0 : i32
    %dma_wait3A_178 = arith.constant 0 : i32
    %dma_wait3A_179 = tpu.memref_slice %arg5[%dma_wait3A_172, %dma_wait3A_177, %dma_wait3A_178] : memref<2x10240x16xf32, #tpu.memory_space<hbm>> -> memref<1x80x16xf32, #tpu.memory_space<hbm>>
    %dma_wait3A_180 = tpu.memref_squeeze %dma_wait3A_179 : memref<1x80x16xf32, #tpu.memory_space<hbm>> -> memref<80x16xf32, #tpu.memory_space<hbm>>
    tpu.wait_dma2 semaphore(%arg16 : memref<!tpu.dma_semaphore, #tpu.memory_space<semaphore_mem>>) src(%dma_wait3A_180 : memref<80x16xf32, #tpu.memory_space<hbm>>) dst(%arg17 : memref<80x16xf32, #tpu.memory_space<vmem>>)
    %dma_start3A_181 = arith.constant 80 : i32
    %dma_start3A_182 = tpu.memref_slice %arg6[%dma_start3A_181] : memref<400xi32, #tpu.memory_space<vmem>> -> memref<80xi32, #tpu.memory_space<vmem>>
    %dma_start3A_183 = arith.constant 0 : i32
    %dma_start3A_184 = arith.constant 0 : i32
    %dma_start3A_185 = tpu.memref_slice %arg2[%dma_start3A_183, %dma_start3A_184] : memref<10000x128xf32, #tpu.memory_space<hbm>> -> memref<10000x128xf32, #tpu.memory_space<hbm>>
    tpu.enqueue_indirect_dma source(%dma_start3A_185 : memref<10000x128xf32, #tpu.memory_space<hbm>>) target(%arg11 : memref<80x128xf32, #tpu.memory_space<vmem>>) offsets(%dma_start3A_182 : memref<80xi32, #tpu.memory_space<vmem>>) semaphore(%arg14 : memref<!tpu.dma_semaphore, #tpu.memory_space<semaphore_mem>>)
    %dma_start3A_186 = arith.constant 0 : i32
    %dma_start3A_187 = tpu.memref_slice %arg8[%dma_start3A_186] : memref<400xi32, #tpu.memory_space<vmem>> -> memref<80xi32, #tpu.memory_space<vmem>>
    %dma_start3A_188 = arith.constant 0 : i32
    %dma_start3A_189 = arith.constant 0 : i32
    %dma_start3A_190 = tpu.memref_slice %arg13[%dma_start3A_188, %dma_start3A_189] : memref<10240x128xf32, #tpu.memory_space<vmem_shared>> -> memref<10240x128xf32, #tpu.memory_space<vmem_shared>>
    tpu.enqueue_indirect_dma source(%arg10 : memref<80x128xf32, #tpu.memory_space<vmem>>) target(%dma_start3A_190 : memref<10240x128xf32, #tpu.memory_space<vmem_shared>>) offsets(%dma_start3A_187 : memref<80xi32, #tpu.memory_space<vmem>>) semaphore(%arg16 : memref<!tpu.dma_semaphore, #tpu.memory_space<semaphore_mem>>) {add = true}
    %dma_start3A_191 = arith.constant 0 : i32
    %dma_start3A_192 = tpu.memref_slice %arg8[%dma_start3A_191] : memref<400xi32, #tpu.memory_space<vmem>> -> memref<80xi32, #tpu.memory_space<vmem>>
    %dma_start3A_193 = arith.constant 0 : i32
    %dma_start3A_194 = arith.constant 0 : i32
    %dma_start3A_195 = tpu.memref_slice %arg19[%dma_start3A_193, %dma_start3A_194] : memref<10240x16xf32, #tpu.memory_space<vmem_shared>> -> memref<10240x16xf32, #tpu.memory_space<vmem_shared>>
    tpu.enqueue_indirect_dma source(%arg17 : memref<80x16xf32, #tpu.memory_space<vmem>>) target(%dma_start3A_195 : memref<10240x16xf32, #tpu.memory_space<vmem_shared>>) offsets(%dma_start3A_192 : memref<80xi32, #tpu.memory_space<vmem>>) semaphore(%arg16 : memref<!tpu.dma_semaphore, #tpu.memory_space<semaphore_mem>>) {add = true}
    %dma_wait3A_196 = arith.constant 0 : i32
    %dma_wait3A_197 = arith.constant 0 : i32
    %dma_wait3A_198 = tpu.memref_slice %arg2[%dma_wait3A_196, %dma_wait3A_197] : memref<10000x128xf32, #tpu.memory_space<hbm>> -> memref<80x128xf32, #tpu.memory_space<hbm>>
    %dma_wait3A_199 = arith.constant 0 : i32
    %dma_wait3A_200 = arith.constant 0 : i32
    %dma_wait3A_201 = tpu.memref_slice %arg2[%dma_wait3A_199, %dma_wait3A_200] : memref<10000x128xf32, #tpu.memory_space<hbm>> -> memref<80x128xf32, #tpu.memory_space<hbm>>
    tpu.wait_dma2 semaphore(%arg14 : memref<!tpu.dma_semaphore, #tpu.memory_space<semaphore_mem>>) src(%dma_wait3A_201 : memref<80x128xf32, #tpu.memory_space<hbm>>) dst(%arg11 : memref<80x128xf32, #tpu.memory_space<vmem>>)
    %dma_wait3A_202 = arith.constant 0 : i32
    %dma_wait3A_203 = arith.constant 0 : i32
    %dma_wait3A_204 = tpu.memref_slice %arg2[%dma_wait3A_202, %dma_wait3A_203] : memref<10000x128xf32, #tpu.memory_space<hbm>> -> memref<80x128xf32, #tpu.memory_space<hbm>>
    %dma_wait3A_205 = arith.constant 0 : i32
    %dma_wait3A_206 = arith.constant 0 : i32
    %dma_wait3A_207 = tpu.memref_slice %arg2[%dma_wait3A_205, %dma_wait3A_206] : memref<10000x128xf32, #tpu.memory_space<hbm>> -> memref<80x128xf32, #tpu.memory_space<hbm>>
    tpu.wait_dma2 semaphore(%arg16 : memref<!tpu.dma_semaphore, #tpu.memory_space<semaphore_mem>>) src(%dma_wait3A_207 : memref<80x128xf32, #tpu.memory_space<hbm>>) dst(%arg10 : memref<80x128xf32, #tpu.memory_space<vmem>>)
    %dma_wait3A_208 = arith.constant 0 : i32
    %dma_wait3A_209 = arith.constant 0 : i32
    %dma_wait3A_210 = arith.constant 0 : i32
    %dma_wait3A_211 = tpu.memref_slice %arg5[%dma_wait3A_208, %dma_wait3A_209, %dma_wait3A_210] : memref<2x10240x16xf32, #tpu.memory_space<hbm>> -> memref<1x80x16xf32, #tpu.memory_space<hbm>>
    %dma_wait3A_212 = tpu.memref_squeeze %dma_wait3A_211 : memref<1x80x16xf32, #tpu.memory_space<hbm>> -> memref<80x16xf32, #tpu.memory_space<hbm>>
    %dma_wait3A_213 = arith.constant 0 : i32
    %dma_wait3A_214 = arith.constant 0 : i32
    %dma_wait3A_215 = tpu.memref_slice %arg5[%dma_wait3A_208, %dma_wait3A_213, %dma_wait3A_214] : memref<2x10240x16xf32, #tpu.memory_space<hbm>> -> memref<1x80x16xf32, #tpu.memory_space<hbm>>
    %dma_wait3A_216 = tpu.memref_squeeze %dma_wait3A_215 : memref<1x80x16xf32, #tpu.memory_space<hbm>> -> memref<80x16xf32, #tpu.memory_space<hbm>>
    tpu.wait_dma2 semaphore(%arg16 : memref<!tpu.dma_semaphore, #tpu.memory_space<semaphore_mem>>) src(%dma_wait3A_216 : memref<80x16xf32, #tpu.memory_space<hbm>>) dst(%arg17 : memref<80x16xf32, #tpu.memory_space<vmem>>)
    %dma_start3A_217 = arith.constant 160 : i32
    %dma_start3A_218 = tpu.memref_slice %arg6[%dma_start3A_217] : memref<400xi32, #tpu.memory_space<vmem>> -> memref<80xi32, #tpu.memory_space<vmem>>
    %dma_start3A_219 = arith.constant 0 : i32
    %dma_start3A_220 = arith.constant 0 : i32
    %dma_start3A_221 = tpu.memref_slice %arg2[%dma_start3A_219, %dma_start3A_220] : memref<10000x128xf32, #tpu.memory_space<hbm>> -> memref<10000x128xf32, #tpu.memory_space<hbm>>
    tpu.enqueue_indirect_dma source(%dma_start3A_221 : memref<10000x128xf32, #tpu.memory_space<hbm>>) target(%arg10 : memref<80x128xf32, #tpu.memory_space<vmem>>) offsets(%dma_start3A_218 : memref<80xi32, #tpu.memory_space<vmem>>) semaphore(%arg14 : memref<!tpu.dma_semaphore, #tpu.memory_space<semaphore_mem>>)
    %dma_start3A_222 = arith.constant 80 : i32
    %dma_start3A_223 = tpu.memref_slice %arg8[%dma_start3A_222] : memref<400xi32, #tpu.memory_space<vmem>> -> memref<80xi32, #tpu.memory_space<vmem>>
    %dma_start3A_224 = arith.constant 0 : i32
    %dma_start3A_225 = arith.constant 0 : i32
    %dma_start3A_226 = tpu.memref_slice %arg13[%dma_start3A_224, %dma_start3A_225] : memref<10240x128xf32, #tpu.memory_space<vmem_shared>> -> memref<10240x128xf32, #tpu.memory_space<vmem_shared>>
    tpu.enqueue_indirect_dma source(%arg11 : memref<80x128xf32, #tpu.memory_space<vmem>>) target(%dma_start3A_226 : memref<10240x128xf32, #tpu.memory_space<vmem_shared>>) offsets(%dma_start3A_223 : memref<80xi32, #tpu.memory_space<vmem>>) semaphore(%arg16 : memref<!tpu.dma_semaphore, #tpu.memory_space<semaphore_mem>>) {add = true}
    %dma_start3A_227 = arith.constant 80 : i32
    %dma_start3A_228 = tpu.memref_slice %arg8[%dma_start3A_227] : memref<400xi32, #tpu.memory_space<vmem>> -> memref<80xi32, #tpu.memory_space<vmem>>
    %dma_start3A_229 = arith.constant 0 : i32
    %dma_start3A_230 = arith.constant 0 : i32
    %dma_start3A_231 = tpu.memref_slice %arg19[%dma_start3A_229, %dma_start3A_230] : memref<10240x16xf32, #tpu.memory_space<vmem_shared>> -> memref<10240x16xf32, #tpu.memory_space<vmem_shared>>
    tpu.enqueue_indirect_dma source(%arg17 : memref<80x16xf32, #tpu.memory_space<vmem>>) target(%dma_start3A_231 : memref<10240x16xf32, #tpu.memory_space<vmem_shared>>) offsets(%dma_start3A_228 : memref<80xi32, #tpu.memory_space<vmem>>) semaphore(%arg16 : memref<!tpu.dma_semaphore, #tpu.memory_space<semaphore_mem>>) {add = true}
    %dma_wait3A_232 = arith.constant 0 : i32
    %dma_wait3A_233 = arith.constant 0 : i32
    %dma_wait3A_234 = tpu.memref_slice %arg2[%dma_wait3A_232, %dma_wait3A_233] : memref<10000x128xf32, #tpu.memory_space<hbm>> -> memref<80x128xf32, #tpu.memory_space<hbm>>
    %dma_wait3A_235 = arith.constant 0 : i32
    %dma_wait3A_236 = arith.constant 0 : i32
    %dma_wait3A_237 = tpu.memref_slice %arg2[%dma_wait3A_235, %dma_wait3A_236] : memref<10000x128xf32, #tpu.memory_space<hbm>> -> memref<80x128xf32, #tpu.memory_space<hbm>>
    tpu.wait_dma2 semaphore(%arg14 : memref<!tpu.dma_semaphore, #tpu.memory_space<semaphore_mem>>) src(%dma_wait3A_237 : memref<80x128xf32, #tpu.memory_space<hbm>>) dst(%arg10 : memref<80x128xf32, #tpu.memory_space<vmem>>)
    %dma_wait3A_238 = arith.constant 0 : i32
    %dma_wait3A_239 = arith.constant 0 : i32
    %dma_wait3A_240 = tpu.memref_slice %arg2[%dma_wait3A_238, %dma_wait3A_239] : memref<10000x128xf32, #tpu.memory_space<hbm>> -> memref<80x128xf32, #tpu.memory_space<hbm>>
    %dma_wait3A_241 = arith.constant 0 : i32
    %dma_wait3A_242 = arith.constant 0 : i32
    %dma_wait3A_243 = tpu.memref_slice %arg2[%dma_wait3A_241, %dma_wait3A_242] : memref<10000x128xf32, #tpu.memory_space<hbm>> -> memref<80x128xf32, #tpu.memory_space<hbm>>
    tpu.wait_dma2 semaphore(%arg16 : memref<!tpu.dma_semaphore, #tpu.memory_space<semaphore_mem>>) src(%dma_wait3A_243 : memref<80x128xf32, #tpu.memory_space<hbm>>) dst(%arg10 : memref<80x128xf32, #tpu.memory_space<vmem>>)
    %dma_wait3A_244 = arith.constant 0 : i32
    %dma_wait3A_245 = arith.constant 0 : i32
    %dma_wait3A_246 = arith.constant 0 : i32
    %dma_wait3A_247 = tpu.memref_slice %arg5[%dma_wait3A_244, %dma_wait3A_245, %dma_wait3A_246] : memref<2x10240x16xf32, #tpu.memory_space<hbm>> -> memref<1x80x16xf32, #tpu.memory_space<hbm>>
    %dma_wait3A_248 = tpu.memref_squeeze %dma_wait3A_247 : memref<1x80x16xf32, #tpu.memory_space<hbm>> -> memref<80x16xf32, #tpu.memory_space<hbm>>
    %dma_wait3A_249 = arith.constant 0 : i32
    %dma_wait3A_250 = arith.constant 0 : i32
    %dma_wait3A_251 = tpu.memref_slice %arg5[%dma_wait3A_244, %dma_wait3A_249, %dma_wait3A_250] : memref<2x10240x16xf32, #tpu.memory_space<hbm>> -> memref<1x80x16xf32, #tpu.memory_space<hbm>>
    %dma_wait3A_252 = tpu.memref_squeeze %dma_wait3A_251 : memref<1x80x16xf32, #tpu.memory_space<hbm>> -> memref<80x16xf32, #tpu.memory_space<hbm>>
    tpu.wait_dma2 semaphore(%arg16 : memref<!tpu.dma_semaphore, #tpu.memory_space<semaphore_mem>>) src(%dma_wait3A_252 : memref<80x16xf32, #tpu.memory_space<hbm>>) dst(%arg17 : memref<80x16xf32, #tpu.memory_space<vmem>>)
    %dma_start3A_253 = arith.constant 240 : i32
    %dma_start3A_254 = tpu.memref_slice %arg6[%dma_start3A_253] : memref<400xi32, #tpu.memory_space<vmem>> -> memref<80xi32, #tpu.memory_space<vmem>>
    %dma_start3A_255 = arith.constant 0 : i32
    %dma_start3A_256 = arith.constant 0 : i32
    %dma_start3A_257 = tpu.memref_slice %arg2[%dma_start3A_255, %dma_start3A_256] : memref<10000x128xf32, #tpu.memory_space<hbm>> -> memref<10000x128xf32, #tpu.memory_space<hbm>>
    tpu.enqueue_indirect_dma source(%dma_start3A_257 : memref<10000x128xf32, #tpu.memory_space<hbm>>) target(%arg11 : memref<80x128xf32, #tpu.memory_space<vmem>>) offsets(%dma_start3A_254 : memref<80xi32, #tpu.memory_space<vmem>>) semaphore(%arg14 : memref<!tpu.dma_semaphore, #tpu.memory_space<semaphore_mem>>)
    %dma_start3A_258 = arith.constant 160 : i32
    %dma_start3A_259 = tpu.memref_slice %arg8[%dma_start3A_258] : memref<400xi32, #tpu.memory_space<vmem>> -> memref<80xi32, #tpu.memory_space<vmem>>
    %dma_start3A_260 = arith.constant 0 : i32
    %dma_start3A_261 = arith.constant 0 : i32
    %dma_start3A_262 = tpu.memref_slice %arg13[%dma_start3A_260, %dma_start3A_261] : memref<10240x128xf32, #tpu.memory_space<vmem_shared>> -> memref<10240x128xf32, #tpu.memory_space<vmem_shared>>
    tpu.enqueue_indirect_dma source(%arg10 : memref<80x128xf32, #tpu.memory_space<vmem>>) target(%dma_start3A_262 : memref<10240x128xf32, #tpu.memory_space<vmem_shared>>) offsets(%dma_start3A_259 : memref<80xi32, #tpu.memory_space<vmem>>) semaphore(%arg16 : memref<!tpu.dma_semaphore, #tpu.memory_space<semaphore_mem>>) {add = true}
    %dma_start3A_263 = arith.constant 160 : i32
    %dma_start3A_264 = tpu.memref_slice %arg8[%dma_start3A_263] : memref<400xi32, #tpu.memory_space<vmem>> -> memref<80xi32, #tpu.memory_space<vmem>>
    %dma_start3A_265 = arith.constant 0 : i32
    %dma_start3A_266 = arith.constant 0 : i32
    %dma_start3A_267 = tpu.memref_slice %arg19[%dma_start3A_265, %dma_start3A_266] : memref<10240x16xf32, #tpu.memory_space<vmem_shared>> -> memref<10240x16xf32, #tpu.memory_space<vmem_shared>>
    tpu.enqueue_indirect_dma source(%arg17 : memref<80x16xf32, #tpu.memory_space<vmem>>) target(%dma_start3A_267 : memref<10240x16xf32, #tpu.memory_space<vmem_shared>>) offsets(%dma_start3A_264 : memref<80xi32, #tpu.memory_space<vmem>>) semaphore(%arg16 : memref<!tpu.dma_semaphore, #tpu.memory_space<semaphore_mem>>) {add = true}
    %dma_wait3A_268 = arith.constant 0 : i32
    %dma_wait3A_269 = arith.constant 0 : i32
    %dma_wait3A_270 = tpu.memref_slice %arg2[%dma_wait3A_268, %dma_wait3A_269] : memref<10000x128xf32, #tpu.memory_space<hbm>> -> memref<80x128xf32, #tpu.memory_space<hbm>>
    %dma_wait3A_271 = arith.constant 0 : i32
    %dma_wait3A_272 = arith.constant 0 : i32
    %dma_wait3A_273 = tpu.memref_slice %arg2[%dma_wait3A_271, %dma_wait3A_272] : memref<10000x128xf32, #tpu.memory_space<hbm>> -> memref<80x128xf32, #tpu.memory_space<hbm>>
    tpu.wait_dma2 semaphore(%arg14 : memref<!tpu.dma_semaphore, #tpu.memory_space<semaphore_mem>>) src(%dma_wait3A_273 : memref<80x128xf32, #tpu.memory_space<hbm>>) dst(%arg11 : memref<80x128xf32, #tpu.memory_space<vmem>>)
    %dma_wait3A_274 = arith.constant 0 : i32
    %dma_wait3A_275 = arith.constant 0 : i32
    %dma_wait3A_276 = tpu.memref_slice %arg2[%dma_wait3A_274, %dma_wait3A_275] : memref<10000x128xf32, #tpu.memory_space<hbm>> -> memref<80x128xf32, #tpu.memory_space<hbm>>
    %dma_wait3A_277 = arith.constant 0 : i32
    %dma_wait3A_278 = arith.constant 0 : i32
    %dma_wait3A_279 = tpu.memref_slice %arg2[%dma_wait3A_277, %dma_wait3A_278] : memref<10000x128xf32, #tpu.memory_space<hbm>> -> memref<80x128xf32, #tpu.memory_space<hbm>>
    tpu.wait_dma2 semaphore(%arg16 : memref<!tpu.dma_semaphore, #tpu.memory_space<semaphore_mem>>) src(%dma_wait3A_279 : memref<80x128xf32, #tpu.memory_space<hbm>>) dst(%arg10 : memref<80x128xf32, #tpu.memory_space<vmem>>)
    %dma_wait3A_280 = arith.constant 0 : i32
    %dma_wait3A_281 = arith.constant 0 : i32
    %dma_wait3A_282 = arith.constant 0 : i32
    %dma_wait3A_283 = tpu.memref_slice %arg5[%dma_wait3A_280, %dma_wait3A_281, %dma_wait3A_282] : memref<2x10240x16xf32, #tpu.memory_space<hbm>> -> memref<1x80x16xf32, #tpu.memory_space<hbm>>
    %dma_wait3A_284 = tpu.memref_squeeze %dma_wait3A_283 : memref<1x80x16xf32, #tpu.memory_space<hbm>> -> memref<80x16xf32, #tpu.memory_space<hbm>>
    %dma_wait3A_285 = arith.constant 0 : i32
    %dma_wait3A_286 = arith.constant 0 : i32
    %dma_wait3A_287 = tpu.memref_slice %arg5[%dma_wait3A_280, %dma_wait3A_285, %dma_wait3A_286] : memref<2x10240x16xf32, #tpu.memory_space<hbm>> -> memref<1x80x16xf32, #tpu.memory_space<hbm>>
    %dma_wait3A_288 = tpu.memref_squeeze %dma_wait3A_287 : memref<1x80x16xf32, #tpu.memory_space<hbm>> -> memref<80x16xf32, #tpu.memory_space<hbm>>
    tpu.wait_dma2 semaphore(%arg16 : memref<!tpu.dma_semaphore, #tpu.memory_space<semaphore_mem>>) src(%dma_wait3A_288 : memref<80x16xf32, #tpu.memory_space<hbm>>) dst(%arg17 : memref<80x16xf32, #tpu.memory_space<vmem>>)
    %dma_start3A_289 = arith.constant 320 : i32
    %dma_start3A_290 = tpu.memref_slice %arg6[%dma_start3A_289] : memref<400xi32, #tpu.memory_space<vmem>> -> memref<80xi32, #tpu.memory_space<vmem>>
    %dma_start3A_291 = arith.constant 0 : i32
    %dma_start3A_292 = arith.constant 0 : i32
    %dma_start3A_293 = tpu.memref_slice %arg2[%dma_start3A_291, %dma_start3A_292] : memref<10000x128xf32, #tpu.memory_space<hbm>> -> memref<10000x128xf32, #tpu.memory_space<hbm>>
    tpu.enqueue_indirect_dma source(%dma_start3A_293 : memref<10000x128xf32, #tpu.memory_space<hbm>>) target(%arg10 : memref<80x128xf32, #tpu.memory_space<vmem>>) offsets(%dma_start3A_290 : memref<80xi32, #tpu.memory_space<vmem>>) semaphore(%arg14 : memref<!tpu.dma_semaphore, #tpu.memory_space<semaphore_mem>>)
    %dma_start3A_294 = arith.constant 240 : i32
    %dma_start3A_295 = tpu.memref_slice %arg8[%dma_start3A_294] : memref<400xi32, #tpu.memory_space<vmem>> -> memref<80xi32, #tpu.memory_space<vmem>>
    %dma_start3A_296 = arith.constant 0 : i32
    %dma_start3A_297 = arith.constant 0 : i32
    %dma_start3A_298 = tpu.memref_slice %arg13[%dma_start3A_296, %dma_start3A_297] : memref<10240x128xf32, #tpu.memory_space<vmem_shared>> -> memref<10240x128xf32, #tpu.memory_space<vmem_shared>>
    tpu.enqueue_indirect_dma source(%arg11 : memref<80x128xf32, #tpu.memory_space<vmem>>) target(%dma_start3A_298 : memref<10240x128xf32, #tpu.memory_space<vmem_shared>>) offsets(%dma_start3A_295 : memref<80xi32, #tpu.memory_space<vmem>>) semaphore(%arg16 : memref<!tpu.dma_semaphore, #tpu.memory_space<semaphore_mem>>) {add = true}
    %dma_start3A_299 = arith.constant 240 : i32
    %dma_start3A_300 = tpu.memref_slice %arg8[%dma_start3A_299] : memref<400xi32, #tpu.memory_space<vmem>> -> memref<80xi32, #tpu.memory_space<vmem>>
    %dma_start3A_301 = arith.constant 0 : i32
    %dma_start3A_302 = arith.constant 0 : i32
    %dma_start3A_303 = tpu.memref_slice %arg19[%dma_start3A_301, %dma_start3A_302] : memref<10240x16xf32, #tpu.memory_space<vmem_shared>> -> memref<10240x16xf32, #tpu.memory_space<vmem_shared>>
    tpu.enqueue_indirect_dma source(%arg17 : memref<80x16xf32, #tpu.memory_space<vmem>>) target(%dma_start3A_303 : memref<10240x16xf32, #tpu.memory_space<vmem_shared>>) offsets(%dma_start3A_300 : memref<80xi32, #tpu.memory_space<vmem>>) semaphore(%arg16 : memref<!tpu.dma_semaphore, #tpu.memory_space<semaphore_mem>>) {add = true}
    %dma_wait3A_304 = arith.constant 0 : i32
    %dma_wait3A_305 = arith.constant 0 : i32
    %dma_wait3A_306 = tpu.memref_slice %arg2[%dma_wait3A_304, %dma_wait3A_305] : memref<10000x128xf32, #tpu.memory_space<hbm>> -> memref<80x128xf32, #tpu.memory_space<hbm>>
    %dma_wait3A_307 = arith.constant 0 : i32
    %dma_wait3A_308 = arith.constant 0 : i32
    %dma_wait3A_309 = tpu.memref_slice %arg2[%dma_wait3A_307, %dma_wait3A_308] : memref<10000x128xf32, #tpu.memory_space<hbm>> -> memref<80x128xf32, #tpu.memory_space<hbm>>
    tpu.wait_dma2 semaphore(%arg14 : memref<!tpu.dma_semaphore, #tpu.memory_space<semaphore_mem>>) src(%dma_wait3A_309 : memref<80x128xf32, #tpu.memory_space<hbm>>) dst(%arg10 : memref<80x128xf32, #tpu.memory_space<vmem>>)
    %dma_wait3A_310 = arith.constant 0 : i32
    %dma_wait3A_311 = arith.constant 0 : i32
    %dma_wait3A_312 = tpu.memref_slice %arg2[%dma_wait3A_310, %dma_wait3A_311] : memref<10000x128xf32, #tpu.memory_space<hbm>> -> memref<80x128xf32, #tpu.memory_space<hbm>>
    %dma_wait3A_313 = arith.constant 0 : i32
    %dma_wait3A_314 = arith.constant 0 : i32
    %dma_wait3A_315 = tpu.memref_slice %arg2[%dma_wait3A_313, %dma_wait3A_314] : memref<10000x128xf32, #tpu.memory_space<hbm>> -> memref<80x128xf32, #tpu.memory_space<hbm>>
    tpu.wait_dma2 semaphore(%arg16 : memref<!tpu.dma_semaphore, #tpu.memory_space<semaphore_mem>>) src(%dma_wait3A_315 : memref<80x128xf32, #tpu.memory_space<hbm>>) dst(%arg10 : memref<80x128xf32, #tpu.memory_space<vmem>>)
    %dma_wait3A_316 = arith.constant 0 : i32
    %dma_wait3A_317 = arith.constant 0 : i32
    %dma_wait3A_318 = arith.constant 0 : i32
    %dma_wait3A_319 = tpu.memref_slice %arg5[%dma_wait3A_316, %dma_wait3A_317, %dma_wait3A_318] : memref<2x10240x16xf32, #tpu.memory_space<hbm>> -> memref<1x80x16xf32, #tpu.memory_space<hbm>>
    %dma_wait3A_320 = tpu.memref_squeeze %dma_wait3A_319 : memref<1x80x16xf32, #tpu.memory_space<hbm>> -> memref<80x16xf32, #tpu.memory_space<hbm>>
    %dma_wait3A_321 = arith.constant 0 : i32
    %dma_wait3A_322 = arith.constant 0 : i32
    %dma_wait3A_323 = tpu.memref_slice %arg5[%dma_wait3A_316, %dma_wait3A_321, %dma_wait3A_322] : memref<2x10240x16xf32, #tpu.memory_space<hbm>> -> memref<1x80x16xf32, #tpu.memory_space<hbm>>
    %dma_wait3A_324 = tpu.memref_squeeze %dma_wait3A_323 : memref<1x80x16xf32, #tpu.memory_space<hbm>> -> memref<80x16xf32, #tpu.memory_space<hbm>>
    tpu.wait_dma2 semaphore(%arg16 : memref<!tpu.dma_semaphore, #tpu.memory_space<semaphore_mem>>) src(%dma_wait3A_324 : memref<80x16xf32, #tpu.memory_space<hbm>>) dst(%arg17 : memref<80x16xf32, #tpu.memory_space<vmem>>)
    %dma_start3A_325 = arith.constant 320 : i32
    %dma_start3A_326 = tpu.memref_slice %arg8[%dma_start3A_325] : memref<400xi32, #tpu.memory_space<vmem>> -> memref<80xi32, #tpu.memory_space<vmem>>
    %dma_start3A_327 = arith.constant 0 : i32
    %dma_start3A_328 = arith.constant 0 : i32
    %dma_start3A_329 = tpu.memref_slice %arg13[%dma_start3A_327, %dma_start3A_328] : memref<10240x128xf32, #tpu.memory_space<vmem_shared>> -> memref<10240x128xf32, #tpu.memory_space<vmem_shared>>
    tpu.enqueue_indirect_dma source(%arg10 : memref<80x128xf32, #tpu.memory_space<vmem>>) target(%dma_start3A_329 : memref<10240x128xf32, #tpu.memory_space<vmem_shared>>) offsets(%dma_start3A_326 : memref<80xi32, #tpu.memory_space<vmem>>) semaphore(%arg16 : memref<!tpu.dma_semaphore, #tpu.memory_space<semaphore_mem>>) {add = true}
    %dma_start3A_330 = arith.constant 320 : i32
    %dma_start3A_331 = tpu.memref_slice %arg8[%dma_start3A_330] : memref<400xi32, #tpu.memory_space<vmem>> -> memref<80xi32, #tpu.memory_space<vmem>>
    %dma_start3A_332 = arith.constant 0 : i32
    %dma_start3A_333 = arith.constant 0 : i32
    %dma_start3A_334 = tpu.memref_slice %arg19[%dma_start3A_332, %dma_start3A_333] : memref<10240x16xf32, #tpu.memory_space<vmem_shared>> -> memref<10240x16xf32, #tpu.memory_space<vmem_shared>>
    tpu.enqueue_indirect_dma source(%arg17 : memref<80x16xf32, #tpu.memory_space<vmem>>) target(%dma_start3A_334 : memref<10240x16xf32, #tpu.memory_space<vmem_shared>>) offsets(%dma_start3A_331 : memref<80xi32, #tpu.memory_space<vmem>>) semaphore(%arg16 : memref<!tpu.dma_semaphore, #tpu.memory_space<semaphore_mem>>) {add = true}
    %dma_wait3A_335 = arith.constant 0 : i32
    %dma_wait3A_336 = arith.constant 0 : i32
    %dma_wait3A_337 = tpu.memref_slice %arg2[%dma_wait3A_335, %dma_wait3A_336] : memref<10000x128xf32, #tpu.memory_space<hbm>> -> memref<80x128xf32, #tpu.memory_space<hbm>>
    %dma_wait3A_338 = arith.constant 0 : i32
    %dma_wait3A_339 = arith.constant 0 : i32
    %dma_wait3A_340 = tpu.memref_slice %arg2[%dma_wait3A_338, %dma_wait3A_339] : memref<10000x128xf32, #tpu.memory_space<hbm>> -> memref<80x128xf32, #tpu.memory_space<hbm>>
    tpu.wait_dma2 semaphore(%arg16 : memref<!tpu.dma_semaphore, #tpu.memory_space<semaphore_mem>>) src(%dma_wait3A_340 : memref<80x128xf32, #tpu.memory_space<hbm>>) dst(%arg10 : memref<80x128xf32, #tpu.memory_space<vmem>>)
    %dma_wait3A_341 = arith.constant 0 : i32
    %dma_wait3A_342 = arith.constant 0 : i32
    %dma_wait3A_343 = arith.constant 0 : i32
    %dma_wait3A_344 = tpu.memref_slice %arg5[%dma_wait3A_341, %dma_wait3A_342, %dma_wait3A_343] : memref<2x10240x16xf32, #tpu.memory_space<hbm>> -> memref<1x80x16xf32, #tpu.memory_space<hbm>>
    %dma_wait3A_345 = tpu.memref_squeeze %dma_wait3A_344 : memref<1x80x16xf32, #tpu.memory_space<hbm>> -> memref<80x16xf32, #tpu.memory_space<hbm>>
    %dma_wait3A_346 = arith.constant 0 : i32
    %dma_wait3A_347 = arith.constant 0 : i32
    %dma_wait3A_348 = tpu.memref_slice %arg5[%dma_wait3A_341, %dma_wait3A_346, %dma_wait3A_347] : memref<2x10240x16xf32, #tpu.memory_space<hbm>> -> memref<1x80x16xf32, #tpu.memory_space<hbm>>
    %dma_wait3A_349 = tpu.memref_squeeze %dma_wait3A_348 : memref<1x80x16xf32, #tpu.memory_space<hbm>> -> memref<80x16xf32, #tpu.memory_space<hbm>>
    tpu.wait_dma2 semaphore(%arg16 : memref<!tpu.dma_semaphore, #tpu.memory_space<semaphore_mem>>) src(%dma_wait3A_349 : memref<80x16xf32, #tpu.memory_space<hbm>>) dst(%arg17 : memref<80x16xf32, #tpu.memory_space<vmem>>)
    %barrier3A_350 = arith.constant 0 : index
    tpu.barrier barrier_id(%barrier3A_350)
    %mul3A_351 = arith.constant 640 : i32
    %mul3A_352 = arith.muli %arg1, %mul3A_351 : i32
    %mul3A_353 = arith.constant 640 : i32
    %mul3A_354 = arith.muli %arg1, %mul3A_353 : i32
    "tpu.region"() ({
      %run_scoped3A = tpu.sem_alloc : memref<!tpu.dma_semaphore, #tpu.memory_space<semaphore_mem>>
      %dma_start3A_359 = arith.constant 0 : i32
      %dma_start3A_360 = tpu.memref_slice %arg4[%arg0, %mul3A_354, %dma_start3A_359] : memref<2x10240x128xf32, #tpu.memory_space<hbm>> -> memref<1x640x128xf32, #tpu.memory_space<hbm>>
      %dma_start3A_361 = tpu.memref_squeeze %dma_start3A_360 : memref<1x640x128xf32, #tpu.memory_space<hbm>> -> memref<640x128xf32, #tpu.memory_space<hbm>>
      %dma_start3A_362 = arith.constant 0 : i32
      %dma_start3A_363 = tpu.memref_slice %arg13[%mul3A_352, %dma_start3A_362] : memref<10240x128xf32, #tpu.memory_space<vmem_shared>> -> memref<640x128xf32, #tpu.memory_space<vmem_shared>>
      tpu.enqueue_dma source(%dma_start3A_363 : memref<640x128xf32, #tpu.memory_space<vmem_shared>>) target(%dma_start3A_361 : memref<640x128xf32, #tpu.memory_space<hbm>>) target_semaphore(%run_scoped3A : memref<!tpu.dma_semaphore, #tpu.memory_space<semaphore_mem>>)
      %dma_wait3A_364 = arith.constant 0 : i32
      %dma_wait3A_365 = tpu.memref_slice %arg4[%arg0, %mul3A_354, %dma_wait3A_364] : memref<2x10240x128xf32, #tpu.memory_space<hbm>> -> memref<1x640x128xf32, #tpu.memory_space<hbm>>
      %dma_wait3A_366 = tpu.memref_squeeze %dma_wait3A_365 : memref<1x640x128xf32, #tpu.memory_space<hbm>> -> memref<640x128xf32, #tpu.memory_space<hbm>>
      %dma_wait3A_367 = arith.constant 0 : i32
      %dma_wait3A_368 = tpu.memref_slice %arg13[%mul3A_352, %dma_wait3A_367] : memref<10240x128xf32, #tpu.memory_space<vmem_shared>> -> memref<640x128xf32, #tpu.memory_space<vmem_shared>>
      tpu.wait_dma2 semaphore(%run_scoped3A : memref<!tpu.dma_semaphore, #tpu.memory_space<semaphore_mem>>) src(%dma_wait3A_368 : memref<640x128xf32, #tpu.memory_space<vmem_shared>>) dst(%dma_wait3A_366 : memref<640x128xf32, #tpu.memory_space<hbm>>)
      tpu.yield
    }) : () -> ()
    %mul3A_355 = arith.constant 640 : i32
    %mul3A_356 = arith.muli %arg1, %mul3A_355 : i32
    %mul3A_357 = arith.constant 640 : i32
    %mul3A_358 = arith.muli %arg1, %mul3A_357 : i32
    "tpu.region"() ({
      %run_scoped3A = tpu.sem_alloc : memref<!tpu.dma_semaphore, #tpu.memory_space<semaphore_mem>>
      %dma_start3A_359 = arith.constant 0 : i32
      %dma_start3A_360 = tpu.memref_slice %arg5[%arg0, %mul3A_358, %dma_start3A_359] : memref<2x10240x16xf32, #tpu.memory_space<hbm>> -> memref<1x640x16xf32, #tpu.memory_space<hbm>>
      %dma_start3A_361 = tpu.memref_squeeze %dma_start3A_360 : memref<1x640x16xf32, #tpu.memory_space<hbm>> -> memref<640x16xf32, #tpu.memory_space<hbm>>
      %dma_start3A_362 = arith.constant 0 : i32
      %dma_start3A_363 = tpu.memref_slice %arg19[%mul3A_356, %dma_start3A_362] : memref<10240x16xf32, #tpu.memory_space<vmem_shared>> -> memref<640x16xf32, #tpu.memory_space<vmem_shared>>
      tpu.enqueue_dma source(%dma_start3A_363 : memref<640x16xf32, #tpu.memory_space<vmem_shared>>) target(%dma_start3A_361 : memref<640x16xf32, #tpu.memory_space<hbm>>) target_semaphore(%run_scoped3A : memref<!tpu.dma_semaphore, #tpu.memory_space<semaphore_mem>>)
      %dma_wait3A_364 = arith.constant 0 : i32
      %dma_wait3A_365 = tpu.memref_slice %arg5[%arg0, %mul3A_358, %dma_wait3A_364] : memref<2x10240x16xf32, #tpu.memory_space<hbm>> -> memref<1x640x16xf32, #tpu.memory_space<hbm>>
      %dma_wait3A_366 = tpu.memref_squeeze %dma_wait3A_365 : memref<1x640x16xf32, #tpu.memory_space<hbm>> -> memref<640x16xf32, #tpu.memory_space<hbm>>
      %dma_wait3A_367 = arith.constant 0 : i32
      %dma_wait3A_368 = tpu.memref_slice %arg19[%mul3A_356, %dma_wait3A_367] : memref<10240x16xf32, #tpu.memory_space<vmem_shared>> -> memref<640x16xf32, #tpu.memory_space<vmem_shared>>
      tpu.wait_dma2 semaphore(%run_scoped3A : memref<!tpu.dma_semaphore, #tpu.memory_space<semaphore_mem>>) src(%dma_wait3A_368 : memref<640x16xf32, #tpu.memory_space<vmem_shared>>) dst(%dma_wait3A_366 : memref<640x16xf32, #tpu.memory_space<hbm>>)
      tpu.yield
    }) : () -> ()
    return
  }
}

#map = affine_map<(d0, d1) -> (0, 0)>
#map1 = affine_map<(d0, d1) -> (0)>
module attributes {stable_mosaic.version = 14 : i64} {
  func.func @body(%arg0: i32, %arg1: i32, %arg2: memref<10240x128xf32, #tpu.memory_space<hbm>>, %arg3: memref<10240x128xf32, #tpu.memory_space<hbm>>, %arg4: memref<2x320000xi32, #tpu.memory_space<hbm>>, %arg5: memref<128xf32, #tpu.memory_space<hbm>>, %arg6: memref<5120000xf32, #tpu.memory_space<hbm>>, %arg7: memref<10000xi32, #tpu.memory_space<vmem>>, %arg8: memref<10000xi32, #tpu.memory_space<vmem>>, %arg9: memref<80x128xf32, #tpu.memory_space<vmem>>, %arg10: memref<80x128xf32, #tpu.memory_space<vmem>>, %arg11: memref<80x128xf32, #tpu.memory_space<vmem>>, %arg12: memref<80x128xf32, #tpu.memory_space<vmem>>, %arg13: memref<128xf32, #tpu.memory_space<vmem>>, %arg14: memref<1280xf32, #tpu.memory_space<vmem>>, %arg15: memref<1280xf32, #tpu.memory_space<vmem>>, %arg16: memref<!tpu.dma_semaphore, #tpu.memory_space<semaphore_mem>>, %arg17: memref<!tpu.dma_semaphore, #tpu.memory_space<semaphore_mem>>) attributes {dimension_semantics = [#tpu.dimension_semantics<core_parallel>, #tpu.dimension_semantics<subcore_parallel>], iteration_bounds = array<i64: 2, 16>, scalar_prefetch = 0 : i64, scratch_operands = 11 : i64, tpu.core_type = #tpu.core_type<sc_vector_subcore>, window_params = [{transform_indices = #map}, {transform_indices = #map}, {transform_indices = #map}, {transform_indices = #map1}, {transform_indices = #map1}]} {
    %mul3A = arith.constant 2 : i32
    %mul3A_0 = arith.muli %arg1, %mul3A : i32
    %add3A = arith.addi %mul3A_0, %arg0 : i32
    %mul3A_1 = arith.constant 10000 : i32
    %mul3A_2 = arith.muli %add3A, %mul3A_1 : i32
    %run_scoped3A = arith.constant 0 : i32
    "tpu.region"() ({
      %run_scoped3A_59 = tpu.sem_alloc : memref<!tpu.dma_semaphore, #tpu.memory_space<semaphore_mem>>
      %dma_start3A_60 = tpu.memref_slice %arg4[%run_scoped3A, %mul3A_2] : memref<2x320000xi32, #tpu.memory_space<hbm>> -> memref<1x10000xi32, #tpu.memory_space<hbm>>
      %dma_start3A_61 = tpu.memref_squeeze %dma_start3A_60 : memref<1x10000xi32, #tpu.memory_space<hbm>> -> memref<10000xi32, #tpu.memory_space<hbm>>
      %dma_start3A_62 = tpu.memref_slice %arg4[%run_scoped3A, %mul3A_2] : memref<2x320000xi32, #tpu.memory_space<hbm>> -> memref<1x10000xi32, #tpu.memory_space<hbm>>
      %dma_start3A_63 = tpu.memref_squeeze %dma_start3A_62 : memref<1x10000xi32, #tpu.memory_space<hbm>> -> memref<10000xi32, #tpu.memory_space<hbm>>
      tpu.enqueue_dma source(%dma_start3A_63 : memref<10000xi32, #tpu.memory_space<hbm>>) target(%arg7 : memref<10000xi32, #tpu.memory_space<vmem>>) target_semaphore(%run_scoped3A_59 : memref<!tpu.dma_semaphore, #tpu.memory_space<semaphore_mem>>)
      %dma_wait3A_64 = tpu.memref_slice %arg4[%run_scoped3A, %mul3A_2] : memref<2x320000xi32, #tpu.memory_space<hbm>> -> memref<1x10000xi32, #tpu.memory_space<hbm>>
      %dma_wait3A_65 = tpu.memref_squeeze %dma_wait3A_64 : memref<1x10000xi32, #tpu.memory_space<hbm>> -> memref<10000xi32, #tpu.memory_space<hbm>>
      %dma_wait3A_66 = tpu.memref_slice %arg4[%run_scoped3A, %mul3A_2] : memref<2x320000xi32, #tpu.memory_space<hbm>> -> memref<1x10000xi32, #tpu.memory_space<hbm>>
      %dma_wait3A_67 = tpu.memref_squeeze %dma_wait3A_66 : memref<1x10000xi32, #tpu.memory_space<hbm>> -> memref<10000xi32, #tpu.memory_space<hbm>>
      tpu.wait_dma2 semaphore(%run_scoped3A_59 : memref<!tpu.dma_semaphore, #tpu.memory_space<semaphore_mem>>) src(%dma_wait3A_67 : memref<10000xi32, #tpu.memory_space<hbm>>) dst(%arg7 : memref<10000xi32, #tpu.memory_space<vmem>>)
      tpu.yield
    }) : () -> ()
    %run_scoped3A_3 = arith.constant 1 : i32
    "tpu.region"() ({
      %run_scoped3A_59 = tpu.sem_alloc : memref<!tpu.dma_semaphore, #tpu.memory_space<semaphore_mem>>
      %dma_start3A_60 = tpu.memref_slice %arg4[%run_scoped3A_3, %mul3A_2] : memref<2x320000xi32, #tpu.memory_space<hbm>> -> memref<1x10000xi32, #tpu.memory_space<hbm>>
      %dma_start3A_61 = tpu.memref_squeeze %dma_start3A_60 : memref<1x10000xi32, #tpu.memory_space<hbm>> -> memref<10000xi32, #tpu.memory_space<hbm>>
      %dma_start3A_62 = tpu.memref_slice %arg4[%run_scoped3A_3, %mul3A_2] : memref<2x320000xi32, #tpu.memory_space<hbm>> -> memref<1x10000xi32, #tpu.memory_space<hbm>>
      %dma_start3A_63 = tpu.memref_squeeze %dma_start3A_62 : memref<1x10000xi32, #tpu.memory_space<hbm>> -> memref<10000xi32, #tpu.memory_space<hbm>>
      tpu.enqueue_dma source(%dma_start3A_63 : memref<10000xi32, #tpu.memory_space<hbm>>) target(%arg8 : memref<10000xi32, #tpu.memory_space<vmem>>) target_semaphore(%run_scoped3A_59 : memref<!tpu.dma_semaphore, #tpu.memory_space<semaphore_mem>>)
      %dma_wait3A_64 = tpu.memref_slice %arg4[%run_scoped3A_3, %mul3A_2] : memref<2x320000xi32, #tpu.memory_space<hbm>> -> memref<1x10000xi32, #tpu.memory_space<hbm>>
      %dma_wait3A_65 = tpu.memref_squeeze %dma_wait3A_64 : memref<1x10000xi32, #tpu.memory_space<hbm>> -> memref<10000xi32, #tpu.memory_space<hbm>>
      %dma_wait3A_66 = tpu.memref_slice %arg4[%run_scoped3A_3, %mul3A_2] : memref<2x320000xi32, #tpu.memory_space<hbm>> -> memref<1x10000xi32, #tpu.memory_space<hbm>>
      %dma_wait3A_67 = tpu.memref_squeeze %dma_wait3A_66 : memref<1x10000xi32, #tpu.memory_space<hbm>> -> memref<10000xi32, #tpu.memory_space<hbm>>
      tpu.wait_dma2 semaphore(%run_scoped3A_59 : memref<!tpu.dma_semaphore, #tpu.memory_space<semaphore_mem>>) src(%dma_wait3A_67 : memref<10000xi32, #tpu.memory_space<hbm>>) dst(%arg8 : memref<10000xi32, #tpu.memory_space<vmem>>)
      tpu.yield
    }) : () -> ()
    "tpu.region"() ({
      %run_scoped3A_59 = tpu.sem_alloc : memref<!tpu.dma_semaphore, #tpu.memory_space<semaphore_mem>>
      tpu.enqueue_dma source(%arg5 : memref<128xf32, #tpu.memory_space<hbm>>) target(%arg13 : memref<128xf32, #tpu.memory_space<vmem>>) target_semaphore(%run_scoped3A_59 : memref<!tpu.dma_semaphore, #tpu.memory_space<semaphore_mem>>)
      tpu.wait_dma2 semaphore(%run_scoped3A_59 : memref<!tpu.dma_semaphore, #tpu.memory_space<semaphore_mem>>) src(%arg5 : memref<128xf32, #tpu.memory_space<hbm>>) dst(%arg13 : memref<128xf32, #tpu.memory_space<vmem>>)
      tpu.yield
    }) : () -> ()
    %get3A = arith.constant 0 : index
    %get3A_4 = tpu.vector_load %arg13[%get3A] {strides = array<i32>} : memref<128xf32, #tpu.memory_space<vmem>>, vector<16xf32>,
    %get3A_5 = arith.constant 16 : index
    %get3A_6 = tpu.vector_load %arg13[%get3A_5] {strides = array<i32>} : memref<128xf32, #tpu.memory_space<vmem>>, vector<16xf32>,
    %get3A_7 = arith.constant 32 : index
    %get3A_8 = tpu.vector_load %arg13[%get3A_7] {strides = array<i32>} : memref<128xf32, #tpu.memory_space<vmem>>, vector<16xf32>,
    %get3A_9 = arith.constant 48 : index
    %get3A_10 = tpu.vector_load %arg13[%get3A_9] {strides = array<i32>} : memref<128xf32, #tpu.memory_space<vmem>>, vector<16xf32>,
    %get3A_11 = arith.constant 64 : index
    %get3A_12 = tpu.vector_load %arg13[%get3A_11] {strides = array<i32>} : memref<128xf32, #tpu.memory_space<vmem>>, vector<16xf32>,
    %get3A_13 = arith.constant 80 : index
    %get3A_14 = tpu.vector_load %arg13[%get3A_13] {strides = array<i32>} : memref<128xf32, #tpu.memory_space<vmem>>, vector<16xf32>,
    %get3A_15 = arith.constant 96 : index
    %get3A_16 = tpu.vector_load %arg13[%get3A_15] {strides = array<i32>} : memref<128xf32, #tpu.memory_space<vmem>>, vector<16xf32>,
    %get3A_17 = arith.constant 112 : index
    %get3A_18 = tpu.vector_load %arg13[%get3A_17] {strides = array<i32>} : memref<128xf32, #tpu.memory_space<vmem>>, vector<16xf32>,
    %dma_start3A = arith.constant 0 : i32
    %dma_start3A_19 = tpu.memref_slice %arg7[%dma_start3A] : memref<10000xi32, #tpu.memory_space<vmem>> -> memref<80xi32, #tpu.memory_space<vmem>>
    %dma_start3A_20 = arith.constant 0 : i32
    %dma_start3A_21 = arith.constant 0 : i32
    %dma_start3A_22 = tpu.memref_slice %arg2[%dma_start3A_20, %dma_start3A_21] : memref<10240x128xf32, #tpu.memory_space<hbm>> -> memref<10240x128xf32, #tpu.memory_space<hbm>>
    tpu.enqueue_indirect_dma source(%dma_start3A_22 : memref<10240x128xf32, #tpu.memory_space<hbm>>) target(%arg9 : memref<80x128xf32, #tpu.memory_space<vmem>>) offsets(%dma_start3A_19 : memref<80xi32, #tpu.memory_space<vmem>>) semaphore(%arg16 : memref<!tpu.dma_semaphore, #tpu.memory_space<semaphore_mem>>)
    %dma_start3A_23 = arith.constant 0 : i32
    %dma_start3A_24 = tpu.memref_slice %arg8[%dma_start3A_23] : memref<10000xi32, #tpu.memory_space<vmem>> -> memref<80xi32, #tpu.memory_space<vmem>>
    %dma_start3A_25 = arith.constant 0 : i32
    %dma_start3A_26 = arith.constant 0 : i32
    %dma_start3A_27 = tpu.memref_slice %arg3[%dma_start3A_25, %dma_start3A_26] : memref<10240x128xf32, #tpu.memory_space<hbm>> -> memref<10240x128xf32, #tpu.memory_space<hbm>>
    tpu.enqueue_indirect_dma source(%dma_start3A_27 : memref<10240x128xf32, #tpu.memory_space<hbm>>) target(%arg11 : memref<80x128xf32, #tpu.memory_space<vmem>>) offsets(%dma_start3A_24 : memref<80xi32, #tpu.memory_space<vmem>>) semaphore(%arg16 : memref<!tpu.dma_semaphore, #tpu.memory_space<semaphore_mem>>)
    %scan3A = arith.constant 0 : i32
    %scan3A_28 = arith.constant 0 : i32
    %scan3A_29 = arith.constant 62 : i32
    %scan3A_30 = arith.addi %scan3A_28, %scan3A_29 : i32
    %scan3A_31 = arith.constant 1 : i32
    %scan3A_32 = scf.for %scan3A_59 = %scan3A_28 to %scan3A_30 step %scan3A_31 iter_args(%scan3A_60 = %scan3A) -> (i32)  : i32 {
      %mul3A_61 = arith.constant 2 : i32
      %mul3A_62 = arith.muli %mul3A_61, %scan3A_59 : i32
      %add3A_63 = arith.constant 0 : i32
      %add3A_64 = arith.addi %mul3A_62, %add3A_63 : i32
      %dma_wait3A_65 = arith.constant 0 : i32
      %dma_wait3A_66 = arith.constant 0 : i32
      %dma_wait3A_67 = tpu.memref_slice %arg2[%dma_wait3A_65, %dma_wait3A_66] : memref<10240x128xf32, #tpu.memory_space<hbm>> -> memref<80x128xf32, #tpu.memory_space<hbm>>
      %dma_wait3A_68 = arith.constant 0 : i32
      %dma_wait3A_69 = arith.constant 0 : i32
      %dma_wait3A_70 = tpu.memref_slice %arg2[%dma_wait3A_68, %dma_wait3A_69] : memref<10240x128xf32, #tpu.memory_space<hbm>> -> memref<80x128xf32, #tpu.memory_space<hbm>>
      tpu.wait_dma2 semaphore(%arg16 : memref<!tpu.dma_semaphore, #tpu.memory_space<semaphore_mem>>) src(%dma_wait3A_70 : memref<80x128xf32, #tpu.memory_space<hbm>>) dst(%arg9 : memref<80x128xf32, #tpu.memory_space<vmem>>)
      %dma_wait3A_71 = arith.constant 0 : i32
      %dma_wait3A_72 = arith.constant 0 : i32
      %dma_wait3A_73 = tpu.memref_slice %arg3[%dma_wait3A_71, %dma_wait3A_72] : memref<10240x128xf32, #tpu.memory_space<hbm>> -> memref<80x128xf32, #tpu.memory_space<hbm>>
      %dma_wait3A_74 = arith.constant 0 : i32
      %dma_wait3A_75 = arith.constant 0 : i32
      %dma_wait3A_76 = tpu.memref_slice %arg3[%dma_wait3A_74, %dma_wait3A_75] : memref<10240x128xf32, #tpu.memory_space<hbm>> -> memref<80x128xf32, #tpu.memory_space<hbm>>
      tpu.wait_dma2 semaphore(%arg16 : memref<!tpu.dma_semaphore, #tpu.memory_space<semaphore_mem>>) src(%dma_wait3A_76 : memref<80x128xf32, #tpu.memory_space<hbm>>) dst(%arg11 : memref<80x128xf32, #tpu.memory_space<vmem>>)
      %add3A_77 = arith.constant 1 : i32
      %add3A_78 = arith.addi %add3A_64, %add3A_77 : i32
      %mul3A_79 = arith.constant 80 : i32
      %mul3A_80 = arith.muli %add3A_78, %mul3A_79 : i32
      %dma_start3A_81 = tpu.memref_slice %arg7[%mul3A_80] : memref<10000xi32, #tpu.memory_space<vmem>> -> memref<80xi32, #tpu.memory_space<vmem>>
      %dma_start3A_82 = arith.constant 0 : i32
      %dma_start3A_83 = arith.constant 0 : i32
      %dma_start3A_84 = tpu.memref_slice %arg2[%dma_start3A_82, %dma_start3A_83] : memref<10240x128xf32, #tpu.memory_space<hbm>> -> memref<10240x128xf32, #tpu.memory_space<hbm>>
      tpu.enqueue_indirect_dma source(%dma_start3A_84 : memref<10240x128xf32, #tpu.memory_space<hbm>>) target(%arg10 : memref<80x128xf32, #tpu.memory_space<vmem>>) offsets(%dma_start3A_81 : memref<80xi32, #tpu.memory_space<vmem>>) semaphore(%arg16 : memref<!tpu.dma_semaphore, #tpu.memory_space<semaphore_mem>>)
      %mul3A_85 = arith.constant 80 : i32
      %mul3A_86 = arith.muli %add3A_78, %mul3A_85 : i32
      %dma_start3A_87 = tpu.memref_slice %arg8[%mul3A_86] : memref<10000xi32, #tpu.memory_space<vmem>> -> memref<80xi32, #tpu.memory_space<vmem>>
      %dma_start3A_88 = arith.constant 0 : i32
      %dma_start3A_89 = arith.constant 0 : i32
      %dma_start3A_90 = tpu.memref_slice %arg3[%dma_start3A_88, %dma_start3A_89] : memref<10240x128xf32, #tpu.memory_space<hbm>> -> memref<10240x128xf32, #tpu.memory_space<hbm>>
      tpu.enqueue_indirect_dma source(%dma_start3A_90 : memref<10240x128xf32, #tpu.memory_space<hbm>>) target(%arg12 : memref<80x128xf32, #tpu.memory_space<vmem>>) offsets(%dma_start3A_87 : memref<80xi32, #tpu.memory_space<vmem>>) semaphore(%arg16 : memref<!tpu.dma_semaphore, #tpu.memory_space<semaphore_mem>>)
      %ge3A = arith.constant 2 : i32
      %ge3A_91 = arith.cmpi sge, %add3A_64, %ge3A : i32
      %convert_element_type3A = arith.extui %ge3A_91 : i1 to i32
      %cond3A = arith.constant 0 : i32
      %cond3A_92 = arith.cmpi ne, %convert_element_type3A, %cond3A : i32
      scf.if %cond3A_92 {
        %dma_wait3A_149 = arith.constant 0 : i32
        %dma_wait3A_150 = tpu.memref_slice %arg6[%dma_wait3A_149] : memref<5120000xf32, #tpu.memory_space<hbm>> -> memref<1280xf32, #tpu.memory_space<hbm>>
        %dma_wait3A_151 = arith.constant 0 : i32
        %dma_wait3A_152 = tpu.memref_slice %arg6[%dma_wait3A_151] : memref<5120000xf32, #tpu.memory_space<hbm>> -> memref<1280xf32, #tpu.memory_space<hbm>>
        tpu.wait_dma2 semaphore(%arg17 : memref<!tpu.dma_semaphore, #tpu.memory_space<semaphore_mem>>) src(%dma_wait3A_152 : memref<1280xf32, #tpu.memory_space<hbm>>) dst(%arg14 : memref<1280xf32, #tpu.memory_space<vmem>>)
      } else {
      }
      %parallel_loop3A_93 = arith.constant 0 : i32
      %parallel_loop3A_94 = arith.constant 80 : i32
      %parallel_loop3A_95 = arith.constant 1 : i32
      scf.for %parallel_loop3A_149 = %parallel_loop3A_93 to %parallel_loop3A_94 step %parallel_loop3A_95  : i32 {
        %parallel_loop3A_150 = arith.constant 0.000000e+00 : f32
        %parallel_loop3A_151 = vector.broadcast %parallel_loop3A_150 : f32 to vector<16xf32>
        %parallel_loop3A_152 = arith.index_cast %parallel_loop3A_149 : i32 to index
        %parallel_loop3A_153 = arith.constant 0 : index
        %parallel_loop3A_154 = tpu.vector_load %arg9[%parallel_loop3A_152, %parallel_loop3A_153] {strides = array<i32>} : memref<80x128xf32, #tpu.memory_space<vmem>>, vector<16xf32>,
        %parallel_loop3A_155 = arith.index_cast %parallel_loop3A_149 : i32 to index
        %parallel_loop3A_156 = arith.constant 0 : index
        %parallel_loop3A_157 = tpu.vector_load %arg11[%parallel_loop3A_155, %parallel_loop3A_156] {strides = array<i32>} : memref<80x128xf32, #tpu.memory_space<vmem>>, vector<16xf32>,
        %parallel_loop3A_158 = arith.addf %parallel_loop3A_154, %parallel_loop3A_157 : vector<16xf32>
        %parallel_loop3A_159 = arith.constant 0.000000e+00 : f32
        %parallel_loop3A_160 = vector.broadcast %parallel_loop3A_159 : f32 to vector<16xf32>
        %parallel_loop3A_161 = arith.maximumf %parallel_loop3A_158, %parallel_loop3A_160 : vector<16xf32>
        %parallel_loop3A_162 = arith.mulf %parallel_loop3A_161, %get3A_4 : vector<16xf32>
        %parallel_loop3A_163 = arith.addf %parallel_loop3A_151, %parallel_loop3A_162 : vector<16xf32>
        %parallel_loop3A_164 = arith.index_cast %parallel_loop3A_149 : i32 to index
        %parallel_loop3A_165 = arith.constant 16 : index
        %parallel_loop3A_166 = tpu.vector_load %arg9[%parallel_loop3A_164, %parallel_loop3A_165] {strides = array<i32>} : memref<80x128xf32, #tpu.memory_space<vmem>>, vector<16xf32>,
        %parallel_loop3A_167 = arith.index_cast %parallel_loop3A_149 : i32 to index
        %parallel_loop3A_168 = arith.constant 16 : index
        %parallel_loop3A_169 = tpu.vector_load %arg11[%parallel_loop3A_167, %parallel_loop3A_168] {strides = array<i32>} : memref<80x128xf32, #tpu.memory_space<vmem>>, vector<16xf32>,
        %parallel_loop3A_170 = arith.addf %parallel_loop3A_166, %parallel_loop3A_169 : vector<16xf32>
        %parallel_loop3A_171 = arith.constant 0.000000e+00 : f32
        %parallel_loop3A_172 = vector.broadcast %parallel_loop3A_171 : f32 to vector<16xf32>
        %parallel_loop3A_173 = arith.maximumf %parallel_loop3A_170, %parallel_loop3A_172 : vector<16xf32>
        %parallel_loop3A_174 = arith.mulf %parallel_loop3A_173, %get3A_6 : vector<16xf32>
        %parallel_loop3A_175 = arith.addf %parallel_loop3A_163, %parallel_loop3A_174 : vector<16xf32>
        %parallel_loop3A_176 = arith.index_cast %parallel_loop3A_149 : i32 to index
        %parallel_loop3A_177 = arith.constant 32 : index
        %parallel_loop3A_178 = tpu.vector_load %arg9[%parallel_loop3A_176, %parallel_loop3A_177] {strides = array<i32>} : memref<80x128xf32, #tpu.memory_space<vmem>>, vector<16xf32>,
        %parallel_loop3A_179 = arith.index_cast %parallel_loop3A_149 : i32 to index
        %parallel_loop3A_180 = arith.constant 32 : index
        %parallel_loop3A_181 = tpu.vector_load %arg11[%parallel_loop3A_179, %parallel_loop3A_180] {strides = array<i32>} : memref<80x128xf32, #tpu.memory_space<vmem>>, vector<16xf32>,
        %parallel_loop3A_182 = arith.addf %parallel_loop3A_178, %parallel_loop3A_181 : vector<16xf32>
        %parallel_loop3A_183 = arith.constant 0.000000e+00 : f32
        %parallel_loop3A_184 = vector.broadcast %parallel_loop3A_183 : f32 to vector<16xf32>
        %parallel_loop3A_185 = arith.maximumf %parallel_loop3A_182, %parallel_loop3A_184 : vector<16xf32>
        %parallel_loop3A_186 = arith.mulf %parallel_loop3A_185, %get3A_8 : vector<16xf32>
        %parallel_loop3A_187 = arith.addf %parallel_loop3A_175, %parallel_loop3A_186 : vector<16xf32>
        %parallel_loop3A_188 = arith.index_cast %parallel_loop3A_149 : i32 to index
        %parallel_loop3A_189 = arith.constant 48 : index
        %parallel_loop3A_190 = tpu.vector_load %arg9[%parallel_loop3A_188, %parallel_loop3A_189] {strides = array<i32>} : memref<80x128xf32, #tpu.memory_space<vmem>>, vector<16xf32>,
        %parallel_loop3A_191 = arith.index_cast %parallel_loop3A_149 : i32 to index
        %parallel_loop3A_192 = arith.constant 48 : index
        %parallel_loop3A_193 = tpu.vector_load %arg11[%parallel_loop3A_191, %parallel_loop3A_192] {strides = array<i32>} : memref<80x128xf32, #tpu.memory_space<vmem>>, vector<16xf32>,
        %parallel_loop3A_194 = arith.addf %parallel_loop3A_190, %parallel_loop3A_193 : vector<16xf32>
        %parallel_loop3A_195 = arith.constant 0.000000e+00 : f32
        %parallel_loop3A_196 = vector.broadcast %parallel_loop3A_195 : f32 to vector<16xf32>
        %parallel_loop3A_197 = arith.maximumf %parallel_loop3A_194, %parallel_loop3A_196 : vector<16xf32>
        %parallel_loop3A_198 = arith.mulf %parallel_loop3A_197, %get3A_10 : vector<16xf32>
        %parallel_loop3A_199 = arith.addf %parallel_loop3A_187, %parallel_loop3A_198 : vector<16xf32>
        %parallel_loop3A_200 = arith.index_cast %parallel_loop3A_149 : i32 to index
        %parallel_loop3A_201 = arith.constant 64 : index
        %parallel_loop3A_202 = tpu.vector_load %arg9[%parallel_loop3A_200, %parallel_loop3A_201] {strides = array<i32>} : memref<80x128xf32, #tpu.memory_space<vmem>>, vector<16xf32>,
        %parallel_loop3A_203 = arith.index_cast %parallel_loop3A_149 : i32 to index
        %parallel_loop3A_204 = arith.constant 64 : index
        %parallel_loop3A_205 = tpu.vector_load %arg11[%parallel_loop3A_203, %parallel_loop3A_204] {strides = array<i32>} : memref<80x128xf32, #tpu.memory_space<vmem>>, vector<16xf32>,
        %parallel_loop3A_206 = arith.addf %parallel_loop3A_202, %parallel_loop3A_205 : vector<16xf32>
        %parallel_loop3A_207 = arith.constant 0.000000e+00 : f32
        %parallel_loop3A_208 = vector.broadcast %parallel_loop3A_207 : f32 to vector<16xf32>
        %parallel_loop3A_209 = arith.maximumf %parallel_loop3A_206, %parallel_loop3A_208 : vector<16xf32>
        %parallel_loop3A_210 = arith.mulf %parallel_loop3A_209, %get3A_12 : vector<16xf32>
        %parallel_loop3A_211 = arith.addf %parallel_loop3A_199, %parallel_loop3A_210 : vector<16xf32>
        %parallel_loop3A_212 = arith.index_cast %parallel_loop3A_149 : i32 to index
        %parallel_loop3A_213 = arith.constant 80 : index
        %parallel_loop3A_214 = tpu.vector_load %arg9[%parallel_loop3A_212, %parallel_loop3A_213] {strides = array<i32>} : memref<80x128xf32, #tpu.memory_space<vmem>>, vector<16xf32>,
        %parallel_loop3A_215 = arith.index_cast %parallel_loop3A_149 : i32 to index
        %parallel_loop3A_216 = arith.constant 80 : index
        %parallel_loop3A_217 = tpu.vector_load %arg11[%parallel_loop3A_215, %parallel_loop3A_216] {strides = array<i32>} : memref<80x128xf32, #tpu.memory_space<vmem>>, vector<16xf32>,
        %parallel_loop3A_218 = arith.addf %parallel_loop3A_214, %parallel_loop3A_217 : vector<16xf32>
        %parallel_loop3A_219 = arith.constant 0.000000e+00 : f32
        %parallel_loop3A_220 = vector.broadcast %parallel_loop3A_219 : f32 to vector<16xf32>
        %parallel_loop3A_221 = arith.maximumf %parallel_loop3A_218, %parallel_loop3A_220 : vector<16xf32>
        %parallel_loop3A_222 = arith.mulf %parallel_loop3A_221, %get3A_14 : vector<16xf32>
        %parallel_loop3A_223 = arith.addf %parallel_loop3A_211, %parallel_loop3A_222 : vector<16xf32>
        %parallel_loop3A_224 = arith.index_cast %parallel_loop3A_149 : i32 to index
        %parallel_loop3A_225 = arith.constant 96 : index
        %parallel_loop3A_226 = tpu.vector_load %arg9[%parallel_loop3A_224, %parallel_loop3A_225] {strides = array<i32>} : memref<80x128xf32, #tpu.memory_space<vmem>>, vector<16xf32>,
        %parallel_loop3A_227 = arith.index_cast %parallel_loop3A_149 : i32 to index
        %parallel_loop3A_228 = arith.constant 96 : index
        %parallel_loop3A_229 = tpu.vector_load %arg11[%parallel_loop3A_227, %parallel_loop3A_228] {strides = array<i32>} : memref<80x128xf32, #tpu.memory_space<vmem>>, vector<16xf32>,
        %parallel_loop3A_230 = arith.addf %parallel_loop3A_226, %parallel_loop3A_229 : vector<16xf32>
        %parallel_loop3A_231 = arith.constant 0.000000e+00 : f32
        %parallel_loop3A_232 = vector.broadcast %parallel_loop3A_231 : f32 to vector<16xf32>
        %parallel_loop3A_233 = arith.maximumf %parallel_loop3A_230, %parallel_loop3A_232 : vector<16xf32>
        %parallel_loop3A_234 = arith.mulf %parallel_loop3A_233, %get3A_16 : vector<16xf32>
        %parallel_loop3A_235 = arith.addf %parallel_loop3A_223, %parallel_loop3A_234 : vector<16xf32>
        %parallel_loop3A_236 = arith.index_cast %parallel_loop3A_149 : i32 to index
        %parallel_loop3A_237 = arith.constant 112 : index
        %parallel_loop3A_238 = tpu.vector_load %arg9[%parallel_loop3A_236, %parallel_loop3A_237] {strides = array<i32>} : memref<80x128xf32, #tpu.memory_space<vmem>>, vector<16xf32>,
        %parallel_loop3A_239 = arith.index_cast %parallel_loop3A_149 : i32 to index
        %parallel_loop3A_240 = arith.constant 112 : index
        %parallel_loop3A_241 = tpu.vector_load %arg11[%parallel_loop3A_239, %parallel_loop3A_240] {strides = array<i32>} : memref<80x128xf32, #tpu.memory_space<vmem>>, vector<16xf32>,
        %parallel_loop3A_242 = arith.addf %parallel_loop3A_238, %parallel_loop3A_241 : vector<16xf32>
        %parallel_loop3A_243 = arith.constant 0.000000e+00 : f32
        %parallel_loop3A_244 = vector.broadcast %parallel_loop3A_243 : f32 to vector<16xf32>
        %parallel_loop3A_245 = arith.maximumf %parallel_loop3A_242, %parallel_loop3A_244 : vector<16xf32>
        %parallel_loop3A_246 = arith.mulf %parallel_loop3A_245, %get3A_18 : vector<16xf32>
        %parallel_loop3A_247 = arith.addf %parallel_loop3A_235, %parallel_loop3A_246 : vector<16xf32>
        %parallel_loop3A_248 = arith.constant 16 : i32
        %parallel_loop3A_249 = arith.muli %parallel_loop3A_149, %parallel_loop3A_248 : i32
        %parallel_loop3A_250 = arith.index_cast %parallel_loop3A_249 : i32 to index
        %parallel_loop3A_251 = tpu.vector_load %arg14[%parallel_loop3A_250] {strides = array<i32>} : memref<1280xf32, #tpu.memory_space<vmem>>, vector<16xf32>,
        tpu.vector_store %arg14[%parallel_loop3A_250], %parallel_loop3A_247 {strides = array<i32>} : memref<1280xf32, #tpu.memory_space<vmem>>, vector<16xf32>,
      } {sc.loop_unroll_factor = 4 : i64, sc.parallel_access}
      %mul3A_96 = arith.constant 80 : i32
      %mul3A_97 = arith.muli %add3A_64, %mul3A_96 : i32
      %add3A_98 = arith.addi %mul3A_2, %mul3A_97 : i32
      %mul3A_99 = arith.constant 16 : i32
      %mul3A_100 = arith.muli %add3A_98, %mul3A_99 : i32
      %dma_start3A_101 = tpu.memref_slice %arg6[%mul3A_100] : memref<5120000xf32, #tpu.memory_space<hbm>> -> memref<1280xf32, #tpu.memory_space<hbm>>
      %dma_start3A_102 = tpu.memref_slice %arg6[%mul3A_100] : memref<5120000xf32, #tpu.memory_space<hbm>> -> memref<1280xf32, #tpu.memory_space<hbm>>
      tpu.enqueue_dma source(%arg14 : memref<1280xf32, #tpu.memory_space<vmem>>) target(%dma_start3A_102 : memref<1280xf32, #tpu.memory_space<hbm>>) target_semaphore(%arg17 : memref<!tpu.dma_semaphore, #tpu.memory_space<semaphore_mem>>)
      %mul3A_103 = arith.constant 2 : i32
      %mul3A_104 = arith.muli %mul3A_103, %scan3A_59 : i32
      %add3A_105 = arith.constant 1 : i32
      %add3A_106 = arith.addi %mul3A_104, %add3A_105 : i32
      %dma_wait3A_107 = arith.constant 0 : i32
      %dma_wait3A_108 = arith.constant 0 : i32
      %dma_wait3A_109 = tpu.memref_slice %arg2[%dma_wait3A_107, %dma_wait3A_108] : memref<10240x128xf32, #tpu.memory_space<hbm>> -> memref<80x128xf32, #tpu.memory_space<hbm>>
      %dma_wait3A_110 = arith.constant 0 : i32
      %dma_wait3A_111 = arith.constant 0 : i32
      %dma_wait3A_112 = tpu.memref_slice %arg2[%dma_wait3A_110, %dma_wait3A_111] : memref<10240x128xf32, #tpu.memory_space<hbm>> -> memref<80x128xf32, #tpu.memory_space<hbm>>
      tpu.wait_dma2 semaphore(%arg16 : memref<!tpu.dma_semaphore, #tpu.memory_space<semaphore_mem>>) src(%dma_wait3A_112 : memref<80x128xf32, #tpu.memory_space<hbm>>) dst(%arg10 : memref<80x128xf32, #tpu.memory_space<vmem>>)
      %dma_wait3A_113 = arith.constant 0 : i32
      %dma_wait3A_114 = arith.constant 0 : i32
      %dma_wait3A_115 = tpu.memref_slice %arg3[%dma_wait3A_113, %dma_wait3A_114] : memref<10240x128xf32, #tpu.memory_space<hbm>> -> memref<80x128xf32, #tpu.memory_space<hbm>>
      %dma_wait3A_116 = arith.constant 0 : i32
      %dma_wait3A_117 = arith.constant 0 : i32
      %dma_wait3A_118 = tpu.memref_slice %arg3[%dma_wait3A_116, %dma_wait3A_117] : memref<10240x128xf32, #tpu.memory_space<hbm>> -> memref<80x128xf32, #tpu.memory_space<hbm>>
      tpu.wait_dma2 semaphore(%arg16 : memref<!tpu.dma_semaphore, #tpu.memory_space<semaphore_mem>>) src(%dma_wait3A_118 : memref<80x128xf32, #tpu.memory_space<hbm>>) dst(%arg12 : memref<80x128xf32, #tpu.memory_space<vmem>>)
      %add3A_119 = arith.constant 1 : i32
      %add3A_120 = arith.addi %add3A_106, %add3A_119 : i32
      %mul3A_121 = arith.constant 80 : i32
      %mul3A_122 = arith.muli %add3A_120, %mul3A_121 : i32
      %dma_start3A_123 = tpu.memref_slice %arg7[%mul3A_122] : memref<10000xi32, #tpu.memory_space<vmem>> -> memref<80xi32, #tpu.memory_space<vmem>>
      %dma_start3A_124 = arith.constant 0 : i32
      %dma_start3A_125 = arith.constant 0 : i32
      %dma_start3A_126 = tpu.memref_slice %arg2[%dma_start3A_124, %dma_start3A_125] : memref<10240x128xf32, #tpu.memory_space<hbm>> -> memref<10240x128xf32, #tpu.memory_space<hbm>>
      tpu.enqueue_indirect_dma source(%dma_start3A_126 : memref<10240x128xf32, #tpu.memory_space<hbm>>) target(%arg9 : memref<80x128xf32, #tpu.memory_space<vmem>>) offsets(%dma_start3A_123 : memref<80xi32, #tpu.memory_space<vmem>>) semaphore(%arg16 : memref<!tpu.dma_semaphore, #tpu.memory_space<semaphore_mem>>)
      %mul3A_127 = arith.constant 80 : i32
      %mul3A_128 = arith.muli %add3A_120, %mul3A_127 : i32
      %dma_start3A_129 = tpu.memref_slice %arg8[%mul3A_128] : memref<10000xi32, #tpu.memory_space<vmem>> -> memref<80xi32, #tpu.memory_space<vmem>>
      %dma_start3A_130 = arith.constant 0 : i32
      %dma_start3A_131 = arith.constant 0 : i32
      %dma_start3A_132 = tpu.memref_slice %arg3[%dma_start3A_130, %dma_start3A_131] : memref<10240x128xf32, #tpu.memory_space<hbm>> -> memref<10240x128xf32, #tpu.memory_space<hbm>>
      tpu.enqueue_indirect_dma source(%dma_start3A_132 : memref<10240x128xf32, #tpu.memory_space<hbm>>) target(%arg11 : memref<80x128xf32, #tpu.memory_space<vmem>>) offsets(%dma_start3A_129 : memref<80xi32, #tpu.memory_space<vmem>>) semaphore(%arg16 : memref<!tpu.dma_semaphore, #tpu.memory_space<semaphore_mem>>)
      %ge3A_133 = arith.constant 2 : i32
      %ge3A_134 = arith.cmpi sge, %add3A_106, %ge3A_133 : i32
      %convert_element_type3A_135 = arith.extui %ge3A_134 : i1 to i32
      %cond3A_136 = arith.constant 0 : i32
      %cond3A_137 = arith.cmpi ne, %convert_element_type3A_135, %cond3A_136 : i32
      scf.if %cond3A_137 {
        %dma_wait3A_149 = arith.constant 0 : i32
        %dma_wait3A_150 = tpu.memref_slice %arg6[%dma_wait3A_149] : memref<5120000xf32, #tpu.memory_space<hbm>> -> memref<1280xf32, #tpu.memory_space<hbm>>
        %dma_wait3A_151 = arith.constant 0 : i32
        %dma_wait3A_152 = tpu.memref_slice %arg6[%dma_wait3A_151] : memref<5120000xf32, #tpu.memory_space<hbm>> -> memref<1280xf32, #tpu.memory_space<hbm>>
        tpu.wait_dma2 semaphore(%arg17 : memref<!tpu.dma_semaphore, #tpu.memory_space<semaphore_mem>>) src(%dma_wait3A_152 : memref<1280xf32, #tpu.memory_space<hbm>>) dst(%arg15 : memref<1280xf32, #tpu.memory_space<vmem>>)
      } else {
      }
      %parallel_loop3A_138 = arith.constant 0 : i32
      %parallel_loop3A_139 = arith.constant 80 : i32
      %parallel_loop3A_140 = arith.constant 1 : i32
      scf.for %parallel_loop3A_149 = %parallel_loop3A_138 to %parallel_loop3A_139 step %parallel_loop3A_140  : i32 {
        %parallel_loop3A_150 = arith.constant 0.000000e+00 : f32
        %parallel_loop3A_151 = vector.broadcast %parallel_loop3A_150 : f32 to vector<16xf32>
        %parallel_loop3A_152 = arith.index_cast %parallel_loop3A_149 : i32 to index
        %parallel_loop3A_153 = arith.constant 0 : index
        %parallel_loop3A_154 = tpu.vector_load %arg10[%parallel_loop3A_152, %parallel_loop3A_153] {strides = array<i32>} : memref<80x128xf32, #tpu.memory_space<vmem>>, vector<16xf32>,
        %parallel_loop3A_155 = arith.index_cast %parallel_loop3A_149 : i32 to index
        %parallel_loop3A_156 = arith.constant 0 : index
        %parallel_loop3A_157 = tpu.vector_load %arg12[%parallel_loop3A_155, %parallel_loop3A_156] {strides = array<i32>} : memref<80x128xf32, #tpu.memory_space<vmem>>, vector<16xf32>,
        %parallel_loop3A_158 = arith.addf %parallel_loop3A_154, %parallel_loop3A_157 : vector<16xf32>
        %parallel_loop3A_159 = arith.constant 0.000000e+00 : f32
        %parallel_loop3A_160 = vector.broadcast %parallel_loop3A_159 : f32 to vector<16xf32>
        %parallel_loop3A_161 = arith.maximumf %parallel_loop3A_158, %parallel_loop3A_160 : vector<16xf32>
        %parallel_loop3A_162 = arith.mulf %parallel_loop3A_161, %get3A_4 : vector<16xf32>
        %parallel_loop3A_163 = arith.addf %parallel_loop3A_151, %parallel_loop3A_162 : vector<16xf32>
        %parallel_loop3A_164 = arith.index_cast %parallel_loop3A_149 : i32 to index
        %parallel_loop3A_165 = arith.constant 16 : index
        %parallel_loop3A_166 = tpu.vector_load %arg10[%parallel_loop3A_164, %parallel_loop3A_165] {strides = array<i32>} : memref<80x128xf32, #tpu.memory_space<vmem>>, vector<16xf32>,
        %parallel_loop3A_167 = arith.index_cast %parallel_loop3A_149 : i32 to index
        %parallel_loop3A_168 = arith.constant 16 : index
        %parallel_loop3A_169 = tpu.vector_load %arg12[%parallel_loop3A_167, %parallel_loop3A_168] {strides = array<i32>} : memref<80x128xf32, #tpu.memory_space<vmem>>, vector<16xf32>,
        %parallel_loop3A_170 = arith.addf %parallel_loop3A_166, %parallel_loop3A_169 : vector<16xf32>
        %parallel_loop3A_171 = arith.constant 0.000000e+00 : f32
        %parallel_loop3A_172 = vector.broadcast %parallel_loop3A_171 : f32 to vector<16xf32>
        %parallel_loop3A_173 = arith.maximumf %parallel_loop3A_170, %parallel_loop3A_172 : vector<16xf32>
        %parallel_loop3A_174 = arith.mulf %parallel_loop3A_173, %get3A_6 : vector<16xf32>
        %parallel_loop3A_175 = arith.addf %parallel_loop3A_163, %parallel_loop3A_174 : vector<16xf32>
        %parallel_loop3A_176 = arith.index_cast %parallel_loop3A_149 : i32 to index
        %parallel_loop3A_177 = arith.constant 32 : index
        %parallel_loop3A_178 = tpu.vector_load %arg10[%parallel_loop3A_176, %parallel_loop3A_177] {strides = array<i32>} : memref<80x128xf32, #tpu.memory_space<vmem>>, vector<16xf32>,
        %parallel_loop3A_179 = arith.index_cast %parallel_loop3A_149 : i32 to index
        %parallel_loop3A_180 = arith.constant 32 : index
        %parallel_loop3A_181 = tpu.vector_load %arg12[%parallel_loop3A_179, %parallel_loop3A_180] {strides = array<i32>} : memref<80x128xf32, #tpu.memory_space<vmem>>, vector<16xf32>,
        %parallel_loop3A_182 = arith.addf %parallel_loop3A_178, %parallel_loop3A_181 : vector<16xf32>
        %parallel_loop3A_183 = arith.constant 0.000000e+00 : f32
        %parallel_loop3A_184 = vector.broadcast %parallel_loop3A_183 : f32 to vector<16xf32>
        %parallel_loop3A_185 = arith.maximumf %parallel_loop3A_182, %parallel_loop3A_184 : vector<16xf32>
        %parallel_loop3A_186 = arith.mulf %parallel_loop3A_185, %get3A_8 : vector<16xf32>
        %parallel_loop3A_187 = arith.addf %parallel_loop3A_175, %parallel_loop3A_186 : vector<16xf32>
        %parallel_loop3A_188 = arith.index_cast %parallel_loop3A_149 : i32 to index
        %parallel_loop3A_189 = arith.constant 48 : index
        %parallel_loop3A_190 = tpu.vector_load %arg10[%parallel_loop3A_188, %parallel_loop3A_189] {strides = array<i32>} : memref<80x128xf32, #tpu.memory_space<vmem>>, vector<16xf32>,
        %parallel_loop3A_191 = arith.index_cast %parallel_loop3A_149 : i32 to index
        %parallel_loop3A_192 = arith.constant 48 : index
        %parallel_loop3A_193 = tpu.vector_load %arg12[%parallel_loop3A_191, %parallel_loop3A_192] {strides = array<i32>} : memref<80x128xf32, #tpu.memory_space<vmem>>, vector<16xf32>,
        %parallel_loop3A_194 = arith.addf %parallel_loop3A_190, %parallel_loop3A_193 : vector<16xf32>
        %parallel_loop3A_195 = arith.constant 0.000000e+00 : f32
        %parallel_loop3A_196 = vector.broadcast %parallel_loop3A_195 : f32 to vector<16xf32>
        %parallel_loop3A_197 = arith.maximumf %parallel_loop3A_194, %parallel_loop3A_196 : vector<16xf32>
        %parallel_loop3A_198 = arith.mulf %parallel_loop3A_197, %get3A_10 : vector<16xf32>
        %parallel_loop3A_199 = arith.addf %parallel_loop3A_187, %parallel_loop3A_198 : vector<16xf32>
        %parallel_loop3A_200 = arith.index_cast %parallel_loop3A_149 : i32 to index
        %parallel_loop3A_201 = arith.constant 64 : index
        %parallel_loop3A_202 = tpu.vector_load %arg10[%parallel_loop3A_200, %parallel_loop3A_201] {strides = array<i32>} : memref<80x128xf32, #tpu.memory_space<vmem>>, vector<16xf32>,
        %parallel_loop3A_203 = arith.index_cast %parallel_loop3A_149 : i32 to index
        %parallel_loop3A_204 = arith.constant 64 : index
        %parallel_loop3A_205 = tpu.vector_load %arg12[%parallel_loop3A_203, %parallel_loop3A_204] {strides = array<i32>} : memref<80x128xf32, #tpu.memory_space<vmem>>, vector<16xf32>,
        %parallel_loop3A_206 = arith.addf %parallel_loop3A_202, %parallel_loop3A_205 : vector<16xf32>
        %parallel_loop3A_207 = arith.constant 0.000000e+00 : f32
        %parallel_loop3A_208 = vector.broadcast %parallel_loop3A_207 : f32 to vector<16xf32>
        %parallel_loop3A_209 = arith.maximumf %parallel_loop3A_206, %parallel_loop3A_208 : vector<16xf32>
        %parallel_loop3A_210 = arith.mulf %parallel_loop3A_209, %get3A_12 : vector<16xf32>
        %parallel_loop3A_211 = arith.addf %parallel_loop3A_199, %parallel_loop3A_210 : vector<16xf32>
        %parallel_loop3A_212 = arith.index_cast %parallel_loop3A_149 : i32 to index
        %parallel_loop3A_213 = arith.constant 80 : index
        %parallel_loop3A_214 = tpu.vector_load %arg10[%parallel_loop3A_212, %parallel_loop3A_213] {strides = array<i32>} : memref<80x128xf32, #tpu.memory_space<vmem>>, vector<16xf32>,
        %parallel_loop3A_215 = arith.index_cast %parallel_loop3A_149 : i32 to index
        %parallel_loop3A_216 = arith.constant 80 : index
        %parallel_loop3A_217 = tpu.vector_load %arg12[%parallel_loop3A_215, %parallel_loop3A_216] {strides = array<i32>} : memref<80x128xf32, #tpu.memory_space<vmem>>, vector<16xf32>,
        %parallel_loop3A_218 = arith.addf %parallel_loop3A_214, %parallel_loop3A_217 : vector<16xf32>
        %parallel_loop3A_219 = arith.constant 0.000000e+00 : f32
        %parallel_loop3A_220 = vector.broadcast %parallel_loop3A_219 : f32 to vector<16xf32>
        %parallel_loop3A_221 = arith.maximumf %parallel_loop3A_218, %parallel_loop3A_220 : vector<16xf32>
        %parallel_loop3A_222 = arith.mulf %parallel_loop3A_221, %get3A_14 : vector<16xf32>
        %parallel_loop3A_223 = arith.addf %parallel_loop3A_211, %parallel_loop3A_222 : vector<16xf32>
        %parallel_loop3A_224 = arith.index_cast %parallel_loop3A_149 : i32 to index
        %parallel_loop3A_225 = arith.constant 96 : index
        %parallel_loop3A_226 = tpu.vector_load %arg10[%parallel_loop3A_224, %parallel_loop3A_225] {strides = array<i32>} : memref<80x128xf32, #tpu.memory_space<vmem>>, vector<16xf32>,
        %parallel_loop3A_227 = arith.index_cast %parallel_loop3A_149 : i32 to index
        %parallel_loop3A_228 = arith.constant 96 : index
        %parallel_loop3A_229 = tpu.vector_load %arg12[%parallel_loop3A_227, %parallel_loop3A_228] {strides = array<i32>} : memref<80x128xf32, #tpu.memory_space<vmem>>, vector<16xf32>,
        %parallel_loop3A_230 = arith.addf %parallel_loop3A_226, %parallel_loop3A_229 : vector<16xf32>
        %parallel_loop3A_231 = arith.constant 0.000000e+00 : f32
        %parallel_loop3A_232 = vector.broadcast %parallel_loop3A_231 : f32 to vector<16xf32>
        %parallel_loop3A_233 = arith.maximumf %parallel_loop3A_230, %parallel_loop3A_232 : vector<16xf32>
        %parallel_loop3A_234 = arith.mulf %parallel_loop3A_233, %get3A_16 : vector<16xf32>
        %parallel_loop3A_235 = arith.addf %parallel_loop3A_223, %parallel_loop3A_234 : vector<16xf32>
        %parallel_loop3A_236 = arith.index_cast %parallel_loop3A_149 : i32 to index
        %parallel_loop3A_237 = arith.constant 112 : index
        %parallel_loop3A_238 = tpu.vector_load %arg10[%parallel_loop3A_236, %parallel_loop3A_237] {strides = array<i32>} : memref<80x128xf32, #tpu.memory_space<vmem>>, vector<16xf32>,
        %parallel_loop3A_239 = arith.index_cast %parallel_loop3A_149 : i32 to index
        %parallel_loop3A_240 = arith.constant 112 : index
        %parallel_loop3A_241 = tpu.vector_load %arg12[%parallel_loop3A_239, %parallel_loop3A_240] {strides = array<i32>} : memref<80x128xf32, #tpu.memory_space<vmem>>, vector<16xf32>,
        %parallel_loop3A_242 = arith.addf %parallel_loop3A_238, %parallel_loop3A_241 : vector<16xf32>
        %parallel_loop3A_243 = arith.constant 0.000000e+00 : f32
        %parallel_loop3A_244 = vector.broadcast %parallel_loop3A_243 : f32 to vector<16xf32>
        %parallel_loop3A_245 = arith.maximumf %parallel_loop3A_242, %parallel_loop3A_244 : vector<16xf32>
        %parallel_loop3A_246 = arith.mulf %parallel_loop3A_245, %get3A_18 : vector<16xf32>
        %parallel_loop3A_247 = arith.addf %parallel_loop3A_235, %parallel_loop3A_246 : vector<16xf32>
        %parallel_loop3A_248 = arith.constant 16 : i32
        %parallel_loop3A_249 = arith.muli %parallel_loop3A_149, %parallel_loop3A_248 : i32
        %parallel_loop3A_250 = arith.index_cast %parallel_loop3A_249 : i32 to index
        %parallel_loop3A_251 = tpu.vector_load %arg15[%parallel_loop3A_250] {strides = array<i32>} : memref<1280xf32, #tpu.memory_space<vmem>>, vector<16xf32>,
        tpu.vector_store %arg15[%parallel_loop3A_250], %parallel_loop3A_247 {strides = array<i32>} : memref<1280xf32, #tpu.memory_space<vmem>>, vector<16xf32>,
      } {sc.loop_unroll_factor = 4 : i64, sc.parallel_access}
      %mul3A_141 = arith.constant 80 : i32
      %mul3A_142 = arith.muli %add3A_106, %mul3A_141 : i32
      %add3A_143 = arith.addi %mul3A_2, %mul3A_142 : i32
      %mul3A_144 = arith.constant 16 : i32
      %mul3A_145 = arith.muli %add3A_143, %mul3A_144 : i32
      %dma_start3A_146 = tpu.memref_slice %arg6[%mul3A_145] : memref<5120000xf32, #tpu.memory_space<hbm>> -> memref<1280xf32, #tpu.memory_space<hbm>>
      %dma_start3A_147 = tpu.memref_slice %arg6[%mul3A_145] : memref<5120000xf32, #tpu.memory_space<hbm>> -> memref<1280xf32, #tpu.memory_space<hbm>>
      tpu.enqueue_dma source(%arg15 : memref<1280xf32, #tpu.memory_space<vmem>>) target(%dma_start3A_147 : memref<1280xf32, #tpu.memory_space<hbm>>) target_semaphore(%arg17 : memref<!tpu.dma_semaphore, #tpu.memory_space<semaphore_mem>>)
      %scan3A_148 = arith.constant 0 : i32
      scf.yield %scan3A_148 : i32
    }
    %scan3A_33 = arith.constant 62 : i32
    %dma_wait3A = arith.constant 0 : i32
    %dma_wait3A_34 = arith.constant 0 : i32
    %dma_wait3A_35 = tpu.memref_slice %arg2[%dma_wait3A, %dma_wait3A_34] : memref<10240x128xf32, #tpu.memory_space<hbm>> -> memref<80x128xf32, #tpu.memory_space<hbm>>
    %dma_wait3A_36 = arith.constant 0 : i32
    %dma_wait3A_37 = arith.constant 0 : i32
    %dma_wait3A_38 = tpu.memref_slice %arg2[%dma_wait3A_36, %dma_wait3A_37] : memref<10240x128xf32, #tpu.memory_space<hbm>> -> memref<80x128xf32, #tpu.memory_space<hbm>>
    tpu.wait_dma2 semaphore(%arg16 : memref<!tpu.dma_semaphore, #tpu.memory_space<semaphore_mem>>) src(%dma_wait3A_38 : memref<80x128xf32, #tpu.memory_space<hbm>>) dst(%arg9 : memref<80x128xf32, #tpu.memory_space<vmem>>)
    %dma_wait3A_39 = arith.constant 0 : i32
    %dma_wait3A_40 = arith.constant 0 : i32
    %dma_wait3A_41 = tpu.memref_slice %arg3[%dma_wait3A_39, %dma_wait3A_40] : memref<10240x128xf32, #tpu.memory_space<hbm>> -> memref<80x128xf32, #tpu.memory_space<hbm>>
    %dma_wait3A_42 = arith.constant 0 : i32
    %dma_wait3A_43 = arith.constant 0 : i32
    %dma_wait3A_44 = tpu.memref_slice %arg3[%dma_wait3A_42, %dma_wait3A_43] : memref<10240x128xf32, #tpu.memory_space<hbm>> -> memref<80x128xf32, #tpu.memory_space<hbm>>
    tpu.wait_dma2 semaphore(%arg16 : memref<!tpu.dma_semaphore, #tpu.memory_space<semaphore_mem>>) src(%dma_wait3A_44 : memref<80x128xf32, #tpu.memory_space<hbm>>) dst(%arg11 : memref<80x128xf32, #tpu.memory_space<vmem>>)
    %dma_wait3A_45 = arith.constant 0 : i32
    %dma_wait3A_46 = tpu.memref_slice %arg6[%dma_wait3A_45] : memref<5120000xf32, #tpu.memory_space<hbm>> -> memref<1280xf32, #tpu.memory_space<hbm>>
    %dma_wait3A_47 = arith.constant 0 : i32
    %dma_wait3A_48 = tpu.memref_slice %arg6[%dma_wait3A_47] : memref<5120000xf32, #tpu.memory_space<hbm>> -> memref<1280xf32, #tpu.memory_space<hbm>>
    tpu.wait_dma2 semaphore(%arg17 : memref<!tpu.dma_semaphore, #tpu.memory_space<semaphore_mem>>) src(%dma_wait3A_48 : memref<1280xf32, #tpu.memory_space<hbm>>) dst(%arg14 : memref<1280xf32, #tpu.memory_space<vmem>>)
    %parallel_loop3A = arith.constant 0 : i32
    %parallel_loop3A_49 = arith.constant 80 : i32
    %parallel_loop3A_50 = arith.constant 1 : i32
    scf.for %parallel_loop3A_59 = %parallel_loop3A to %parallel_loop3A_49 step %parallel_loop3A_50  : i32 {
      %parallel_loop3A_60 = arith.constant 0.000000e+00 : f32
      %parallel_loop3A_61 = vector.broadcast %parallel_loop3A_60 : f32 to vector<16xf32>
      %parallel_loop3A_62 = arith.index_cast %parallel_loop3A_59 : i32 to index
      %parallel_loop3A_63 = arith.constant 0 : index
      %parallel_loop3A_64 = tpu.vector_load %arg9[%parallel_loop3A_62, %parallel_loop3A_63] {strides = array<i32>} : memref<80x128xf32, #tpu.memory_space<vmem>>, vector<16xf32>,
      %parallel_loop3A_65 = arith.index_cast %parallel_loop3A_59 : i32 to index
      %parallel_loop3A_66 = arith.constant 0 : index
      %parallel_loop3A_67 = tpu.vector_load %arg11[%parallel_loop3A_65, %parallel_loop3A_66] {strides = array<i32>} : memref<80x128xf32, #tpu.memory_space<vmem>>, vector<16xf32>,
      %parallel_loop3A_68 = arith.addf %parallel_loop3A_64, %parallel_loop3A_67 : vector<16xf32>
      %parallel_loop3A_69 = arith.constant 0.000000e+00 : f32
      %parallel_loop3A_70 = vector.broadcast %parallel_loop3A_69 : f32 to vector<16xf32>
      %parallel_loop3A_71 = arith.maximumf %parallel_loop3A_68, %parallel_loop3A_70 : vector<16xf32>
      %parallel_loop3A_72 = arith.mulf %parallel_loop3A_71, %get3A_4 : vector<16xf32>
      %parallel_loop3A_73 = arith.addf %parallel_loop3A_61, %parallel_loop3A_72 : vector<16xf32>
      %parallel_loop3A_74 = arith.index_cast %parallel_loop3A_59 : i32 to index
      %parallel_loop3A_75 = arith.constant 16 : index
      %parallel_loop3A_76 = tpu.vector_load %arg9[%parallel_loop3A_74, %parallel_loop3A_75] {strides = array<i32>} : memref<80x128xf32, #tpu.memory_space<vmem>>, vector<16xf32>,
      %parallel_loop3A_77 = arith.index_cast %parallel_loop3A_59 : i32 to index
      %parallel_loop3A_78 = arith.constant 16 : index
      %parallel_loop3A_79 = tpu.vector_load %arg11[%parallel_loop3A_77, %parallel_loop3A_78] {strides = array<i32>} : memref<80x128xf32, #tpu.memory_space<vmem>>, vector<16xf32>,
      %parallel_loop3A_80 = arith.addf %parallel_loop3A_76, %parallel_loop3A_79 : vector<16xf32>
      %parallel_loop3A_81 = arith.constant 0.000000e+00 : f32
      %parallel_loop3A_82 = vector.broadcast %parallel_loop3A_81 : f32 to vector<16xf32>
      %parallel_loop3A_83 = arith.maximumf %parallel_loop3A_80, %parallel_loop3A_82 : vector<16xf32>
      %parallel_loop3A_84 = arith.mulf %parallel_loop3A_83, %get3A_6 : vector<16xf32>
      %parallel_loop3A_85 = arith.addf %parallel_loop3A_73, %parallel_loop3A_84 : vector<16xf32>
      %parallel_loop3A_86 = arith.index_cast %parallel_loop3A_59 : i32 to index
      %parallel_loop3A_87 = arith.constant 32 : index
      %parallel_loop3A_88 = tpu.vector_load %arg9[%parallel_loop3A_86, %parallel_loop3A_87] {strides = array<i32>} : memref<80x128xf32, #tpu.memory_space<vmem>>, vector<16xf32>,
      %parallel_loop3A_89 = arith.index_cast %parallel_loop3A_59 : i32 to index
      %parallel_loop3A_90 = arith.constant 32 : index
      %parallel_loop3A_91 = tpu.vector_load %arg11[%parallel_loop3A_89, %parallel_loop3A_90] {strides = array<i32>} : memref<80x128xf32, #tpu.memory_space<vmem>>, vector<16xf32>,
      %parallel_loop3A_92 = arith.addf %parallel_loop3A_88, %parallel_loop3A_91 : vector<16xf32>
      %parallel_loop3A_93 = arith.constant 0.000000e+00 : f32
      %parallel_loop3A_94 = vector.broadcast %parallel_loop3A_93 : f32 to vector<16xf32>
      %parallel_loop3A_95 = arith.maximumf %parallel_loop3A_92, %parallel_loop3A_94 : vector<16xf32>
      %parallel_loop3A_96 = arith.mulf %parallel_loop3A_95, %get3A_8 : vector<16xf32>
      %parallel_loop3A_97 = arith.addf %parallel_loop3A_85, %parallel_loop3A_96 : vector<16xf32>
      %parallel_loop3A_98 = arith.index_cast %parallel_loop3A_59 : i32 to index
      %parallel_loop3A_99 = arith.constant 48 : index
      %parallel_loop3A_100 = tpu.vector_load %arg9[%parallel_loop3A_98, %parallel_loop3A_99] {strides = array<i32>} : memref<80x128xf32, #tpu.memory_space<vmem>>, vector<16xf32>,
      %parallel_loop3A_101 = arith.index_cast %parallel_loop3A_59 : i32 to index
      %parallel_loop3A_102 = arith.constant 48 : index
      %parallel_loop3A_103 = tpu.vector_load %arg11[%parallel_loop3A_101, %parallel_loop3A_102] {strides = array<i32>} : memref<80x128xf32, #tpu.memory_space<vmem>>, vector<16xf32>,
      %parallel_loop3A_104 = arith.addf %parallel_loop3A_100, %parallel_loop3A_103 : vector<16xf32>
      %parallel_loop3A_105 = arith.constant 0.000000e+00 : f32
      %parallel_loop3A_106 = vector.broadcast %parallel_loop3A_105 : f32 to vector<16xf32>
      %parallel_loop3A_107 = arith.maximumf %parallel_loop3A_104, %parallel_loop3A_106 : vector<16xf32>
      %parallel_loop3A_108 = arith.mulf %parallel_loop3A_107, %get3A_10 : vector<16xf32>
      %parallel_loop3A_109 = arith.addf %parallel_loop3A_97, %parallel_loop3A_108 : vector<16xf32>
      %parallel_loop3A_110 = arith.index_cast %parallel_loop3A_59 : i32 to index
      %parallel_loop3A_111 = arith.constant 64 : index
      %parallel_loop3A_112 = tpu.vector_load %arg9[%parallel_loop3A_110, %parallel_loop3A_111] {strides = array<i32>} : memref<80x128xf32, #tpu.memory_space<vmem>>, vector<16xf32>,
      %parallel_loop3A_113 = arith.index_cast %parallel_loop3A_59 : i32 to index
      %parallel_loop3A_114 = arith.constant 64 : index
      %parallel_loop3A_115 = tpu.vector_load %arg11[%parallel_loop3A_113, %parallel_loop3A_114] {strides = array<i32>} : memref<80x128xf32, #tpu.memory_space<vmem>>, vector<16xf32>,
      %parallel_loop3A_116 = arith.addf %parallel_loop3A_112, %parallel_loop3A_115 : vector<16xf32>
      %parallel_loop3A_117 = arith.constant 0.000000e+00 : f32
      %parallel_loop3A_118 = vector.broadcast %parallel_loop3A_117 : f32 to vector<16xf32>
      %parallel_loop3A_119 = arith.maximumf %parallel_loop3A_116, %parallel_loop3A_118 : vector<16xf32>
      %parallel_loop3A_120 = arith.mulf %parallel_loop3A_119, %get3A_12 : vector<16xf32>
      %parallel_loop3A_121 = arith.addf %parallel_loop3A_109, %parallel_loop3A_120 : vector<16xf32>
      %parallel_loop3A_122 = arith.index_cast %parallel_loop3A_59 : i32 to index
      %parallel_loop3A_123 = arith.constant 80 : index
      %parallel_loop3A_124 = tpu.vector_load %arg9[%parallel_loop3A_122, %parallel_loop3A_123] {strides = array<i32>} : memref<80x128xf32, #tpu.memory_space<vmem>>, vector<16xf32>,
      %parallel_loop3A_125 = arith.index_cast %parallel_loop3A_59 : i32 to index
      %parallel_loop3A_126 = arith.constant 80 : index
      %parallel_loop3A_127 = tpu.vector_load %arg11[%parallel_loop3A_125, %parallel_loop3A_126] {strides = array<i32>} : memref<80x128xf32, #tpu.memory_space<vmem>>, vector<16xf32>,
      %parallel_loop3A_128 = arith.addf %parallel_loop3A_124, %parallel_loop3A_127 : vector<16xf32>
      %parallel_loop3A_129 = arith.constant 0.000000e+00 : f32
      %parallel_loop3A_130 = vector.broadcast %parallel_loop3A_129 : f32 to vector<16xf32>
      %parallel_loop3A_131 = arith.maximumf %parallel_loop3A_128, %parallel_loop3A_130 : vector<16xf32>
      %parallel_loop3A_132 = arith.mulf %parallel_loop3A_131, %get3A_14 : vector<16xf32>
      %parallel_loop3A_133 = arith.addf %parallel_loop3A_121, %parallel_loop3A_132 : vector<16xf32>
      %parallel_loop3A_134 = arith.index_cast %parallel_loop3A_59 : i32 to index
      %parallel_loop3A_135 = arith.constant 96 : index
      %parallel_loop3A_136 = tpu.vector_load %arg9[%parallel_loop3A_134, %parallel_loop3A_135] {strides = array<i32>} : memref<80x128xf32, #tpu.memory_space<vmem>>, vector<16xf32>,
      %parallel_loop3A_137 = arith.index_cast %parallel_loop3A_59 : i32 to index
      %parallel_loop3A_138 = arith.constant 96 : index
      %parallel_loop3A_139 = tpu.vector_load %arg11[%parallel_loop3A_137, %parallel_loop3A_138] {strides = array<i32>} : memref<80x128xf32, #tpu.memory_space<vmem>>, vector<16xf32>,
      %parallel_loop3A_140 = arith.addf %parallel_loop3A_136, %parallel_loop3A_139 : vector<16xf32>
      %parallel_loop3A_141 = arith.constant 0.000000e+00 : f32
      %parallel_loop3A_142 = vector.broadcast %parallel_loop3A_141 : f32 to vector<16xf32>
      %parallel_loop3A_143 = arith.maximumf %parallel_loop3A_140, %parallel_loop3A_142 : vector<16xf32>
      %parallel_loop3A_144 = arith.mulf %parallel_loop3A_143, %get3A_16 : vector<16xf32>
      %parallel_loop3A_145 = arith.addf %parallel_loop3A_133, %parallel_loop3A_144 : vector<16xf32>
      %parallel_loop3A_146 = arith.index_cast %parallel_loop3A_59 : i32 to index
      %parallel_loop3A_147 = arith.constant 112 : index
      %parallel_loop3A_148 = tpu.vector_load %arg9[%parallel_loop3A_146, %parallel_loop3A_147] {strides = array<i32>} : memref<80x128xf32, #tpu.memory_space<vmem>>, vector<16xf32>,
      %parallel_loop3A_149 = arith.index_cast %parallel_loop3A_59 : i32 to index
      %parallel_loop3A_150 = arith.constant 112 : index
      %parallel_loop3A_151 = tpu.vector_load %arg11[%parallel_loop3A_149, %parallel_loop3A_150] {strides = array<i32>} : memref<80x128xf32, #tpu.memory_space<vmem>>, vector<16xf32>,
      %parallel_loop3A_152 = arith.addf %parallel_loop3A_148, %parallel_loop3A_151 : vector<16xf32>
      %parallel_loop3A_153 = arith.constant 0.000000e+00 : f32
      %parallel_loop3A_154 = vector.broadcast %parallel_loop3A_153 : f32 to vector<16xf32>
      %parallel_loop3A_155 = arith.maximumf %parallel_loop3A_152, %parallel_loop3A_154 : vector<16xf32>
      %parallel_loop3A_156 = arith.mulf %parallel_loop3A_155, %get3A_18 : vector<16xf32>
      %parallel_loop3A_157 = arith.addf %parallel_loop3A_145, %parallel_loop3A_156 : vector<16xf32>
      %parallel_loop3A_158 = arith.constant 16 : i32
      %parallel_loop3A_159 = arith.muli %parallel_loop3A_59, %parallel_loop3A_158 : i32
      %parallel_loop3A_160 = arith.index_cast %parallel_loop3A_159 : i32 to index
      %parallel_loop3A_161 = tpu.vector_load %arg14[%parallel_loop3A_160] {strides = array<i32>} : memref<1280xf32, #tpu.memory_space<vmem>>, vector<16xf32>,
      tpu.vector_store %arg14[%parallel_loop3A_160], %parallel_loop3A_157 {strides = array<i32>} : memref<1280xf32, #tpu.memory_space<vmem>>, vector<16xf32>,
    } {sc.loop_unroll_factor = 4 : i64, sc.parallel_access}
    %dma_wait3A_51 = arith.constant 0 : i32
    %dma_wait3A_52 = tpu.memref_slice %arg6[%dma_wait3A_51] : memref<5120000xf32, #tpu.memory_space<hbm>> -> memref<1280xf32, #tpu.memory_space<hbm>>
    %dma_wait3A_53 = arith.constant 0 : i32
    %dma_wait3A_54 = tpu.memref_slice %arg6[%dma_wait3A_53] : memref<5120000xf32, #tpu.memory_space<hbm>> -> memref<1280xf32, #tpu.memory_space<hbm>>
    tpu.wait_dma2 semaphore(%arg17 : memref<!tpu.dma_semaphore, #tpu.memory_space<semaphore_mem>>) src(%dma_wait3A_54 : memref<1280xf32, #tpu.memory_space<hbm>>) dst(%arg15 : memref<1280xf32, #tpu.memory_space<vmem>>)
    %add3A_55 = arith.constant 9920 : i32
    %add3A_56 = arith.addi %mul3A_2, %add3A_55 : i32
    %mul3A_57 = arith.constant 16 : i32
    %mul3A_58 = arith.muli %add3A_56, %mul3A_57 : i32
    "tpu.region"() ({
      %run_scoped3A_59 = tpu.sem_alloc : memref<!tpu.dma_semaphore, #tpu.memory_space<semaphore_mem>>
      %dma_start3A_60 = tpu.memref_slice %arg6[%mul3A_58] : memref<5120000xf32, #tpu.memory_space<hbm>> -> memref<1280xf32, #tpu.memory_space<hbm>>
      %dma_start3A_61 = tpu.memref_slice %arg6[%mul3A_58] : memref<5120000xf32, #tpu.memory_space<hbm>> -> memref<1280xf32, #tpu.memory_space<hbm>>
      tpu.enqueue_dma source(%arg14 : memref<1280xf32, #tpu.memory_space<vmem>>) target(%dma_start3A_61 : memref<1280xf32, #tpu.memory_space<hbm>>) target_semaphore(%run_scoped3A_59 : memref<!tpu.dma_semaphore, #tpu.memory_space<semaphore_mem>>)
      %dma_wait3A_62 = tpu.memref_slice %arg6[%mul3A_58] : memref<5120000xf32, #tpu.memory_space<hbm>> -> memref<1280xf32, #tpu.memory_space<hbm>>
      %dma_wait3A_63 = tpu.memref_slice %arg6[%mul3A_58] : memref<5120000xf32, #tpu.memory_space<hbm>> -> memref<1280xf32, #tpu.memory_space<hbm>>
      tpu.wait_dma2 semaphore(%run_scoped3A_59 : memref<!tpu.dma_semaphore, #tpu.memory_space<semaphore_mem>>) src(%arg14 : memref<1280xf32, #tpu.memory_space<vmem>>) dst(%dma_wait3A_63 : memref<1280xf32, #tpu.memory_space<hbm>>)
      tpu.yield
    }) : () -> ()
    return
  }
}

#map = affine_map<(d0, d1) -> (0, 0)>
#map1 = affine_map<(d0, d1) -> (0, 0, 0)>
module attributes {stable_mosaic.version = 14 : i64} {
  func.func @body(%arg0: i32, %arg1: i32, %arg2: memref<10240x128xf32, #tpu.memory_space<hbm>>, %arg3: memref<2x320000xi32, #tpu.memory_space<hbm>>, %arg4: memref<2x10240x128xf32, #tpu.memory_space<hbm>>, %arg5: memref<400xi32, #tpu.memory_space<vmem>>, %arg6: memref<400xi32, #tpu.memory_space<vmem>>, %arg7: memref<400xi32, #tpu.memory_space<vmem>>, %arg8: memref<400xi32, #tpu.memory_space<vmem>>, %arg9: memref<80x128xf32, #tpu.memory_space<vmem>>, %arg10: memref<80x128xf32, #tpu.memory_space<vmem>>, %arg11: memref<64x128xf32, #tpu.memory_space<vmem>>, %arg12: memref<10240x128xf32, #tpu.memory_space<vmem_shared>>, %arg13: memref<!tpu.dma_semaphore, #tpu.memory_space<semaphore_mem>>, %arg14: memref<!tpu.dma_semaphore, #tpu.memory_space<semaphore_mem>>, %arg15: memref<!tpu.dma_semaphore, #tpu.memory_space<semaphore_mem>>) attributes {dimension_semantics = [#tpu.dimension_semantics<core_parallel>, #tpu.dimension_semantics<subcore_parallel>], iteration_bounds = array<i64: 2, 16>, scalar_prefetch = 0 : i64, scratch_operands = 11 : i64, tpu.core_type = #tpu.core_type<sc_vector_subcore>, window_params = [{transform_indices = #map}, {transform_indices = #map}, {transform_indices = #map1}]} {
    %mul3A = arith.constant 2 : i32
    %mul3A_0 = arith.muli %arg1, %mul3A : i32
    %add3A = arith.addi %mul3A_0, %arg0 : i32
    %mul3A_1 = arith.constant 10000 : i32
    %mul3A_2 = arith.muli %add3A, %mul3A_1 : i32
    %broadcast_in_dim3A = arith.constant 0.000000e+00 : f32
    %broadcast_in_dim3A_3 = vector.broadcast %broadcast_in_dim3A : f32 to vector<16xf32>
    %scan3A = arith.constant 0 : i32
    %scan3A_4 = arith.constant 0 : i32
    %scan3A_5 = arith.constant 64 : i32
    %scan3A_6 = arith.addi %scan3A_4, %scan3A_5 : i32
    %scan3A_7 = arith.constant 1 : i32
    %scan3A_8 = scf.for %scan3A_218 = %scan3A_4 to %scan3A_6 step %scan3A_7 iter_args(%scan3A_219 = %scan3A) -> (i32)  : i32 {
      %swap3A = arith.index_cast %scan3A_218 : i32 to index
      %swap3A_220 = arith.constant 0 : index
      %swap3A_221 = tpu.vector_load %arg11[%swap3A, %swap3A_220] {strides = array<i32>} : memref<64x128xf32, #tpu.memory_space<vmem>>, vector<16xf32>,
      tpu.vector_store %arg11[%swap3A, %swap3A_220], %broadcast_in_dim3A_3 {strides = array<i32>} : memref<64x128xf32, #tpu.memory_space<vmem>>, vector<16xf32>,
      %swap3A_222 = arith.index_cast %scan3A_218 : i32 to index
      %swap3A_223 = arith.constant 16 : index
      %swap3A_224 = tpu.vector_load %arg11[%swap3A_222, %swap3A_223] {strides = array<i32>} : memref<64x128xf32, #tpu.memory_space<vmem>>, vector<16xf32>,
      tpu.vector_store %arg11[%swap3A_222, %swap3A_223], %broadcast_in_dim3A_3 {strides = array<i32>} : memref<64x128xf32, #tpu.memory_space<vmem>>, vector<16xf32>,
      %swap3A_225 = arith.index_cast %scan3A_218 : i32 to index
      %swap3A_226 = arith.constant 32 : index
      %swap3A_227 = tpu.vector_load %arg11[%swap3A_225, %swap3A_226] {strides = array<i32>} : memref<64x128xf32, #tpu.memory_space<vmem>>, vector<16xf32>,
      tpu.vector_store %arg11[%swap3A_225, %swap3A_226], %broadcast_in_dim3A_3 {strides = array<i32>} : memref<64x128xf32, #tpu.memory_space<vmem>>, vector<16xf32>,
      %swap3A_228 = arith.index_cast %scan3A_218 : i32 to index
      %swap3A_229 = arith.constant 48 : index
      %swap3A_230 = tpu.vector_load %arg11[%swap3A_228, %swap3A_229] {strides = array<i32>} : memref<64x128xf32, #tpu.memory_space<vmem>>, vector<16xf32>,
      tpu.vector_store %arg11[%swap3A_228, %swap3A_229], %broadcast_in_dim3A_3 {strides = array<i32>} : memref<64x128xf32, #tpu.memory_space<vmem>>, vector<16xf32>,
      %swap3A_231 = arith.index_cast %scan3A_218 : i32 to index
      %swap3A_232 = arith.constant 64 : index
      %swap3A_233 = tpu.vector_load %arg11[%swap3A_231, %swap3A_232] {strides = array<i32>} : memref<64x128xf32, #tpu.memory_space<vmem>>, vector<16xf32>,
      tpu.vector_store %arg11[%swap3A_231, %swap3A_232], %broadcast_in_dim3A_3 {strides = array<i32>} : memref<64x128xf32, #tpu.memory_space<vmem>>, vector<16xf32>,
      %swap3A_234 = arith.index_cast %scan3A_218 : i32 to index
      %swap3A_235 = arith.constant 80 : index
      %swap3A_236 = tpu.vector_load %arg11[%swap3A_234, %swap3A_235] {strides = array<i32>} : memref<64x128xf32, #tpu.memory_space<vmem>>, vector<16xf32>,
      tpu.vector_store %arg11[%swap3A_234, %swap3A_235], %broadcast_in_dim3A_3 {strides = array<i32>} : memref<64x128xf32, #tpu.memory_space<vmem>>, vector<16xf32>,
      %swap3A_237 = arith.index_cast %scan3A_218 : i32 to index
      %swap3A_238 = arith.constant 96 : index
      %swap3A_239 = tpu.vector_load %arg11[%swap3A_237, %swap3A_238] {strides = array<i32>} : memref<64x128xf32, #tpu.memory_space<vmem>>, vector<16xf32>,
      tpu.vector_store %arg11[%swap3A_237, %swap3A_238], %broadcast_in_dim3A_3 {strides = array<i32>} : memref<64x128xf32, #tpu.memory_space<vmem>>, vector<16xf32>,
      %swap3A_240 = arith.index_cast %scan3A_218 : i32 to index
      %swap3A_241 = arith.constant 112 : index
      %swap3A_242 = tpu.vector_load %arg11[%swap3A_240, %swap3A_241] {strides = array<i32>} : memref<64x128xf32, #tpu.memory_space<vmem>>, vector<16xf32>,
      tpu.vector_store %arg11[%swap3A_240, %swap3A_241], %broadcast_in_dim3A_3 {strides = array<i32>} : memref<64x128xf32, #tpu.memory_space<vmem>>, vector<16xf32>,
      %scan3A_243 = arith.constant 0 : i32
      scf.yield %scan3A_243 : i32
    }
    %scan3A_9 = arith.constant 64 : i32
    %mul3A_10 = arith.constant 640 : i32
    %mul3A_11 = arith.muli %arg1, %mul3A_10 : i32
    %add3A_12 = arith.constant 0 : i32
    %add3A_13 = arith.addi %mul3A_11, %add3A_12 : i32
    "tpu.region"() ({
      %run_scoped3A = tpu.sem_alloc : memref<!tpu.dma_semaphore, #tpu.memory_space<semaphore_mem>>
      %dma_start3A_218 = arith.constant 0 : i32
      %dma_start3A_219 = tpu.memref_slice %arg12[%add3A_13, %dma_start3A_218] : memref<10240x128xf32, #tpu.memory_space<vmem_shared>> -> memref<64x128xf32, #tpu.memory_space<vmem_shared>>
      %dma_start3A_220 = arith.constant 0 : i32
      %dma_start3A_221 = tpu.memref_slice %arg12[%add3A_13, %dma_start3A_220] : memref<10240x128xf32, #tpu.memory_space<vmem_shared>> -> memref<64x128xf32, #tpu.memory_space<vmem_shared>>
      tpu.enqueue_dma source(%arg11 : memref<64x128xf32, #tpu.memory_space<vmem>>) target(%dma_start3A_221 : memref<64x128xf32, #tpu.memory_space<vmem_shared>>) target_semaphore(%run_scoped3A : memref<!tpu.dma_semaphore, #tpu.memory_space<semaphore_mem>>)
      %dma_wait3A_222 = arith.constant 0 : i32
      %dma_wait3A_223 = tpu.memref_slice %arg12[%add3A_13, %dma_wait3A_222] : memref<10240x128xf32, #tpu.memory_space<vmem_shared>> -> memref<64x128xf32, #tpu.memory_space<vmem_shared>>
      %dma_wait3A_224 = arith.constant 0 : i32
      %dma_wait3A_225 = tpu.memref_slice %arg12[%add3A_13, %dma_wait3A_224] : memref<10240x128xf32, #tpu.memory_space<vmem_shared>> -> memref<64x128xf32, #tpu.memory_space<vmem_shared>>
      tpu.wait_dma2 semaphore(%run_scoped3A : memref<!tpu.dma_semaphore, #tpu.memory_space<semaphore_mem>>) src(%arg11 : memref<64x128xf32, #tpu.memory_space<vmem>>) dst(%dma_wait3A_225 : memref<64x128xf32, #tpu.memory_space<vmem_shared>>)
      tpu.yield
    }) : () -> ()
    %mul3A_14 = arith.constant 640 : i32
    %mul3A_15 = arith.muli %arg1, %mul3A_14 : i32
    %add3A_16 = arith.constant 64 : i32
    %add3A_17 = arith.addi %mul3A_15, %add3A_16 : i32
    "tpu.region"() ({
      %run_scoped3A = tpu.sem_alloc : memref<!tpu.dma_semaphore, #tpu.memory_space<semaphore_mem>>
      %dma_start3A_218 = arith.constant 0 : i32
      %dma_start3A_219 = tpu.memref_slice %arg12[%add3A_17, %dma_start3A_218] : memref<10240x128xf32, #tpu.memory_space<vmem_shared>> -> memref<64x128xf32, #tpu.memory_space<vmem_shared>>
      %dma_start3A_220 = arith.constant 0 : i32
      %dma_start3A_221 = tpu.memref_slice %arg12[%add3A_17, %dma_start3A_220] : memref<10240x128xf32, #tpu.memory_space<vmem_shared>> -> memref<64x128xf32, #tpu.memory_space<vmem_shared>>
      tpu.enqueue_dma source(%arg11 : memref<64x128xf32, #tpu.memory_space<vmem>>) target(%dma_start3A_221 : memref<64x128xf32, #tpu.memory_space<vmem_shared>>) target_semaphore(%run_scoped3A : memref<!tpu.dma_semaphore, #tpu.memory_space<semaphore_mem>>)
      %dma_wait3A_222 = arith.constant 0 : i32
      %dma_wait3A_223 = tpu.memref_slice %arg12[%add3A_17, %dma_wait3A_222] : memref<10240x128xf32, #tpu.memory_space<vmem_shared>> -> memref<64x128xf32, #tpu.memory_space<vmem_shared>>
      %dma_wait3A_224 = arith.constant 0 : i32
      %dma_wait3A_225 = tpu.memref_slice %arg12[%add3A_17, %dma_wait3A_224] : memref<10240x128xf32, #tpu.memory_space<vmem_shared>> -> memref<64x128xf32, #tpu.memory_space<vmem_shared>>
      tpu.wait_dma2 semaphore(%run_scoped3A : memref<!tpu.dma_semaphore, #tpu.memory_space<semaphore_mem>>) src(%arg11 : memref<64x128xf32, #tpu.memory_space<vmem>>) dst(%dma_wait3A_225 : memref<64x128xf32, #tpu.memory_space<vmem_shared>>)
      tpu.yield
    }) : () -> ()
    %mul3A_18 = arith.constant 640 : i32
    %mul3A_19 = arith.muli %arg1, %mul3A_18 : i32
    %add3A_20 = arith.constant 128 : i32
    %add3A_21 = arith.addi %mul3A_19, %add3A_20 : i32
    "tpu.region"() ({
      %run_scoped3A = tpu.sem_alloc : memref<!tpu.dma_semaphore, #tpu.memory_space<semaphore_mem>>
      %dma_start3A_218 = arith.constant 0 : i32
      %dma_start3A_219 = tpu.memref_slice %arg12[%add3A_21, %dma_start3A_218] : memref<10240x128xf32, #tpu.memory_space<vmem_shared>> -> memref<64x128xf32, #tpu.memory_space<vmem_shared>>
      %dma_start3A_220 = arith.constant 0 : i32
      %dma_start3A_221 = tpu.memref_slice %arg12[%add3A_21, %dma_start3A_220] : memref<10240x128xf32, #tpu.memory_space<vmem_shared>> -> memref<64x128xf32, #tpu.memory_space<vmem_shared>>
      tpu.enqueue_dma source(%arg11 : memref<64x128xf32, #tpu.memory_space<vmem>>) target(%dma_start3A_221 : memref<64x128xf32, #tpu.memory_space<vmem_shared>>) target_semaphore(%run_scoped3A : memref<!tpu.dma_semaphore, #tpu.memory_space<semaphore_mem>>)
      %dma_wait3A_222 = arith.constant 0 : i32
      %dma_wait3A_223 = tpu.memref_slice %arg12[%add3A_21, %dma_wait3A_222] : memref<10240x128xf32, #tpu.memory_space<vmem_shared>> -> memref<64x128xf32, #tpu.memory_space<vmem_shared>>
      %dma_wait3A_224 = arith.constant 0 : i32
      %dma_wait3A_225 = tpu.memref_slice %arg12[%add3A_21, %dma_wait3A_224] : memref<10240x128xf32, #tpu.memory_space<vmem_shared>> -> memref<64x128xf32, #tpu.memory_space<vmem_shared>>
      tpu.wait_dma2 semaphore(%run_scoped3A : memref<!tpu.dma_semaphore, #tpu.memory_space<semaphore_mem>>) src(%arg11 : memref<64x128xf32, #tpu.memory_space<vmem>>) dst(%dma_wait3A_225 : memref<64x128xf32, #tpu.memory_space<vmem_shared>>)
      tpu.yield
    }) : () -> ()
    %mul3A_22 = arith.constant 640 : i32
    %mul3A_23 = arith.muli %arg1, %mul3A_22 : i32
    %add3A_24 = arith.constant 192 : i32
    %add3A_25 = arith.addi %mul3A_23, %add3A_24 : i32
    "tpu.region"() ({
      %run_scoped3A = tpu.sem_alloc : memref<!tpu.dma_semaphore, #tpu.memory_space<semaphore_mem>>
      %dma_start3A_218 = arith.constant 0 : i32
      %dma_start3A_219 = tpu.memref_slice %arg12[%add3A_25, %dma_start3A_218] : memref<10240x128xf32, #tpu.memory_space<vmem_shared>> -> memref<64x128xf32, #tpu.memory_space<vmem_shared>>
      %dma_start3A_220 = arith.constant 0 : i32
      %dma_start3A_221 = tpu.memref_slice %arg12[%add3A_25, %dma_start3A_220] : memref<10240x128xf32, #tpu.memory_space<vmem_shared>> -> memref<64x128xf32, #tpu.memory_space<vmem_shared>>
      tpu.enqueue_dma source(%arg11 : memref<64x128xf32, #tpu.memory_space<vmem>>) target(%dma_start3A_221 : memref<64x128xf32, #tpu.memory_space<vmem_shared>>) target_semaphore(%run_scoped3A : memref<!tpu.dma_semaphore, #tpu.memory_space<semaphore_mem>>)
      %dma_wait3A_222 = arith.constant 0 : i32
      %dma_wait3A_223 = tpu.memref_slice %arg12[%add3A_25, %dma_wait3A_222] : memref<10240x128xf32, #tpu.memory_space<vmem_shared>> -> memref<64x128xf32, #tpu.memory_space<vmem_shared>>
      %dma_wait3A_224 = arith.constant 0 : i32
      %dma_wait3A_225 = tpu.memref_slice %arg12[%add3A_25, %dma_wait3A_224] : memref<10240x128xf32, #tpu.memory_space<vmem_shared>> -> memref<64x128xf32, #tpu.memory_space<vmem_shared>>
      tpu.wait_dma2 semaphore(%run_scoped3A : memref<!tpu.dma_semaphore, #tpu.memory_space<semaphore_mem>>) src(%arg11 : memref<64x128xf32, #tpu.memory_space<vmem>>) dst(%dma_wait3A_225 : memref<64x128xf32, #tpu.memory_space<vmem_shared>>)
      tpu.yield
    }) : () -> ()
    %mul3A_26 = arith.constant 640 : i32
    %mul3A_27 = arith.muli %arg1, %mul3A_26 : i32
    %add3A_28 = arith.constant 256 : i32
    %add3A_29 = arith.addi %mul3A_27, %add3A_28 : i32
    "tpu.region"() ({
      %run_scoped3A = tpu.sem_alloc : memref<!tpu.dma_semaphore, #tpu.memory_space<semaphore_mem>>
      %dma_start3A_218 = arith.constant 0 : i32
      %dma_start3A_219 = tpu.memref_slice %arg12[%add3A_29, %dma_start3A_218] : memref<10240x128xf32, #tpu.memory_space<vmem_shared>> -> memref<64x128xf32, #tpu.memory_space<vmem_shared>>
      %dma_start3A_220 = arith.constant 0 : i32
      %dma_start3A_221 = tpu.memref_slice %arg12[%add3A_29, %dma_start3A_220] : memref<10240x128xf32, #tpu.memory_space<vmem_shared>> -> memref<64x128xf32, #tpu.memory_space<vmem_shared>>
      tpu.enqueue_dma source(%arg11 : memref<64x128xf32, #tpu.memory_space<vmem>>) target(%dma_start3A_221 : memref<64x128xf32, #tpu.memory_space<vmem_shared>>) target_semaphore(%run_scoped3A : memref<!tpu.dma_semaphore, #tpu.memory_space<semaphore_mem>>)
      %dma_wait3A_222 = arith.constant 0 : i32
      %dma_wait3A_223 = tpu.memref_slice %arg12[%add3A_29, %dma_wait3A_222] : memref<10240x128xf32, #tpu.memory_space<vmem_shared>> -> memref<64x128xf32, #tpu.memory_space<vmem_shared>>
      %dma_wait3A_224 = arith.constant 0 : i32
      %dma_wait3A_225 = tpu.memref_slice %arg12[%add3A_29, %dma_wait3A_224] : memref<10240x128xf32, #tpu.memory_space<vmem_shared>> -> memref<64x128xf32, #tpu.memory_space<vmem_shared>>
      tpu.wait_dma2 semaphore(%run_scoped3A : memref<!tpu.dma_semaphore, #tpu.memory_space<semaphore_mem>>) src(%arg11 : memref<64x128xf32, #tpu.memory_space<vmem>>) dst(%dma_wait3A_225 : memref<64x128xf32, #tpu.memory_space<vmem_shared>>)
      tpu.yield
    }) : () -> ()
    %mul3A_30 = arith.constant 640 : i32
    %mul3A_31 = arith.muli %arg1, %mul3A_30 : i32
    %add3A_32 = arith.constant 320 : i32
    %add3A_33 = arith.addi %mul3A_31, %add3A_32 : i32
    "tpu.region"() ({
      %run_scoped3A = tpu.sem_alloc : memref<!tpu.dma_semaphore, #tpu.memory_space<semaphore_mem>>
      %dma_start3A_218 = arith.constant 0 : i32
      %dma_start3A_219 = tpu.memref_slice %arg12[%add3A_33, %dma_start3A_218] : memref<10240x128xf32, #tpu.memory_space<vmem_shared>> -> memref<64x128xf32, #tpu.memory_space<vmem_shared>>
      %dma_start3A_220 = arith.constant 0 : i32
      %dma_start3A_221 = tpu.memref_slice %arg12[%add3A_33, %dma_start3A_220] : memref<10240x128xf32, #tpu.memory_space<vmem_shared>> -> memref<64x128xf32, #tpu.memory_space<vmem_shared>>
      tpu.enqueue_dma source(%arg11 : memref<64x128xf32, #tpu.memory_space<vmem>>) target(%dma_start3A_221 : memref<64x128xf32, #tpu.memory_space<vmem_shared>>) target_semaphore(%run_scoped3A : memref<!tpu.dma_semaphore, #tpu.memory_space<semaphore_mem>>)
      %dma_wait3A_222 = arith.constant 0 : i32
      %dma_wait3A_223 = tpu.memref_slice %arg12[%add3A_33, %dma_wait3A_222] : memref<10240x128xf32, #tpu.memory_space<vmem_shared>> -> memref<64x128xf32, #tpu.memory_space<vmem_shared>>
      %dma_wait3A_224 = arith.constant 0 : i32
      %dma_wait3A_225 = tpu.memref_slice %arg12[%add3A_33, %dma_wait3A_224] : memref<10240x128xf32, #tpu.memory_space<vmem_shared>> -> memref<64x128xf32, #tpu.memory_space<vmem_shared>>
      tpu.wait_dma2 semaphore(%run_scoped3A : memref<!tpu.dma_semaphore, #tpu.memory_space<semaphore_mem>>) src(%arg11 : memref<64x128xf32, #tpu.memory_space<vmem>>) dst(%dma_wait3A_225 : memref<64x128xf32, #tpu.memory_space<vmem_shared>>)
      tpu.yield
    }) : () -> ()
    %mul3A_34 = arith.constant 640 : i32
    %mul3A_35 = arith.muli %arg1, %mul3A_34 : i32
    %add3A_36 = arith.constant 384 : i32
    %add3A_37 = arith.addi %mul3A_35, %add3A_36 : i32
    "tpu.region"() ({
      %run_scoped3A = tpu.sem_alloc : memref<!tpu.dma_semaphore, #tpu.memory_space<semaphore_mem>>
      %dma_start3A_218 = arith.constant 0 : i32
      %dma_start3A_219 = tpu.memref_slice %arg12[%add3A_37, %dma_start3A_218] : memref<10240x128xf32, #tpu.memory_space<vmem_shared>> -> memref<64x128xf32, #tpu.memory_space<vmem_shared>>
      %dma_start3A_220 = arith.constant 0 : i32
      %dma_start3A_221 = tpu.memref_slice %arg12[%add3A_37, %dma_start3A_220] : memref<10240x128xf32, #tpu.memory_space<vmem_shared>> -> memref<64x128xf32, #tpu.memory_space<vmem_shared>>
      tpu.enqueue_dma source(%arg11 : memref<64x128xf32, #tpu.memory_space<vmem>>) target(%dma_start3A_221 : memref<64x128xf32, #tpu.memory_space<vmem_shared>>) target_semaphore(%run_scoped3A : memref<!tpu.dma_semaphore, #tpu.memory_space<semaphore_mem>>)
      %dma_wait3A_222 = arith.constant 0 : i32
      %dma_wait3A_223 = tpu.memref_slice %arg12[%add3A_37, %dma_wait3A_222] : memref<10240x128xf32, #tpu.memory_space<vmem_shared>> -> memref<64x128xf32, #tpu.memory_space<vmem_shared>>
      %dma_wait3A_224 = arith.constant 0 : i32
      %dma_wait3A_225 = tpu.memref_slice %arg12[%add3A_37, %dma_wait3A_224] : memref<10240x128xf32, #tpu.memory_space<vmem_shared>> -> memref<64x128xf32, #tpu.memory_space<vmem_shared>>
      tpu.wait_dma2 semaphore(%run_scoped3A : memref<!tpu.dma_semaphore, #tpu.memory_space<semaphore_mem>>) src(%arg11 : memref<64x128xf32, #tpu.memory_space<vmem>>) dst(%dma_wait3A_225 : memref<64x128xf32, #tpu.memory_space<vmem_shared>>)
      tpu.yield
    }) : () -> ()
    %mul3A_38 = arith.constant 640 : i32
    %mul3A_39 = arith.muli %arg1, %mul3A_38 : i32
    %add3A_40 = arith.constant 448 : i32
    %add3A_41 = arith.addi %mul3A_39, %add3A_40 : i32
    "tpu.region"() ({
      %run_scoped3A = tpu.sem_alloc : memref<!tpu.dma_semaphore, #tpu.memory_space<semaphore_mem>>
      %dma_start3A_218 = arith.constant 0 : i32
      %dma_start3A_219 = tpu.memref_slice %arg12[%add3A_41, %dma_start3A_218] : memref<10240x128xf32, #tpu.memory_space<vmem_shared>> -> memref<64x128xf32, #tpu.memory_space<vmem_shared>>
      %dma_start3A_220 = arith.constant 0 : i32
      %dma_start3A_221 = tpu.memref_slice %arg12[%add3A_41, %dma_start3A_220] : memref<10240x128xf32, #tpu.memory_space<vmem_shared>> -> memref<64x128xf32, #tpu.memory_space<vmem_shared>>
      tpu.enqueue_dma source(%arg11 : memref<64x128xf32, #tpu.memory_space<vmem>>) target(%dma_start3A_221 : memref<64x128xf32, #tpu.memory_space<vmem_shared>>) target_semaphore(%run_scoped3A : memref<!tpu.dma_semaphore, #tpu.memory_space<semaphore_mem>>)
      %dma_wait3A_222 = arith.constant 0 : i32
      %dma_wait3A_223 = tpu.memref_slice %arg12[%add3A_41, %dma_wait3A_222] : memref<10240x128xf32, #tpu.memory_space<vmem_shared>> -> memref<64x128xf32, #tpu.memory_space<vmem_shared>>
      %dma_wait3A_224 = arith.constant 0 : i32
      %dma_wait3A_225 = tpu.memref_slice %arg12[%add3A_41, %dma_wait3A_224] : memref<10240x128xf32, #tpu.memory_space<vmem_shared>> -> memref<64x128xf32, #tpu.memory_space<vmem_shared>>
      tpu.wait_dma2 semaphore(%run_scoped3A : memref<!tpu.dma_semaphore, #tpu.memory_space<semaphore_mem>>) src(%arg11 : memref<64x128xf32, #tpu.memory_space<vmem>>) dst(%dma_wait3A_225 : memref<64x128xf32, #tpu.memory_space<vmem_shared>>)
      tpu.yield
    }) : () -> ()
    %mul3A_42 = arith.constant 640 : i32
    %mul3A_43 = arith.muli %arg1, %mul3A_42 : i32
    %add3A_44 = arith.constant 512 : i32
    %add3A_45 = arith.addi %mul3A_43, %add3A_44 : i32
    "tpu.region"() ({
      %run_scoped3A = tpu.sem_alloc : memref<!tpu.dma_semaphore, #tpu.memory_space<semaphore_mem>>
      %dma_start3A_218 = arith.constant 0 : i32
      %dma_start3A_219 = tpu.memref_slice %arg12[%add3A_45, %dma_start3A_218] : memref<10240x128xf32, #tpu.memory_space<vmem_shared>> -> memref<64x128xf32, #tpu.memory_space<vmem_shared>>
      %dma_start3A_220 = arith.constant 0 : i32
      %dma_start3A_221 = tpu.memref_slice %arg12[%add3A_45, %dma_start3A_220] : memref<10240x128xf32, #tpu.memory_space<vmem_shared>> -> memref<64x128xf32, #tpu.memory_space<vmem_shared>>
      tpu.enqueue_dma source(%arg11 : memref<64x128xf32, #tpu.memory_space<vmem>>) target(%dma_start3A_221 : memref<64x128xf32, #tpu.memory_space<vmem_shared>>) target_semaphore(%run_scoped3A : memref<!tpu.dma_semaphore, #tpu.memory_space<semaphore_mem>>)
      %dma_wait3A_222 = arith.constant 0 : i32
      %dma_wait3A_223 = tpu.memref_slice %arg12[%add3A_45, %dma_wait3A_222] : memref<10240x128xf32, #tpu.memory_space<vmem_shared>> -> memref<64x128xf32, #tpu.memory_space<vmem_shared>>
      %dma_wait3A_224 = arith.constant 0 : i32
      %dma_wait3A_225 = tpu.memref_slice %arg12[%add3A_45, %dma_wait3A_224] : memref<10240x128xf32, #tpu.memory_space<vmem_shared>> -> memref<64x128xf32, #tpu.memory_space<vmem_shared>>
      tpu.wait_dma2 semaphore(%run_scoped3A : memref<!tpu.dma_semaphore, #tpu.memory_space<semaphore_mem>>) src(%arg11 : memref<64x128xf32, #tpu.memory_space<vmem>>) dst(%dma_wait3A_225 : memref<64x128xf32, #tpu.memory_space<vmem_shared>>)
      tpu.yield
    }) : () -> ()
    %mul3A_46 = arith.constant 640 : i32
    %mul3A_47 = arith.muli %arg1, %mul3A_46 : i32
    %add3A_48 = arith.constant 576 : i32
    %add3A_49 = arith.addi %mul3A_47, %add3A_48 : i32
    "tpu.region"() ({
      %run_scoped3A = tpu.sem_alloc : memref<!tpu.dma_semaphore, #tpu.memory_space<semaphore_mem>>
      %dma_start3A_218 = arith.constant 0 : i32
      %dma_start3A_219 = tpu.memref_slice %arg12[%add3A_49, %dma_start3A_218] : memref<10240x128xf32, #tpu.memory_space<vmem_shared>> -> memref<64x128xf32, #tpu.memory_space<vmem_shared>>
      %dma_start3A_220 = arith.constant 0 : i32
      %dma_start3A_221 = tpu.memref_slice %arg12[%add3A_49, %dma_start3A_220] : memref<10240x128xf32, #tpu.memory_space<vmem_shared>> -> memref<64x128xf32, #tpu.memory_space<vmem_shared>>
      tpu.enqueue_dma source(%arg11 : memref<64x128xf32, #tpu.memory_space<vmem>>) target(%dma_start3A_221 : memref<64x128xf32, #tpu.memory_space<vmem_shared>>) target_semaphore(%run_scoped3A : memref<!tpu.dma_semaphore, #tpu.memory_space<semaphore_mem>>)
      %dma_wait3A_222 = arith.constant 0 : i32
      %dma_wait3A_223 = tpu.memref_slice %arg12[%add3A_49, %dma_wait3A_222] : memref<10240x128xf32, #tpu.memory_space<vmem_shared>> -> memref<64x128xf32, #tpu.memory_space<vmem_shared>>
      %dma_wait3A_224 = arith.constant 0 : i32
      %dma_wait3A_225 = tpu.memref_slice %arg12[%add3A_49, %dma_wait3A_224] : memref<10240x128xf32, #tpu.memory_space<vmem_shared>> -> memref<64x128xf32, #tpu.memory_space<vmem_shared>>
      tpu.wait_dma2 semaphore(%run_scoped3A : memref<!tpu.dma_semaphore, #tpu.memory_space<semaphore_mem>>) src(%arg11 : memref<64x128xf32, #tpu.memory_space<vmem>>) dst(%dma_wait3A_225 : memref<64x128xf32, #tpu.memory_space<vmem_shared>>)
      tpu.yield
    }) : () -> ()
    %barrier3A = arith.constant 0 : index
    tpu.barrier barrier_id(%barrier3A)
    %add3A_50 = arith.constant 0 : i32
    %add3A_51 = arith.addi %mul3A_2, %add3A_50 : i32
    %dma_start3A = arith.constant 0 : i32
    %dma_start3A_52 = tpu.memref_slice %arg3[%dma_start3A, %add3A_51] : memref<2x320000xi32, #tpu.memory_space<hbm>> -> memref<1x400xi32, #tpu.memory_space<hbm>>
    %dma_start3A_53 = tpu.memref_squeeze %dma_start3A_52 : memref<1x400xi32, #tpu.memory_space<hbm>> -> memref<400xi32, #tpu.memory_space<hbm>>
    %dma_start3A_54 = tpu.memref_slice %arg3[%dma_start3A, %add3A_51] : memref<2x320000xi32, #tpu.memory_space<hbm>> -> memref<1x400xi32, #tpu.memory_space<hbm>>
    %dma_start3A_55 = tpu.memref_squeeze %dma_start3A_54 : memref<1x400xi32, #tpu.memory_space<hbm>> -> memref<400xi32, #tpu.memory_space<hbm>>
    tpu.enqueue_dma source(%dma_start3A_55 : memref<400xi32, #tpu.memory_space<hbm>>) target(%arg5 : memref<400xi32, #tpu.memory_space<vmem>>) target_semaphore(%arg14 : memref<!tpu.dma_semaphore, #tpu.memory_space<semaphore_mem>>)
    %add3A_56 = arith.constant 0 : i32
    %add3A_57 = arith.addi %mul3A_2, %add3A_56 : i32
    %dma_start3A_58 = arith.constant 1 : i32
    %dma_start3A_59 = tpu.memref_slice %arg3[%dma_start3A_58, %add3A_57] : memref<2x320000xi32, #tpu.memory_space<hbm>> -> memref<1x400xi32, #tpu.memory_space<hbm>>
    %dma_start3A_60 = tpu.memref_squeeze %dma_start3A_59 : memref<1x400xi32, #tpu.memory_space<hbm>> -> memref<400xi32, #tpu.memory_space<hbm>>
    %dma_start3A_61 = tpu.memref_slice %arg3[%dma_start3A_58, %add3A_57] : memref<2x320000xi32, #tpu.memory_space<hbm>> -> memref<1x400xi32, #tpu.memory_space<hbm>>
    %dma_start3A_62 = tpu.memref_squeeze %dma_start3A_61 : memref<1x400xi32, #tpu.memory_space<hbm>> -> memref<400xi32, #tpu.memory_space<hbm>>
    tpu.enqueue_dma source(%dma_start3A_62 : memref<400xi32, #tpu.memory_space<hbm>>) target(%arg7 : memref<400xi32, #tpu.memory_space<vmem>>) target_semaphore(%arg14 : memref<!tpu.dma_semaphore, #tpu.memory_space<semaphore_mem>>)
    %dma_wait3A = arith.constant 0 : i32
    %dma_wait3A_63 = arith.constant 0 : i32
    %dma_wait3A_64 = tpu.memref_slice %arg3[%dma_wait3A, %dma_wait3A_63] : memref<2x320000xi32, #tpu.memory_space<hbm>> -> memref<1x400xi32, #tpu.memory_space<hbm>>
    %dma_wait3A_65 = tpu.memref_squeeze %dma_wait3A_64 : memref<1x400xi32, #tpu.memory_space<hbm>> -> memref<400xi32, #tpu.memory_space<hbm>>
    %dma_wait3A_66 = arith.constant 0 : i32
    %dma_wait3A_67 = tpu.memref_slice %arg3[%dma_wait3A, %dma_wait3A_66] : memref<2x320000xi32, #tpu.memory_space<hbm>> -> memref<1x400xi32, #tpu.memory_space<hbm>>
    %dma_wait3A_68 = tpu.memref_squeeze %dma_wait3A_67 : memref<1x400xi32, #tpu.memory_space<hbm>> -> memref<400xi32, #tpu.memory_space<hbm>>
    tpu.wait_dma2 semaphore(%arg14 : memref<!tpu.dma_semaphore, #tpu.memory_space<semaphore_mem>>) src(%dma_wait3A_68 : memref<400xi32, #tpu.memory_space<hbm>>) dst(%arg5 : memref<400xi32, #tpu.memory_space<vmem>>)
    %dma_wait3A_69 = arith.constant 1 : i32
    %dma_wait3A_70 = arith.constant 0 : i32
    %dma_wait3A_71 = tpu.memref_slice %arg3[%dma_wait3A_69, %dma_wait3A_70] : memref<2x320000xi32, #tpu.memory_space<hbm>> -> memref<1x400xi32, #tpu.memory_space<hbm>>
    %dma_wait3A_72 = tpu.memref_squeeze %dma_wait3A_71 : memref<1x400xi32, #tpu.memory_space<hbm>> -> memref<400xi32, #tpu.memory_space<hbm>>
    %dma_wait3A_73 = arith.constant 0 : i32
    %dma_wait3A_74 = tpu.memref_slice %arg3[%dma_wait3A_69, %dma_wait3A_73] : memref<2x320000xi32, #tpu.memory_space<hbm>> -> memref<1x400xi32, #tpu.memory_space<hbm>>
    %dma_wait3A_75 = tpu.memref_squeeze %dma_wait3A_74 : memref<1x400xi32, #tpu.memory_space<hbm>> -> memref<400xi32, #tpu.memory_space<hbm>>
    tpu.wait_dma2 semaphore(%arg14 : memref<!tpu.dma_semaphore, #tpu.memory_space<semaphore_mem>>) src(%dma_wait3A_75 : memref<400xi32, #tpu.memory_space<hbm>>) dst(%arg7 : memref<400xi32, #tpu.memory_space<vmem>>)
    %add3A_76 = arith.constant 400 : i32
    %add3A_77 = arith.addi %mul3A_2, %add3A_76 : i32
    %dma_start3A_78 = arith.constant 0 : i32
    %dma_start3A_79 = tpu.memref_slice %arg3[%dma_start3A_78, %add3A_77] : memref<2x320000xi32, #tpu.memory_space<hbm>> -> memref<1x400xi32, #tpu.memory_space<hbm>>
    %dma_start3A_80 = tpu.memref_squeeze %dma_start3A_79 : memref<1x400xi32, #tpu.memory_space<hbm>> -> memref<400xi32, #tpu.memory_space<hbm>>
    %dma_start3A_81 = tpu.memref_slice %arg3[%dma_start3A_78, %add3A_77] : memref<2x320000xi32, #tpu.memory_space<hbm>> -> memref<1x400xi32, #tpu.memory_space<hbm>>
    %dma_start3A_82 = tpu.memref_squeeze %dma_start3A_81 : memref<1x400xi32, #tpu.memory_space<hbm>> -> memref<400xi32, #tpu.memory_space<hbm>>
    tpu.enqueue_dma source(%dma_start3A_82 : memref<400xi32, #tpu.memory_space<hbm>>) target(%arg6 : memref<400xi32, #tpu.memory_space<vmem>>) target_semaphore(%arg14 : memref<!tpu.dma_semaphore, #tpu.memory_space<semaphore_mem>>)
    %add3A_83 = arith.constant 400 : i32
    %add3A_84 = arith.addi %mul3A_2, %add3A_83 : i32
    %dma_start3A_85 = arith.constant 1 : i32
    %dma_start3A_86 = tpu.memref_slice %arg3[%dma_start3A_85, %add3A_84] : memref<2x320000xi32, #tpu.memory_space<hbm>> -> memref<1x400xi32, #tpu.memory_space<hbm>>
    %dma_start3A_87 = tpu.memref_squeeze %dma_start3A_86 : memref<1x400xi32, #tpu.memory_space<hbm>> -> memref<400xi32, #tpu.memory_space<hbm>>
    %dma_start3A_88 = tpu.memref_slice %arg3[%dma_start3A_85, %add3A_84] : memref<2x320000xi32, #tpu.memory_space<hbm>> -> memref<1x400xi32, #tpu.memory_space<hbm>>
    %dma_start3A_89 = tpu.memref_squeeze %dma_start3A_88 : memref<1x400xi32, #tpu.memory_space<hbm>> -> memref<400xi32, #tpu.memory_space<hbm>>
    tpu.enqueue_dma source(%dma_start3A_89 : memref<400xi32, #tpu.memory_space<hbm>>) target(%arg8 : memref<400xi32, #tpu.memory_space<vmem>>) target_semaphore(%arg14 : memref<!tpu.dma_semaphore, #tpu.memory_space<semaphore_mem>>)
    %dma_start3A_90 = arith.constant 0 : i32
    %dma_start3A_91 = tpu.memref_slice %arg5[%dma_start3A_90] : memref<400xi32, #tpu.memory_space<vmem>> -> memref<80xi32, #tpu.memory_space<vmem>>
    %dma_start3A_92 = arith.constant 0 : i32
    %dma_start3A_93 = arith.constant 0 : i32
    %dma_start3A_94 = tpu.memref_slice %arg2[%dma_start3A_92, %dma_start3A_93] : memref<10240x128xf32, #tpu.memory_space<hbm>> -> memref<10240x128xf32, #tpu.memory_space<hbm>>
    tpu.enqueue_indirect_dma source(%dma_start3A_94 : memref<10240x128xf32, #tpu.memory_space<hbm>>) target(%arg9 : memref<80x128xf32, #tpu.memory_space<vmem>>) offsets(%dma_start3A_91 : memref<80xi32, #tpu.memory_space<vmem>>) semaphore(%arg13 : memref<!tpu.dma_semaphore, #tpu.memory_space<semaphore_mem>>)
    %scan3A_95 = arith.constant 0 : i32
    %scan3A_96 = arith.constant 0 : i32
    %scan3A_97 = arith.constant 12 : i32
    %scan3A_98 = arith.addi %scan3A_96, %scan3A_97 : i32
    %scan3A_99 = arith.constant 1 : i32
    %scan3A_100 = scf.for %scan3A_218 = %scan3A_96 to %scan3A_98 step %scan3A_99 iter_args(%scan3A_219 = %scan3A_95) -> (i32)  : i32 {
      %mul3A_220 = arith.constant 2 : i32
      %mul3A_221 = arith.muli %mul3A_220, %scan3A_218 : i32
      %dma_wait3A_222 = arith.constant 0 : i32
      %dma_wait3A_223 = arith.constant 0 : i32
      %dma_wait3A_224 = tpu.memref_slice %arg2[%dma_wait3A_222, %dma_wait3A_223] : memref<10240x128xf32, #tpu.memory_space<hbm>> -> memref<80x128xf32, #tpu.memory_space<hbm>>
      %dma_wait3A_225 = arith.constant 0 : i32
      %dma_wait3A_226 = arith.constant 0 : i32
      %dma_wait3A_227 = tpu.memref_slice %arg2[%dma_wait3A_225, %dma_wait3A_226] : memref<10240x128xf32, #tpu.memory_space<hbm>> -> memref<80x128xf32, #tpu.memory_space<hbm>>
      tpu.wait_dma2 semaphore(%arg13 : memref<!tpu.dma_semaphore, #tpu.memory_space<semaphore_mem>>) src(%dma_wait3A_227 : memref<80x128xf32, #tpu.memory_space<hbm>>) dst(%arg9 : memref<80x128xf32, #tpu.memory_space<vmem>>)
      %ge3A = arith.constant 1 : i32
      %ge3A_228 = arith.cmpi sge, %mul3A_221, %ge3A : i32
      %convert_element_type3A = arith.extui %ge3A_228 : i1 to i32
      %cond3A = arith.constant 0 : i32
      %cond3A_229 = arith.cmpi ne, %convert_element_type3A, %cond3A : i32
      scf.if %cond3A_229 {
        %dma_wait3A_494 = arith.constant 0 : i32
        %dma_wait3A_495 = arith.constant 0 : i32
        %dma_wait3A_496 = tpu.memref_slice %arg2[%dma_wait3A_494, %dma_wait3A_495] : memref<10240x128xf32, #tpu.memory_space<hbm>> -> memref<80x128xf32, #tpu.memory_space<hbm>>
        %dma_wait3A_497 = arith.constant 0 : i32
        %dma_wait3A_498 = arith.constant 0 : i32
        %dma_wait3A_499 = tpu.memref_slice %arg2[%dma_wait3A_497, %dma_wait3A_498] : memref<10240x128xf32, #tpu.memory_space<hbm>> -> memref<80x128xf32, #tpu.memory_space<hbm>>
        tpu.wait_dma2 semaphore(%arg15 : memref<!tpu.dma_semaphore, #tpu.memory_space<semaphore_mem>>) src(%dma_wait3A_499 : memref<80x128xf32, #tpu.memory_space<hbm>>) dst(%arg9 : memref<80x128xf32, #tpu.memory_space<vmem>>)
      } else {
      }
      %dma_start3A_230 = arith.constant 80 : i32
      %dma_start3A_231 = tpu.memref_slice %arg5[%dma_start3A_230] : memref<400xi32, #tpu.memory_space<vmem>> -> memref<80xi32, #tpu.memory_space<vmem>>
      %dma_start3A_232 = arith.constant 0 : i32
      %dma_start3A_233 = arith.constant 0 : i32
      %dma_start3A_234 = tpu.memref_slice %arg2[%dma_start3A_232, %dma_start3A_233] : memref<10240x128xf32, #tpu.memory_space<hbm>> -> memref<10240x128xf32, #tpu.memory_space<hbm>>
      tpu.enqueue_indirect_dma source(%dma_start3A_234 : memref<10240x128xf32, #tpu.memory_space<hbm>>) target(%arg10 : memref<80x128xf32, #tpu.memory_space<vmem>>) offsets(%dma_start3A_231 : memref<80xi32, #tpu.memory_space<vmem>>) semaphore(%arg13 : memref<!tpu.dma_semaphore, #tpu.memory_space<semaphore_mem>>)
      %dma_start3A_235 = arith.constant 0 : i32
      %dma_start3A_236 = tpu.memref_slice %arg7[%dma_start3A_235] : memref<400xi32, #tpu.memory_space<vmem>> -> memref<80xi32, #tpu.memory_space<vmem>>
      %dma_start3A_237 = arith.constant 0 : i32
      %dma_start3A_238 = arith.constant 0 : i32
      %dma_start3A_239 = tpu.memref_slice %arg12[%dma_start3A_237, %dma_start3A_238] : memref<10240x128xf32, #tpu.memory_space<vmem_shared>> -> memref<10240x128xf32, #tpu.memory_space<vmem_shared>>
      tpu.enqueue_indirect_dma source(%arg9 : memref<80x128xf32, #tpu.memory_space<vmem>>) target(%dma_start3A_239 : memref<10240x128xf32, #tpu.memory_space<vmem_shared>>) offsets(%dma_start3A_236 : memref<80xi32, #tpu.memory_space<vmem>>) semaphore(%arg15 : memref<!tpu.dma_semaphore, #tpu.memory_space<semaphore_mem>>) {add = true}
      %dma_wait3A_240 = arith.constant 0 : i32
      %dma_wait3A_241 = arith.constant 0 : i32
      %dma_wait3A_242 = tpu.memref_slice %arg2[%dma_wait3A_240, %dma_wait3A_241] : memref<10240x128xf32, #tpu.memory_space<hbm>> -> memref<80x128xf32, #tpu.memory_space<hbm>>
      %dma_wait3A_243 = arith.constant 0 : i32
      %dma_wait3A_244 = arith.constant 0 : i32
      %dma_wait3A_245 = tpu.memref_slice %arg2[%dma_wait3A_243, %dma_wait3A_244] : memref<10240x128xf32, #tpu.memory_space<hbm>> -> memref<80x128xf32, #tpu.memory_space<hbm>>
      tpu.wait_dma2 semaphore(%arg13 : memref<!tpu.dma_semaphore, #tpu.memory_space<semaphore_mem>>) src(%dma_wait3A_245 : memref<80x128xf32, #tpu.memory_space<hbm>>) dst(%arg10 : memref<80x128xf32, #tpu.memory_space<vmem>>)
      %dma_wait3A_246 = arith.constant 0 : i32
      %dma_wait3A_247 = arith.constant 0 : i32
      %dma_wait3A_248 = tpu.memref_slice %arg2[%dma_wait3A_246, %dma_wait3A_247] : memref<10240x128xf32, #tpu.memory_space<hbm>> -> memref<80x128xf32, #tpu.memory_space<hbm>>
      %dma_wait3A_249 = arith.constant 0 : i32
      %dma_wait3A_250 = arith.constant 0 : i32
      %dma_wait3A_251 = tpu.memref_slice %arg2[%dma_wait3A_249, %dma_wait3A_250] : memref<10240x128xf32, #tpu.memory_space<hbm>> -> memref<80x128xf32, #tpu.memory_space<hbm>>
      tpu.wait_dma2 semaphore(%arg15 : memref<!tpu.dma_semaphore, #tpu.memory_space<semaphore_mem>>) src(%dma_wait3A_251 : memref<80x128xf32, #tpu.memory_space<hbm>>) dst(%arg9 : memref<80x128xf32, #tpu.memory_space<vmem>>)
      %dma_start3A_252 = arith.constant 160 : i32
      %dma_start3A_253 = tpu.memref_slice %arg5[%dma_start3A_252] : memref<400xi32, #tpu.memory_space<vmem>> -> memref<80xi32, #tpu.memory_space<vmem>>
      %dma_start3A_254 = arith.constant 0 : i32
      %dma_start3A_255 = arith.constant 0 : i32
      %dma_start3A_256 = tpu.memref_slice %arg2[%dma_start3A_254, %dma_start3A_255] : memref<10240x128xf32, #tpu.memory_space<hbm>> -> memref<10240x128xf32, #tpu.memory_space<hbm>>
      tpu.enqueue_indirect_dma source(%dma_start3A_256 : memref<10240x128xf32, #tpu.memory_space<hbm>>) target(%arg9 : memref<80x128xf32, #tpu.memory_space<vmem>>) offsets(%dma_start3A_253 : memref<80xi32, #tpu.memory_space<vmem>>) semaphore(%arg13 : memref<!tpu.dma_semaphore, #tpu.memory_space<semaphore_mem>>)
      %dma_start3A_257 = arith.constant 80 : i32
      %dma_start3A_258 = tpu.memref_slice %arg7[%dma_start3A_257] : memref<400xi32, #tpu.memory_space<vmem>> -> memref<80xi32, #tpu.memory_space<vmem>>
      %dma_start3A_259 = arith.constant 0 : i32
      %dma_start3A_260 = arith.constant 0 : i32
      %dma_start3A_261 = tpu.memref_slice %arg12[%dma_start3A_259, %dma_start3A_260] : memref<10240x128xf32, #tpu.memory_space<vmem_shared>> -> memref<10240x128xf32, #tpu.memory_space<vmem_shared>>
      tpu.enqueue_indirect_dma source(%arg10 : memref<80x128xf32, #tpu.memory_space<vmem>>) target(%dma_start3A_261 : memref<10240x128xf32, #tpu.memory_space<vmem_shared>>) offsets(%dma_start3A_258 : memref<80xi32, #tpu.memory_space<vmem>>) semaphore(%arg15 : memref<!tpu.dma_semaphore, #tpu.memory_space<semaphore_mem>>) {add = true}
      %dma_wait3A_262 = arith.constant 0 : i32
      %dma_wait3A_263 = arith.constant 0 : i32
      %dma_wait3A_264 = tpu.memref_slice %arg2[%dma_wait3A_262, %dma_wait3A_263] : memref<10240x128xf32, #tpu.memory_space<hbm>> -> memref<80x128xf32, #tpu.memory_space<hbm>>
      %dma_wait3A_265 = arith.constant 0 : i32
      %dma_wait3A_266 = arith.constant 0 : i32
      %dma_wait3A_267 = tpu.memref_slice %arg2[%dma_wait3A_265, %dma_wait3A_266] : memref<10240x128xf32, #tpu.memory_space<hbm>> -> memref<80x128xf32, #tpu.memory_space<hbm>>
      tpu.wait_dma2 semaphore(%arg13 : memref<!tpu.dma_semaphore, #tpu.memory_space<semaphore_mem>>) src(%dma_wait3A_267 : memref<80x128xf32, #tpu.memory_space<hbm>>) dst(%arg9 : memref<80x128xf32, #tpu.memory_space<vmem>>)
      %dma_wait3A_268 = arith.constant 0 : i32
      %dma_wait3A_269 = arith.constant 0 : i32
      %dma_wait3A_270 = tpu.memref_slice %arg2[%dma_wait3A_268, %dma_wait3A_269] : memref<10240x128xf32, #tpu.memory_space<hbm>> -> memref<80x128xf32, #tpu.memory_space<hbm>>
      %dma_wait3A_271 = arith.constant 0 : i32
      %dma_wait3A_272 = arith.constant 0 : i32
      %dma_wait3A_273 = tpu.memref_slice %arg2[%dma_wait3A_271, %dma_wait3A_272] : memref<10240x128xf32, #tpu.memory_space<hbm>> -> memref<80x128xf32, #tpu.memory_space<hbm>>
      tpu.wait_dma2 semaphore(%arg15 : memref<!tpu.dma_semaphore, #tpu.memory_space<semaphore_mem>>) src(%dma_wait3A_273 : memref<80x128xf32, #tpu.memory_space<hbm>>) dst(%arg9 : memref<80x128xf32, #tpu.memory_space<vmem>>)
      %dma_start3A_274 = arith.constant 240 : i32
      %dma_start3A_275 = tpu.memref_slice %arg5[%dma_start3A_274] : memref<400xi32, #tpu.memory_space<vmem>> -> memref<80xi32, #tpu.memory_space<vmem>>
      %dma_start3A_276 = arith.constant 0 : i32
      %dma_start3A_277 = arith.constant 0 : i32
      %dma_start3A_278 = tpu.memref_slice %arg2[%dma_start3A_276, %dma_start3A_277] : memref<10240x128xf32, #tpu.memory_space<hbm>> -> memref<10240x128xf32, #tpu.memory_space<hbm>>
      tpu.enqueue_indirect_dma source(%dma_start3A_278 : memref<10240x128xf32, #tpu.memory_space<hbm>>) target(%arg10 : memref<80x128xf32, #tpu.memory_space<vmem>>) offsets(%dma_start3A_275 : memref<80xi32, #tpu.memory_space<vmem>>) semaphore(%arg13 : memref<!tpu.dma_semaphore, #tpu.memory_space<semaphore_mem>>)
      %dma_start3A_279 = arith.constant 160 : i32
      %dma_start3A_280 = tpu.memref_slice %arg7[%dma_start3A_279] : memref<400xi32, #tpu.memory_space<vmem>> -> memref<80xi32, #tpu.memory_space<vmem>>
      %dma_start3A_281 = arith.constant 0 : i32
      %dma_start3A_282 = arith.constant 0 : i32
      %dma_start3A_283 = tpu.memref_slice %arg12[%dma_start3A_281, %dma_start3A_282] : memref<10240x128xf32, #tpu.memory_space<vmem_shared>> -> memref<10240x128xf32, #tpu.memory_space<vmem_shared>>
      tpu.enqueue_indirect_dma source(%arg9 : memref<80x128xf32, #tpu.memory_space<vmem>>) target(%dma_start3A_283 : memref<10240x128xf32, #tpu.memory_space<vmem_shared>>) offsets(%dma_start3A_280 : memref<80xi32, #tpu.memory_space<vmem>>) semaphore(%arg15 : memref<!tpu.dma_semaphore, #tpu.memory_space<semaphore_mem>>) {add = true}
      %dma_wait3A_284 = arith.constant 0 : i32
      %dma_wait3A_285 = arith.constant 0 : i32
      %dma_wait3A_286 = tpu.memref_slice %arg3[%dma_wait3A_284, %dma_wait3A_285] : memref<2x320000xi32, #tpu.memory_space<hbm>> -> memref<1x400xi32, #tpu.memory_space<hbm>>
      %dma_wait3A_287 = tpu.memref_squeeze %dma_wait3A_286 : memref<1x400xi32, #tpu.memory_space<hbm>> -> memref<400xi32, #tpu.memory_space<hbm>>
      %dma_wait3A_288 = arith.constant 0 : i32
      %dma_wait3A_289 = tpu.memref_slice %arg3[%dma_wait3A_284, %dma_wait3A_288] : memref<2x320000xi32, #tpu.memory_space<hbm>> -> memref<1x400xi32, #tpu.memory_space<hbm>>
      %dma_wait3A_290 = tpu.memref_squeeze %dma_wait3A_289 : memref<1x400xi32, #tpu.memory_space<hbm>> -> memref<400xi32, #tpu.memory_space<hbm>>
      tpu.wait_dma2 semaphore(%arg14 : memref<!tpu.dma_semaphore, #tpu.memory_space<semaphore_mem>>) src(%dma_wait3A_290 : memref<400xi32, #tpu.memory_space<hbm>>) dst(%arg6 : memref<400xi32, #tpu.memory_space<vmem>>)
      %dma_wait3A_291 = arith.constant 1 : i32
      %dma_wait3A_292 = arith.constant 0 : i32
      %dma_wait3A_293 = tpu.memref_slice %arg3[%dma_wait3A_291, %dma_wait3A_292] : memref<2x320000xi32, #tpu.memory_space<hbm>> -> memref<1x400xi32, #tpu.memory_space<hbm>>
      %dma_wait3A_294 = tpu.memref_squeeze %dma_wait3A_293 : memref<1x400xi32, #tpu.memory_space<hbm>> -> memref<400xi32, #tpu.memory_space<hbm>>
      %dma_wait3A_295 = arith.constant 0 : i32
      %dma_wait3A_296 = tpu.memref_slice %arg3[%dma_wait3A_291, %dma_wait3A_295] : memref<2x320000xi32, #tpu.memory_space<hbm>> -> memref<1x400xi32, #tpu.memory_space<hbm>>
      %dma_wait3A_297 = tpu.memref_squeeze %dma_wait3A_296 : memref<1x400xi32, #tpu.memory_space<hbm>> -> memref<400xi32, #tpu.memory_space<hbm>>
      tpu.wait_dma2 semaphore(%arg14 : memref<!tpu.dma_semaphore, #tpu.memory_space<semaphore_mem>>) src(%dma_wait3A_297 : memref<400xi32, #tpu.memory_space<hbm>>) dst(%arg8 : memref<400xi32, #tpu.memory_space<vmem>>)
      %dma_wait3A_298 = arith.constant 0 : i32
      %dma_wait3A_299 = arith.constant 0 : i32
      %dma_wait3A_300 = tpu.memref_slice %arg2[%dma_wait3A_298, %dma_wait3A_299] : memref<10240x128xf32, #tpu.memory_space<hbm>> -> memref<80x128xf32, #tpu.memory_space<hbm>>
      %dma_wait3A_301 = arith.constant 0 : i32
      %dma_wait3A_302 = arith.constant 0 : i32
      %dma_wait3A_303 = tpu.memref_slice %arg2[%dma_wait3A_301, %dma_wait3A_302] : memref<10240x128xf32, #tpu.memory_space<hbm>> -> memref<80x128xf32, #tpu.memory_space<hbm>>
      tpu.wait_dma2 semaphore(%arg13 : memref<!tpu.dma_semaphore, #tpu.memory_space<semaphore_mem>>) src(%dma_wait3A_303 : memref<80x128xf32, #tpu.memory_space<hbm>>) dst(%arg10 : memref<80x128xf32, #tpu.memory_space<vmem>>)
      %dma_wait3A_304 = arith.constant 0 : i32
      %dma_wait3A_305 = arith.constant 0 : i32
      %dma_wait3A_306 = tpu.memref_slice %arg2[%dma_wait3A_304, %dma_wait3A_305] : memref<10240x128xf32, #tpu.memory_space<hbm>> -> memref<80x128xf32, #tpu.memory_space<hbm>>
      %dma_wait3A_307 = arith.constant 0 : i32
      %dma_wait3A_308 = arith.constant 0 : i32
      %dma_wait3A_309 = tpu.memref_slice %arg2[%dma_wait3A_307, %dma_wait3A_308] : memref<10240x128xf32, #tpu.memory_space<hbm>> -> memref<80x128xf32, #tpu.memory_space<hbm>>
      tpu.wait_dma2 semaphore(%arg15 : memref<!tpu.dma_semaphore, #tpu.memory_space<semaphore_mem>>) src(%dma_wait3A_309 : memref<80x128xf32, #tpu.memory_space<hbm>>) dst(%arg9 : memref<80x128xf32, #tpu.memory_space<vmem>>)
      %dma_start3A_310 = arith.constant 320 : i32
      %dma_start3A_311 = tpu.memref_slice %arg5[%dma_start3A_310] : memref<400xi32, #tpu.memory_space<vmem>> -> memref<80xi32, #tpu.memory_space<vmem>>
      %dma_start3A_312 = arith.constant 0 : i32
      %dma_start3A_313 = arith.constant 0 : i32
      %dma_start3A_314 = tpu.memref_slice %arg2[%dma_start3A_312, %dma_start3A_313] : memref<10240x128xf32, #tpu.memory_space<hbm>> -> memref<10240x128xf32, #tpu.memory_space<hbm>>
      tpu.enqueue_indirect_dma source(%dma_start3A_314 : memref<10240x128xf32, #tpu.memory_space<hbm>>) target(%arg9 : memref<80x128xf32, #tpu.memory_space<vmem>>) offsets(%dma_start3A_311 : memref<80xi32, #tpu.memory_space<vmem>>) semaphore(%arg13 : memref<!tpu.dma_semaphore, #tpu.memory_space<semaphore_mem>>)
      %dma_start3A_315 = arith.constant 240 : i32
      %dma_start3A_316 = tpu.memref_slice %arg7[%dma_start3A_315] : memref<400xi32, #tpu.memory_space<vmem>> -> memref<80xi32, #tpu.memory_space<vmem>>
      %dma_start3A_317 = arith.constant 0 : i32
      %dma_start3A_318 = arith.constant 0 : i32
      %dma_start3A_319 = tpu.memref_slice %arg12[%dma_start3A_317, %dma_start3A_318] : memref<10240x128xf32, #tpu.memory_space<vmem_shared>> -> memref<10240x128xf32, #tpu.memory_space<vmem_shared>>
      tpu.enqueue_indirect_dma source(%arg10 : memref<80x128xf32, #tpu.memory_space<vmem>>) target(%dma_start3A_319 : memref<10240x128xf32, #tpu.memory_space<vmem_shared>>) offsets(%dma_start3A_316 : memref<80xi32, #tpu.memory_space<vmem>>) semaphore(%arg15 : memref<!tpu.dma_semaphore, #tpu.memory_space<semaphore_mem>>) {add = true}
      %dma_wait3A_320 = arith.constant 0 : i32
      %dma_wait3A_321 = arith.constant 0 : i32
      %dma_wait3A_322 = tpu.memref_slice %arg2[%dma_wait3A_320, %dma_wait3A_321] : memref<10240x128xf32, #tpu.memory_space<hbm>> -> memref<80x128xf32, #tpu.memory_space<hbm>>
      %dma_wait3A_323 = arith.constant 0 : i32
      %dma_wait3A_324 = arith.constant 0 : i32
      %dma_wait3A_325 = tpu.memref_slice %arg2[%dma_wait3A_323, %dma_wait3A_324] : memref<10240x128xf32, #tpu.memory_space<hbm>> -> memref<80x128xf32, #tpu.memory_space<hbm>>
      tpu.wait_dma2 semaphore(%arg13 : memref<!tpu.dma_semaphore, #tpu.memory_space<semaphore_mem>>) src(%dma_wait3A_325 : memref<80x128xf32, #tpu.memory_space<hbm>>) dst(%arg9 : memref<80x128xf32, #tpu.memory_space<vmem>>)
      %dma_wait3A_326 = arith.constant 0 : i32
      %dma_wait3A_327 = arith.constant 0 : i32
      %dma_wait3A_328 = tpu.memref_slice %arg2[%dma_wait3A_326, %dma_wait3A_327] : memref<10240x128xf32, #tpu.memory_space<hbm>> -> memref<80x128xf32, #tpu.memory_space<hbm>>
      %dma_wait3A_329 = arith.constant 0 : i32
      %dma_wait3A_330 = arith.constant 0 : i32
      %dma_wait3A_331 = tpu.memref_slice %arg2[%dma_wait3A_329, %dma_wait3A_330] : memref<10240x128xf32, #tpu.memory_space<hbm>> -> memref<80x128xf32, #tpu.memory_space<hbm>>
      tpu.wait_dma2 semaphore(%arg15 : memref<!tpu.dma_semaphore, #tpu.memory_space<semaphore_mem>>) src(%dma_wait3A_331 : memref<80x128xf32, #tpu.memory_space<hbm>>) dst(%arg9 : memref<80x128xf32, #tpu.memory_space<vmem>>)
      %dma_start3A_332 = arith.constant 0 : i32
      %dma_start3A_333 = tpu.memref_slice %arg6[%dma_start3A_332] : memref<400xi32, #tpu.memory_space<vmem>> -> memref<80xi32, #tpu.memory_space<vmem>>
      %dma_start3A_334 = arith.constant 0 : i32
      %dma_start3A_335 = arith.constant 0 : i32
      %dma_start3A_336 = tpu.memref_slice %arg2[%dma_start3A_334, %dma_start3A_335] : memref<10240x128xf32, #tpu.memory_space<hbm>> -> memref<10240x128xf32, #tpu.memory_space<hbm>>
      tpu.enqueue_indirect_dma source(%dma_start3A_336 : memref<10240x128xf32, #tpu.memory_space<hbm>>) target(%arg10 : memref<80x128xf32, #tpu.memory_space<vmem>>) offsets(%dma_start3A_333 : memref<80xi32, #tpu.memory_space<vmem>>) semaphore(%arg13 : memref<!tpu.dma_semaphore, #tpu.memory_space<semaphore_mem>>)
      %dma_start3A_337 = arith.constant 320 : i32
      %dma_start3A_338 = tpu.memref_slice %arg7[%dma_start3A_337] : memref<400xi32, #tpu.memory_space<vmem>> -> memref<80xi32, #tpu.memory_space<vmem>>
      %dma_start3A_339 = arith.constant 0 : i32
      %dma_start3A_340 = arith.constant 0 : i32
      %dma_start3A_341 = tpu.memref_slice %arg12[%dma_start3A_339, %dma_start3A_340] : memref<10240x128xf32, #tpu.memory_space<vmem_shared>> -> memref<10240x128xf32, #tpu.memory_space<vmem_shared>>
      tpu.enqueue_indirect_dma source(%arg9 : memref<80x128xf32, #tpu.memory_space<vmem>>) target(%dma_start3A_341 : memref<10240x128xf32, #tpu.memory_space<vmem_shared>>) offsets(%dma_start3A_338 : memref<80xi32, #tpu.memory_space<vmem>>) semaphore(%arg15 : memref<!tpu.dma_semaphore, #tpu.memory_space<semaphore_mem>>) {add = true}
      %add3A_342 = arith.constant 2 : i32
      %add3A_343 = arith.addi %mul3A_221, %add3A_342 : i32
      %mul3A_344 = arith.constant 400 : i32
      %mul3A_345 = arith.muli %add3A_343, %mul3A_344 : i32
      %add3A_346 = arith.addi %mul3A_2, %mul3A_345 : i32
      %dma_start3A_347 = arith.constant 0 : i32
      %dma_start3A_348 = tpu.memref_slice %arg3[%dma_start3A_347, %add3A_346] : memref<2x320000xi32, #tpu.memory_space<hbm>> -> memref<1x400xi32, #tpu.memory_space<hbm>>
      %dma_start3A_349 = tpu.memref_squeeze %dma_start3A_348 : memref<1x400xi32, #tpu.memory_space<hbm>> -> memref<400xi32, #tpu.memory_space<hbm>>
      %dma_start3A_350 = tpu.memref_slice %arg3[%dma_start3A_347, %add3A_346] : memref<2x320000xi32, #tpu.memory_space<hbm>> -> memref<1x400xi32, #tpu.memory_space<hbm>>
      %dma_start3A_351 = tpu.memref_squeeze %dma_start3A_350 : memref<1x400xi32, #tpu.memory_space<hbm>> -> memref<400xi32, #tpu.memory_space<hbm>>
      tpu.enqueue_dma source(%dma_start3A_351 : memref<400xi32, #tpu.memory_space<hbm>>) target(%arg5 : memref<400xi32, #tpu.memory_space<vmem>>) target_semaphore(%arg14 : memref<!tpu.dma_semaphore, #tpu.memory_space<semaphore_mem>>)
      %mul3A_352 = arith.constant 400 : i32
      %mul3A_353 = arith.muli %add3A_343, %mul3A_352 : i32
      %add3A_354 = arith.addi %mul3A_2, %mul3A_353 : i32
      %dma_start3A_355 = arith.constant 1 : i32
      %dma_start3A_356 = tpu.memref_slice %arg3[%dma_start3A_355, %add3A_354] : memref<2x320000xi32, #tpu.memory_space<hbm>> -> memref<1x400xi32, #tpu.memory_space<hbm>>
      %dma_start3A_357 = tpu.memref_squeeze %dma_start3A_356 : memref<1x400xi32, #tpu.memory_space<hbm>> -> memref<400xi32, #tpu.memory_space<hbm>>
      %dma_start3A_358 = tpu.memref_slice %arg3[%dma_start3A_355, %add3A_354] : memref<2x320000xi32, #tpu.memory_space<hbm>> -> memref<1x400xi32, #tpu.memory_space<hbm>>
      %dma_start3A_359 = tpu.memref_squeeze %dma_start3A_358 : memref<1x400xi32, #tpu.memory_space<hbm>> -> memref<400xi32, #tpu.memory_space<hbm>>
      tpu.enqueue_dma source(%dma_start3A_359 : memref<400xi32, #tpu.memory_space<hbm>>) target(%arg7 : memref<400xi32, #tpu.memory_space<vmem>>) target_semaphore(%arg14 : memref<!tpu.dma_semaphore, #tpu.memory_space<semaphore_mem>>)
      %mul3A_360 = arith.constant 2 : i32
      %mul3A_361 = arith.muli %mul3A_360, %scan3A_218 : i32
      %add3A_362 = arith.constant 1 : i32
      %add3A_363 = arith.addi %mul3A_361, %add3A_362 : i32
      %dma_wait3A_364 = arith.constant 0 : i32
      %dma_wait3A_365 = arith.constant 0 : i32
      %dma_wait3A_366 = tpu.memref_slice %arg2[%dma_wait3A_364, %dma_wait3A_365] : memref<10240x128xf32, #tpu.memory_space<hbm>> -> memref<80x128xf32, #tpu.memory_space<hbm>>
      %dma_wait3A_367 = arith.constant 0 : i32
      %dma_wait3A_368 = arith.constant 0 : i32
      %dma_wait3A_369 = tpu.memref_slice %arg2[%dma_wait3A_367, %dma_wait3A_368] : memref<10240x128xf32, #tpu.memory_space<hbm>> -> memref<80x128xf32, #tpu.memory_space<hbm>>
      tpu.wait_dma2 semaphore(%arg13 : memref<!tpu.dma_semaphore, #tpu.memory_space<semaphore_mem>>) src(%dma_wait3A_369 : memref<80x128xf32, #tpu.memory_space<hbm>>) dst(%arg10 : memref<80x128xf32, #tpu.memory_space<vmem>>)
      %ge3A_370 = arith.constant 1 : i32
      %ge3A_371 = arith.cmpi sge, %add3A_363, %ge3A_370 : i32
      %convert_element_type3A_372 = arith.extui %ge3A_371 : i1 to i32
      %cond3A_373 = arith.constant 0 : i32
      %cond3A_374 = arith.cmpi ne, %convert_element_type3A_372, %cond3A_373 : i32
      scf.if %cond3A_374 {
        %dma_wait3A_494 = arith.constant 0 : i32
        %dma_wait3A_495 = arith.constant 0 : i32
        %dma_wait3A_496 = tpu.memref_slice %arg2[%dma_wait3A_494, %dma_wait3A_495] : memref<10240x128xf32, #tpu.memory_space<hbm>> -> memref<80x128xf32, #tpu.memory_space<hbm>>
        %dma_wait3A_497 = arith.constant 0 : i32
        %dma_wait3A_498 = arith.constant 0 : i32
        %dma_wait3A_499 = tpu.memref_slice %arg2[%dma_wait3A_497, %dma_wait3A_498] : memref<10240x128xf32, #tpu.memory_space<hbm>> -> memref<80x128xf32, #tpu.memory_space<hbm>>
        tpu.wait_dma2 semaphore(%arg15 : memref<!tpu.dma_semaphore, #tpu.memory_space<semaphore_mem>>) src(%dma_wait3A_499 : memref<80x128xf32, #tpu.memory_space<hbm>>) dst(%arg9 : memref<80x128xf32, #tpu.memory_space<vmem>>)
      } else {
      }
      %dma_start3A_375 = arith.constant 80 : i32
      %dma_start3A_376 = tpu.memref_slice %arg6[%dma_start3A_375] : memref<400xi32, #tpu.memory_space<vmem>> -> memref<80xi32, #tpu.memory_space<vmem>>
      %dma_start3A_377 = arith.constant 0 : i32
      %dma_start3A_378 = arith.constant 0 : i32
      %dma_start3A_379 = tpu.memref_slice %arg2[%dma_start3A_377, %dma_start3A_378] : memref<10240x128xf32, #tpu.memory_space<hbm>> -> memref<10240x128xf32, #tpu.memory_space<hbm>>
      tpu.enqueue_indirect_dma source(%dma_start3A_379 : memref<10240x128xf32, #tpu.memory_space<hbm>>) target(%arg9 : memref<80x128xf32, #tpu.memory_space<vmem>>) offsets(%dma_start3A_376 : memref<80xi32, #tpu.memory_space<vmem>>) semaphore(%arg13 : memref<!tpu.dma_semaphore, #tpu.memory_space<semaphore_mem>>)
      %dma_start3A_380 = arith.constant 0 : i32
      %dma_start3A_381 = tpu.memref_slice %arg8[%dma_start3A_380] : memref<400xi32, #tpu.memory_space<vmem>> -> memref<80xi32, #tpu.memory_space<vmem>>
      %dma_start3A_382 = arith.constant 0 : i32
      %dma_start3A_383 = arith.constant 0 : i32
      %dma_start3A_384 = tpu.memref_slice %arg12[%dma_start3A_382, %dma_start3A_383] : memref<10240x128xf32, #tpu.memory_space<vmem_shared>> -> memref<10240x128xf32, #tpu.memory_space<vmem_shared>>
      tpu.enqueue_indirect_dma source(%arg10 : memref<80x128xf32, #tpu.memory_space<vmem>>) target(%dma_start3A_384 : memref<10240x128xf32, #tpu.memory_space<vmem_shared>>) offsets(%dma_start3A_381 : memref<80xi32, #tpu.memory_space<vmem>>) semaphore(%arg15 : memref<!tpu.dma_semaphore, #tpu.memory_space<semaphore_mem>>) {add = true}
      %dma_wait3A_385 = arith.constant 0 : i32
      %dma_wait3A_386 = arith.constant 0 : i32
      %dma_wait3A_387 = tpu.memref_slice %arg2[%dma_wait3A_385, %dma_wait3A_386] : memref<10240x128xf32, #tpu.memory_space<hbm>> -> memref<80x128xf32, #tpu.memory_space<hbm>>
      %dma_wait3A_388 = arith.constant 0 : i32
      %dma_wait3A_389 = arith.constant 0 : i32
      %dma_wait3A_390 = tpu.memref_slice %arg2[%dma_wait3A_388, %dma_wait3A_389] : memref<10240x128xf32, #tpu.memory_space<hbm>> -> memref<80x128xf32, #tpu.memory_space<hbm>>
      tpu.wait_dma2 semaphore(%arg13 : memref<!tpu.dma_semaphore, #tpu.memory_space<semaphore_mem>>) src(%dma_wait3A_390 : memref<80x128xf32, #tpu.memory_space<hbm>>) dst(%arg9 : memref<80x128xf32, #tpu.memory_space<vmem>>)
      %dma_wait3A_391 = arith.constant 0 : i32
      %dma_wait3A_392 = arith.constant 0 : i32
      %dma_wait3A_393 = tpu.memref_slice %arg2[%dma_wait3A_391, %dma_wait3A_392] : memref<10240x128xf32, #tpu.memory_space<hbm>> -> memref<80x128xf32, #tpu.memory_space<hbm>>
      %dma_wait3A_394 = arith.constant 0 : i32
      %dma_wait3A_395 = arith.constant 0 : i32
      %dma_wait3A_396 = tpu.memref_slice %arg2[%dma_wait3A_394, %dma_wait3A_395] : memref<10240x128xf32, #tpu.memory_space<hbm>> -> memref<80x128xf32, #tpu.memory_space<hbm>>
      tpu.wait_dma2 semaphore(%arg15 : memref<!tpu.dma_semaphore, #tpu.memory_space<semaphore_mem>>) src(%dma_wait3A_396 : memref<80x128xf32, #tpu.memory_space<hbm>>) dst(%arg9 : memref<80x128xf32, #tpu.memory_space<vmem>>)
      %dma_start3A_397 = arith.constant 160 : i32
      %dma_start3A_398 = tpu.memref_slice %arg6[%dma_start3A_397] : memref<400xi32, #tpu.memory_space<vmem>> -> memref<80xi32, #tpu.memory_space<vmem>>
      %dma_start3A_399 = arith.constant 0 : i32
      %dma_start3A_400 = arith.constant 0 : i32
      %dma_start3A_401 = tpu.memref_slice %arg2[%dma_start3A_399, %dma_start3A_400] : memref<10240x128xf32, #tpu.memory_space<hbm>> -> memref<10240x128xf32, #tpu.memory_space<hbm>>
      tpu.enqueue_indirect_dma source(%dma_start3A_401 : memref<10240x128xf32, #tpu.memory_space<hbm>>) target(%arg10 : memref<80x128xf32, #tpu.memory_space<vmem>>) offsets(%dma_start3A_398 : memref<80xi32, #tpu.memory_space<vmem>>) semaphore(%arg13 : memref<!tpu.dma_semaphore, #tpu.memory_space<semaphore_mem>>)
      %dma_start3A_402 = arith.constant 80 : i32
      %dma_start3A_403 = tpu.memref_slice %arg8[%dma_start3A_402] : memref<400xi32, #tpu.memory_space<vmem>> -> memref<80xi32, #tpu.memory_space<vmem>>
      %dma_start3A_404 = arith.constant 0 : i32
      %dma_start3A_405 = arith.constant 0 : i32
      %dma_start3A_406 = tpu.memref_slice %arg12[%dma_start3A_404, %dma_start3A_405] : memref<10240x128xf32, #tpu.memory_space<vmem_shared>> -> memref<10240x128xf32, #tpu.memory_space<vmem_shared>>
      tpu.enqueue_indirect_dma source(%arg9 : memref<80x128xf32, #tpu.memory_space<vmem>>) target(%dma_start3A_406 : memref<10240x128xf32, #tpu.memory_space<vmem_shared>>) offsets(%dma_start3A_403 : memref<80xi32, #tpu.memory_space<vmem>>) semaphore(%arg15 : memref<!tpu.dma_semaphore, #tpu.memory_space<semaphore_mem>>) {add = true}
      %dma_wait3A_407 = arith.constant 0 : i32
      %dma_wait3A_408 = arith.constant 0 : i32
      %dma_wait3A_409 = tpu.memref_slice %arg2[%dma_wait3A_407, %dma_wait3A_408] : memref<10240x128xf32, #tpu.memory_space<hbm>> -> memref<80x128xf32, #tpu.memory_space<hbm>>
      %dma_wait3A_410 = arith.constant 0 : i32
      %dma_wait3A_411 = arith.constant 0 : i32
      %dma_wait3A_412 = tpu.memref_slice %arg2[%dma_wait3A_410, %dma_wait3A_411] : memref<10240x128xf32, #tpu.memory_space<hbm>> -> memref<80x128xf32, #tpu.memory_space<hbm>>
      tpu.wait_dma2 semaphore(%arg13 : memref<!tpu.dma_semaphore, #tpu.memory_space<semaphore_mem>>) src(%dma_wait3A_412 : memref<80x128xf32, #tpu.memory_space<hbm>>) dst(%arg10 : memref<80x128xf32, #tpu.memory_space<vmem>>)
      %dma_wait3A_413 = arith.constant 0 : i32
      %dma_wait3A_414 = arith.constant 0 : i32
      %dma_wait3A_415 = tpu.memref_slice %arg2[%dma_wait3A_413, %dma_wait3A_414] : memref<10240x128xf32, #tpu.memory_space<hbm>> -> memref<80x128xf32, #tpu.memory_space<hbm>>
      %dma_wait3A_416 = arith.constant 0 : i32
      %dma_wait3A_417 = arith.constant 0 : i32
      %dma_wait3A_418 = tpu.memref_slice %arg2[%dma_wait3A_416, %dma_wait3A_417] : memref<10240x128xf32, #tpu.memory_space<hbm>> -> memref<80x128xf32, #tpu.memory_space<hbm>>
      tpu.wait_dma2 semaphore(%arg15 : memref<!tpu.dma_semaphore, #tpu.memory_space<semaphore_mem>>) src(%dma_wait3A_418 : memref<80x128xf32, #tpu.memory_space<hbm>>) dst(%arg9 : memref<80x128xf32, #tpu.memory_space<vmem>>)
      %dma_start3A_419 = arith.constant 240 : i32
      %dma_start3A_420 = tpu.memref_slice %arg6[%dma_start3A_419] : memref<400xi32, #tpu.memory_space<vmem>> -> memref<80xi32, #tpu.memory_space<vmem>>
      %dma_start3A_421 = arith.constant 0 : i32
      %dma_start3A_422 = arith.constant 0 : i32
      %dma_start3A_423 = tpu.memref_slice %arg2[%dma_start3A_421, %dma_start3A_422] : memref<10240x128xf32, #tpu.memory_space<hbm>> -> memref<10240x128xf32, #tpu.memory_space<hbm>>
      tpu.enqueue_indirect_dma source(%dma_start3A_423 : memref<10240x128xf32, #tpu.memory_space<hbm>>) target(%arg9 : memref<80x128xf32, #tpu.memory_space<vmem>>) offsets(%dma_start3A_420 : memref<80xi32, #tpu.memory_space<vmem>>) semaphore(%arg13 : memref<!tpu.dma_semaphore, #tpu.memory_space<semaphore_mem>>)
      %dma_start3A_424 = arith.constant 160 : i32
      %dma_start3A_425 = tpu.memref_slice %arg8[%dma_start3A_424] : memref<400xi32, #tpu.memory_space<vmem>> -> memref<80xi32, #tpu.memory_space<vmem>>
      %dma_start3A_426 = arith.constant 0 : i32
      %dma_start3A_427 = arith.constant 0 : i32
      %dma_start3A_428 = tpu.memref_slice %arg12[%dma_start3A_426, %dma_start3A_427] : memref<10240x128xf32, #tpu.memory_space<vmem_shared>> -> memref<10240x128xf32, #tpu.memory_space<vmem_shared>>
      tpu.enqueue_indirect_dma source(%arg10 : memref<80x128xf32, #tpu.memory_space<vmem>>) target(%dma_start3A_428 : memref<10240x128xf32, #tpu.memory_space<vmem_shared>>) offsets(%dma_start3A_425 : memref<80xi32, #tpu.memory_space<vmem>>) semaphore(%arg15 : memref<!tpu.dma_semaphore, #tpu.memory_space<semaphore_mem>>) {add = true}
      %dma_wait3A_429 = arith.constant 0 : i32
      %dma_wait3A_430 = arith.constant 0 : i32
      %dma_wait3A_431 = tpu.memref_slice %arg3[%dma_wait3A_429, %dma_wait3A_430] : memref<2x320000xi32, #tpu.memory_space<hbm>> -> memref<1x400xi32, #tpu.memory_space<hbm>>
      %dma_wait3A_432 = tpu.memref_squeeze %dma_wait3A_431 : memref<1x400xi32, #tpu.memory_space<hbm>> -> memref<400xi32, #tpu.memory_space<hbm>>
      %dma_wait3A_433 = arith.constant 0 : i32
      %dma_wait3A_434 = tpu.memref_slice %arg3[%dma_wait3A_429, %dma_wait3A_433] : memref<2x320000xi32, #tpu.memory_space<hbm>> -> memref<1x400xi32, #tpu.memory_space<hbm>>
      %dma_wait3A_435 = tpu.memref_squeeze %dma_wait3A_434 : memref<1x400xi32, #tpu.memory_space<hbm>> -> memref<400xi32, #tpu.memory_space<hbm>>
      tpu.wait_dma2 semaphore(%arg14 : memref<!tpu.dma_semaphore, #tpu.memory_space<semaphore_mem>>) src(%dma_wait3A_435 : memref<400xi32, #tpu.memory_space<hbm>>) dst(%arg5 : memref<400xi32, #tpu.memory_space<vmem>>)
      %dma_wait3A_436 = arith.constant 1 : i32
      %dma_wait3A_437 = arith.constant 0 : i32
      %dma_wait3A_438 = tpu.memref_slice %arg3[%dma_wait3A_436, %dma_wait3A_437] : memref<2x320000xi32, #tpu.memory_space<hbm>> -> memref<1x400xi32, #tpu.memory_space<hbm>>
      %dma_wait3A_439 = tpu.memref_squeeze %dma_wait3A_438 : memref<1x400xi32, #tpu.memory_space<hbm>> -> memref<400xi32, #tpu.memory_space<hbm>>
      %dma_wait3A_440 = arith.constant 0 : i32
      %dma_wait3A_441 = tpu.memref_slice %arg3[%dma_wait3A_436, %dma_wait3A_440] : memref<2x320000xi32, #tpu.memory_space<hbm>> -> memref<1x400xi32, #tpu.memory_space<hbm>>
      %dma_wait3A_442 = tpu.memref_squeeze %dma_wait3A_441 : memref<1x400xi32, #tpu.memory_space<hbm>> -> memref<400xi32, #tpu.memory_space<hbm>>
      tpu.wait_dma2 semaphore(%arg14 : memref<!tpu.dma_semaphore, #tpu.memory_space<semaphore_mem>>) src(%dma_wait3A_442 : memref<400xi32, #tpu.memory_space<hbm>>) dst(%arg7 : memref<400xi32, #tpu.memory_space<vmem>>)
      %dma_wait3A_443 = arith.constant 0 : i32
      %dma_wait3A_444 = arith.constant 0 : i32
      %dma_wait3A_445 = tpu.memref_slice %arg2[%dma_wait3A_443, %dma_wait3A_444] : memref<10240x128xf32, #tpu.memory_space<hbm>> -> memref<80x128xf32, #tpu.memory_space<hbm>>
      %dma_wait3A_446 = arith.constant 0 : i32
      %dma_wait3A_447 = arith.constant 0 : i32
      %dma_wait3A_448 = tpu.memref_slice %arg2[%dma_wait3A_446, %dma_wait3A_447] : memref<10240x128xf32, #tpu.memory_space<hbm>> -> memref<80x128xf32, #tpu.memory_space<hbm>>
      tpu.wait_dma2 semaphore(%arg13 : memref<!tpu.dma_semaphore, #tpu.memory_space<semaphore_mem>>) src(%dma_wait3A_448 : memref<80x128xf32, #tpu.memory_space<hbm>>) dst(%arg9 : memref<80x128xf32, #tpu.memory_space<vmem>>)
      %dma_wait3A_449 = arith.constant 0 : i32
      %dma_wait3A_450 = arith.constant 0 : i32
      %dma_wait3A_451 = tpu.memref_slice %arg2[%dma_wait3A_449, %dma_wait3A_450] : memref<10240x128xf32, #tpu.memory_space<hbm>> -> memref<80x128xf32, #tpu.memory_space<hbm>>
      %dma_wait3A_452 = arith.constant 0 : i32
      %dma_wait3A_453 = arith.constant 0 : i32
      %dma_wait3A_454 = tpu.memref_slice %arg2[%dma_wait3A_452, %dma_wait3A_453] : memref<10240x128xf32, #tpu.memory_space<hbm>> -> memref<80x128xf32, #tpu.memory_space<hbm>>
      tpu.wait_dma2 semaphore(%arg15 : memref<!tpu.dma_semaphore, #tpu.memory_space<semaphore_mem>>) src(%dma_wait3A_454 : memref<80x128xf32, #tpu.memory_space<hbm>>) dst(%arg9 : memref<80x128xf32, #tpu.memory_space<vmem>>)
      %dma_start3A_455 = arith.constant 320 : i32
      %dma_start3A_456 = tpu.memref_slice %arg6[%dma_start3A_455] : memref<400xi32, #tpu.memory_space<vmem>> -> memref<80xi32, #tpu.memory_space<vmem>>
      %dma_start3A_457 = arith.constant 0 : i32
      %dma_start3A_458 = arith.constant 0 : i32
      %dma_start3A_459 = tpu.memref_slice %arg2[%dma_start3A_457, %dma_start3A_458] : memref<10240x128xf32, #tpu.memory_space<hbm>> -> memref<10240x128xf32, #tpu.memory_space<hbm>>
      tpu.enqueue_indirect_dma source(%dma_start3A_459 : memref<10240x128xf32, #tpu.memory_space<hbm>>) target(%arg10 : memref<80x128xf32, #tpu.memory_space<vmem>>) offsets(%dma_start3A_456 : memref<80xi32, #tpu.memory_space<vmem>>) semaphore(%arg13 : memref<!tpu.dma_semaphore, #tpu.memory_space<semaphore_mem>>)
      %dma_start3A_460 = arith.constant 240 : i32
      %dma_start3A_461 = tpu.memref_slice %arg8[%dma_start3A_460] : memref<400xi32, #tpu.memory_space<vmem>> -> memref<80xi32, #tpu.memory_space<vmem>>
      %dma_start3A_462 = arith.constant 0 : i32
      %dma_start3A_463 = arith.constant 0 : i32
      %dma_start3A_464 = tpu.memref_slice %arg12[%dma_start3A_462, %dma_start3A_463] : memref<10240x128xf32, #tpu.memory_space<vmem_shared>> -> memref<10240x128xf32, #tpu.memory_space<vmem_shared>>
      tpu.enqueue_indirect_dma source(%arg9 : memref<80x128xf32, #tpu.memory_space<vmem>>) target(%dma_start3A_464 : memref<10240x128xf32, #tpu.memory_space<vmem_shared>>) offsets(%dma_start3A_461 : memref<80xi32, #tpu.memory_space<vmem>>) semaphore(%arg15 : memref<!tpu.dma_semaphore, #tpu.memory_space<semaphore_mem>>) {add = true}
      %dma_wait3A_465 = arith.constant 0 : i32
      %dma_wait3A_466 = arith.constant 0 : i32
      %dma_wait3A_467 = tpu.memref_slice %arg2[%dma_wait3A_465, %dma_wait3A_466] : memref<10240x128xf32, #tpu.memory_space<hbm>> -> memref<80x128xf32, #tpu.memory_space<hbm>>
      %dma_wait3A_468 = arith.constant 0 : i32
      %dma_wait3A_469 = arith.constant 0 : i32
      %dma_wait3A_470 = tpu.memref_slice %arg2[%dma_wait3A_468, %dma_wait3A_469] : memref<10240x128xf32, #tpu.memory_space<hbm>> -> memref<80x128xf32, #tpu.memory_space<hbm>>
      tpu.wait_dma2 semaphore(%arg13 : memref<!tpu.dma_semaphore, #tpu.memory_space<semaphore_mem>>) src(%dma_wait3A_470 : memref<80x128xf32, #tpu.memory_space<hbm>>) dst(%arg10 : memref<80x128xf32, #tpu.memory_space<vmem>>)
      %dma_wait3A_471 = arith.constant 0 : i32
      %dma_wait3A_472 = arith.constant 0 : i32
      %dma_wait3A_473 = tpu.memref_slice %arg2[%dma_wait3A_471, %dma_wait3A_472] : memref<10240x128xf32, #tpu.memory_space<hbm>> -> memref<80x128xf32, #tpu.memory_space<hbm>>
      %dma_wait3A_474 = arith.constant 0 : i32
      %dma_wait3A_475 = arith.constant 0 : i32
      %dma_wait3A_476 = tpu.memref_slice %arg2[%dma_wait3A_474, %dma_wait3A_475] : memref<10240x128xf32, #tpu.memory_space<hbm>> -> memref<80x128xf32, #tpu.memory_space<hbm>>
      tpu.wait_dma2 semaphore(%arg15 : memref<!tpu.dma_semaphore, #tpu.memory_space<semaphore_mem>>) src(%dma_wait3A_476 : memref<80x128xf32, #tpu.memory_space<hbm>>) dst(%arg9 : memref<80x128xf32, #tpu.memory_space<vmem>>)
      %dma_start3A_477 = arith.constant 0 : i32
      %dma_start3A_478 = tpu.memref_slice %arg5[%dma_start3A_477] : memref<400xi32, #tpu.memory_space<vmem>> -> memref<80xi32, #tpu.memory_space<vmem>>
      %dma_start3A_479 = arith.constant 0 : i32
      %dma_start3A_480 = arith.constant 0 : i32
      %dma_start3A_481 = tpu.memref_slice %arg2[%dma_start3A_479, %dma_start3A_480] : memref<10240x128xf32, #tpu.memory_space<hbm>> -> memref<10240x128xf32, #tpu.memory_space<hbm>>
      tpu.enqueue_indirect_dma source(%dma_start3A_481 : memref<10240x128xf32, #tpu.memory_space<hbm>>) target(%arg9 : memref<80x128xf32, #tpu.memory_space<vmem>>) offsets(%dma_start3A_478 : memref<80xi32, #tpu.memory_space<vmem>>) semaphore(%arg13 : memref<!tpu.dma_semaphore, #tpu.memory_space<semaphore_mem>>)
      %dma_start3A_482 = arith.constant 320 : i32
      %dma_start3A_483 = tpu.memref_slice %arg8[%dma_start3A_482] : memref<400xi32, #tpu.memory_space<vmem>> -> memref<80xi32, #tpu.memory_space<vmem>>
      %dma_start3A_484 = arith.constant 0 : i32
      %dma_start3A_485 = arith.constant 0 : i32
      %dma_start3A_486 = tpu.memref_slice %arg12[%dma_start3A_484, %dma_start3A_485] : memref<10240x128xf32, #tpu.memory_space<vmem_shared>> -> memref<10240x128xf32, #tpu.memory_space<vmem_shared>>
      tpu.enqueue_indirect_dma source(%arg10 : memref<80x128xf32, #tpu.memory_space<vmem>>) target(%dma_start3A_486 : memref<10240x128xf32, #tpu.memory_space<vmem_shared>>) offsets(%dma_start3A_483 : memref<80xi32, #tpu.memory_space<vmem>>) semaphore(%arg15 : memref<!tpu.dma_semaphore, #tpu.memory_space<semaphore_mem>>) {add = true}
      %add3A_487 = arith.constant 2 : i32
      %add3A_488 = arith.addi %add3A_363, %add3A_487 : i32
      %le3A = arith.constant 24 : i32
      %le3A_489 = arith.cmpi sle, %add3A_488, %le3A : i32
      %convert_element_type3A_490 = arith.extui %le3A_489 : i1 to i32
      %cond3A_491 = arith.constant 0 : i32
      %cond3A_492 = arith.cmpi ne, %convert_element_type3A_490, %cond3A_491 : i32
      scf.if %cond3A_492 {
        %add3A_494 = arith.constant 2 : i32
        %add3A_495 = arith.addi %add3A_363, %add3A_494 : i32
        %mul3A_496 = arith.constant 400 : i32
        %mul3A_497 = arith.muli %add3A_495, %mul3A_496 : i32
        %add3A_498 = arith.addi %mul3A_2, %mul3A_497 : i32
        %dma_start3A_499 = arith.constant 0 : i32
        %dma_start3A_500 = tpu.memref_slice %arg3[%dma_start3A_499, %add3A_498] : memref<2x320000xi32, #tpu.memory_space<hbm>> -> memref<1x400xi32, #tpu.memory_space<hbm>>
        %dma_start3A_501 = tpu.memref_squeeze %dma_start3A_500 : memref<1x400xi32, #tpu.memory_space<hbm>> -> memref<400xi32, #tpu.memory_space<hbm>>
        %dma_start3A_502 = tpu.memref_slice %arg3[%dma_start3A_499, %add3A_498] : memref<2x320000xi32, #tpu.memory_space<hbm>> -> memref<1x400xi32, #tpu.memory_space<hbm>>
        %dma_start3A_503 = tpu.memref_squeeze %dma_start3A_502 : memref<1x400xi32, #tpu.memory_space<hbm>> -> memref<400xi32, #tpu.memory_space<hbm>>
        tpu.enqueue_dma source(%dma_start3A_503 : memref<400xi32, #tpu.memory_space<hbm>>) target(%arg6 : memref<400xi32, #tpu.memory_space<vmem>>) target_semaphore(%arg14 : memref<!tpu.dma_semaphore, #tpu.memory_space<semaphore_mem>>)
        %mul3A_504 = arith.constant 400 : i32
        %mul3A_505 = arith.muli %add3A_495, %mul3A_504 : i32
        %add3A_506 = arith.addi %mul3A_2, %mul3A_505 : i32
        %dma_start3A_507 = arith.constant 1 : i32
        %dma_start3A_508 = tpu.memref_slice %arg3[%dma_start3A_507, %add3A_506] : memref<2x320000xi32, #tpu.memory_space<hbm>> -> memref<1x400xi32, #tpu.memory_space<hbm>>
        %dma_start3A_509 = tpu.memref_squeeze %dma_start3A_508 : memref<1x400xi32, #tpu.memory_space<hbm>> -> memref<400xi32, #tpu.memory_space<hbm>>
        %dma_start3A_510 = tpu.memref_slice %arg3[%dma_start3A_507, %add3A_506] : memref<2x320000xi32, #tpu.memory_space<hbm>> -> memref<1x400xi32, #tpu.memory_space<hbm>>
        %dma_start3A_511 = tpu.memref_squeeze %dma_start3A_510 : memref<1x400xi32, #tpu.memory_space<hbm>> -> memref<400xi32, #tpu.memory_space<hbm>>
        tpu.enqueue_dma source(%dma_start3A_511 : memref<400xi32, #tpu.memory_space<hbm>>) target(%arg8 : memref<400xi32, #tpu.memory_space<vmem>>) target_semaphore(%arg14 : memref<!tpu.dma_semaphore, #tpu.memory_space<semaphore_mem>>)
      } else {
      }
      %scan3A_493 = arith.constant 0 : i32
      scf.yield %scan3A_493 : i32
    }
    %scan3A_101 = arith.constant 12 : i32
    %dma_wait3A_102 = arith.constant 0 : i32
    %dma_wait3A_103 = arith.constant 0 : i32
    %dma_wait3A_104 = tpu.memref_slice %arg2[%dma_wait3A_102, %dma_wait3A_103] : memref<10240x128xf32, #tpu.memory_space<hbm>> -> memref<80x128xf32, #tpu.memory_space<hbm>>
    %dma_wait3A_105 = arith.constant 0 : i32
    %dma_wait3A_106 = arith.constant 0 : i32
    %dma_wait3A_107 = tpu.memref_slice %arg2[%dma_wait3A_105, %dma_wait3A_106] : memref<10240x128xf32, #tpu.memory_space<hbm>> -> memref<80x128xf32, #tpu.memory_space<hbm>>
    tpu.wait_dma2 semaphore(%arg13 : memref<!tpu.dma_semaphore, #tpu.memory_space<semaphore_mem>>) src(%dma_wait3A_107 : memref<80x128xf32, #tpu.memory_space<hbm>>) dst(%arg9 : memref<80x128xf32, #tpu.memory_space<vmem>>)
    %dma_wait3A_108 = arith.constant 0 : i32
    %dma_wait3A_109 = arith.constant 0 : i32
    %dma_wait3A_110 = tpu.memref_slice %arg2[%dma_wait3A_108, %dma_wait3A_109] : memref<10240x128xf32, #tpu.memory_space<hbm>> -> memref<80x128xf32, #tpu.memory_space<hbm>>
    %dma_wait3A_111 = arith.constant 0 : i32
    %dma_wait3A_112 = arith.constant 0 : i32
    %dma_wait3A_113 = tpu.memref_slice %arg2[%dma_wait3A_111, %dma_wait3A_112] : memref<10240x128xf32, #tpu.memory_space<hbm>> -> memref<80x128xf32, #tpu.memory_space<hbm>>
    tpu.wait_dma2 semaphore(%arg15 : memref<!tpu.dma_semaphore, #tpu.memory_space<semaphore_mem>>) src(%dma_wait3A_113 : memref<80x128xf32, #tpu.memory_space<hbm>>) dst(%arg9 : memref<80x128xf32, #tpu.memory_space<vmem>>)
    %dma_start3A_114 = arith.constant 80 : i32
    %dma_start3A_115 = tpu.memref_slice %arg5[%dma_start3A_114] : memref<400xi32, #tpu.memory_space<vmem>> -> memref<80xi32, #tpu.memory_space<vmem>>
    %dma_start3A_116 = arith.constant 0 : i32
    %dma_start3A_117 = arith.constant 0 : i32
    %dma_start3A_118 = tpu.memref_slice %arg2[%dma_start3A_116, %dma_start3A_117] : memref<10240x128xf32, #tpu.memory_space<hbm>> -> memref<10240x128xf32, #tpu.memory_space<hbm>>
    tpu.enqueue_indirect_dma source(%dma_start3A_118 : memref<10240x128xf32, #tpu.memory_space<hbm>>) target(%arg10 : memref<80x128xf32, #tpu.memory_space<vmem>>) offsets(%dma_start3A_115 : memref<80xi32, #tpu.memory_space<vmem>>) semaphore(%arg13 : memref<!tpu.dma_semaphore, #tpu.memory_space<semaphore_mem>>)
    %dma_start3A_119 = arith.constant 0 : i32
    %dma_start3A_120 = tpu.memref_slice %arg7[%dma_start3A_119] : memref<400xi32, #tpu.memory_space<vmem>> -> memref<80xi32, #tpu.memory_space<vmem>>
    %dma_start3A_121 = arith.constant 0 : i32
    %dma_start3A_122 = arith.constant 0 : i32
    %dma_start3A_123 = tpu.memref_slice %arg12[%dma_start3A_121, %dma_start3A_122] : memref<10240x128xf32, #tpu.memory_space<vmem_shared>> -> memref<10240x128xf32, #tpu.memory_space<vmem_shared>>
    tpu.enqueue_indirect_dma source(%arg9 : memref<80x128xf32, #tpu.memory_space<vmem>>) target(%dma_start3A_123 : memref<10240x128xf32, #tpu.memory_space<vmem_shared>>) offsets(%dma_start3A_120 : memref<80xi32, #tpu.memory_space<vmem>>) semaphore(%arg15 : memref<!tpu.dma_semaphore, #tpu.memory_space<semaphore_mem>>) {add = true}
    %dma_wait3A_124 = arith.constant 0 : i32
    %dma_wait3A_125 = arith.constant 0 : i32
    %dma_wait3A_126 = tpu.memref_slice %arg2[%dma_wait3A_124, %dma_wait3A_125] : memref<10240x128xf32, #tpu.memory_space<hbm>> -> memref<80x128xf32, #tpu.memory_space<hbm>>
    %dma_wait3A_127 = arith.constant 0 : i32
    %dma_wait3A_128 = arith.constant 0 : i32
    %dma_wait3A_129 = tpu.memref_slice %arg2[%dma_wait3A_127, %dma_wait3A_128] : memref<10240x128xf32, #tpu.memory_space<hbm>> -> memref<80x128xf32, #tpu.memory_space<hbm>>
    tpu.wait_dma2 semaphore(%arg13 : memref<!tpu.dma_semaphore, #tpu.memory_space<semaphore_mem>>) src(%dma_wait3A_129 : memref<80x128xf32, #tpu.memory_space<hbm>>) dst(%arg10 : memref<80x128xf32, #tpu.memory_space<vmem>>)
    %dma_wait3A_130 = arith.constant 0 : i32
    %dma_wait3A_131 = arith.constant 0 : i32
    %dma_wait3A_132 = tpu.memref_slice %arg2[%dma_wait3A_130, %dma_wait3A_131] : memref<10240x128xf32, #tpu.memory_space<hbm>> -> memref<80x128xf32, #tpu.memory_space<hbm>>
    %dma_wait3A_133 = arith.constant 0 : i32
    %dma_wait3A_134 = arith.constant 0 : i32
    %dma_wait3A_135 = tpu.memref_slice %arg2[%dma_wait3A_133, %dma_wait3A_134] : memref<10240x128xf32, #tpu.memory_space<hbm>> -> memref<80x128xf32, #tpu.memory_space<hbm>>
    tpu.wait_dma2 semaphore(%arg15 : memref<!tpu.dma_semaphore, #tpu.memory_space<semaphore_mem>>) src(%dma_wait3A_135 : memref<80x128xf32, #tpu.memory_space<hbm>>) dst(%arg9 : memref<80x128xf32, #tpu.memory_space<vmem>>)
    %dma_start3A_136 = arith.constant 160 : i32
    %dma_start3A_137 = tpu.memref_slice %arg5[%dma_start3A_136] : memref<400xi32, #tpu.memory_space<vmem>> -> memref<80xi32, #tpu.memory_space<vmem>>
    %dma_start3A_138 = arith.constant 0 : i32
    %dma_start3A_139 = arith.constant 0 : i32
    %dma_start3A_140 = tpu.memref_slice %arg2[%dma_start3A_138, %dma_start3A_139] : memref<10240x128xf32, #tpu.memory_space<hbm>> -> memref<10240x128xf32, #tpu.memory_space<hbm>>
    tpu.enqueue_indirect_dma source(%dma_start3A_140 : memref<10240x128xf32, #tpu.memory_space<hbm>>) target(%arg9 : memref<80x128xf32, #tpu.memory_space<vmem>>) offsets(%dma_start3A_137 : memref<80xi32, #tpu.memory_space<vmem>>) semaphore(%arg13 : memref<!tpu.dma_semaphore, #tpu.memory_space<semaphore_mem>>)
    %dma_start3A_141 = arith.constant 80 : i32
    %dma_start3A_142 = tpu.memref_slice %arg7[%dma_start3A_141] : memref<400xi32, #tpu.memory_space<vmem>> -> memref<80xi32, #tpu.memory_space<vmem>>
    %dma_start3A_143 = arith.constant 0 : i32
    %dma_start3A_144 = arith.constant 0 : i32
    %dma_start3A_145 = tpu.memref_slice %arg12[%dma_start3A_143, %dma_start3A_144] : memref<10240x128xf32, #tpu.memory_space<vmem_shared>> -> memref<10240x128xf32, #tpu.memory_space<vmem_shared>>
    tpu.enqueue_indirect_dma source(%arg10 : memref<80x128xf32, #tpu.memory_space<vmem>>) target(%dma_start3A_145 : memref<10240x128xf32, #tpu.memory_space<vmem_shared>>) offsets(%dma_start3A_142 : memref<80xi32, #tpu.memory_space<vmem>>) semaphore(%arg15 : memref<!tpu.dma_semaphore, #tpu.memory_space<semaphore_mem>>) {add = true}
    %dma_wait3A_146 = arith.constant 0 : i32
    %dma_wait3A_147 = arith.constant 0 : i32
    %dma_wait3A_148 = tpu.memref_slice %arg2[%dma_wait3A_146, %dma_wait3A_147] : memref<10240x128xf32, #tpu.memory_space<hbm>> -> memref<80x128xf32, #tpu.memory_space<hbm>>
    %dma_wait3A_149 = arith.constant 0 : i32
    %dma_wait3A_150 = arith.constant 0 : i32
    %dma_wait3A_151 = tpu.memref_slice %arg2[%dma_wait3A_149, %dma_wait3A_150] : memref<10240x128xf32, #tpu.memory_space<hbm>> -> memref<80x128xf32, #tpu.memory_space<hbm>>
    tpu.wait_dma2 semaphore(%arg13 : memref<!tpu.dma_semaphore, #tpu.memory_space<semaphore_mem>>) src(%dma_wait3A_151 : memref<80x128xf32, #tpu.memory_space<hbm>>) dst(%arg9 : memref<80x128xf32, #tpu.memory_space<vmem>>)
    %dma_wait3A_152 = arith.constant 0 : i32
    %dma_wait3A_153 = arith.constant 0 : i32
    %dma_wait3A_154 = tpu.memref_slice %arg2[%dma_wait3A_152, %dma_wait3A_153] : memref<10240x128xf32, #tpu.memory_space<hbm>> -> memref<80x128xf32, #tpu.memory_space<hbm>>
    %dma_wait3A_155 = arith.constant 0 : i32
    %dma_wait3A_156 = arith.constant 0 : i32
    %dma_wait3A_157 = tpu.memref_slice %arg2[%dma_wait3A_155, %dma_wait3A_156] : memref<10240x128xf32, #tpu.memory_space<hbm>> -> memref<80x128xf32, #tpu.memory_space<hbm>>
    tpu.wait_dma2 semaphore(%arg15 : memref<!tpu.dma_semaphore, #tpu.memory_space<semaphore_mem>>) src(%dma_wait3A_157 : memref<80x128xf32, #tpu.memory_space<hbm>>) dst(%arg9 : memref<80x128xf32, #tpu.memory_space<vmem>>)
    %dma_start3A_158 = arith.constant 240 : i32
    %dma_start3A_159 = tpu.memref_slice %arg5[%dma_start3A_158] : memref<400xi32, #tpu.memory_space<vmem>> -> memref<80xi32, #tpu.memory_space<vmem>>
    %dma_start3A_160 = arith.constant 0 : i32
    %dma_start3A_161 = arith.constant 0 : i32
    %dma_start3A_162 = tpu.memref_slice %arg2[%dma_start3A_160, %dma_start3A_161] : memref<10240x128xf32, #tpu.memory_space<hbm>> -> memref<10240x128xf32, #tpu.memory_space<hbm>>
    tpu.enqueue_indirect_dma source(%dma_start3A_162 : memref<10240x128xf32, #tpu.memory_space<hbm>>) target(%arg10 : memref<80x128xf32, #tpu.memory_space<vmem>>) offsets(%dma_start3A_159 : memref<80xi32, #tpu.memory_space<vmem>>) semaphore(%arg13 : memref<!tpu.dma_semaphore, #tpu.memory_space<semaphore_mem>>)
    %dma_start3A_163 = arith.constant 160 : i32
    %dma_start3A_164 = tpu.memref_slice %arg7[%dma_start3A_163] : memref<400xi32, #tpu.memory_space<vmem>> -> memref<80xi32, #tpu.memory_space<vmem>>
    %dma_start3A_165 = arith.constant 0 : i32
    %dma_start3A_166 = arith.constant 0 : i32
    %dma_start3A_167 = tpu.memref_slice %arg12[%dma_start3A_165, %dma_start3A_166] : memref<10240x128xf32, #tpu.memory_space<vmem_shared>> -> memref<10240x128xf32, #tpu.memory_space<vmem_shared>>
    tpu.enqueue_indirect_dma source(%arg9 : memref<80x128xf32, #tpu.memory_space<vmem>>) target(%dma_start3A_167 : memref<10240x128xf32, #tpu.memory_space<vmem_shared>>) offsets(%dma_start3A_164 : memref<80xi32, #tpu.memory_space<vmem>>) semaphore(%arg15 : memref<!tpu.dma_semaphore, #tpu.memory_space<semaphore_mem>>) {add = true}
    %dma_wait3A_168 = arith.constant 0 : i32
    %dma_wait3A_169 = arith.constant 0 : i32
    %dma_wait3A_170 = tpu.memref_slice %arg2[%dma_wait3A_168, %dma_wait3A_169] : memref<10240x128xf32, #tpu.memory_space<hbm>> -> memref<80x128xf32, #tpu.memory_space<hbm>>
    %dma_wait3A_171 = arith.constant 0 : i32
    %dma_wait3A_172 = arith.constant 0 : i32
    %dma_wait3A_173 = tpu.memref_slice %arg2[%dma_wait3A_171, %dma_wait3A_172] : memref<10240x128xf32, #tpu.memory_space<hbm>> -> memref<80x128xf32, #tpu.memory_space<hbm>>
    tpu.wait_dma2 semaphore(%arg13 : memref<!tpu.dma_semaphore, #tpu.memory_space<semaphore_mem>>) src(%dma_wait3A_173 : memref<80x128xf32, #tpu.memory_space<hbm>>) dst(%arg10 : memref<80x128xf32, #tpu.memory_space<vmem>>)
    %dma_wait3A_174 = arith.constant 0 : i32
    %dma_wait3A_175 = arith.constant 0 : i32
    %dma_wait3A_176 = tpu.memref_slice %arg2[%dma_wait3A_174, %dma_wait3A_175] : memref<10240x128xf32, #tpu.memory_space<hbm>> -> memref<80x128xf32, #tpu.memory_space<hbm>>
    %dma_wait3A_177 = arith.constant 0 : i32
    %dma_wait3A_178 = arith.constant 0 : i32
    %dma_wait3A_179 = tpu.memref_slice %arg2[%dma_wait3A_177, %dma_wait3A_178] : memref<10240x128xf32, #tpu.memory_space<hbm>> -> memref<80x128xf32, #tpu.memory_space<hbm>>
    tpu.wait_dma2 semaphore(%arg15 : memref<!tpu.dma_semaphore, #tpu.memory_space<semaphore_mem>>) src(%dma_wait3A_179 : memref<80x128xf32, #tpu.memory_space<hbm>>) dst(%arg9 : memref<80x128xf32, #tpu.memory_space<vmem>>)
    %dma_start3A_180 = arith.constant 320 : i32
    %dma_start3A_181 = tpu.memref_slice %arg5[%dma_start3A_180] : memref<400xi32, #tpu.memory_space<vmem>> -> memref<80xi32, #tpu.memory_space<vmem>>
    %dma_start3A_182 = arith.constant 0 : i32
    %dma_start3A_183 = arith.constant 0 : i32
    %dma_start3A_184 = tpu.memref_slice %arg2[%dma_start3A_182, %dma_start3A_183] : memref<10240x128xf32, #tpu.memory_space<hbm>> -> memref<10240x128xf32, #tpu.memory_space<hbm>>
    tpu.enqueue_indirect_dma source(%dma_start3A_184 : memref<10240x128xf32, #tpu.memory_space<hbm>>) target(%arg9 : memref<80x128xf32, #tpu.memory_space<vmem>>) offsets(%dma_start3A_181 : memref<80xi32, #tpu.memory_space<vmem>>) semaphore(%arg13 : memref<!tpu.dma_semaphore, #tpu.memory_space<semaphore_mem>>)
    %dma_start3A_185 = arith.constant 240 : i32
    %dma_start3A_186 = tpu.memref_slice %arg7[%dma_start3A_185] : memref<400xi32, #tpu.memory_space<vmem>> -> memref<80xi32, #tpu.memory_space<vmem>>
    %dma_start3A_187 = arith.constant 0 : i32
    %dma_start3A_188 = arith.constant 0 : i32
    %dma_start3A_189 = tpu.memref_slice %arg12[%dma_start3A_187, %dma_start3A_188] : memref<10240x128xf32, #tpu.memory_space<vmem_shared>> -> memref<10240x128xf32, #tpu.memory_space<vmem_shared>>
    tpu.enqueue_indirect_dma source(%arg10 : memref<80x128xf32, #tpu.memory_space<vmem>>) target(%dma_start3A_189 : memref<10240x128xf32, #tpu.memory_space<vmem_shared>>) offsets(%dma_start3A_186 : memref<80xi32, #tpu.memory_space<vmem>>) semaphore(%arg15 : memref<!tpu.dma_semaphore, #tpu.memory_space<semaphore_mem>>) {add = true}
    %dma_wait3A_190 = arith.constant 0 : i32
    %dma_wait3A_191 = arith.constant 0 : i32
    %dma_wait3A_192 = tpu.memref_slice %arg2[%dma_wait3A_190, %dma_wait3A_191] : memref<10240x128xf32, #tpu.memory_space<hbm>> -> memref<80x128xf32, #tpu.memory_space<hbm>>
    %dma_wait3A_193 = arith.constant 0 : i32
    %dma_wait3A_194 = arith.constant 0 : i32
    %dma_wait3A_195 = tpu.memref_slice %arg2[%dma_wait3A_193, %dma_wait3A_194] : memref<10240x128xf32, #tpu.memory_space<hbm>> -> memref<80x128xf32, #tpu.memory_space<hbm>>
    tpu.wait_dma2 semaphore(%arg13 : memref<!tpu.dma_semaphore, #tpu.memory_space<semaphore_mem>>) src(%dma_wait3A_195 : memref<80x128xf32, #tpu.memory_space<hbm>>) dst(%arg9 : memref<80x128xf32, #tpu.memory_space<vmem>>)
    %dma_wait3A_196 = arith.constant 0 : i32
    %dma_wait3A_197 = arith.constant 0 : i32
    %dma_wait3A_198 = tpu.memref_slice %arg2[%dma_wait3A_196, %dma_wait3A_197] : memref<10240x128xf32, #tpu.memory_space<hbm>> -> memref<80x128xf32, #tpu.memory_space<hbm>>
    %dma_wait3A_199 = arith.constant 0 : i32
    %dma_wait3A_200 = arith.constant 0 : i32
    %dma_wait3A_201 = tpu.memref_slice %arg2[%dma_wait3A_199, %dma_wait3A_200] : memref<10240x128xf32, #tpu.memory_space<hbm>> -> memref<80x128xf32, #tpu.memory_space<hbm>>
    tpu.wait_dma2 semaphore(%arg15 : memref<!tpu.dma_semaphore, #tpu.memory_space<semaphore_mem>>) src(%dma_wait3A_201 : memref<80x128xf32, #tpu.memory_space<hbm>>) dst(%arg9 : memref<80x128xf32, #tpu.memory_space<vmem>>)
    %dma_start3A_202 = arith.constant 320 : i32
    %dma_start3A_203 = tpu.memref_slice %arg7[%dma_start3A_202] : memref<400xi32, #tpu.memory_space<vmem>> -> memref<80xi32, #tpu.memory_space<vmem>>
    %dma_start3A_204 = arith.constant 0 : i32
    %dma_start3A_205 = arith.constant 0 : i32
    %dma_start3A_206 = tpu.memref_slice %arg12[%dma_start3A_204, %dma_start3A_205] : memref<10240x128xf32, #tpu.memory_space<vmem_shared>> -> memref<10240x128xf32, #tpu.memory_space<vmem_shared>>
    tpu.enqueue_indirect_dma source(%arg9 : memref<80x128xf32, #tpu.memory_space<vmem>>) target(%dma_start3A_206 : memref<10240x128xf32, #tpu.memory_space<vmem_shared>>) offsets(%dma_start3A_203 : memref<80xi32, #tpu.memory_space<vmem>>) semaphore(%arg15 : memref<!tpu.dma_semaphore, #tpu.memory_space<semaphore_mem>>) {add = true}
    %dma_wait3A_207 = arith.constant 0 : i32
    %dma_wait3A_208 = arith.constant 0 : i32
    %dma_wait3A_209 = tpu.memref_slice %arg2[%dma_wait3A_207, %dma_wait3A_208] : memref<10240x128xf32, #tpu.memory_space<hbm>> -> memref<80x128xf32, #tpu.memory_space<hbm>>
    %dma_wait3A_210 = arith.constant 0 : i32
    %dma_wait3A_211 = arith.constant 0 : i32
    %dma_wait3A_212 = tpu.memref_slice %arg2[%dma_wait3A_210, %dma_wait3A_211] : memref<10240x128xf32, #tpu.memory_space<hbm>> -> memref<80x128xf32, #tpu.memory_space<hbm>>
    tpu.wait_dma2 semaphore(%arg15 : memref<!tpu.dma_semaphore, #tpu.memory_space<semaphore_mem>>) src(%dma_wait3A_212 : memref<80x128xf32, #tpu.memory_space<hbm>>) dst(%arg9 : memref<80x128xf32, #tpu.memory_space<vmem>>)
    %barrier3A_213 = arith.constant 0 : index
    tpu.barrier barrier_id(%barrier3A_213)
    %mul3A_214 = arith.constant 640 : i32
    %mul3A_215 = arith.muli %arg1, %mul3A_214 : i32
    %mul3A_216 = arith.constant 640 : i32
    %mul3A_217 = arith.muli %arg1, %mul3A_216 : i32
    "tpu.region"() ({
      %run_scoped3A = tpu.sem_alloc : memref<!tpu.dma_semaphore, #tpu.memory_space<semaphore_mem>>
      %dma_start3A_218 = arith.constant 0 : i32
      %dma_start3A_219 = tpu.memref_slice %arg4[%arg0, %mul3A_217, %dma_start3A_218] : memref<2x10240x128xf32, #tpu.memory_space<hbm>> -> memref<1x640x128xf32, #tpu.memory_space<hbm>>
      %dma_start3A_220 = tpu.memref_squeeze %dma_start3A_219 : memref<1x640x128xf32, #tpu.memory_space<hbm>> -> memref<640x128xf32, #tpu.memory_space<hbm>>
      %dma_start3A_221 = arith.constant 0 : i32
      %dma_start3A_222 = tpu.memref_slice %arg12[%mul3A_215, %dma_start3A_221] : memref<10240x128xf32, #tpu.memory_space<vmem_shared>> -> memref<640x128xf32, #tpu.memory_space<vmem_shared>>
      tpu.enqueue_dma source(%dma_start3A_222 : memref<640x128xf32, #tpu.memory_space<vmem_shared>>) target(%dma_start3A_220 : memref<640x128xf32, #tpu.memory_space<hbm>>) target_semaphore(%run_scoped3A : memref<!tpu.dma_semaphore, #tpu.memory_space<semaphore_mem>>)
      %dma_wait3A_223 = arith.constant 0 : i32
      %dma_wait3A_224 = tpu.memref_slice %arg4[%arg0, %mul3A_217, %dma_wait3A_223] : memref<2x10240x128xf32, #tpu.memory_space<hbm>> -> memref<1x640x128xf32, #tpu.memory_space<hbm>>
      %dma_wait3A_225 = tpu.memref_squeeze %dma_wait3A_224 : memref<1x640x128xf32, #tpu.memory_space<hbm>> -> memref<640x128xf32, #tpu.memory_space<hbm>>
      %dma_wait3A_226 = arith.constant 0 : i32
      %dma_wait3A_227 = tpu.memref_slice %arg12[%mul3A_215, %dma_wait3A_226] : memref<10240x128xf32, #tpu.memory_space<vmem_shared>> -> memref<640x128xf32, #tpu.memory_space<vmem_shared>>
      tpu.wait_dma2 semaphore(%run_scoped3A : memref<!tpu.dma_semaphore, #tpu.memory_space<semaphore_mem>>) src(%dma_wait3A_227 : memref<640x128xf32, #tpu.memory_space<vmem_shared>>) dst(%dma_wait3A_225 : memref<640x128xf32, #tpu.memory_space<hbm>>)
      tpu.yield
    }) : () -> ()
    return
  }
}

module attributes {stable_mosaic.version = 14 : i64} {
  func.func @_mm_body(%arg0: i32, %arg1: memref<1000x128xf32, #tpu.memory_space<vmem>>, %arg2: memref<128x128xf32, #tpu.memory_space<vmem>>, %arg3: memref<1000x128xf32, #tpu.memory_space<vmem>>) attributes {dimension_semantics = [#tpu.dimension_semantics<arbitrary>], iteration_bounds = array<i64: 10>, scalar_prefetch = 0 : i64, scratch_operands = 0 : i64, tpu.core_type = #tpu.core_type<tc>, window_params = [{transform_indices = @transform_0, window_bounds = array<i64: 1000, 128>}, {pipeline_mode = #tpu.pipeline_mode<synchronous>, transform_indices = @transform_1, window_bounds = array<i64: 128, 128>}, {transform_indices = @transform_2, window_bounds = array<i64: 1000, 128>}]} {
    %get3A = arith.constant 0 : index
    %get3A_0 = arith.constant 0 : index
    %get3A_1 = vector.load %arg1[%get3A, %get3A_0] : memref<1000x128xf32, #tpu.memory_space<vmem>>, vector<1000x128xf32>
    %get3A_2 = arith.constant 0 : index
    %get3A_3 = arith.constant 0 : index
    %get3A_4 = vector.load %arg2[%get3A_2, %get3A_3] : memref<128x128xf32, #tpu.memory_space<vmem>>, vector<128x128xf32>
    %dot_general3A = arith.constant dense<0.000000e+00> : vector<1000x128xf32>
    %dot_general3A_5 = tpu.matmul %get3A_1, %get3A_4, %dot_general3A {dimension_numbers = #tpu.dot_dimension_numbers<[1], [0], [0], [1], [0, 0, 1, 1], [], []>, transpose_lhs_hint = false} : vector<1000x128xf32>, vector<128x128xf32>, vector<1000x128xf32> -> vector<1000x128xf32>
    %swap3A = arith.constant 0 : index
    %swap3A_6 = arith.constant 0 : index
    %swap3A_7 = vector.load %arg3[%swap3A, %swap3A_6] : memref<1000x128xf32, #tpu.memory_space<vmem>>, vector<1000x128xf32>
    tpu.vector_store %arg3[%swap3A, %swap3A_6], %dot_general3A_5 {strides = array<i32>} : memref<1000x128xf32, #tpu.memory_space<vmem>>, vector<1000x128xf32>,
    return
  }
  func.func @transform_0(%arg0: i32) -> (i32, i32) {
    %c0_i32 = arith.constant 0 : i32
    %c0_i32_0 = arith.constant 0 : i32
    return %arg0, %c0_i32 : i32, i32
  }
  func.func @transform_1(%arg0: i32) -> (i32, i32) {
    %c0_i32 = arith.constant 0 : i32
    %c0_i32_0 = arith.constant 0 : i32
    %c0_i32_1 = arith.constant 0 : i32
    return %c0_i32, %c0_i32_0 : i32, i32
  }
  func.func @transform_2(%arg0: i32) -> (i32, i32) {
    %c0_i32 = arith.constant 0 : i32
    %c0_i32_0 = arith.constant 0 : i32
    return %arg0, %c0_i32 : i32, i32
  }
}

module attributes {stable_mosaic.version = 14 : i64} {
  func.func @_lay1_body(%arg0: i32, %arg1: memref<2x1024x128xf32, #tpu.memory_space<vmem>>, %arg2: memref<2x1024x16xf32, #tpu.memory_space<vmem>>, %arg3: memref<1x128xf32, #tpu.memory_space<vmem>>, %arg4: memref<128x128xf32, #tpu.memory_space<vmem>>, %arg5: memref<1024x128xf32, #tpu.memory_space<vmem>>) attributes {dimension_semantics = [#tpu.dimension_semantics<arbitrary>], iteration_bounds = array<i64: 10>, scalar_prefetch = 0 : i64, scratch_operands = 0 : i64, tpu.core_type = #tpu.core_type<tc>, window_params = [{transform_indices = @transform_0, window_bounds = array<i64: 2, 1024, 128>}, {transform_indices = @transform_1, window_bounds = array<i64: 2, 1024, 16>}, {pipeline_mode = #tpu.pipeline_mode<synchronous>, transform_indices = @transform_2, window_bounds = array<i64: 1, 128>}, {pipeline_mode = #tpu.pipeline_mode<synchronous>, transform_indices = @transform_3, window_bounds = array<i64: 128, 128>}, {transform_indices = @transform_4, window_bounds = array<i64: 1024, 128>}]} {
    %get3A = arith.constant 0 : index
    %get3A_0 = arith.constant 0 : index
    %get3A_1 = arith.constant 0 : index
    %get3A_2 = vector.load %arg1[%get3A, %get3A_0, %get3A_1] : memref<2x1024x128xf32, #tpu.memory_space<vmem>>, vector<1x1024x128xf32>
    %get3A_3 = vector.shape_cast %get3A_2 : vector<1x1024x128xf32> to vector<1024x128xf32>
    %get3A_4 = arith.constant 1 : index
    %get3A_5 = arith.constant 0 : index
    %get3A_6 = arith.constant 0 : index
    %get3A_7 = vector.load %arg1[%get3A_4, %get3A_5, %get3A_6] : memref<2x1024x128xf32, #tpu.memory_space<vmem>>, vector<1x1024x128xf32>
    %get3A_8 = vector.shape_cast %get3A_7 : vector<1x1024x128xf32> to vector<1024x128xf32>
    %add3A = arith.addf %get3A_3, %get3A_8 : vector<1024x128xf32>
    %get3A_9 = arith.constant 0 : index
    %get3A_10 = arith.constant 0 : index
    %get3A_11 = arith.constant 0 : index
    %get3A_12 = vector.load %arg2[%get3A_9, %get3A_10, %get3A_11] : memref<2x1024x16xf32, #tpu.memory_space<vmem>>, vector<2x1024x16xf32>
    %reduce_sum3A = arith.constant dense<0.000000e+00> : vector<1024xf32>
    %reduce_sum3A_13 = vector.multi_reduction <add>, %get3A_12, %reduce_sum3A [0, 2] : vector<2x1024x16xf32> to vector<1024xf32>
    %mul3A = arith.constant 6.250000e-02 : f32
    %mul3A_14 = vector.broadcast %mul3A : f32 to vector<1024xf32>
    %mul3A_15 = arith.mulf %reduce_sum3A_13, %mul3A_14 : vector<1024xf32>
    %max3A = arith.constant 1.000000e+00 : f32
    %max3A_16 = vector.broadcast %max3A : f32 to vector<1024xf32>
    %max3A_17 = arith.maximumf %mul3A_15, %max3A_16 : vector<1024xf32>
    %broadcast_in_dim3A = vector.shape_cast %max3A_17 : vector<1024xf32> to vector<1024x1xf32>
    %div3A = vector.broadcast %broadcast_in_dim3A : vector<1024x1xf32> to vector<1024x128xf32>
    %div3A_18 = arith.divf %add3A, %div3A : vector<1024x128xf32>
    %get3A_19 = arith.constant 0 : index
    %get3A_20 = arith.constant 0 : index
    %get3A_21 = vector.load %arg3[%get3A_19, %get3A_20] : memref<1x128xf32, #tpu.memory_space<vmem>>, vector<1x128xf32>
    %add3A_22 = vector.broadcast %get3A_21 : vector<1x128xf32> to vector<1024x128xf32>
    %add3A_23 = arith.addf %div3A_18, %add3A_22 : vector<1024x128xf32>
    %max3A_24 = arith.constant 0.000000e+00 : f32
    %max3A_25 = vector.broadcast %max3A_24 : f32 to vector<1024x128xf32>
    %max3A_26 = arith.maximumf %add3A_23, %max3A_25 : vector<1024x128xf32>
    %get3A_27 = arith.constant 0 : index
    %get3A_28 = arith.constant 0 : index
    %get3A_29 = vector.load %arg4[%get3A_27, %get3A_28] : memref<128x128xf32, #tpu.memory_space<vmem>>, vector<128x128xf32>
    %dot_general3A = arith.constant dense<0.000000e+00> : vector<1024x128xf32>
    %dot_general3A_30 = tpu.matmul %max3A_26, %get3A_29, %dot_general3A {dimension_numbers = #tpu.dot_dimension_numbers<[1], [0], [0], [1], [0, 0, 1, 1], [], []>, transpose_lhs_hint = false} : vector<1024x128xf32>, vector<128x128xf32>, vector<1024x128xf32> -> vector<1024x128xf32>
    %swap3A = arith.constant 0 : index
    %swap3A_31 = arith.constant 0 : index
    %swap3A_32 = vector.load %arg5[%swap3A, %swap3A_31] : memref<1024x128xf32, #tpu.memory_space<vmem>>, vector<1024x128xf32>
    tpu.vector_store %arg5[%swap3A, %swap3A_31], %dot_general3A_30 {strides = array<i32>} : memref<1024x128xf32, #tpu.memory_space<vmem>>, vector<1024x128xf32>,
    return
  }
  func.func @transform_0(%arg0: i32) -> (i32, i32, i32) {
    %c0_i32 = arith.constant 0 : i32
    %c0_i32_0 = arith.constant 0 : i32
    %c0_i32_1 = arith.constant 0 : i32
    return %c0_i32, %arg0, %c0_i32_0 : i32, i32, i32
  }
  func.func @transform_1(%arg0: i32) -> (i32, i32, i32) {
    %c0_i32 = arith.constant 0 : i32
    %c0_i32_0 = arith.constant 0 : i32
    %c0_i32_1 = arith.constant 0 : i32
    return %c0_i32, %arg0, %c0_i32_0 : i32, i32, i32
  }
  func.func @transform_2(%arg0: i32) -> (i32, i32) {
    %c0_i32 = arith.constant 0 : i32
    %c0_i32_0 = arith.constant 0 : i32
    %c0_i32_1 = arith.constant 0 : i32
    return %c0_i32, %c0_i32_0 : i32, i32
  }
  func.func @transform_3(%arg0: i32) -> (i32, i32) {
    %c0_i32 = arith.constant 0 : i32
    %c0_i32_0 = arith.constant 0 : i32
    %c0_i32_1 = arith.constant 0 : i32
    return %c0_i32, %c0_i32_0 : i32, i32
  }
  func.func @transform_4(%arg0: i32) -> (i32, i32) {
    %c0_i32 = arith.constant 0 : i32
    %c0_i32_0 = arith.constant 0 : i32
    return %arg0, %c0_i32 : i32, i32
  }
}

module attributes {stable_mosaic.version = 14 : i64} {
  func.func @_lay2_body(%arg0: i32, %arg1: memref<2x1024x128xf32, #tpu.memory_space<vmem>>, %arg2: memref<2x1024x16xf32, #tpu.memory_space<vmem>>, %arg3: memref<1x128xf32, #tpu.memory_space<vmem>>, %arg4: memref<256x128xf32, #tpu.memory_space<vmem>>, %arg5: memref<1x128xf32, #tpu.memory_space<vmem>>, %arg6: memref<1024x128xf32, #tpu.memory_space<vmem>>, %arg7: memref<1024x128xf32, #tpu.memory_space<vmem>>) attributes {dimension_semantics = [#tpu.dimension_semantics<arbitrary>], iteration_bounds = array<i64: 10>, scalar_prefetch = 0 : i64, scratch_operands = 0 : i64, tpu.core_type = #tpu.core_type<tc>, window_params = [{transform_indices = @transform_0, window_bounds = array<i64: 2, 1024, 128>}, {transform_indices = @transform_1, window_bounds = array<i64: 2, 1024, 16>}, {pipeline_mode = #tpu.pipeline_mode<synchronous>, transform_indices = @transform_2, window_bounds = array<i64: 1, 128>}, {pipeline_mode = #tpu.pipeline_mode<synchronous>, transform_indices = @transform_3, window_bounds = array<i64: 256, 128>}, {pipeline_mode = #tpu.pipeline_mode<synchronous>, transform_indices = @transform_4, window_bounds = array<i64: 1, 128>}, {transform_indices = @transform_5, window_bounds = array<i64: 1024, 128>}, {transform_indices = @transform_6, window_bounds = array<i64: 1024, 128>}]} {
    %get3A = arith.constant 0 : index
    %get3A_0 = arith.constant 0 : index
    %get3A_1 = arith.constant 0 : index
    %get3A_2 = vector.load %arg1[%get3A, %get3A_0, %get3A_1] : memref<2x1024x128xf32, #tpu.memory_space<vmem>>, vector<1x1024x128xf32>
    %get3A_3 = vector.shape_cast %get3A_2 : vector<1x1024x128xf32> to vector<1024x128xf32>
    %get3A_4 = arith.constant 1 : index
    %get3A_5 = arith.constant 0 : index
    %get3A_6 = arith.constant 0 : index
    %get3A_7 = vector.load %arg1[%get3A_4, %get3A_5, %get3A_6] : memref<2x1024x128xf32, #tpu.memory_space<vmem>>, vector<1x1024x128xf32>
    %get3A_8 = vector.shape_cast %get3A_7 : vector<1x1024x128xf32> to vector<1024x128xf32>
    %add3A = arith.addf %get3A_3, %get3A_8 : vector<1024x128xf32>
    %get3A_9 = arith.constant 0 : index
    %get3A_10 = arith.constant 0 : index
    %get3A_11 = arith.constant 0 : index
    %get3A_12 = vector.load %arg2[%get3A_9, %get3A_10, %get3A_11] : memref<2x1024x16xf32, #tpu.memory_space<vmem>>, vector<2x1024x16xf32>
    %reduce_sum3A = arith.constant dense<0.000000e+00> : vector<1024xf32>
    %reduce_sum3A_13 = vector.multi_reduction <add>, %get3A_12, %reduce_sum3A [0, 2] : vector<2x1024x16xf32> to vector<1024xf32>
    %mul3A = arith.constant 6.250000e-02 : f32
    %mul3A_14 = vector.broadcast %mul3A : f32 to vector<1024xf32>
    %mul3A_15 = arith.mulf %reduce_sum3A_13, %mul3A_14 : vector<1024xf32>
    %max3A = arith.constant 1.000000e+00 : f32
    %max3A_16 = vector.broadcast %max3A : f32 to vector<1024xf32>
    %max3A_17 = arith.maximumf %mul3A_15, %max3A_16 : vector<1024xf32>
    %broadcast_in_dim3A = vector.shape_cast %max3A_17 : vector<1024xf32> to vector<1024x1xf32>
    %div3A = vector.broadcast %broadcast_in_dim3A : vector<1024x1xf32> to vector<1024x128xf32>
    %div3A_18 = arith.divf %add3A, %div3A : vector<1024x128xf32>
    %get3A_19 = arith.constant 0 : index
    %get3A_20 = arith.constant 0 : index
    %get3A_21 = vector.load %arg3[%get3A_19, %get3A_20] : memref<1x128xf32, #tpu.memory_space<vmem>>, vector<1x128xf32>
    %add3A_22 = vector.broadcast %get3A_21 : vector<1x128xf32> to vector<1024x128xf32>
    %add3A_23 = arith.addf %div3A_18, %add3A_22 : vector<1024x128xf32>
    %get3A_24 = arith.constant 0 : index
    %get3A_25 = arith.constant 0 : index
    %get3A_26 = vector.load %arg4[%get3A_24, %get3A_25] : memref<256x128xf32, #tpu.memory_space<vmem>>, vector<128x128xf32>
    %dot_general3A = arith.constant dense<0.000000e+00> : vector<1024x128xf32>
    %dot_general3A_27 = tpu.matmul %add3A_23, %get3A_26, %dot_general3A {dimension_numbers = #tpu.dot_dimension_numbers<[1], [0], [0], [1], [0, 0, 1, 1], [], []>, transpose_lhs_hint = false} : vector<1024x128xf32>, vector<128x128xf32>, vector<1024x128xf32> -> vector<1024x128xf32>
    %get3A_28 = arith.constant 0 : index
    %get3A_29 = arith.constant 0 : index
    %get3A_30 = vector.load %arg5[%get3A_28, %get3A_29] : memref<1x128xf32, #tpu.memory_space<vmem>>, vector<1x128xf32>
    %add3A_31 = vector.broadcast %get3A_30 : vector<1x128xf32> to vector<1024x128xf32>
    %add3A_32 = arith.addf %dot_general3A_27, %add3A_31 : vector<1024x128xf32>
    %swap3A = arith.constant 0 : index
    %swap3A_33 = arith.constant 0 : index
    %swap3A_34 = vector.load %arg6[%swap3A, %swap3A_33] : memref<1024x128xf32, #tpu.memory_space<vmem>>, vector<1024x128xf32>
    tpu.vector_store %arg6[%swap3A, %swap3A_33], %add3A_32 {strides = array<i32>} : memref<1024x128xf32, #tpu.memory_space<vmem>>, vector<1024x128xf32>,
    %get3A_35 = arith.constant 128 : index
    %get3A_36 = arith.constant 0 : index
    %get3A_37 = vector.load %arg4[%get3A_35, %get3A_36] : memref<256x128xf32, #tpu.memory_space<vmem>>, vector<128x128xf32>
    %dot_general3A_38 = arith.constant dense<0.000000e+00> : vector<1024x128xf32>
    %dot_general3A_39 = tpu.matmul %add3A_23, %get3A_37, %dot_general3A_38 {dimension_numbers = #tpu.dot_dimension_numbers<[1], [0], [0], [1], [0, 0, 1, 1], [], []>, transpose_lhs_hint = false} : vector<1024x128xf32>, vector<128x128xf32>, vector<1024x128xf32> -> vector<1024x128xf32>
    %swap3A_40 = arith.constant 0 : index
    %swap3A_41 = arith.constant 0 : index
    %swap3A_42 = vector.load %arg7[%swap3A_40, %swap3A_41] : memref<1024x128xf32, #tpu.memory_space<vmem>>, vector<1024x128xf32>
    tpu.vector_store %arg7[%swap3A_40, %swap3A_41], %dot_general3A_39 {strides = array<i32>} : memref<1024x128xf32, #tpu.memory_space<vmem>>, vector<1024x128xf32>,
    return
  }
  func.func @transform_0(%arg0: i32) -> (i32, i32, i32) {
    %c0_i32 = arith.constant 0 : i32
    %c0_i32_0 = arith.constant 0 : i32
    %c0_i32_1 = arith.constant 0 : i32
    return %c0_i32, %arg0, %c0_i32_0 : i32, i32, i32
  }
  func.func @transform_1(%arg0: i32) -> (i32, i32, i32) {
    %c0_i32 = arith.constant 0 : i32
    %c0_i32_0 = arith.constant 0 : i32
    %c0_i32_1 = arith.constant 0 : i32
    return %c0_i32, %arg0, %c0_i32_0 : i32, i32, i32
  }
  func.func @transform_2(%arg0: i32) -> (i32, i32) {
    %c0_i32 = arith.constant 0 : i32
    %c0_i32_0 = arith.constant 0 : i32
    %c0_i32_1 = arith.constant 0 : i32
    return %c0_i32, %c0_i32_0 : i32, i32
  }
  func.func @transform_3(%arg0: i32) -> (i32, i32) {
    %c0_i32 = arith.constant 0 : i32
    %c0_i32_0 = arith.constant 0 : i32
    %c0_i32_1 = arith.constant 0 : i32
    return %c0_i32, %c0_i32_0 : i32, i32
  }
  func.func @transform_4(%arg0: i32) -> (i32, i32) {
    %c0_i32 = arith.constant 0 : i32
    %c0_i32_0 = arith.constant 0 : i32
    %c0_i32_1 = arith.constant 0 : i32
    return %c0_i32, %c0_i32_0 : i32, i32
  }
  func.func @transform_5(%arg0: i32) -> (i32, i32) {
    %c0_i32 = arith.constant 0 : i32
    %c0_i32_0 = arith.constant 0 : i32
    return %arg0, %c0_i32 : i32, i32
  }
  func.func @transform_6(%arg0: i32) -> (i32, i32) {
    %c0_i32 = arith.constant 0 : i32
    %c0_i32_0 = arith.constant 0 : i32
    return %arg0, %c0_i32 : i32, i32
  }
}

module attributes {stable_mosaic.version = 14 : i64} {
  func.func @_red_body(%arg0: i32, %arg1: memref<4000x128xf32, #tpu.memory_space<vmem>>, %arg2: memref<1x1xf32, #tpu.memory_space<vmem>>, %arg3: memref<4000x8xf32, #tpu.memory_space<vmem>>) attributes {dimension_semantics = [#tpu.dimension_semantics<arbitrary>], iteration_bounds = array<i64: 10>, scalar_prefetch = 0 : i64, scratch_operands = 0 : i64, tpu.core_type = #tpu.core_type<tc>, window_params = [{transform_indices = @transform_0, window_bounds = array<i64: 4000, 128>}, {pipeline_mode = #tpu.pipeline_mode<synchronous>, transform_indices = @transform_1, window_bounds = array<i64: 1, 1>}, {transform_indices = @transform_2, window_bounds = array<i64: 4000, 8>}]} {
    %iota3A = tpu.iota {dimensions = array<i32: 1>} : vector<1x128xi32>
    %iota3A_0 = vector.shape_cast %iota3A : vector<1x128xi32> to vector<128xi32>
    %broadcast_in_dim3A = vector.shape_cast %iota3A_0 : vector<128xi32> to vector<128x1xi32>
    %jit3A = arith.constant 16 : i32
    %div3A = vector.broadcast %jit3A : i32 to vector<128x1xi32>
    %div3A_1 = arith.divsi %broadcast_in_dim3A, %div3A : vector<128x1xi32>
    %sign3A = arith.constant 0 : i32
    %sign3A_2 = vector.broadcast %sign3A : i32 to vector<128x1xi32>
    %sign3A_3 = arith.cmpi sgt, %broadcast_in_dim3A, %sign3A_2 : vector<128x1xi32>
    %sign3A_4 = arith.extui %sign3A_3 : vector<128x1xi1> to vector<128x1xi32>
    %sign3A_5 = arith.constant 0 : i32
    %sign3A_6 = vector.broadcast %sign3A_5 : i32 to vector<128x1xi32>
    %sign3A_7 = arith.cmpi slt, %broadcast_in_dim3A, %sign3A_6 : vector<128x1xi32>
    %sign3A_8 = arith.extui %sign3A_7 : vector<128x1xi1> to vector<128x1xi32>
    %sign3A_9 = arith.subi %sign3A_4, %sign3A_8 : vector<128x1xi32>
    %sign3A_10 = arith.constant 0 : i32
    %sign3A_11 = arith.cmpi sgt, %jit3A, %sign3A_10 : i32
    %sign3A_12 = arith.extui %sign3A_11 : i1 to i32
    %sign3A_13 = arith.constant 0 : i32
    %sign3A_14 = arith.cmpi slt, %jit3A, %sign3A_13 : i32
    %sign3A_15 = arith.extui %sign3A_14 : i1 to i32
    %sign3A_16 = arith.subi %sign3A_12, %sign3A_15 : i32
    %ne3A = vector.broadcast %sign3A_16 : i32 to vector<128x1xi32>
    %ne3A_17 = arith.cmpi ne, %sign3A_9, %ne3A : vector<128x1xi32>
    %rem3A = vector.broadcast %jit3A : i32 to vector<128x1xi32>
    %rem3A_18 = arith.remsi %broadcast_in_dim3A, %rem3A : vector<128x1xi32>
    %ne3A_19 = arith.constant 0 : i32
    %ne3A_20 = vector.broadcast %ne3A_19 : i32 to vector<128x1xi32>
    %ne3A_21 = arith.cmpi ne, %rem3A_18, %ne3A_20 : vector<128x1xi32>
    %and3A = arith.andi %ne3A_17, %ne3A_21 : vector<128x1xi1>
    %sub3A = arith.constant 1 : i32
    %sub3A_22 = vector.broadcast %sub3A : i32 to vector<128x1xi32>
    %sub3A_23 = arith.subi %div3A_1, %sub3A_22 : vector<128x1xi32>
    %select_n3A = arith.select %and3A, %sub3A_23, %div3A_1 : vector<128x1xi1>, vector<128x1xi32>
    %iota3A_24 = tpu.iota {dimensions = array<i32: 1>} : vector<1x8xi32>
    %iota3A_25 = vector.shape_cast %iota3A_24 : vector<1x8xi32> to vector<8xi32>
    %broadcast_in_dim3A_26 = vector.shape_cast %iota3A_25 : vector<8xi32> to vector<1x8xi32>
    %eq3A = vector.broadcast %select_n3A : vector<128x1xi32> to vector<128x8xi32>
    %eq3A_27 = vector.broadcast %broadcast_in_dim3A_26 : vector<1x8xi32> to vector<128x8xi32>
    %eq3A_28 = arith.cmpi eq, %eq3A, %eq3A_27 : vector<128x8xi32>
    %convert_element_type3A = arith.extui %eq3A_28 : vector<128x8xi1> to vector<128x8xi32>
    %convert_element_type3A_29 = arith.sitofp %convert_element_type3A : vector<128x8xi32> to vector<128x8xf32>
    %get3A = arith.constant 0 : index
    %get3A_30 = arith.constant 0 : index
    %get3A_31 = vector.load %arg1[%get3A, %get3A_30] : memref<4000x128xf32, #tpu.memory_space<vmem>>, vector<4000x128xf32>
    %dot_general3A = arith.constant dense<0.000000e+00> : vector<4000x8xf32>
    %dot_general3A_32 = tpu.matmul %get3A_31, %convert_element_type3A_29, %dot_general3A {dimension_numbers = #tpu.dot_dimension_numbers<[1], [0], [0], [1], [0, 0, 1, 1], [], []>, transpose_lhs_hint = false} : vector<4000x128xf32>, vector<128x8xf32>, vector<4000x8xf32> -> vector<4000x8xf32>
    %get3A_33 = arith.constant 0 : index
    %get3A_34 = arith.constant 0 : index
    %get3A_35 = vector.load %arg2[%get3A_33, %get3A_34] : memref<1x1xf32, #tpu.memory_space<vmem>>, vector<1x1xf32>
    %get3A_36 = vector.extract %get3A_35[0, 0] : f32 from vector<1x1xf32>
    %add3A = vector.broadcast %get3A_36 : f32 to vector<4000x8xf32>
    %add3A_37 = arith.addf %dot_general3A_32, %add3A : vector<4000x8xf32>
    %swap3A = arith.constant 0 : index
    %swap3A_38 = arith.constant 0 : index
    %swap3A_39 = vector.load %arg3[%swap3A, %swap3A_38] : memref<4000x8xf32, #tpu.memory_space<vmem>>, vector<4000x8xf32>
    tpu.vector_store %arg3[%swap3A, %swap3A_38], %add3A_37 {strides = array<i32>} : memref<4000x8xf32, #tpu.memory_space<vmem>>, vector<4000x8xf32>,
    return
  }
  func.func @transform_0(%arg0: i32) -> (i32, i32) {
    %c0_i32 = arith.constant 0 : i32
    %c0_i32_0 = arith.constant 0 : i32
    return %arg0, %c0_i32 : i32, i32
  }
  func.func @transform_1(%arg0: i32) -> (i32, i32) {
    %c0_i32 = arith.constant 0 : i32
    %c0_i32_0 = arith.constant 0 : i32
    %c0_i32_1 = arith.constant 0 : i32
    return %c0_i32, %c0_i32_0 : i32, i32
  }
  func.func @transform_2(%arg0: i32) -> (i32, i32) {
    %c0_i32 = arith.constant 0 : i32
    %c0_i32_0 = arith.constant 0 : i32
    return %arg0, %c0_i32 : i32, i32
  }
}

</mosaic_0001>

<sc_bundles>
// kernel: kernel.12.cloned.1.call-start
scs
__scs_entry_jumppad:
0x0: {  	(pc) =	sbr.rel $0x88, $3  }
0x1: {  	(tag) =	ssettag $0x0;
	lr =	simm.s32 $0x1  }
0x2: {  	[smem:$0x3F96] =	sst lr;
	_ =	strace $0xD0000000  }
0x3: {  	_ = 	snop  }
0x4: {  	_ = 	snop  }
0x5: {  	_ = 	snop  }
0x6: {  	_ = 	snop  }
0x7: {  	_ = 	snop  }
__scs_overlays_trampoline_lowered:
0x8: {  	[smem:$0x3FA5] =	sst s0  }
0x9: {  	[smem:$0x3FA6] =	sst s1  }
0xa: {  	[smem:$0x3FA7] =	sst s2  }
0xb: {  	[smem:$0x3FA8] =	sst s3  }
0xc: {  	[smem:$0x3FA9] =	sst s4  }
0xd: {  	[smem:$0x3FAA] =	sst s5  }
0xe: {  	[smem:$0x3FAB] =	sst s6  }
0xf: {  	[smem:$0x3FAC] =	sst s7  }
0x10: {  	[smem:$0x3FAD] =	sst s8  }
0x11: {  	[smem:$0x3FAE] =	sst s9;
	s0 =	simm.s32 @!p0 $0x0  }
0x12: {  	s1 =	sld [smem:$0x3F94];
	s0 =	simm.s32 @p0 $0x1  }
0x13: {  	[smem:$0x3FAF] =	sst s0;
	s0 =	simm.s32 @!p1 $0x0  }
0x14: {  	s2 =	sld [smem:$0x3F93];
	s0 =	simm.s32 @p1 $0x1  }
0x15: {  	[smem:$0x3FB0] =	sst s0;
	s0 =	simm.s32 @!p2 $0x0  }
0x16: {  	s3 =	sld [smem:$0x3FDB];
	s0 =	simm.s32 @p2 $0x1  }
0x17: {  	s4 =	simm.s32 $0x1BF5;
	[smem:$0x3FB2] =	sst s0  }
0x18: {  	s0 =	sld [smem:$0x3F95];
	_ =	swait.ge [sflag:s4], $0x0  }
0x19: {  	s7 =	sld [smem:$0x3F96]  }
0x1a: {  	s8 =	sadd.s32 $0xFFFFE003, lr  }
0x1b: {  	s9 =	sadd.s32 $0xFFFFFEF7, lr;
	s5 =	simm.s32 $0xFFFFFFFF;
	p2 =	slt.u32 s8, $0xFFFFF086  }
0x1c: {  	p1 =	slt.u32 s9, $0xF7A;
	s5 =	simm.s32 @!p2 $0x0  }
0x1d: {  	s5 =	simm.s32 @p1 $0x1;
	p0 =	seq.s32 s7, s2  }
0x1e: {  	s7 =	smul.u32 @!p0 $0xF7A, s2;
	p2 =	seq.s32 @!p0 s5, $0x0  }
0x1f: {  	s9 =	smul.u32 $0xF7A, s1;
	s8 =	simm.s32 @!p0 $0x1BF5;
	p2 =	por !p2, p0  }
0x20: {  	[sflag:s8] =	ssyncset.s32 @!p0 $0xFFFFF086;
	s6 =	sadd.s32 @!p0 s3, s7;
	s7 =	simm.s32 @!p0 $0x108  }
0x21: {  	s3 =	sadd.s32 s3, s9;
	s6 =	sadd.s32 @!p0 $0x88, s6;
	s7 =	simm.s32 @p2 $0x1082  }
0x22: {  	[simem:s7], [sflag:s8] =	dma.local @!p0 [hbm:s6], $0xF7A  }
0x23: {  	s9 =	sor.u32 $0xD0000000, s2;
	s6 =	simm.s32 $0x108;
	_ =	swait.ge @!p0 [sflag:s8], $0x0  }
0x24: {  	s3 =	sadd.s32 $0x88, s3;
	s6 =	simm.s32 @!p1 $0x1082;
	[sflag:s4] =	ssyncset.s32 $0xFFFFF086  }
0x25: {  	[simem:s6], [sflag:s4] =	dma.local [hbm:s3], $0xF7A  }
0x26: {  	[smem:$0x3F96] =	sst s1;
	(tag) =	ssettag s2;
	_ =	strace s9  }
0x27: {  	s1 =	sld [smem:$0x3FA6]  }
0x28: {  	s2 =	sld [smem:$0x3FA7]  }
0x29: {  	s4 =	sld [smem:$0x3FA9]  }
0x2a: {  	p0 =	seq.s32 s5, $0x0;
	s5 =	sld [smem:$0x3FAA]  }
0x2b: {  	s6 =	sld [smem:$0x3FAB]  }
0x2c: {  	s7 =	sld [smem:$0x3FAC]  }
0x2d: {  	s3 =	simm.s32 $0x108;
	s8 =	sld [smem:$0x3FAD]  }
0x2e: {  	s3 =	simm.s32 @!p0 $0x1082;
	s9 =	sld [smem:$0x3FAE]  }
0x2f: {  	lr =	sadd.s32 s0, s3;
	s0 =	sld [smem:$0x3FA5]  }
0x30: {  	s3 =	sld [smem:$0x3FA8]  }
0x31: {  	[smem:$0x3FB1] =	sst s10  }
0x32: {  	s10 =	sld [smem:$0x3FAF];
	_ =	sdelay $0x3  }
0x33: {  	p0 =	seq.s32 s10, $0x1;
	s10 =	sld [smem:$0x3FB1];
	_ =	sdelay $0x3  }
0x34: {  	[smem:$0x3FB1] =	sst s10  }
0x35: {  	s10 =	sld [smem:$0x3FB0];
	_ =	sdelay $0x3  }
0x36: {  	p1 =	seq.s32 s10, $0x1;
	s10 =	sld [smem:$0x3FB1];
	_ =	sdelay $0x3  }
0x37: {  	[smem:$0x3FB1] =	sst s10  }
0x38: {  	s10 =	sld [smem:$0x3FB2]  }
0x39: {  	_ = 	snop;
	(pc) =	sbr.ind lr, $3  }
0x3a: {  	_ = 	snop  }
0x3b: {  	_ = 	snop  }
0x3c: {  	p2 =	seq.s32 s10, $0x1;
	s10 =	sld [smem:$0x3FB1]  }
0x3d: {  	_ =	shalt  }
0x3e: {  	_ =	shalt  }
0x3f: {  	_ =	shalt  }
0x40: {  	_ =	shalt  }
0x41: {  	_ =	shalt  }
0x42: {  	_ =	shalt  }
0x43: {  	_ =	shalt  }
0x44: {  	_ =	shalt  }
0x45: {  	_ =	shalt  }
0x46: {  	_ =	shalt  }
0x47: {  	_ =	shalt  }
0x48: {  	_ =	shalt  }
0x49: {  	_ =	shalt  }
0x4a: {  	_ =	shalt  }
0x4b: {  	_ =	shalt  }
0x4c: {  	_ =	shalt  }
0x4d: {  	_ =	shalt  }
0x4e: {  	_ =	shalt  }
0x4f: {  	_ =	shalt  }
0x50: {  	_ =	shalt  }
0x51: {  	_ =	shalt  }
0x52: {  	_ =	shalt  }
0x53: {  	_ =	shalt  }
0x54: {  	_ =	shalt  }
0x55: {  	_ =	shalt  }
0x56: {  	_ =	shalt  }
0x57: {  	_ =	shalt  }
0x58: {  	_ =	shalt  }
0x59: {  	_ =	shalt  }
0x5a: {  	_ =	shalt  }
0x5b: {  	_ =	shalt  }
0x5c: {  	_ =	shalt  }
0x5d: {  	_ =	shalt  }
0x5e: {  	_ =	shalt  }
0x5f: {  	_ =	shalt  }
0x60: {  	_ =	shalt  }
0x61: {  	_ =	shalt  }
0x62: {  	_ =	shalt  }
0x63: {  	_ =	shalt  }
0x64: {  	_ =	shalt  }
0x65: {  	_ =	shalt  }
0x66: {  	_ =	shalt  }
0x67: {  	_ =	shalt  }
0x68: {  	_ =	shalt  }
0x69: {  	_ =	shalt  }
0x6a: {  	_ =	shalt  }
0x6b: {  	_ =	shalt  }
0x6c: {  	_ =	shalt  }
0x6d: {  	_ =	shalt  }
0x6e: {  	_ =	shalt  }
0x6f: {  	_ =	shalt  }
0x70: {  	_ =	shalt  }
0x71: {  	_ =	shalt  }
0x72: {  	_ =	shalt  }
0x73: {  	_ =	shalt  }
0x74: {  	_ =	shalt  }
0x75: {  	_ =	shalt  }
0x76: {  	_ =	shalt  }
0x77: {  	_ =	shalt  }
0x78: {  	_ =	shalt  }
0x79: {  	_ =	shalt  }
0x7a: {  	_ =	shalt  }
0x7b: {  	_ =	shalt  }
0x7c: {  	_ =	shalt  }
0x7d: {  	_ =	shalt  }
0x7e: {  	_ =	shalt  }
0x7f: {  	_ =	shalt  }
0x80: {  	_ =	shalt  }
0x81: {  	_ =	shalt  }
0x82: {  	_ =	shalt  }
0x83: {  	_ =	shalt  }
0x84: {  	_ =	shalt  }
0x85: {  	_ =	shalt  }
0x86: {  	_ =	shalt  }
0x87: {  	_ =	shalt  }
.Lfunc_end0:
.L_simem_size_0:
called_computation.1_lowered:
.L_overlay_start_0:
0x88: {  	s2 =	sld [smem:$0x3FD9]  }
0x89: {  	s3 =	sld [smem:$0x3FFE];
	_ =	sdelay $0x1  }
0x8a: {  	s1 =	srdreg.scid  }
0x8b: {  	s0 =	sand.u32 $0x1, s1  }
0x8c: {  	s16 =	sshll.u32 s0, $0xA;
	s2 =	sadd.s32 s3, s2  }
0x8d: {  	s2 =	sadd.s32 s2, s16  }
0x8e: {  	[smem:$0x3FBD] =	sst s2  }
0x8f: {  	_ = 	snop  }
0x90: {  	(tm) =	ssettm $0x1  }
0x91: {  	s17 =	sld [smem:$0x3FFB];
	_ =	sdelay $0x3  }
0x92: {  	_ =	strace s17  }
0x93: {  	s2 =	sld [smem:$0x3FFC];
	_ =	sdelay $0x3  }
0x94: {  	_ =	strace s2  }
0x95: {  	s2 =	sld [smem:$0x3FFD];
	_ =	sdelay $0x3  }
0x96: {  	_ =	strace s2  }
0x97: {  	_ =	strace $0x8FFFFFFF  }
0x98: {  	s18 =	sld [smem:$0x3FDB];
	_ =	sdelay $0x1  }
0x99: {  	s19 =	simm.s32 $_scs_section_size  }
0x9a: {  	s4 =	simm.s32 $_size__tile_overlayer_lowered;
	s5 =	simm.s32 $_tile_overlayer_lowered  }
0x9b: {  	s22 =	simm.s32 $0x1BFF;
	s21 =	sshll.u32 s5, $0x1;
	s2 =	sadd.s32 s19, s18  }
0x9c: {  	s6 =	simm.s32 $0x0;
	s20 =	sshll.u32 s4, $0x1;
	s4 =	sadd.s32 s21, s2  }
0x9d: {  	[timem:s6], [sflag:s22] =	dma.local [hbm:s4], s20  }
0x9e: {  	_ =	swait.ge [sflag:s22], s20  }
0x9f: {  	s3 =	ssub.s32 $0x0, s20;
	[sflag:s22] =	ssyncset.done $0x0  }
0xa0: {  	[sflag:s22] =	ssyncadd.s32 s3;
	_ =	sdelay $0x1  }
0xa1: {  	s23 =	simm.s32 $0x1B8B  }
0xa2: {  	_ =	swait.ge [sflag:s23], $0x1  }
0xa3: {  	[sflag:s23] =	ssyncset.done $0x0  }
0xa4: {  	s25 =	simm.s32 $0x1B8E;
	s24 =	sld [smem:$0x3FFE];
	[sflag:s23] =	ssyncadd.s32 $0xFFFFFFFF  }
0xa5: {  	s26 =	simm.s32 $execute0_lowered;
	[smem:$0x3FD2] =	sst s25  }
0xa6: {  	s4 =	sshll.u32 s26, $0x1;
	_ =	strace $0x80000049;
	[dreg:$0x1] =	wrdreg $0xFFFFFFFF  }
0xa7: {  	s28 =	simm.s32 $_size_execute0_lowered;
	s2 =	sadd.s32 s2, s4;
	[dreg:$0x0] =	wrdreg $0x0  }
0xa8: {  	s4 =	sshll.u32 s28, $0x1;
	[dreg:$0x2] =	wrdreg s2  }
0xa9: {  	[dreg:$0x3] =	wrdreg s4  }
0xaa: {  	[dreg:$0x4] =	wrdreg $0xC0  }
0xab: {  	_ =	task [dreg:s6], $0x5FFFF  }
0xac: {  	[dreg:$0x1] =	wrdreg $0xFFFFFFFF  }
0xad: {  	[dreg:$0x0] =	wrdreg $0x60  }
0xae: {  	[dreg:$0x2] =	wrdreg s24  }
0xaf: {  	[dreg:$0x3] =	wrdreg $0x76400  }
0xb0: {  	[dreg:$0x4] =	wrdreg $0x9  }
0xb1: {  	_ =	task.clear_ibuf [dreg:s6], $0x5FFFF;
	_ =	strace $0x90000049  }
0xb2: {  	s29 =	simm.s32 $0x9;
	_ =	strace $0x8000004B  }
0xb3: {  	_ =	swait.ge [sflag:s29], $0x1  }
0xb4: {  	[sflag:s29] =	ssyncadd.s32 $0xFFFFFFFF  }
0xb5: {  	_ =	strace $0x9000004B  }
0xb6: {  	_ =	sfence  }
0xb7: {  	s30 =	sld [smem:$0x0];
	_ =	sdelay $0x2  }
0xb8: {  	s31 =	sshll.u32 s1, $0xD;
	s1 =	sshrl.u32 s1, $0x2  }
0xb9: {  	s3 =	sand.u32 $0x4000, s31;
	s1 =	sadd.s32 s1, s30  }
0xba: {  	s0 =	sor.u32 s3, s0;
	s1 =	sshll.u32 s1, $0x11  }
0xbb: {  	s0 =	sor.u32 s1, s0  }
0xbc: {  	s0 =	sadd.s32 $0x8F2B, s0  }
0xbd: {  	[sflag:s0] =	ssyncadd.remote.s32 $0x1  }
0xbe: {  	_ =	sfence.sel $0xFFFF  }
0xbf: {  	[dreg:$0x0] =	wrdreg $0xFFFFFFFF;
	(pc) =	sbr.abs _section_cstart, $3  }
0xc0: {  	[dreg:$0x1] =	wrdreg $0xFFFFFFFF  }
0xc1: {  	_ =	task.clear_ibuf [dreg:s6], $0x2FFFF;
	_ =	strace $0x9FFFFFFF  }
0xc2: {  	(tm) =	ssettm $0x7FFFFFFF  }
0xc3: {  	_ =	shalt  }
tec
execute0_lowered:
.L_overlay_start_1:
0x0: {  	(tag) =	ssettag $0x1  }
0x1: {  	s0 =	rddreg [dreg:$0x0];
	s1 =	srdreg.scid  }
0x2: {  	s11 =	stileid.u32;
	s2 =	rddreg [dreg:$0x1]  }
0x3: {  	s3 =	simm.s32 $0x0;
	s29 =	simm.s32 $0x320;
	s30 =	simm.s32 $0x2  }
0x4: {  	s31 =	simm.s32 $0x190;
	s28 =	simm.s32 $0x5F0;
	s6 =	smul.u32 $0x14000, s11  }
0x5: {  	s1 =	sand.u32 $0x1, s1;
	[smem:$0x7FF] =	sst s3;
	s8 =	smul.u32 $0x50000, s11  }
0x6: {  	s4 =	sadd.s32 $0x16800, s0;
	s9 =	sshll.u32 s11, $0x1;
	s14 =	smul.u32 $0x4E20, s11  }
0x7: {  	s5 =	smul.u32 $0x140000, s1;
	_ =	strace $0x8000004A;
	s22 =	ssub.s32 $0x2, s1  }
0x8: {  	s9 =	sor.u32 s1, s9;
	s1 =	smul.u32 $0x2710, s1;
	s10 =	sshrl.u32 s22, $0x1  }
0x9: {  	s8 =	sshrl.u32 s8, $0x2;
	s9 =	smul.u32 $0x2710, s9;
	s7 =	sadd.s32 s6, s5  }
0xa: {  	s5 =	sadd.s32 $0x2E00, s0;
	s8 =	sadd.s32 s8, s2;
	s6 =	sadd.s32 s6, s2  }
0xb: {  	s1 =	sadd.s32 s1, s14;
	s14 =	simm.s32 $0x550;
	s7 =	sshrl.u32 s7, $0x3  }
0xc: {  	[dreg:$0x3] =	wrdreg s6;
	s23 =	sadd.s32 $0x2000, s8;
	s24 =	sadd.s32 $0x4000, s8  }
0xd: {  	s25 =	sadd.s32 $0x6000, s8;
	s26 =	sadd.s32 $0x8000, s8;
	[dreg:$0x4] =	wrdreg s23  }
0xe: {  	s12 =	sadd.s32 $0xC000, s8;
	s13 =	sshrl.u32 s9, $0x3;
	[dreg:$0x5] =	wrdreg s24  }
0xf: {  	s15 =	sadd.s32 $0xE000, s8;
	s16 =	sadd.s32 $0x10000, s8;
	[dreg:$0x6] =	wrdreg s25  }
0x10: {  	s20 =	sadd.s32 $0x4B0, s1;
	s21 =	sadd.s32 $0x4E6B0, s1;
	[dreg:$0x7] =	wrdreg s26  }
0x11: {  	s9 =	simm.s32 $0x2E40;
	s0 =	sadd.s32 s7, s0;
	[dreg:$0x9] =	wrdreg s12  }
0x12: {  	s7 =	ssub.s32 s22, s10;
	s10 =	sadd.s32 $0xA000, s8;
	[dreg:$0xa] =	wrdreg s15  }
0x13: {  	s6 =	sadd.s32 s5, s13;
	[dreg:$0xc] =	wrdreg s16;
	s8 =	sadd.s32 $0x12000, s8  }
0x14: {  	s23 =	sadd.s32 $0x4E520, s1;
	s24 =	sshrl.u32 s21, $0x3;
	s26 =	sadd.s32 $0x320, s1  }
0x15: {  	s1 =	simm.s32 $0x4B0;
	s12 =	simm.s32 $0x370;
	s13 =	simm.s32 $0xF0  }
0x16: {  	s15 =	simm.s32 $0x3C0;
	s16 =	simm.s32 $0x140;
	[dreg:$0x8] =	wrdreg s10  }
0x17: {  	s21 =	simm.s32 $0x500;
	[dreg:$0xd] =	wrdreg s8;
	s17 =	sadd.s32 $0x9C40, s6  }
0x18: {  	s18 =	sadd.s32 $0x32, s6;
	[dreg:$0xb] =	wrdreg s6;
	s6 =	sadd.s32 $0x9C72, s6  }
0x19: {  	s0 =	sadd.s32 $0x3E800, s0;
	s19 =	smax.u32 s7, $0x1;
	[dreg:$0x13] =	wrdreg s26  }
0x1a: {  	s25 =	sshrl.u32 s23, $0x3;
	s23 =	sadd.s32 s24, s5;
	[dreg:$0xe] =	wrdreg s17  }
0x1b: {  	s7 =	simm.s32 $0x640;
	s8 =	simm.s32 $0x1;
	[dreg:$0xf] =	wrdreg s18  }
.Ltmp0:
0x1c: {  	s10 =	simm.s32 $0x3;
	[dreg:$0x10] =	wrdreg s6;
	(pc) =	sbr.rel .LBB2_1-.Ltmp0, $4  }
0x1d: {  	s24 =	simm.s32 $0x280;
	s26 =	simm.s32 $0x5A0;
	[dreg:$0x11] =	wrdreg s0  }
0x1e: {  	[dreg:$0x12] =	wrdreg s19;
	s0 =	sshrl.u32 s20, $0x3;
	s25 =	sadd.s32 s25, s5  }
0x1f: {  	s17 =	simm.s32 $0x410;
	s18 =	simm.s32 $0x460;
	s6 =	simm.s32 $0x2D0  }
0x20: {  	v0 =	vimm.f32 $0.0e+00;
	s20 =	simm.s32 $0x0;
	s22 =	sadd.s32 s0, s5;
	s0 =	simm.s32 $0x50  }
.LBB2_6:
0x21: {  	_ =	swait.ge [sflag:s8], $0x2800  }
0x22: {  	[sflag:s8] =	ssyncset.done $0x0  }
0x23: {  	[sflag:s8] =	ssyncadd.s32 $0xFFFFD800  }
0x24: {  	_ =	swait.ge [sflag:s10], $0x2800  }
0x25: {  	[sflag:s10] =	ssyncset.done $0x0  }
0x26: {  	[sflag:s10] =	ssyncadd.s32 $0xFFFFD800  }
0x27: {  	[tilespmem:s9], [sflag:$0x1] =	stream.indirect.gather [hbm4b:s4+s0], $0x80, s0, s0, $0xb8;
	[tilespmem:$0x1B640] =	vst v63  }
0x28: {  	_ = 	snop  }
0x29: {  	[spmem:s2] =	stream.indirect.scatter.add.f32 [tilespmem:s7], [sflag:$0x3], $0x80, s29, s0, $0xb8;
	[tilespmem:$0x1B640] =	vst v63  }
0x2a: {  	_ =	swait.ge [sflag:s8], $0x2800  }
0x2b: {  	[sflag:s8] =	ssyncset.done $0x0  }
0x2c: {  	[sflag:s8] =	ssyncadd.s32 $0xFFFFD800  }
0x2d: {  	_ =	swait.ge [sflag:s10], $0x2800  }
0x2e: {  	[sflag:s10] =	ssyncset.done $0x0  }
0x2f: {  	s11 =	simm.s32 $0xA0;
	[sflag:s10] =	ssyncadd.s32 $0xFFFFD800  }
0x30: {  	[tilespmem:s7], [sflag:$0x1] =	stream.indirect.gather [hbm4b:s4+s0], $0x80, s11, s0, $0xb8;
	[tilespmem:$0x1B640] =	vst v63  }
0x31: {  	_ = 	snop  }
0x32: {  	[spmem:s2] =	stream.indirect.scatter.add.f32 [tilespmem:s9], [sflag:$0x3], $0x80, s12, s0, $0xb8;
	[tilespmem:$0x1B640] =	vst v63  }
0x33: {  	_ =	swait.ge [sflag:s8], $0x2800  }
0x34: {  	[sflag:s8] =	ssyncset.done $0x0  }
0x35: {  	[sflag:s8] =	ssyncadd.s32 $0xFFFFD800  }
0x36: {  	_ =	swait.ge [sflag:s10], $0x2800  }
0x37: {  	[sflag:s10] =	ssyncset.done $0x0  }
0x38: {  	[sflag:s10] =	ssyncadd.s32 $0xFFFFD800  }
0x39: {  	[tilespmem:s9], [sflag:$0x1] =	stream.indirect.gather [hbm4b:s4+s0], $0x80, s13, s0, $0xb8;
	[tilespmem:$0x1B640] =	vst v63  }
0x3a: {  	_ = 	snop  }
0x3b: {  	[spmem:s2] =	stream.indirect.scatter.add.f32 [tilespmem:s7], [sflag:$0x3], $0x80, s15, s0, $0xb8;
	[tilespmem:$0x1B640] =	vst v63  }
0x3c: {  	_ =	swait.ge [sflag:s8], $0x2800  }
0x3d: {  	[sflag:s8] =	ssyncset.done $0x0  }
0x3e: {  	[sflag:s8] =	ssyncadd.s32 $0xFFFFD800  }
0x3f: {  	_ =	swait.ge [sflag:s10], $0x2800  }
0x40: {  	[sflag:s10] =	ssyncset.done $0x0  }
0x41: {  	[sflag:s10] =	ssyncadd.s32 $0xFFFFD800  }
0x42: {  	[tilespmem:s7], [sflag:$0x1] =	stream.indirect.gather [hbm4b:s4+s0], $0x80, s16, s0, $0xb8;
	[tilespmem:$0x1B640] =	vst v63  }
0x43: {  	_ = 	snop  }
0x44: {  	[spmem:s2] =	stream.indirect.scatter.add.f32 [tilespmem:s9], [sflag:$0x3], $0x80, s17, s0, $0xb8;
	[tilespmem:$0x1B640] =	vst v63  }
0x45: {  	_ =	swait.ge [sflag:s8], $0x2800  }
0x46: {  	[sflag:s8] =	ssyncset.done $0x0  }
0x47: {  	[sflag:s8] =	ssyncadd.s32 $0xFFFFD800  }
0x48: {  	_ =	swait.ge [sflag:s10], $0x2800  }
0x49: {  	[sflag:s10] =	ssyncset.done $0x0  }
0x4a: {  	[sflag:s10] =	ssyncadd.s32 $0xFFFFD800  }
0x4b: {  	[spmem:s2] =	stream.indirect.scatter.add.f32 [tilespmem:s7], [sflag:$0x3], $0x80, s18, s0, $0xb8;
	[tilespmem:$0x1B640] =	vst v63  }
0x4c: {  	_ =	swait.ge [sflag:s10], $0x2800  }
0x4d: {  	[sflag:s10] =	ssyncset.done $0x0  }
0x4e: {  	[sflag:s10] =	ssyncadd.s32 $0xFFFFD800  }
0x4f: {  	s20 =	stileid.u32;
	[bflag:$0x0] =	sbarrier.arrive $0xFFFF  }
0x50: {  	s11 =	sshll.u32 s20, $0x6;
	s19 =	rddreg [dreg:$0x3]  }
0x51: {  	s11 =	sor.u32 $0x1C04, s11;
	s20 =	rddreg [dreg:$0x11];
	s19 =	sshrl.u32 s19, $0x3  }
0x52: {  	[hbm:s20], [sflag:s11] =	dma.local [spmem:s19], $0x2800  }
0x53: {  	s19 =	simm.s32 $0x4  }
0x54: {  	_ =	swait.ge [sflag:s19], $0x2800  }
0x55: {  	s11 =	rddreg [dreg:$0x14]  }
0x56: {  	s20 =	sadd.s32 $0x1, s11;
	s11 =	rddreg [dreg:$0x12]  }
0x57: {  	p0 =	sne.s32 s20, s11  }
.Ltmp1:
0x58: {  	_ = 	snop;
	(pc) =	sbr.rel @!p0 .LBB2_7-.Ltmp1, $3  }
0x59: {  	_ =	sdelay $0x1  }
0x5a: {  	[sflag:s19] =	ssyncset.done $0x0  }
0x5b: {  	[sflag:s19] =	ssyncadd.s32 $0xFFFFD800  }
.LBB2_1:
0x5c: {  	[dreg:$0x14] =	wrdreg s20;
	s19 =	simm.s32 $0x0;
	s20 =	simm.s32 $0x200  }
.LBB2_2:
0x5d: {  	p0 =	sne.s32 s20, $0x7E00;
	[tilespmem:s19+$0x56B0] =	vst v0  }
0x5e: {  	[tilespmem:s19+$0x5640] =	vst v0  }
0x5f: {  	[tilespmem:s19+$0x5650] =	vst v0  }
.Ltmp2:
0x60: {  	[tilespmem:s19+$0x5660] =	vst v0;
	(pc) =	sbr.rel @p0 .LBB2_2-.Ltmp2, $4  }
0x61: {  	[tilespmem:s19+$0x5670] =	vst v0  }
0x62: {  	[tilespmem:s19+$0x5680] =	vst v0  }
0x63: {  	[tilespmem:s19+$0x5690] =	vst v0  }
0x64: {  	[tilespmem:s19+$0x56A0] =	vst v0;
	s19 =	sshra.s32 s20, $0x2;
	s20 =	sadd.s32 $0x200, s20  }
0x65: {  	[tilespmem:s19+$0x56B0] =	vst v0  }
0x66: {  	[tilespmem:s19+$0x5640] =	vst v0  }
0x67: {  	[tilespmem:s19+$0x5650] =	vst v0  }
0x68: {  	[tilespmem:s19+$0x5660] =	vst v0  }
0x69: {  	[tilespmem:s19+$0x5670] =	vst v0  }
0x6a: {  	[tilespmem:s19+$0x5680] =	vst v0  }
0x6b: {  	[tilespmem:s19+$0x5690] =	vst v0  }
0x6c: {  	[tilespmem:s19+$0x56A0] =	vst v0;
	s11 =	rddreg [dreg:$0x3];
	s19 =	simm.s32 $0x5640;
	s20 =	simm.s32 $0x4  }
0x6d: {  	[spmem:s11] =	stream.linear.scatter [tilespmem:s19], [sflag:$0x4], $0x2000, $0x38;
	[tilespmem:$0x1B640] =	vst v63  }
0x6e: {  	_ =	swait.ge [sflag:s20], $0x2000  }
0x6f: {  	[sflag:s20] =	ssyncset.done $0x0  }
0x70: {  	s11 =	rddreg [dreg:$0x4];
	[sflag:s20] =	ssyncadd.s32 $0xFFFFE000  }
0x71: {  	[spmem:s11] =	stream.linear.scatter [tilespmem:s19], [sflag:$0x4], $0x2000, $0x38;
	[tilespmem:$0x1B640] =	vst v63  }
0x72: {  	_ =	swait.ge [sflag:s20], $0x2000  }
0x73: {  	[sflag:s20] =	ssyncset.done $0x0  }
0x74: {  	s11 =	rddreg [dreg:$0x5];
	[sflag:s20] =	ssyncadd.s32 $0xFFFFE000  }
0x75: {  	[spmem:s11] =	stream.linear.scatter [tilespmem:s19], [sflag:$0x4], $0x2000, $0x38;
	[tilespmem:$0x1B640] =	vst v63  }
0x76: {  	_ =	swait.ge [sflag:s20], $0x2000  }
0x77: {  	[sflag:s20] =	ssyncset.done $0x0  }
0x78: {  	s11 =	rddreg [dreg:$0x6];
	[sflag:s20] =	ssyncadd.s32 $0xFFFFE000  }
0x79: {  	[spmem:s11] =	stream.linear.scatter [tilespmem:s19], [sflag:$0x4], $0x2000, $0x38;
	[tilespmem:$0x1B640] =	vst v63  }
0x7a: {  	_ =	swait.ge [sflag:s20], $0x2000  }
0x7b: {  	[sflag:s20] =	ssyncset.done $0x0  }
0x7c: {  	s11 =	rddreg [dreg:$0x7];
	[sflag:s20] =	ssyncadd.s32 $0xFFFFE000  }
0x7d: {  	[spmem:s11] =	stream.linear.scatter [tilespmem:s19], [sflag:$0x4], $0x2000, $0x38;
	[tilespmem:$0x1B640] =	vst v63  }
0x7e: {  	_ =	swait.ge [sflag:s20], $0x2000  }
0x7f: {  	[sflag:s20] =	ssyncset.done $0x0  }
0x80: {  	s11 =	rddreg [dreg:$0x8];
	[sflag:s20] =	ssyncadd.s32 $0xFFFFE000  }
0x81: {  	[spmem:s11] =	stream.linear.scatter [tilespmem:s19], [sflag:$0x4], $0x2000, $0x38;
	[tilespmem:$0x1B640] =	vst v63  }
0x82: {  	_ =	swait.ge [sflag:s20], $0x2000  }
0x83: {  	[sflag:s20] =	ssyncset.done $0x0  }
0x84: {  	s11 =	rddreg [dreg:$0x9];
	[sflag:s20] =	ssyncadd.s32 $0xFFFFE000  }
0x85: {  	[spmem:s11] =	stream.linear.scatter [tilespmem:s19], [sflag:$0x4], $0x2000, $0x38;
	[tilespmem:$0x1B640] =	vst v63  }
0x86: {  	_ =	swait.ge [sflag:s20], $0x2000  }
0x87: {  	[sflag:s20] =	ssyncset.done $0x0  }
0x88: {  	s11 =	rddreg [dreg:$0xa];
	[sflag:s20] =	ssyncadd.s32 $0xFFFFE000  }
0x89: {  	[spmem:s11] =	stream.linear.scatter [tilespmem:s19], [sflag:$0x4], $0x2000, $0x38;
	[tilespmem:$0x1B640] =	vst v63  }
0x8a: {  	_ =	swait.ge [sflag:s20], $0x2000  }
0x8b: {  	[sflag:s20] =	ssyncset.done $0x0  }
0x8c: {  	s11 =	rddreg [dreg:$0xc];
	[sflag:s20] =	ssyncadd.s32 $0xFFFFE000  }
0x8d: {  	[spmem:s11] =	stream.linear.scatter [tilespmem:s19], [sflag:$0x4], $0x2000, $0x38;
	[tilespmem:$0x1B640] =	vst v63  }
0x8e: {  	_ =	swait.ge [sflag:s20], $0x2000  }
0x8f: {  	[sflag:s20] =	ssyncset.done $0x0  }
0x90: {  	s11 =	rddreg [dreg:$0xd];
	[sflag:s20] =	ssyncadd.s32 $0xFFFFE000  }
0x91: {  	[spmem:s11] =	stream.linear.scatter [tilespmem:s19], [sflag:$0x4], $0x2000, $0x38;
	[tilespmem:$0x1B640] =	vst v63  }
0x92: {  	_ =	swait.ge [sflag:s20], $0x2000  }
0x93: {  	[sflag:s20] =	ssyncset.done $0x0  }
0x94: {  	[sflag:s20] =	ssyncadd.s32 $0xFFFFE000  }
0x95: {  	[bflag:$0x0] =	sbarrier.arrive $0xFFFF  }
0x96: {  	s19 =	simm.s32 $0x0;
	s20 =	rddreg [dreg:$0xb]  }
0x97: {  	[tilespmem:s19], [sflag:$0x2] =	stream.linear.gather [hbm4b:s20+s19], $0x190, $0x38;
	[tilespmem:$0x1B640] =	vst v63  }
0x98: {  	s20 =	rddreg [dreg:$0xe]  }
0x99: {  	[tilespmem:s29], [sflag:$0x2] =	stream.linear.gather [hbm4b:s20+s19], $0x190, $0x38;
	[tilespmem:$0x1B640] =	vst v63  }
0x9a: {  	_ =	swait.ge [sflag:s30], $0x190  }
0x9b: {  	[sflag:s30] =	ssyncset.done $0x0  }
0x9c: {  	[sflag:s30] =	ssyncadd.s32 $0xFFFFFE70  }
0x9d: {  	_ =	swait.ge [sflag:s30], $0x190  }
0x9e: {  	[sflag:s30] =	ssyncset.done $0x0  }
0x9f: {  	s20 =	rddreg [dreg:$0xf];
	[sflag:s30] =	ssyncadd.s32 $0xFFFFFE70  }
0xa0: {  	[tilespmem:s31], [sflag:$0x2] =	stream.linear.gather [hbm4b:s20+s19], $0x190, $0x38;
	[tilespmem:$0x1B640] =	vst v63  }
0xa1: {  	s20 =	rddreg [dreg:$0x10]  }
0xa2: {  	[tilespmem:s1], [sflag:$0x2] =	stream.linear.gather [hbm4b:s20+s19], $0x190, $0x38;
	[tilespmem:$0x1B640] =	vst v63  }
0xa3: {  	s20 =	rddreg [dreg:$0x13]  }
0xa4: {  	[tilespmem:s7], [sflag:$0x1] =	stream.indirect.gather [hbm4b:s4+s0], $0x80, s19, s0, $0xb8;
	[tilespmem:$0x1B640] =	vst v63  }
.LBB2_4:
0xa5: {  	_ =	swait.ge [sflag:s8], $0x2800  }
0xa6: {  	p0 =	seq.s32 s19, $0x0;
	[sflag:s8] =	ssyncset.done $0x0  }
0xa7: {  	s11 =	simm.s32 @!p0 $0x3;
	[sflag:s8] =	ssyncadd.s32 $0xFFFFD800  }
0xa8: {  	_ =	swait.ge @!p0 [sflag:s11], $0x2800  }
0xa9: {  	[sflag:s11] =	ssyncset.done @!p0 $0x0  }
0xaa: {  	[sflag:s11] =	ssyncadd.s32 @!p0 $0xFFFFD800  }
0xab: {  	[tilespmem:s9], [sflag:$0x1] =	stream.indirect.gather [hbm4b:s4+s0], $0x80, s0, s0, $0xb8;
	[tilespmem:$0x1B640] =	vst v63  }
0xac: {  	_ = 	snop  }
0xad: {  	[spmem:s2] =	stream.indirect.scatter.add.f32 [tilespmem:s7], [sflag:$0x3], $0x80, s29, s0, $0xb8;
	[tilespmem:$0x1B640] =	vst v63  }
0xae: {  	_ =	swait.ge [sflag:s8], $0x2800  }
0xaf: {  	[sflag:s8] =	ssyncset.done $0x0  }
0xb0: {  	[sflag:s8] =	ssyncadd.s32 $0xFFFFD800  }
0xb1: {  	_ =	swait.ge [sflag:s10], $0x2800  }
0xb2: {  	[sflag:s10] =	ssyncset.done $0x0  }
0xb3: {  	s11 =	simm.s32 $0xA0;
	[sflag:s10] =	ssyncadd.s32 $0xFFFFD800  }
0xb4: {  	[tilespmem:s7], [sflag:$0x1] =	stream.indirect.gather [hbm4b:s4+s0], $0x80, s11, s0, $0xb8;
	[tilespmem:$0x1B640] =	vst v63  }
0xb5: {  	_ = 	snop  }
0xb6: {  	[spmem:s2] =	stream.indirect.scatter.add.f32 [tilespmem:s9], [sflag:$0x3], $0x80, s12, s0, $0xb8;
	[tilespmem:$0x1B640] =	vst v63  }
0xb7: {  	_ =	swait.ge [sflag:s8], $0x2800  }
0xb8: {  	[sflag:s8] =	ssyncset.done $0x0  }
0xb9: {  	[sflag:s8] =	ssyncadd.s32 $0xFFFFD800  }
0xba: {  	_ =	swait.ge [sflag:s10], $0x2800  }
0xbb: {  	[sflag:s10] =	ssyncset.done $0x0  }
0xbc: {  	[sflag:s10] =	ssyncadd.s32 $0xFFFFD800  }
0xbd: {  	[tilespmem:s9], [sflag:$0x1] =	stream.indirect.gather [hbm4b:s4+s0], $0x80, s13, s0, $0xb8;
	[tilespmem:$0x1B640] =	vst v63  }
0xbe: {  	_ = 	snop  }
0xbf: {  	[spmem:s2] =	stream.indirect.scatter.add.f32 [tilespmem:s7], [sflag:$0x3], $0x80, s15, s0, $0xb8;
	[tilespmem:$0x1B640] =	vst v63  }
0xc0: {  	_ =	swait.ge [sflag:s30], $0x190  }
0xc1: {  	[sflag:s30] =	ssyncset.done $0x0  }
0xc2: {  	[sflag:s30] =	ssyncadd.s32 $0xFFFFFE70  }
0xc3: {  	_ =	swait.ge [sflag:s30], $0x190  }
0xc4: {  	[sflag:s30] =	ssyncset.done $0x0  }
0xc5: {  	[sflag:s30] =	ssyncadd.s32 $0xFFFFFE70  }
0xc6: {  	_ =	swait.ge [sflag:s8], $0x2800  }
0xc7: {  	[sflag:s8] =	ssyncset.done $0x0  }
0xc8: {  	[sflag:s8] =	ssyncadd.s32 $0xFFFFD800  }
0xc9: {  	_ =	swait.ge [sflag:s10], $0x2800  }
0xca: {  	[sflag:s10] =	ssyncset.done $0x0  }
0xcb: {  	[sflag:s10] =	ssyncadd.s32 $0xFFFFD800  }
0xcc: {  	[tilespmem:s7], [sflag:$0x1] =	stream.indirect.gather [hbm4b:s4+s0], $0x80, s16, s0, $0xb8;
	[tilespmem:$0x1B640] =	vst v63  }
0xcd: {  	_ = 	snop  }
0xce: {  	[spmem:s2] =	stream.indirect.scatter.add.f32 [tilespmem:s9], [sflag:$0x3], $0x80, s17, s0, $0xb8;
	[tilespmem:$0x1B640] =	vst v63  }
0xcf: {  	_ =	swait.ge [sflag:s8], $0x2800  }
0xd0: {  	[sflag:s8] =	ssyncset.done $0x0  }
0xd1: {  	[sflag:s8] =	ssyncadd.s32 $0xFFFFD800  }
0xd2: {  	_ =	swait.ge [sflag:s10], $0x2800  }
0xd3: {  	[sflag:s10] =	ssyncset.done $0x0  }
0xd4: {  	[sflag:s10] =	ssyncadd.s32 $0xFFFFD800  }
0xd5: {  	[tilespmem:s9], [sflag:$0x1] =	stream.indirect.gather [hbm4b:s4+s0], $0x80, s31, s0, $0xb8;
	[tilespmem:$0x1B640] =	vst v63  }
0xd6: {  	s11 =	sshrl.u32 s20, $0x3  }
0xd7: {  	[spmem:s2] =	stream.indirect.scatter.add.f32 [tilespmem:s7], [sflag:$0x3], $0x80, s18, s0, $0xb8;
	[tilespmem:$0x1B640] =	vst v63  }
0xd8: {  	s11 =	sadd.s32 s5, s11  }
0xd9: {  	[tilespmem:s3], [sflag:$0x2] =	stream.linear.gather [hbm4b:s11+s3], $0x190, $0x38;
	[tilespmem:$0x1B640] =	vst v63  }
0xda: {  	s11 =	sadd.s32 s19, s25  }
0xdb: {  	[tilespmem:s29], [sflag:$0x2] =	stream.linear.gather [hbm4b:s11+s3], $0x190, $0x38;
	[tilespmem:$0x1B640] =	vst v63  }
0xdc: {  	_ =	swait.ge [sflag:s8], $0x2800  }
0xdd: {  	[sflag:s8] =	ssyncset.done $0x0  }
0xde: {  	[sflag:s8] =	ssyncadd.s32 $0xFFFFD800  }
0xdf: {  	_ =	swait.ge [sflag:s10], $0x2800  }
0xe0: {  	[sflag:s10] =	ssyncset.done $0x0  }
0xe1: {  	s11 =	simm.s32 $0x1E0;
	[sflag:s10] =	ssyncadd.s32 $0xFFFFD800  }
0xe2: {  	[tilespmem:s7], [sflag:$0x1] =	stream.indirect.gather [hbm4b:s4+s0], $0x80, s11, s0, $0xb8;
	[tilespmem:$0x1B640] =	vst v63  }
0xe3: {  	_ = 	snop  }
0xe4: {  	[spmem:s2] =	stream.indirect.scatter.add.f32 [tilespmem:s9], [sflag:$0x3], $0x80, s1, s0, $0xb8;
	[tilespmem:$0x1B640] =	vst v63  }
0xe5: {  	_ =	swait.ge [sflag:s8], $0x2800  }
0xe6: {  	[sflag:s8] =	ssyncset.done $0x0  }
0xe7: {  	[sflag:s8] =	ssyncadd.s32 $0xFFFFD800  }
0xe8: {  	_ =	swait.ge [sflag:s10], $0x2800  }
0xe9: {  	[sflag:s10] =	ssyncset.done $0x0  }
0xea: {  	s11 =	simm.s32 $0x230;
	[sflag:s10] =	ssyncadd.s32 $0xFFFFD800  }
0xeb: {  	[tilespmem:s9], [sflag:$0x1] =	stream.indirect.gather [hbm4b:s4+s0], $0x80, s11, s0, $0xb8;
	[tilespmem:$0x1B640] =	vst v63  }
0xec: {  	_ = 	snop  }
0xed: {  	[spmem:s2] =	stream.indirect.scatter.add.f32 [tilespmem:s7], [sflag:$0x3], $0x80, s21, s0, $0xb8;
	[tilespmem:$0x1B640] =	vst v63  }
0xee: {  	_ =	swait.ge [sflag:s8], $0x2800  }
0xef: {  	[sflag:s8] =	ssyncset.done $0x0  }
0xf0: {  	[sflag:s8] =	ssyncadd.s32 $0xFFFFD800  }
0xf1: {  	_ =	swait.ge [sflag:s10], $0x2800  }
0xf2: {  	[sflag:s10] =	ssyncset.done $0x0  }
0xf3: {  	[sflag:s10] =	ssyncadd.s32 $0xFFFFD800  }
0xf4: {  	[tilespmem:s7], [sflag:$0x1] =	stream.indirect.gather [hbm4b:s4+s0], $0x80, s24, s0, $0xb8;
	[tilespmem:$0x1B640] =	vst v63  }
0xf5: {  	_ = 	snop  }
0xf6: {  	[spmem:s2] =	stream.indirect.scatter.add.f32 [tilespmem:s9], [sflag:$0x3], $0x80, s14, s0, $0xb8;
	[tilespmem:$0x1B640] =	vst v63  }
0xf7: {  	_ =	swait.ge [sflag:s30], $0x190  }
0xf8: {  	[sflag:s30] =	ssyncset.done $0x0  }
0xf9: {  	[sflag:s30] =	ssyncadd.s32 $0xFFFFFE70  }
0xfa: {  	_ =	swait.ge [sflag:s30], $0x190  }
0xfb: {  	[sflag:s30] =	ssyncset.done $0x0  }
0xfc: {  	[sflag:s30] =	ssyncadd.s32 $0xFFFFFE70  }
0xfd: {  	_ =	swait.ge [sflag:s8], $0x2800  }
0xfe: {  	[sflag:s8] =	ssyncset.done $0x0  }
0xff: {  	[sflag:s8] =	ssyncadd.s32 $0xFFFFD800  }
0x100: {  	_ =	swait.ge [sflag:s10], $0x2800  }
0x101: {  	[sflag:s10] =	ssyncset.done $0x0  }
0x102: {  	[sflag:s10] =	ssyncadd.s32 $0xFFFFD800  }
0x103: {  	[tilespmem:s9], [sflag:$0x1] =	stream.indirect.gather [hbm4b:s4+s0], $0x80, s6, s0, $0xb8;
	[tilespmem:$0x1B640] =	vst v63  }
0x104: {  	_ = 	snop  }
0x105: {  	[spmem:s2] =	stream.indirect.scatter.add.f32 [tilespmem:s7], [sflag:$0x3], $0x80, s26, s0, $0xb8;
	[tilespmem:$0x1B640] =	vst v63  }
0x106: {  	_ =	swait.ge [sflag:s8], $0x2800  }
0x107: {  	[sflag:s8] =	ssyncset.done $0x0  }
0x108: {  	[sflag:s8] =	ssyncadd.s32 $0xFFFFD800  }
0x109: {  	p0 =	seq.s32 s19, $0x44C;
	_ =	swait.ge [sflag:s10], $0x2800  }
.Ltmp3:
0x10a: {  	[sflag:s10] =	ssyncset.done $0x0;
	(pc) =	sbr.rel @p0 .LBB2_6-.Ltmp3, $4  }
0x10b: {  	[sflag:s10] =	ssyncadd.s32 $0xFFFFD800  }
0x10c: {  	[tilespmem:s7], [sflag:$0x1] =	stream.indirect.gather [hbm4b:s4+s0], $0x80, s3, s0, $0xb8;
	[tilespmem:$0x1B640] =	vst v63  }
0x10d: {  	_ = 	snop  }
0x10e: {  	[spmem:s2] =	stream.indirect.scatter.add.f32 [tilespmem:s9], [sflag:$0x3], $0x80, s28, s0, $0xb8;
	[tilespmem:$0x1B640] =	vst v63  }
.Ltmp4:
0x10f: {  	(pc) =	sbr.rel .LBB2_4-.Ltmp4, $4  }
0x110: {  	s11 =	sadd.s32 s19, s22  }
0x111: {  	[tilespmem:s31], [sflag:$0x2] =	stream.linear.gather [hbm4b:s11+s3], $0x190, $0x38;
	[tilespmem:$0x1B640] =	vst v63  }
0x112: {  	s20 =	sadd.s32 $0x320, s20;
	s11 =	sadd.s32 s19, s23;
	s19 =	sadd.s32 $0x64, s19  }
0x113: {  	[tilespmem:s1], [sflag:$0x2] =	stream.linear.gather [hbm4b:s11+s3], $0x190, $0x38;
	[tilespmem:$0x1B640] =	vst v63  }
.LBB2_7:
0x114: {  	_ =	sfence.sel $0x180000  }
0x115: {  	[bflag:$0x0] =	sbarrier.arrive $0xFFFF  }
0x116: {  	_ =	strace $0x9000004A  }
0x117: {  	s0 =	stileid.u32;
	[bflag:$0x2] =	sbarrier.arrive $0xFFFF  }
0x118: {  	p0 =	sne.s32 s0, $0x0;
	s0 =	rddreg [dreg:$0x2]  }
0x119: {  	s0 =	sadd.s32 @!p0 $0x100000, s0  }
0x11a: {  	[sflag:s0] =	ssyncadd.tile.s32 @!p0 $0x1;
	_ =	shalt  }
.Lfunc_end2:
_tile_overlayer_lowered:
.L_overlay_start_2:
0x11b: {  	(tag) =	ssettag $0x2  }
0x11c: {  	s0 =	rddreg [dreg:$0x0];
	s2 =	stileid.u32  }
0x11d: {  	s1 =	rddreg [dreg:$0x1];
	p0 =	sne.s32 s2, $0x0  }
0x11e: {  	s3 =	rddreg [dreg:$0x2];
	[bflag:$0x3] =	sbarrier.arrive $0xFFFF;
	s2 =	simm.s32 @!p0 $0x1C04  }
0x11f: {  	[timem:s3], [sflag:s2] =	dma.local @!p0 [hbm:s0], s1  }
0x120: {  	s0 =	simm.s32 @!p0 $0x4  }
0x121: {  	_ =	swait.ge @!p0 [sflag:s0], s1  }
0x122: {  	s1 =	ssub.s32 @!p0 $0x0, s1;
	[sflag:s0] =	ssyncset.done @!p0 $0x0  }
0x123: {  	[sflag:s0] =	ssyncadd.s32 @!p0 s1  }
0x124: {  	[bflag:$0x3] =	sbarrier.arrive $0xFFFF  }
0x125: {  	_ =	shalt  }

// kernel: kernel.15.cloned.1.call-start
scs
__scs_entry_jumppad:
0x0: {  	(pc) =	sbr.rel $0x88, $3  }
0x1: {  	(tag) =	ssettag $0x0;
	lr =	simm.s32 $0x1  }
0x2: {  	[smem:$0x3F96] =	sst lr;
	_ =	strace $0xD0000000  }
0x3: {  	_ = 	snop  }
0x4: {  	_ = 	snop  }
0x5: {  	_ = 	snop  }
0x6: {  	_ = 	snop  }
0x7: {  	_ = 	snop  }
__scs_overlays_trampoline_lowered:
0x8: {  	[smem:$0x3FA5] =	sst s0  }
0x9: {  	[smem:$0x3FA6] =	sst s1  }
0xa: {  	[smem:$0x3FA7] =	sst s2  }
0xb: {  	[smem:$0x3FA8] =	sst s3  }
0xc: {  	[smem:$0x3FA9] =	sst s4  }
0xd: {  	[smem:$0x3FAA] =	sst s5  }
0xe: {  	[smem:$0x3FAB] =	sst s6  }
0xf: {  	[smem:$0x3FAC] =	sst s7  }
0x10: {  	[smem:$0x3FAD] =	sst s8  }
0x11: {  	[smem:$0x3FAE] =	sst s9;
	s0 =	simm.s32 @!p0 $0x0  }
0x12: {  	s1 =	sld [smem:$0x3F94];
	s0 =	simm.s32 @p0 $0x1  }
0x13: {  	[smem:$0x3FAF] =	sst s0;
	s0 =	simm.s32 @!p1 $0x0  }
0x14: {  	s2 =	sld [smem:$0x3F93];
	s0 =	simm.s32 @p1 $0x1  }
0x15: {  	[smem:$0x3FB0] =	sst s0;
	s0 =	simm.s32 @!p2 $0x0  }
0x16: {  	s3 =	sld [smem:$0x3FDB];
	s0 =	simm.s32 @p2 $0x1  }
0x17: {  	s4 =	simm.s32 $0x1BF5;
	[smem:$0x3FB2] =	sst s0  }
0x18: {  	s0 =	sld [smem:$0x3F95];
	_ =	swait.ge [sflag:s4], $0x0  }
0x19: {  	s7 =	sld [smem:$0x3F96]  }
0x1a: {  	s8 =	sadd.s32 $0xFFFFE003, lr  }
0x1b: {  	s9 =	sadd.s32 $0xFFFFFEF7, lr;
	s5 =	simm.s32 $0xFFFFFFFF;
	p2 =	slt.u32 s8, $0xFFFFF086  }
0x1c: {  	p1 =	slt.u32 s9, $0xF7A;
	s5 =	simm.s32 @!p2 $0x0  }
0x1d: {  	s5 =	simm.s32 @p1 $0x1;
	p0 =	seq.s32 s7, s2  }
0x1e: {  	s7 =	smul.u32 @!p0 $0xF7A, s2;
	p2 =	seq.s32 @!p0 s5, $0x0  }
0x1f: {  	s9 =	smul.u32 $0xF7A, s1;
	s8 =	simm.s32 @!p0 $0x1BF5;
	p2 =	por !p2, p0  }
0x20: {  	[sflag:s8] =	ssyncset.s32 @!p0 $0xFFFFF086;
	s6 =	sadd.s32 @!p0 s3, s7;
	s7 =	simm.s32 @!p0 $0x108  }
0x21: {  	s3 =	sadd.s32 s3, s9;
	s6 =	sadd.s32 @!p0 $0x88, s6;
	s7 =	simm.s32 @p2 $0x1082  }
0x22: {  	[simem:s7], [sflag:s8] =	dma.local @!p0 [hbm:s6], $0xF7A  }
0x23: {  	s9 =	sor.u32 $0xD0000000, s2;
	s6 =	simm.s32 $0x108;
	_ =	swait.ge @!p0 [sflag:s8], $0x0  }
0x24: {  	s3 =	sadd.s32 $0x88, s3;
	s6 =	simm.s32 @!p1 $0x1082;
	[sflag:s4] =	ssyncset.s32 $0xFFFFF086  }
0x25: {  	[simem:s6], [sflag:s4] =	dma.local [hbm:s3], $0xF7A  }
0x26: {  	[smem:$0x3F96] =	sst s1;
	(tag) =	ssettag s2;
	_ =	strace s9  }
0x27: {  	s1 =	sld [smem:$0x3FA6]  }
0x28: {  	s2 =	sld [smem:$0x3FA7]  }
0x29: {  	s4 =	sld [smem:$0x3FA9]  }
0x2a: {  	p0 =	seq.s32 s5, $0x0;
	s5 =	sld [smem:$0x3FAA]  }
0x2b: {  	s6 =	sld [smem:$0x3FAB]  }
0x2c: {  	s7 =	sld [smem:$0x3FAC]  }
0x2d: {  	s3 =	simm.s32 $0x108;
	s8 =	sld [smem:$0x3FAD]  }
0x2e: {  	s3 =	simm.s32 @!p0 $0x1082;
	s9 =	sld [smem:$0x3FAE]  }
0x2f: {  	lr =	sadd.s32 s0, s3;
	s0 =	sld [smem:$0x3FA5]  }
0x30: {  	s3 =	sld [smem:$0x3FA8]  }
0x31: {  	[smem:$0x3FB1] =	sst s10  }
0x32: {  	s10 =	sld [smem:$0x3FAF];
	_ =	sdelay $0x3  }
0x33: {  	p0 =	seq.s32 s10, $0x1;
	s10 =	sld [smem:$0x3FB1];
	_ =	sdelay $0x3  }
0x34: {  	[smem:$0x3FB1] =	sst s10  }
0x35: {  	s10 =	sld [smem:$0x3FB0];
	_ =	sdelay $0x3  }
0x36: {  	p1 =	seq.s32 s10, $0x1;
	s10 =	sld [smem:$0x3FB1];
	_ =	sdelay $0x3  }
0x37: {  	[smem:$0x3FB1] =	sst s10  }
0x38: {  	s10 =	sld [smem:$0x3FB2]  }
0x39: {  	_ = 	snop;
	(pc) =	sbr.ind lr, $3  }
0x3a: {  	_ = 	snop  }
0x3b: {  	_ = 	snop  }
0x3c: {  	p2 =	seq.s32 s10, $0x1;
	s10 =	sld [smem:$0x3FB1]  }
0x3d: {  	_ =	shalt  }
0x3e: {  	_ =	shalt  }
0x3f: {  	_ =	shalt  }
0x40: {  	_ =	shalt  }
0x41: {  	_ =	shalt  }
0x42: {  	_ =	shalt  }
0x43: {  	_ =	shalt  }
0x44: {  	_ =	shalt  }
0x45: {  	_ =	shalt  }
0x46: {  	_ =	shalt  }
0x47: {  	_ =	shalt  }
0x48: {  	_ =	shalt  }
0x49: {  	_ =	shalt  }
0x4a: {  	_ =	shalt  }
0x4b: {  	_ =	shalt  }
0x4c: {  	_ =	shalt  }
0x4d: {  	_ =	shalt  }
0x4e: {  	_ =	shalt  }
0x4f: {  	_ =	shalt  }
0x50: {  	_ =	shalt  }
0x51: {  	_ =	shalt  }
0x52: {  	_ =	shalt  }
0x53: {  	_ =	shalt  }
0x54: {  	_ =	shalt  }
0x55: {  	_ =	shalt  }
0x56: {  	_ =	shalt  }
0x57: {  	_ =	shalt  }
0x58: {  	_ =	shalt  }
0x59: {  	_ =	shalt  }
0x5a: {  	_ =	shalt  }
0x5b: {  	_ =	shalt  }
0x5c: {  	_ =	shalt  }
0x5d: {  	_ =	shalt  }
0x5e: {  	_ =	shalt  }
0x5f: {  	_ =	shalt  }
0x60: {  	_ =	shalt  }
0x61: {  	_ =	shalt  }
0x62: {  	_ =	shalt  }
0x63: {  	_ =	shalt  }
0x64: {  	_ =	shalt  }
0x65: {  	_ =	shalt  }
0x66: {  	_ =	shalt  }
0x67: {  	_ =	shalt  }
0x68: {  	_ =	shalt  }
0x69: {  	_ =	shalt  }
0x6a: {  	_ =	shalt  }
0x6b: {  	_ =	shalt  }
0x6c: {  	_ =	shalt  }
0x6d: {  	_ =	shalt  }
0x6e: {  	_ =	shalt  }
0x6f: {  	_ =	shalt  }
0x70: {  	_ =	shalt  }
0x71: {  	_ =	shalt  }
0x72: {  	_ =	shalt  }
0x73: {  	_ =	shalt  }
0x74: {  	_ =	shalt  }
0x75: {  	_ =	shalt  }
0x76: {  	_ =	shalt  }
0x77: {  	_ =	shalt  }
0x78: {  	_ =	shalt  }
0x79: {  	_ =	shalt  }
0x7a: {  	_ =	shalt  }
0x7b: {  	_ =	shalt  }
0x7c: {  	_ =	shalt  }
0x7d: {  	_ =	shalt  }
0x7e: {  	_ =	shalt  }
0x7f: {  	_ =	shalt  }
0x80: {  	_ =	shalt  }
0x81: {  	_ =	shalt  }
0x82: {  	_ =	shalt  }
0x83: {  	_ =	shalt  }
0x84: {  	_ =	shalt  }
0x85: {  	_ =	shalt  }
0x86: {  	_ =	shalt  }
0x87: {  	_ =	shalt  }
.Lfunc_end0:
.L_simem_size_0:
called_computation.2_lowered:
.L_overlay_start_0:
0x88: {  	s2 =	sld [smem:$0x3FD9]  }
0x89: {  	s3 =	sld [smem:$0x3FFE];
	_ =	sdelay $0x1  }
0x8a: {  	s1 =	srdreg.scid  }
0x8b: {  	s0 =	sand.u32 $0x1, s1  }
0x8c: {  	s17 =	sshll.u32 s0, $0xA;
	s2 =	sadd.s32 s3, s2  }
0x8d: {  	s2 =	sadd.s32 s2, s17  }
0x8e: {  	[smem:$0x3FBD] =	sst s2  }
0x8f: {  	_ = 	snop  }
0x90: {  	s2 =	sld [smem:$0x3FC0];
	(tm) =	ssettm $0x1  }
0x91: {  	s18 =	sld [smem:$0x3FFB];
	_ =	sdelay $0x3  }
0x92: {  	_ =	strace s18  }
0x93: {  	s3 =	sld [smem:$0x3FFC];
	_ =	sdelay $0x3  }
0x94: {  	_ =	strace s3  }
0x95: {  	s3 =	sld [smem:$0x3FFD];
	_ =	sdelay $0x3  }
0x96: {  	_ =	strace s3  }
0x97: {  	_ =	strace $0x8FFFFFFF  }
0x98: {  	s19 =	sld [smem:$0x3FDB];
	_ =	sdelay $0x1  }
0x99: {  	s4 =	simm.s32 $_scs_section_size  }
0x9a: {  	s5 =	simm.s32 $_size__tile_overlayer_lowered;
	s6 =	simm.s32 $_tile_overlayer_lowered  }
0x9b: {  	s22 =	simm.s32 $0x1BFF;
	s21 =	sshll.u32 s6, $0x1;
	s3 =	sadd.s32 s4, s19  }
0x9c: {  	s7 =	simm.s32 $0x0;
	s20 =	sshll.u32 s5, $0x1;
	s5 =	sadd.s32 s21, s3  }
0x9d: {  	[timem:s7], [sflag:s22] =	dma.local [hbm:s5], s20  }
0x9e: {  	_ =	swait.ge [sflag:s22], s20  }
0x9f: {  	s4 =	ssub.s32 $0x0, s20;
	[sflag:s22] =	ssyncset.done $0x0  }
0xa0: {  	[sflag:s22] =	ssyncadd.s32 s4;
	_ =	sdelay $0x1  }
0xa1: {  	s23 =	simm.s32 $0x1B8B  }
0xa2: {  	_ =	swait.ge [sflag:s23], $0x1  }
0xa3: {  	[sflag:s23] =	ssyncset.done $0x0  }
0xa4: {  	s25 =	simm.s32 $0x1B8E;
	s24 =	sld [smem:$0x3FFE];
	[sflag:s23] =	ssyncadd.s32 $0xFFFFFFFF  }
0xa5: {  	s26 =	simm.s32 $execute0_lowered;
	[smem:$0x3FD2] =	sst s25  }
0xa6: {  	s5 =	sshll.u32 s26, $0x1;
	_ =	strace $0x8000004C;
	[dreg:$0x1] =	wrdreg $0xFFFFFFFF  }
0xa7: {  	s28 =	simm.s32 $_size_execute0_lowered;
	s3 =	sadd.s32 s3, s5;
	[dreg:$0x0] =	wrdreg $0x0  }
0xa8: {  	s5 =	sshll.u32 s28, $0x1;
	[dreg:$0x2] =	wrdreg s3  }
0xa9: {  	[dreg:$0x3] =	wrdreg s5  }
0xaa: {  	[dreg:$0x4] =	wrdreg $0xC0  }
0xab: {  	_ =	task [dreg:s7], $0x5FFFF  }
0xac: {  	[dreg:$0x1] =	wrdreg $0xFFFFFFFF  }
0xad: {  	[dreg:$0x0] =	wrdreg $0x60  }
0xae: {  	[dreg:$0x2] =	wrdreg s24  }
0xaf: {  	[dreg:$0x3] =	wrdreg s2  }
0xb0: {  	[dreg:$0x4] =	wrdreg $0x9  }
0xb1: {  	_ =	task.clear_ibuf [dreg:s7], $0x5FFFF;
	_ =	strace $0x9000004C  }
0xb2: {  	s29 =	simm.s32 $0x9;
	_ =	strace $0x8000004E  }
0xb3: {  	_ =	swait.ge [sflag:s29], $0x1  }
0xb4: {  	[sflag:s29] =	ssyncadd.s32 $0xFFFFFFFF  }
0xb5: {  	_ =	strace $0x9000004E  }
0xb6: {  	_ =	sfence  }
0xb7: {  	s30 =	sld [smem:$0x0];
	_ =	sdelay $0x2  }
0xb8: {  	s31 =	sshll.u32 s1, $0xD;
	s1 =	sshrl.u32 s1, $0x2  }
0xb9: {  	s3 =	sand.u32 $0x4000, s31;
	s1 =	sadd.s32 s1, s30  }
0xba: {  	s0 =	sor.u32 s3, s0;
	s1 =	sshll.u32 s1, $0x11  }
0xbb: {  	s0 =	sor.u32 s1, s0  }
0xbc: {  	s0 =	sadd.s32 $0x8F2B, s0  }
0xbd: {  	[sflag:s0] =	ssyncadd.remote.s32 $0x1  }
0xbe: {  	_ =	sfence.sel $0xFFFF  }
0xbf: {  	[dreg:$0x0] =	wrdreg $0xFFFFFFFF;
	(pc) =	sbr.abs _section_cstart, $3  }
0xc0: {  	[dreg:$0x1] =	wrdreg $0xFFFFFFFF  }
0xc1: {  	_ =	task.clear_ibuf [dreg:s7], $0x2FFFF;
	_ =	strace $0x9FFFFFFF  }
0xc2: {  	(tm) =	ssettm $0x7FFFFFFF  }
0xc3: {  	_ =	shalt  }
tec
execute0_lowered:
.L_overlay_start_1:
0x0: {  	(tag) =	ssettag $0x1  }
0x1: {  	s1 =	rddreg [dreg:$0x0]  }
0x2: {  	s3 =	srdreg.scid;
	s0 =	stileid.u32  }
0x3: {  	s2 =	rddreg [dreg:$0x1];
	s12 =	simm.s32 $0x3;
	s13 =	simm.s32 $0x2710  }
0x4: {  	s14 =	simm.s32 $0xEE20;
	s15 =	simm.s32 $0x50;
	s16 =	simm.s32 $0x4E20  }
0x5: {  	s17 =	simm.s32 $0x9E20;
	s18 =	simm.s32 $0x1;
	s19 =	simm.s32 $0x7620  }
0x6: {  	s20 =	simm.s32 $0xC620;
	s21 =	simm.s32 $0xEEA0;
	s22 =	simm.s32 $0xF3A0  }
0x7: {  	s23 =	simm.s32 $0x2;
	s6 =	sand.u32 $0x1, s3;
	s4 =	sshll.u32 s0, $0x1  }
0x8: {  	s24 =	simm.s32 $0x0;
	s3 =	simm.s32 $0x0;
	s7 =	sor.u32 s6, s4  }
0x9: {  	s5 =	sadd.s32 $0x2E00, s1;
	[smem:$0x7FF] =	sst s3;
	s4 =	smul.u32 $0x2710, s7  }
0xa: {  	s9 =	ssub.s32 $0x2, s6;
	s6 =	sadd.s32 $0x2AE00, s1;
	s10 =	smul.u32 $0x27100, s7  }
0xb: {  	_ =	strace $0x8000004D;
	s30 =	sshrl.u32 s9, $0x1;
	s8 =	sshrl.u32 s4, $0x3  }
0xc: {  	s7 =	sadd.s32 $0xFB400, s1;
	s10 =	sshrl.u32 s10, $0x3;
	s11 =	sadd.s32 s8, s1  }
0xd: {  	s31 =	ssub.s32 s9, s30;
	s10 =	sadd.s32 s7, s10;
	s8 =	sadd.s32 $0xE7A00, s11  }
0xe: {  	s9 =	sadd.s32 $0xF1640, s11;
	s10 =	sadd.s32 $0x4D80, s10;
	s11 =	smax.u32 s31, $0x1  }
.LBB2_1:
0xf: {  	[tilespmem:s3], [sflag:$0x3] =	stream.linear.gather [hbm4b:s8+s3], $0x2710, $0x38;
	[tilespmem:$0xF8A0] =	vst v63  }
0x10: {  	_ =	swait.ge [sflag:s12], $0x2710  }
0x11: {  	[sflag:s12] =	ssyncset.done $0x0  }
0x12: {  	[sflag:s12] =	ssyncadd.s32 $0xFFFFD8F0  }
0x13: {  	[tilespmem:s13], [sflag:$0x3] =	stream.linear.gather [hbm4b:s9+s3], $0x2710, $0x38;
	[tilespmem:$0xF8A0] =	vst v63  }
0x14: {  	_ =	swait.ge [sflag:s12], $0x2710  }
0x15: {  	[sflag:s12] =	ssyncset.done $0x0  }
0x16: {  	[sflag:s12] =	ssyncadd.s32 $0xFFFFD8F0  }
0x17: {  	[tilespmem:s14], [sflag:$0x3] =	stream.linear.gather [hbm4b:s2+s3], $0x80, $0x38;
	[tilespmem:$0xF8A0] =	vst v63  }
0x18: {  	_ =	swait.ge [sflag:s12], $0x80  }
0x19: {  	[sflag:s12] =	ssyncset.done $0x0  }
0x1a: {  	[sflag:s12] =	ssyncadd.s32 $0xFFFFFF80  }
0x1b: {  	v2 =	vld [tilespmem:$0xEE20]  }
0x1c: {  	v3 =	vld [tilespmem:$0xEE30]  }
0x1d: {  	v4 =	vld [tilespmem:$0xEE40]  }
0x1e: {  	v5 =	vld [tilespmem:$0xEE50]  }
0x1f: {  	v6 =	vld [tilespmem:$0xEE60]  }
0x20: {  	v7 =	vld [tilespmem:$0xEE70]  }
0x21: {  	v1 =	vld [tilespmem:$0xEE80]  }
0x22: {  	v0 =	vld [tilespmem:$0xEE90];
	[tilespmem:s16], [sflag:$0x1] =	stream.indirect.gather [hbm4b:s5+s15], $0x80, s3, s15, $0xb8  }
0x23: {  	s25 =	simm.s32 $0x0  }
0x24: {  	[tilespmem:s17], [sflag:$0x1] =	stream.indirect.gather [hbm4b:s6+s15], $0x80, s13, s15, $0xb8;
	[tilespmem:$0xF8A0] =	vst v63  }
.LBB2_2:
0x25: {  	_ =	swait.ge [sflag:s18], $0x2800  }
0x26: {  	[sflag:s18] =	ssyncset.done $0x0  }
0x27: {  	[sflag:s18] =	ssyncadd.s32 $0xFFFFD800  }
0x28: {  	s28 =	smul.u32 $0xA0, s25;
	_ =	swait.ge [sflag:s18], $0x2800  }
0x29: {  	[sflag:s18] =	ssyncset.done $0x0  }
0x2a: {  	s26 =	sadd.s32 $0x50, s28;
	[sflag:s18] =	ssyncadd.s32 $0xFFFFD800  }
0x2b: {  	[tilespmem:s19], [sflag:$0x1] =	stream.indirect.gather [hbm4b:s5+s15], $0x80, s26, s15, $0xb8;
	[tilespmem:$0xF8A0] =	vst v63  }
0x2c: {  	p0 =	seq.s32 s25, $0x0;
	s1 =	sadd.s32 $0x2760, s28  }
0x2d: {  	[tilespmem:s20], [sflag:$0x1] =	stream.indirect.gather [hbm4b:s6+s15], $0x80, s1, s15, $0xb8;
	[tilespmem:$0xF8A0] =	vst v63  }
0x2e: {  	s1 =	simm.s32 @!p0 $0x2  }
0x2f: {  	_ =	swait.ge @!p0 [sflag:s1], $0x500  }
0x30: {  	[sflag:s1] =	ssyncset.done @!p0 $0x0  }
0x31: {  	[sflag:s1] =	ssyncadd.s32 @!p0 $0xFFFFFB00;
	s1 =	simm.s32 $0x4F20  }
0x32: {  	s29 =	simm.s32 $0x9F20;
	v8 =	vld [tilespmem:s1+$0x80]  }
0x33: {  	v9 =	vld [tilespmem:s29+$0x80]  }
0x34: {  	v10 =	vld [tilespmem:s1+$0x90]  }
0x35: {  	v11 =	vld [tilespmem:s29+$0x90]  }
0x36: {  	v12 =	vld [tilespmem:s1+$0xA0]  }
0x37: {  	v13 =	vld [tilespmem:s29+$0xA0]  }
0x38: {  	v14 =	vld [tilespmem:s1+$0xB0]  }
0x39: {  	v15 =	vld [tilespmem:s29+$0xB0]  }
0x3a: {  	v16 =	vld [tilespmem:s1+$0xC0]  }
0x3b: {  	v17 =	vld [tilespmem:s29+$0xC0]  }
0x3c: {  	v18 =	vld [tilespmem:s1+$0xD0]  }
0x3d: {  	v19 =	vld [tilespmem:s29+$0xD0]  }
0x3e: {  	v20 =	vld [tilespmem:s1+$0xE0]  }
0x3f: {  	v21 =	vld [tilespmem:s29+$0xE0]  }
0x40: {  	v22 =	vld [tilespmem:s1+$0xF0]  }
0x41: {  	v23 =	vld [tilespmem:s29+$0xF0]  }
0x42: {  	v24 =	vld [tilespmem:s29+$0xFFFFFF00]  }
0x43: {  	v25 =	vld [tilespmem:s1+$0xFFFFFF80]  }
0x44: {  	v26 =	vld [tilespmem:s29+$0xFFFFFF80]  }
0x45: {  	v27 =	vld [tilespmem:s1+$0x0]  }
0x46: {  	v28 =	vld [tilespmem:s1+$0xFFFFFF00]  }
0x47: {  	v29 =	vld [tilespmem:s29+$0xFFFFFF10]  }
0x48: {  	v30 =	vld [tilespmem:s29+$0xFFFFFF90]  }
0x49: {  	v47 =	vld [tilespmem:s1+$0x20]  }
0x4a: {  	v48 =	vld [tilespmem:s1+$0xFFFFFF30];
	v8 =	vadd.f32 v9, v8  }
0x4b: {  	v50 =	vld [tilespmem:s1+$0xFFFFFFB0]  }
0x4c: {  	v52 =	vld [tilespmem:s1+$0x30];
	v10 =	vadd.f32 v11, v10;
	v8 =	vmax.f32 v8, $0.0e+00  }
0x4d: {  	v53 =	vld [tilespmem:s29+$0x30];
	v12 =	vadd.f32 v13, v12;
	v8 =	vmul.f32 v8, v2  }
0x4e: {  	v51 =	vld [tilespmem:s29+$0xFFFFFFB0];
	v14 =	vadd.f32 v15, v14;
	v16 =	vadd.f32 v17, v16;
	v10 =	vmax.f32 v10, $0.0e+00  }
0x4f: {  	v54 =	vld [tilespmem:s29+$0xFFFFFFC0];
	v18 =	vadd.f32 v19, v18;
	v10 =	vmul.f32 v10, v3;
	v8 =	vadd.f32 $0.0e+00, v8  }
0x50: {  	v9 =	vld [tilespmem:s29+$0x0];
	v20 =	vadd.f32 v21, v20;
	v25 =	vadd.f32 v26, v25;
	v12 =	vmax.f32 v12, $0.0e+00  }
0x51: {  	v11 =	vld [tilespmem:s1+$0xFFFFFF10];
	v22 =	vadd.f32 v23, v22;
	v8 =	vadd.f32 v10, v8;
	v10 =	vmul.f32 v12, v4  }
0x52: {  	v13 =	vld [tilespmem:s1+$0xFFFFFF90];
	v24 =	vadd.f32 v24, v28;
	v56 =	vadd.f32 v53, v52;
	v14 =	vmax.f32 v14, $0.0e+00  }
0x53: {  	v15 =	vld [tilespmem:s1+$0x10];
	v16 =	vmax.f32 v16, $0.0e+00;
	v8 =	vadd.f32 v10, v8;
	v10 =	vmul.f32 v14, v5  }
0x54: {  	v17 =	vld [tilespmem:s1+$0xFFFFFF20];
	v18 =	vmax.f32 v18, $0.0e+00;
	v20 =	vmax.f32 v20, $0.0e+00;
	v49 =	vmax.f32 v25, $0.0e+00  }
0x55: {  	v24 =	vmax.f32 v24, $0.0e+00;
	v12 =	vld [tilespmem:s29+$0x10];
	v8 =	vadd.f32 v10, v8;
	v10 =	vmul.f32 v16, v6  }
0x56: {  	v19 =	vld [tilespmem:s1+$0xFFFFFFA0];
	v24 =	vmul.f32 v24, v2;
	v9 =	vadd.f32 v9, v27;
	v11 =	vadd.f32 v29, v11  }
0x57: {  	v13 =	vadd.f32 v30, v13;
	v14 =	vld [tilespmem:s29+$0xFFFFFF20];
	v8 =	vadd.f32 v10, v8;
	v10 =	vmul.f32 v18, v7  }
0x58: {  	v24 =	vadd.f32 $0.0e+00, v24;
	v9 =	vmax.f32 v9, $0.0e+00;
	v11 =	vmax.f32 v11, $0.0e+00;
	v16 =	vld [tilespmem:s29+$0xFFFFFFA0]  }
0x59: {  	v13 =	vmax.f32 v13, $0.0e+00;
	v18 =	vld [tilespmem:s29+$0x20];
	v8 =	vadd.f32 v10, v8;
	v10 =	vmul.f32 v20, v1  }
0x5a: {  	v55 =	vld [tilespmem:s1+$0x40];
	v9 =	vmul.f32 v9, v2;
	v11 =	vmul.f32 v11, v3;
	v12 =	vadd.f32 v12, v15  }
0x5b: {  	v13 =	vmul.f32 v13, v3;
	v20 =	vld [tilespmem:s29+$0xFFFFFF30];
	v10 =	vadd.f32 v10, v8;
	v8 =	vmul.f32 v49, v2  }
0x5c: {  	v9 =	vadd.f32 $0.0e+00, v9;
	v15 =	vld [tilespmem:s1+$0xFFFFFF40];
	v14 =	vadd.f32 v14, v17;
	v12 =	vmax.f32 v12, $0.0e+00  }
0x5d: {  	v12 =	vmul.f32 v12, v3;
	v16 =	vadd.f32 v16, v19;
	v19 =	vld [tilespmem:s1+$0xFFFFFFC0];
	v8 =	vadd.f32 $0.0e+00, v8  }
0x5e: {  	v11 =	vadd.f32 v11, v24;
	v17 =	vld [tilespmem:s29+$0xFFFFFF40];
	v14 =	vmax.f32 v14, $0.0e+00;
	v18 =	vadd.f32 v18, v47  }
0x5f: {  	v57 =	vld [tilespmem:s1+$0xFFFFFFD0];
	v9 =	vadd.f32 v12, v9;
	v8 =	vadd.f32 v13, v8;
	v13 =	vmul.f32 v14, v4  }
0x60: {  	v58 =	vld [tilespmem:s1+$0x50];
	v16 =	vmax.f32 v16, $0.0e+00;
	v12 =	vadd.f32 v20, v48;
	v18 =	vmax.f32 v18, $0.0e+00  }
0x61: {  	v59 =	vld [tilespmem:s29+$0x50];
	v14 =	vmul.f32 v16, v4;
	v11 =	vadd.f32 v13, v11;
	v13 =	vmul.f32 v18, v4  }
0x62: {  	v16 =	vld [tilespmem:s29+$0x40];
	v19 =	vadd.f32 v54, v19;
	v12 =	vmax.f32 v12, $0.0e+00;
	v18 =	vadd.f32 v51, v50  }
0x63: {  	v20 =	vld [tilespmem:s1+$0xFFFFFF50];
	v12 =	vmul.f32 v12, v5;
	v9 =	vadd.f32 v13, v9;
	v13 =	vadd.f32 v17, v15  }
0x64: {  	v8 =	vadd.f32 v14, v8;
	v14 =	vld [tilespmem:s29+$0xFFFFFF50];
	v17 =	vmax.f32 v18, $0.0e+00;
	v18 =	vmax.f32 v56, $0.0e+00  }
0x65: {  	v15 =	vld [tilespmem:s29+$0xFFFFFFD0];
	v11 =	vadd.f32 v12, v11;
	v17 =	vmul.f32 v17, v5;
	v13 =	vmax.f32 v13, $0.0e+00  }
0x66: {  	v18 =	vmul.f32 v18, v5;
	v12 =	vmul.f32 v13, v6;
	v13 =	vmax.f32 v19, $0.0e+00;
	v19 =	vld [tilespmem:s1+$0xFFFFFF60]  }
0x67: {  	v16 =	vadd.f32 v16, v55;
	v8 =	vadd.f32 v17, v8;
	v17 =	vld [tilespmem:s29+$0xFFFFFF60]  }
0x68: {  	v60 =	vld [tilespmem:s29+$0xFFFFFFE0];
	v9 =	vadd.f32 v18, v9;
	v18 =	vmax.f32 v22, $0.0e+00;
	v13 =	vmul.f32 v13, v6  }
0x69: {  	v14 =	vadd.f32 v14, v20;
	v18 =	vmul.f32 v18, v0;
	v12 =	vadd.f32 v12, v11;
	v11 =	vld [tilespmem:s1+$0xFFFFFFE0]  }
0x6a: {  	v61 =	vld [tilespmem:s29+$0x60];
	v20 =	vadd.f32 v13, v8;
	v8 =	vmax.f32 v16, $0.0e+00;
	v13 =	vadd.f32 v15, v57  }
0x6b: {  	v16 =	vld [tilespmem:s1+$0x60];
	v15 =	vmul.f32 v8, v6;
	v8 =	vmax.f32 v14, $0.0e+00;
	v14 =	vadd.f32 v59, v58  }
0x6c: {  	v62 =	vmul.f32 v8, v7;
	v13 =	vmax.f32 v13, $0.0e+00;
	v17 =	vadd.f32 v17, v19;
	v8 =	vld [tilespmem:s1+$0xFFFFFF70]  }
0x6d: {  	v18 =	vadd.f32 v18, v10;
	v9 =	vadd.f32 v15, v9;
	v19 =	vmul.f32 v13, v7;
	v13 =	vld [tilespmem:s29+$0xFFFFFF70]  }
0x6e: {  	v14 =	vmax.f32 v14, $0.0e+00;
	v15 =	vmax.f32 v17, $0.0e+00;
	v17 =	vadd.f32 v60, v11;
	v11 =	vld [tilespmem:s1+$0xFFFFFFF0]  }
0x6f: {  	s30 =	simm.s32 $0xEEC0;
	v14 =	vmul.f32 v14, v7;
	v12 =	vadd.f32 v62, v12;
	v63 =	vmul.f32 v15, v1;
	v15 =	vld [tilespmem:s29+$0xFFFFFFF0]  }
0x70: {  	[tilespmem:s30+$0x10] =	vst v18;
	v10 =	vadd.f32 v19, v20;
	v18 =	vadd.f32 v61, v16;
	v16 =	vld [tilespmem:s29+$0x70];
	v17 =	vmax.f32 v17, $0.0e+00  }
0x71: {  	s31 =	simm.s32 $0x0;
	v9 =	vadd.f32 v14, v9;
	v14 =	vld [tilespmem:s1+$0x70];
	s1 =	simm.s32 $0x5120;
	v12 =	vadd.f32 v63, v12;
	v17 =	vmul.f32 v17, v1  }
.LBB2_3:
0x72: {  	v19 =	vld [tilespmem:s1+$0x80];
	v8 =	vadd.f32 v13, v8;
	v13 =	vmax.f32 v18, $0.0e+00;
	s29 =	sadd.s32 $0x200, s29  }
0x73: {  	s31 =	sadd.s32 $0x4, s31;
	v18 =	vld [tilespmem:s29+$0x80];
	v10 =	vadd.f32 v17, v10;
	v13 =	vmul.f32 v13, v1  }
0x74: {  	p1 =	slt.u32 s31, $0x4C;
	v17 =	vld [tilespmem:s1+$0x90];
	v8 =	vmax.f32 v8, $0.0e+00;
	v11 =	vadd.f32 v15, v11  }
0x75: {  	v15 =	vld [tilespmem:s29+$0x90];
	v8 =	vmul.f32 v8, v0;
	v9 =	vadd.f32 v13, v9  }
0x76: {  	v13 =	vld [tilespmem:s1+$0xA0];
	v11 =	vmax.f32 v11, $0.0e+00;
	v14 =	vadd.f32 v16, v14  }
0x77: {  	v16 =	vld [tilespmem:s29+$0xA0];
	v8 =	vadd.f32 v8, v12;
	v11 =	vmul.f32 v11, v0  }
0x78: {  	v12 =	vadd.f32 v18, v19;
	v18 =	vld [tilespmem:s1+$0xB0];
	v14 =	vmax.f32 v14, $0.0e+00  }
0x79: {  	v19 =	vld [tilespmem:s29+$0xB0];
	[tilespmem:s30+$0xFFFFFFE0] =	vst v8;
	v8 =	vadd.f32 v11, v10;
	v10 =	vmul.f32 v14, v0  }
0x7a: {  	v11 =	vmax.f32 v12, $0.0e+00;
	v12 =	vadd.f32 v15, v17;
	v14 =	vld [tilespmem:s1+$0xC0]  }
0x7b: {  	v11 =	vmul.f32 v11, v2;
	v15 =	vld [tilespmem:s29+$0xC0];
	[tilespmem:s30+$0xFFFFFFF0] =	vst v8;
	v8 =	vadd.f32 v10, v9  }
0x7c: {  	v9 =	vmax.f32 v12, $0.0e+00;
	v10 =	vadd.f32 v16, v13;
	v12 =	vld [tilespmem:s1+$0xD0]  }
0x7d: {  	v11 =	vadd.f32 $0.0e+00, v11;
	v9 =	vmul.f32 v9, v3;
	v13 =	vld [tilespmem:s29+$0xD0];
	[tilespmem:s30+$0x0] =	vst v8  }
0x7e: {  	v8 =	vmax.f32 v10, $0.0e+00;
	v10 =	vadd.f32 v19, v18;
	v16 =	vld [tilespmem:s1+$0xE0]  }
0x7f: {  	v9 =	vadd.f32 v9, v11;
	v8 =	vmul.f32 v8, v4;
	v11 =	vld [tilespmem:s29+$0xE0]  }
0x80: {  	v10 =	vmax.f32 v10, $0.0e+00;
	v14 =	vadd.f32 v15, v14;
	v15 =	vld [tilespmem:s1+$0xF0]  }
0x81: {  	v8 =	vadd.f32 v8, v9;
	v9 =	vmul.f32 v10, v5;
	v10 =	vld [tilespmem:s29+$0xF0]  }
0x82: {  	v17 =	vld [tilespmem:s29+$0xFFFFFF00];
	v14 =	vmax.f32 v14, $0.0e+00;
	v12 =	vadd.f32 v13, v12  }
0x83: {  	v13 =	vld [tilespmem:s1+$0xFFFFFF80];
	v8 =	vadd.f32 v9, v8;
	v9 =	vmul.f32 v14, v6  }
0x84: {  	v14 =	vld [tilespmem:s29+$0xFFFFFF80];
	v12 =	vmax.f32 v12, $0.0e+00;
	v11 =	vadd.f32 v11, v16  }
0x85: {  	v16 =	vld [tilespmem:s1+$0x0];
	v8 =	vadd.f32 v9, v8;
	v9 =	vmul.f32 v12, v7  }
0x86: {  	v12 =	vld [tilespmem:s29+$0x0];
	v11 =	vmax.f32 v11, $0.0e+00;
	v10 =	vadd.f32 v10, v15  }
0x87: {  	v15 =	vld [tilespmem:s1+$0xFFFFFF00];
	v8 =	vadd.f32 v9, v8;
	v9 =	vmul.f32 v11, v1  }
0x88: {  	v11 =	vld [tilespmem:s1+$0xFFFFFF10];
	v10 =	vmax.f32 v10, $0.0e+00  }
0x89: {  	v18 =	vld [tilespmem:s29+$0xFFFFFF10];
	v13 =	vadd.f32 v14, v13;
	v8 =	vadd.f32 v9, v8;
	v9 =	vmul.f32 v10, v0  }
0x8a: {  	v10 =	vld [tilespmem:s1+$0xFFFFFF90]  }
0x8b: {  	v13 =	vmax.f32 v13, $0.0e+00;
	v14 =	vld [tilespmem:s29+$0xFFFFFF90];
	v12 =	vadd.f32 v12, v16;
	v8 =	vadd.f32 v9, v8  }
0x8c: {  	s30 =	sadd.s32 $0x40, s30;
	v9 =	vadd.f32 v17, v15;
	v13 =	vmul.f32 v13, v2;
	v15 =	vld [tilespmem:s1+$0x10]  }
0x8d: {  	v12 =	vmax.f32 v12, $0.0e+00;
	v16 =	vld [tilespmem:s29+$0x10];
	[tilespmem:s30+$0x10] =	vst v8  }
0x8e: {  	v8 =	vmax.f32 v9, $0.0e+00;
	v9 =	vadd.f32 v18, v11;
	v11 =	vld [tilespmem:s1+$0xFFFFFF20];
	v12 =	vmul.f32 v12, v2  }
0x8f: {  	v13 =	vadd.f32 $0.0e+00, v13;
	v8 =	vmul.f32 v8, v2;
	v17 =	vld [tilespmem:s29+$0xFFFFFF20]  }
0x90: {  	v9 =	vmax.f32 v9, $0.0e+00;
	v10 =	vadd.f32 v14, v10;
	v14 =	vld [tilespmem:s1+$0xFFFFFFA0];
	v12 =	vadd.f32 $0.0e+00, v12  }
0x91: {  	v8 =	vadd.f32 $0.0e+00, v8;
	v9 =	vmul.f32 v9, v3;
	v18 =	vld [tilespmem:s29+$0xFFFFFFA0]  }
0x92: {  	v10 =	vmax.f32 v10, $0.0e+00;
	v15 =	vadd.f32 v16, v15;
	v16 =	vld [tilespmem:s1+$0x20]  }
0x93: {  	v8 =	vadd.f32 v9, v8;
	v9 =	vmul.f32 v10, v3;
	v10 =	vld [tilespmem:s29+$0x20]  }
0x94: {  	v11 =	vadd.f32 v17, v11;
	v17 =	vld [tilespmem:s1+$0xFFFFFF30];
	v15 =	vmax.f32 v15, $0.0e+00  }
0x95: {  	v19 =	vld [tilespmem:s29+$0xFFFFFF30];
	v9 =	vadd.f32 v9, v13;
	v13 =	vmul.f32 v15, v3  }
0x96: {  	v11 =	vmax.f32 v11, $0.0e+00;
	v14 =	vadd.f32 v18, v14;
	v15 =	vld [tilespmem:s1+$0xFFFFFFB0]  }
0x97: {  	v11 =	vmul.f32 v11, v4;
	v18 =	vld [tilespmem:s29+$0xFFFFFFB0];
	v12 =	vadd.f32 v13, v12  }
0x98: {  	v13 =	vmax.f32 v14, $0.0e+00;
	v10 =	vadd.f32 v10, v16;
	v14 =	vld [tilespmem:s1+$0x30]  }
0x99: {  	v8 =	vadd.f32 v11, v8;
	v11 =	vmul.f32 v13, v4;
	v13 =	vld [tilespmem:s29+$0x30]  }
0x9a: {  	v16 =	vadd.f32 v19, v17;
	v17 =	vld [tilespmem:s1+$0xFFFFFF40];
	v10 =	vmax.f32 v10, $0.0e+00  }
0x9b: {  	v19 =	vld [tilespmem:s29+$0xFFFFFF40];
	v9 =	vadd.f32 v11, v9;
	v10 =	vmul.f32 v10, v4  }
0x9c: {  	v11 =	vmax.f32 v16, $0.0e+00;
	v15 =	vadd.f32 v18, v15;
	v16 =	vld [tilespmem:s1+$0xFFFFFFC0]  }
0x9d: {  	v11 =	vmul.f32 v11, v5;
	v18 =	vld [tilespmem:s29+$0xFFFFFFC0];
	v10 =	vadd.f32 v10, v12  }
0x9e: {  	v12 =	vmax.f32 v15, $0.0e+00;
	v13 =	vadd.f32 v13, v14;
	v14 =	vld [tilespmem:s1+$0x40]  }
0x9f: {  	v8 =	vadd.f32 v11, v8;
	v11 =	vmul.f32 v12, v5;
	v12 =	vld [tilespmem:s29+$0x40]  }
0xa0: {  	v15 =	vadd.f32 v19, v17;
	v17 =	vld [tilespmem:s1+$0xFFFFFF50];
	v13 =	vmax.f32 v13, $0.0e+00  }
0xa1: {  	v19 =	vld [tilespmem:s29+$0xFFFFFF50];
	v9 =	vadd.f32 v11, v9;
	v11 =	vmul.f32 v13, v5  }
0xa2: {  	v13 =	vmax.f32 v15, $0.0e+00;
	v15 =	vadd.f32 v18, v16;
	v16 =	vld [tilespmem:s1+$0xFFFFFFD0]  }
0xa3: {  	v13 =	vmul.f32 v13, v6;
	v18 =	vld [tilespmem:s29+$0xFFFFFFD0];
	v10 =	vadd.f32 v11, v10  }
0xa4: {  	v11 =	vmax.f32 v15, $0.0e+00;
	v12 =	vadd.f32 v12, v14;
	v14 =	vld [tilespmem:s1+$0x50]  }
0xa5: {  	v8 =	vadd.f32 v13, v8;
	v11 =	vmul.f32 v11, v6;
	v13 =	vld [tilespmem:s29+$0x50]  }
0xa6: {  	v15 =	vadd.f32 v19, v17;
	v17 =	vld [tilespmem:s1+$0xFFFFFF60];
	v12 =	vmax.f32 v12, $0.0e+00  }
0xa7: {  	v19 =	vld [tilespmem:s29+$0xFFFFFF60];
	v9 =	vadd.f32 v11, v9;
	v11 =	vmul.f32 v12, v6  }
0xa8: {  	v12 =	vmax.f32 v15, $0.0e+00;
	v15 =	vadd.f32 v18, v16;
	v16 =	vld [tilespmem:s1+$0xFFFFFFE0]  }
0xa9: {  	v12 =	vmul.f32 v12, v7;
	v18 =	vld [tilespmem:s29+$0xFFFFFFE0];
	v20 =	vadd.f32 v11, v10  }
0xaa: {  	v10 =	vmax.f32 v15, $0.0e+00;
	v11 =	vadd.f32 v13, v14;
	v14 =	vld [tilespmem:s1+$0x60]  }
0xab: {  	v12 =	vadd.f32 v12, v8;
	v10 =	vmul.f32 v10, v7;
	v21 =	vld [tilespmem:s29+$0x60]  }
0xac: {  	v15 =	vadd.f32 v19, v17;
	v8 =	vld [tilespmem:s1+$0xFFFFFF70];
	v11 =	vmax.f32 v11, $0.0e+00  }
.Ltmp0:
0xad: {  	v13 =	vld [tilespmem:s29+$0xFFFFFF70];
	v10 =	vadd.f32 v10, v9;
	v9 =	vmul.f32 v11, v7;
	(pc) =	sbr.rel @p1 .LBB2_3-.Ltmp0, $4  }
0xae: {  	v15 =	vmax.f32 v15, $0.0e+00;
	v16 =	vadd.f32 v18, v16;
	v11 =	vld [tilespmem:s1+$0xFFFFFFF0]  }
0xaf: {  	v17 =	vmul.f32 v15, v1;
	v15 =	vld [tilespmem:s29+$0xFFFFFFF0];
	v9 =	vadd.f32 v9, v20  }
0xb0: {  	v16 =	vmax.f32 v16, $0.0e+00;
	v18 =	vadd.f32 v21, v14;
	v14 =	vld [tilespmem:s1+$0x70]  }
0xb1: {  	s1 =	sadd.s32 $0x200, s1;
	v12 =	vadd.f32 v17, v12;
	v17 =	vmul.f32 v16, v1;
	v16 =	vld [tilespmem:s29+$0x70]  }
0xb2: {  	_ =	sdelay $0x1  }
0xb3: {  	v8 =	vadd.f32 v13, v8  }
0xb4: {  	v11 =	vadd.f32 v15, v11  }
0xb5: {  	v13 =	vmax.f32 v18, $0.0e+00;
	v8 =	vmax.f32 v8, $0.0e+00;
	v14 =	vadd.f32 v16, v14  }
0xb6: {  	v13 =	vmul.f32 v13, v1;
	v8 =	vmul.f32 v8, v0;
	v11 =	vmax.f32 v11, $0.0e+00  }
0xb7: {  	v10 =	vadd.f32 v17, v10;
	v11 =	vmul.f32 v11, v0;
	v14 =	vmax.f32 v14, $0.0e+00  }
0xb8: {  	v9 =	vadd.f32 v13, v9;
	v8 =	vadd.f32 v8, v12;
	v12 =	vmul.f32 v14, v0  }
0xb9: {  	v10 =	vadd.f32 v11, v10  }
0xba: {  	s1 =	sadd.s32 s4, s28;
	[tilespmem:s30+$0xFFFFFFE0] =	vst v8;
	v8 =	vadd.f32 v12, v9  }
0xbb: {  	s1 =	sshll.u32 s1, $0x1;
	[tilespmem:s30+$0xFFFFFFF0] =	vst v10  }
0xbc: {  	s1 =	sadd.s32 s7, s1;
	[tilespmem:s30+$0x0] =	vst v8  }
0xbd: {  	[hbm4b:s1+s3] =	stream.linear.scatter [tilespmem:s21], [sflag:$0x2], $0x500, $0x38;
	[tilespmem:$0xF8A0] =	vst v63  }
0xbe: {  	_ =	swait.ge [sflag:s18], $0x2800  }
0xbf: {  	[sflag:s18] =	ssyncset.done $0x0  }
0xc0: {  	[sflag:s18] =	ssyncadd.s32 $0xFFFFD800  }
0xc1: {  	_ =	swait.ge [sflag:s18], $0x2800  }
0xc2: {  	[sflag:s18] =	ssyncset.done $0x0  }
0xc3: {  	s31 =	sadd.s32 $0xA0, s28;
	[sflag:s18] =	ssyncadd.s32 $0xFFFFD800  }
0xc4: {  	[tilespmem:s16], [sflag:$0x1] =	stream.indirect.gather [hbm4b:s5+s15], $0x80, s31, s15, $0xb8;
	[tilespmem:$0xF8A0] =	vst v63  }
0xc5: {  	s1 =	simm.s32 @!p0 $0x2;
	s31 =	sadd.s32 $0x27B0, s28  }
0xc6: {  	[tilespmem:s17], [sflag:$0x1] =	stream.indirect.gather [hbm4b:s6+s15], $0x80, s31, s15, $0xb8;
	[tilespmem:$0xF8A0] =	vst v63  }
0xc7: {  	_ =	swait.ge @!p0 [sflag:s1], $0x500  }
0xc8: {  	[sflag:s1] =	ssyncset.done @!p0 $0x0  }
0xc9: {  	s31 =	simm.s32 $0x7720;
	[sflag:s1] =	ssyncadd.s32 @!p0 $0xFFFFFB00  }
0xca: {  	s28 =	simm.s32 $0xC720;
	v8 =	vld [tilespmem:s31+$0x80]  }
0xcb: {  	v9 =	vld [tilespmem:s28+$0x80]  }
0xcc: {  	v10 =	vld [tilespmem:s31+$0x90]  }
0xcd: {  	v11 =	vld [tilespmem:s28+$0x90]  }
0xce: {  	v12 =	vld [tilespmem:s31+$0xA0]  }
0xcf: {  	v13 =	vld [tilespmem:s28+$0xA0]  }
0xd0: {  	v14 =	vld [tilespmem:s31+$0xB0]  }
0xd1: {  	v15 =	vld [tilespmem:s28+$0xB0]  }
0xd2: {  	v16 =	vld [tilespmem:s31+$0xC0]  }
0xd3: {  	v17 =	vld [tilespmem:s28+$0xC0]  }
0xd4: {  	v18 =	vld [tilespmem:s31+$0xD0]  }
0xd5: {  	v19 =	vld [tilespmem:s28+$0xD0]  }
0xd6: {  	v20 =	vld [tilespmem:s31+$0xE0]  }
0xd7: {  	v21 =	vld [tilespmem:s28+$0xE0]  }
0xd8: {  	v22 =	vld [tilespmem:s31+$0xF0]  }
0xd9: {  	v23 =	vld [tilespmem:s28+$0xF0]  }
0xda: {  	v24 =	vld [tilespmem:s28+$0xFFFFFF00]  }
0xdb: {  	v25 =	vld [tilespmem:s31+$0xFFFFFF80]  }
0xdc: {  	v26 =	vld [tilespmem:s28+$0xFFFFFF80]  }
0xdd: {  	v27 =	vld [tilespmem:s31+$0x0]  }
0xde: {  	v28 =	vld [tilespmem:s31+$0xFFFFFF00]  }
0xdf: {  	v29 =	vld [tilespmem:s28+$0xFFFFFF10]  }
0xe0: {  	v30 =	vld [tilespmem:s28+$0xFFFFFF90]  }
0xe1: {  	v47 =	vld [tilespmem:s31+$0x20]  }
0xe2: {  	v48 =	vld [tilespmem:s31+$0xFFFFFF30];
	v8 =	vadd.f32 v9, v8  }
0xe3: {  	v50 =	vld [tilespmem:s31+$0xFFFFFFB0]  }
0xe4: {  	v52 =	vld [tilespmem:s31+$0x30];
	v10 =	vadd.f32 v11, v10;
	v8 =	vmax.f32 v8, $0.0e+00  }
0xe5: {  	v53 =	vld [tilespmem:s28+$0x30];
	v12 =	vadd.f32 v13, v12;
	v8 =	vmul.f32 v8, v2  }
0xe6: {  	v51 =	vld [tilespmem:s28+$0xFFFFFFB0];
	v14 =	vadd.f32 v15, v14;
	v16 =	vadd.f32 v17, v16;
	v10 =	vmax.f32 v10, $0.0e+00  }
0xe7: {  	v54 =	vld [tilespmem:s28+$0xFFFFFFC0];
	v18 =	vadd.f32 v19, v18;
	v10 =	vmul.f32 v10, v3;
	v8 =	vadd.f32 $0.0e+00, v8  }
0xe8: {  	v9 =	vld [tilespmem:s28+$0x0];
	v20 =	vadd.f32 v21, v20;
	v25 =	vadd.f32 v26, v25;
	v12 =	vmax.f32 v12, $0.0e+00  }
0xe9: {  	v11 =	vld [tilespmem:s31+$0xFFFFFF10];
	v22 =	vadd.f32 v23, v22;
	v8 =	vadd.f32 v10, v8;
	v10 =	vmul.f32 v12, v4  }
0xea: {  	v13 =	vld [tilespmem:s31+$0xFFFFFF90];
	v24 =	vadd.f32 v24, v28;
	v56 =	vadd.f32 v53, v52;
	v14 =	vmax.f32 v14, $0.0e+00  }
0xeb: {  	v15 =	vld [tilespmem:s31+$0x10];
	v16 =	vmax.f32 v16, $0.0e+00;
	v8 =	vadd.f32 v10, v8;
	v10 =	vmul.f32 v14, v5  }
0xec: {  	v17 =	vld [tilespmem:s31+$0xFFFFFF20];
	v18 =	vmax.f32 v18, $0.0e+00;
	v20 =	vmax.f32 v20, $0.0e+00;
	v49 =	vmax.f32 v25, $0.0e+00  }
0xed: {  	v24 =	vmax.f32 v24, $0.0e+00;
	v12 =	vld [tilespmem:s28+$0x10];
	v8 =	vadd.f32 v10, v8;
	v10 =	vmul.f32 v16, v6  }
0xee: {  	v19 =	vld [tilespmem:s31+$0xFFFFFFA0];
	v24 =	vmul.f32 v24, v2;
	v9 =	vadd.f32 v9, v27;
	v11 =	vadd.f32 v29, v11  }
0xef: {  	v13 =	vadd.f32 v30, v13;
	v14 =	vld [tilespmem:s28+$0xFFFFFF20];
	v8 =	vadd.f32 v10, v8;
	v10 =	vmul.f32 v18, v7  }
0xf0: {  	v24 =	vadd.f32 $0.0e+00, v24;
	v9 =	vmax.f32 v9, $0.0e+00;
	v11 =	vmax.f32 v11, $0.0e+00;
	v16 =	vld [tilespmem:s28+$0xFFFFFFA0]  }
0xf1: {  	v13 =	vmax.f32 v13, $0.0e+00;
	v18 =	vld [tilespmem:s28+$0x20];
	v8 =	vadd.f32 v10, v8;
	v10 =	vmul.f32 v20, v1  }
0xf2: {  	v55 =	vld [tilespmem:s31+$0x40];
	v9 =	vmul.f32 v9, v2;
	v11 =	vmul.f32 v11, v3;
	v12 =	vadd.f32 v12, v15  }
0xf3: {  	v13 =	vmul.f32 v13, v3;
	v20 =	vld [tilespmem:s28+$0xFFFFFF30];
	v10 =	vadd.f32 v10, v8;
	v8 =	vmul.f32 v49, v2  }
0xf4: {  	v9 =	vadd.f32 $0.0e+00, v9;
	v15 =	vld [tilespmem:s31+$0xFFFFFF40];
	v14 =	vadd.f32 v14, v17;
	v12 =	vmax.f32 v12, $0.0e+00  }
0xf5: {  	v12 =	vmul.f32 v12, v3;
	v16 =	vadd.f32 v16, v19;
	v19 =	vld [tilespmem:s31+$0xFFFFFFC0];
	v8 =	vadd.f32 $0.0e+00, v8  }
0xf6: {  	v11 =	vadd.f32 v11, v24;
	v17 =	vld [tilespmem:s28+$0xFFFFFF40];
	v14 =	vmax.f32 v14, $0.0e+00;
	v18 =	vadd.f32 v18, v47  }
0xf7: {  	v57 =	vld [tilespmem:s31+$0xFFFFFFD0];
	v9 =	vadd.f32 v12, v9;
	v8 =	vadd.f32 v13, v8;
	v13 =	vmul.f32 v14, v4  }
0xf8: {  	v58 =	vld [tilespmem:s31+$0x50];
	v16 =	vmax.f32 v16, $0.0e+00;
	v12 =	vadd.f32 v20, v48;
	v18 =	vmax.f32 v18, $0.0e+00  }
0xf9: {  	v59 =	vld [tilespmem:s28+$0x50];
	v14 =	vmul.f32 v16, v4;
	v11 =	vadd.f32 v13, v11;
	v13 =	vmul.f32 v18, v4  }
0xfa: {  	v16 =	vld [tilespmem:s28+$0x40];
	v19 =	vadd.f32 v54, v19;
	v12 =	vmax.f32 v12, $0.0e+00;
	v18 =	vadd.f32 v51, v50  }
0xfb: {  	v20 =	vld [tilespmem:s31+$0xFFFFFF50];
	v12 =	vmul.f32 v12, v5;
	v9 =	vadd.f32 v13, v9;
	v13 =	vadd.f32 v17, v15  }
0xfc: {  	v8 =	vadd.f32 v14, v8;
	v14 =	vld [tilespmem:s28+$0xFFFFFF50];
	v17 =	vmax.f32 v18, $0.0e+00;
	v18 =	vmax.f32 v56, $0.0e+00  }
0xfd: {  	v15 =	vld [tilespmem:s28+$0xFFFFFFD0];
	v11 =	vadd.f32 v12, v11;
	v17 =	vmul.f32 v17, v5;
	v13 =	vmax.f32 v13, $0.0e+00  }
0xfe: {  	v18 =	vmul.f32 v18, v5;
	v12 =	vmul.f32 v13, v6;
	v13 =	vmax.f32 v19, $0.0e+00;
	v19 =	vld [tilespmem:s31+$0xFFFFFF60]  }
0xff: {  	v16 =	vadd.f32 v16, v55;
	v8 =	vadd.f32 v17, v8;
	v17 =	vld [tilespmem:s28+$0xFFFFFF60]  }
0x100: {  	v60 =	vld [tilespmem:s28+$0xFFFFFFE0];
	v9 =	vadd.f32 v18, v9;
	v18 =	vmax.f32 v22, $0.0e+00;
	v13 =	vmul.f32 v13, v6  }
0x101: {  	v14 =	vadd.f32 v14, v20;
	v18 =	vmul.f32 v18, v0;
	v12 =	vadd.f32 v12, v11;
	v11 =	vld [tilespmem:s31+$0xFFFFFFE0]  }
0x102: {  	v61 =	vld [tilespmem:s28+$0x60];
	v20 =	vadd.f32 v13, v8;
	v8 =	vmax.f32 v16, $0.0e+00;
	v13 =	vadd.f32 v15, v57  }
0x103: {  	v16 =	vld [tilespmem:s31+$0x60];
	v15 =	vmul.f32 v8, v6;
	v8 =	vmax.f32 v14, $0.0e+00;
	v14 =	vadd.f32 v59, v58  }
0x104: {  	v62 =	vmul.f32 v8, v7;
	v13 =	vmax.f32 v13, $0.0e+00;
	v17 =	vadd.f32 v17, v19;
	v8 =	vld [tilespmem:s31+$0xFFFFFF70]  }
0x105: {  	v18 =	vadd.f32 v18, v10;
	v9 =	vadd.f32 v15, v9;
	v19 =	vmul.f32 v13, v7;
	v13 =	vld [tilespmem:s28+$0xFFFFFF70]  }
0x106: {  	v14 =	vmax.f32 v14, $0.0e+00;
	v15 =	vmax.f32 v17, $0.0e+00;
	v17 =	vadd.f32 v60, v11;
	v11 =	vld [tilespmem:s31+$0xFFFFFFF0]  }
0x107: {  	s29 =	simm.s32 $0xF3C0;
	v14 =	vmul.f32 v14, v7;
	v12 =	vadd.f32 v62, v12;
	v63 =	vmul.f32 v15, v1;
	v15 =	vld [tilespmem:s28+$0xFFFFFFF0]  }
0x108: {  	[tilespmem:s29+$0x10] =	vst v18;
	v10 =	vadd.f32 v19, v20;
	v18 =	vadd.f32 v61, v16;
	v16 =	vld [tilespmem:s28+$0x70];
	v17 =	vmax.f32 v17, $0.0e+00  }
0x109: {  	s30 =	simm.s32 $0x0;
	s1 =	simm.s32 $0x7920;
	v9 =	vadd.f32 v14, v9;
	v14 =	vld [tilespmem:s31+$0x70];
	v12 =	vadd.f32 v63, v12;
	v17 =	vmul.f32 v17, v1  }
.LBB2_5:
0x10a: {  	v19 =	vld [tilespmem:s1+$0x80];
	v8 =	vadd.f32 v13, v8;
	v13 =	vmax.f32 v18, $0.0e+00;
	s28 =	sadd.s32 $0x200, s28  }
0x10b: {  	s30 =	sadd.s32 $0x4, s30;
	v18 =	vld [tilespmem:s28+$0x80];
	v10 =	vadd.f32 v17, v10;
	v13 =	vmul.f32 v13, v1  }
0x10c: {  	p0 =	slt.u32 s30, $0x4C;
	v17 =	vld [tilespmem:s1+$0x90];
	v8 =	vmax.f32 v8, $0.0e+00;
	v11 =	vadd.f32 v15, v11  }
0x10d: {  	v15 =	vld [tilespmem:s28+$0x90];
	v8 =	vmul.f32 v8, v0;
	v9 =	vadd.f32 v13, v9  }
0x10e: {  	v13 =	vld [tilespmem:s1+$0xA0];
	v11 =	vmax.f32 v11, $0.0e+00;
	v14 =	vadd.f32 v16, v14  }
0x10f: {  	v16 =	vld [tilespmem:s28+$0xA0];
	v8 =	vadd.f32 v8, v12;
	v11 =	vmul.f32 v11, v0  }
0x110: {  	v12 =	vadd.f32 v18, v19;
	v18 =	vld [tilespmem:s1+$0xB0];
	v14 =	vmax.f32 v14, $0.0e+00  }
0x111: {  	v19 =	vld [tilespmem:s28+$0xB0];
	[tilespmem:s29+$0xFFFFFFE0] =	vst v8;
	v8 =	vadd.f32 v11, v10;
	v10 =	vmul.f32 v14, v0  }
0x112: {  	v11 =	vmax.f32 v12, $0.0e+00;
	v12 =	vadd.f32 v15, v17;
	v14 =	vld [tilespmem:s1+$0xC0]  }
0x113: {  	v11 =	vmul.f32 v11, v2;
	v15 =	vld [tilespmem:s28+$0xC0];
	[tilespmem:s29+$0xFFFFFFF0] =	vst v8;
	v8 =	vadd.f32 v10, v9  }
0x114: {  	v9 =	vmax.f32 v12, $0.0e+00;
	v10 =	vadd.f32 v16, v13;
	v12 =	vld [tilespmem:s1+$0xD0]  }
0x115: {  	v11 =	vadd.f32 $0.0e+00, v11;
	v9 =	vmul.f32 v9, v3;
	v13 =	vld [tilespmem:s28+$0xD0];
	[tilespmem:s29+$0x0] =	vst v8  }
0x116: {  	v8 =	vmax.f32 v10, $0.0e+00;
	v10 =	vadd.f32 v19, v18;
	v16 =	vld [tilespmem:s1+$0xE0]  }
0x117: {  	v9 =	vadd.f32 v9, v11;
	v8 =	vmul.f32 v8, v4;
	v11 =	vld [tilespmem:s28+$0xE0]  }
0x118: {  	v10 =	vmax.f32 v10, $0.0e+00;
	v14 =	vadd.f32 v15, v14;
	v15 =	vld [tilespmem:s1+$0xF0]  }
0x119: {  	v8 =	vadd.f32 v8, v9;
	v9 =	vmul.f32 v10, v5;
	v10 =	vld [tilespmem:s28+$0xF0]  }
0x11a: {  	v17 =	vld [tilespmem:s28+$0xFFFFFF00];
	v14 =	vmax.f32 v14, $0.0e+00;
	v12 =	vadd.f32 v13, v12  }
0x11b: {  	v13 =	vld [tilespmem:s1+$0xFFFFFF80];
	v8 =	vadd.f32 v9, v8;
	v9 =	vmul.f32 v14, v6  }
0x11c: {  	v14 =	vld [tilespmem:s28+$0xFFFFFF80];
	v12 =	vmax.f32 v12, $0.0e+00;
	v11 =	vadd.f32 v11, v16  }
0x11d: {  	v16 =	vld [tilespmem:s1+$0x0];
	v8 =	vadd.f32 v9, v8;
	v9 =	vmul.f32 v12, v7  }
0x11e: {  	v12 =	vld [tilespmem:s28+$0x0];
	v11 =	vmax.f32 v11, $0.0e+00;
	v10 =	vadd.f32 v10, v15  }
0x11f: {  	v15 =	vld [tilespmem:s1+$0xFFFFFF00];
	v8 =	vadd.f32 v9, v8;
	v9 =	vmul.f32 v11, v1  }
0x120: {  	v11 =	vld [tilespmem:s1+$0xFFFFFF10];
	v10 =	vmax.f32 v10, $0.0e+00  }
0x121: {  	v18 =	vld [tilespmem:s28+$0xFFFFFF10];
	v13 =	vadd.f32 v14, v13;
	v8 =	vadd.f32 v9, v8;
	v9 =	vmul.f32 v10, v0  }
0x122: {  	v10 =	vld [tilespmem:s1+$0xFFFFFF90]  }
0x123: {  	v13 =	vmax.f32 v13, $0.0e+00;
	v14 =	vld [tilespmem:s28+$0xFFFFFF90];
	v12 =	vadd.f32 v12, v16;
	v8 =	vadd.f32 v9, v8  }
0x124: {  	s29 =	sadd.s32 $0x40, s29;
	v9 =	vadd.f32 v17, v15;
	v13 =	vmul.f32 v13, v2;
	v15 =	vld [tilespmem:s1+$0x10]  }
0x125: {  	v12 =	vmax.f32 v12, $0.0e+00;
	v16 =	vld [tilespmem:s28+$0x10];
	[tilespmem:s29+$0x10] =	vst v8  }
0x126: {  	v8 =	vmax.f32 v9, $0.0e+00;
	v9 =	vadd.f32 v18, v11;
	v11 =	vld [tilespmem:s1+$0xFFFFFF20];
	v12 =	vmul.f32 v12, v2  }
0x127: {  	v13 =	vadd.f32 $0.0e+00, v13;
	v8 =	vmul.f32 v8, v2;
	v17 =	vld [tilespmem:s28+$0xFFFFFF20]  }
0x128: {  	v9 =	vmax.f32 v9, $0.0e+00;
	v10 =	vadd.f32 v14, v10;
	v14 =	vld [tilespmem:s1+$0xFFFFFFA0];
	v12 =	vadd.f32 $0.0e+00, v12  }
0x129: {  	v8 =	vadd.f32 $0.0e+00, v8;
	v9 =	vmul.f32 v9, v3;
	v18 =	vld [tilespmem:s28+$0xFFFFFFA0]  }
0x12a: {  	v10 =	vmax.f32 v10, $0.0e+00;
	v15 =	vadd.f32 v16, v15;
	v16 =	vld [tilespmem:s1+$0x20]  }
0x12b: {  	v8 =	vadd.f32 v9, v8;
	v9 =	vmul.f32 v10, v3;
	v10 =	vld [tilespmem:s28+$0x20]  }
0x12c: {  	v11 =	vadd.f32 v17, v11;
	v17 =	vld [tilespmem:s1+$0xFFFFFF30];
	v15 =	vmax.f32 v15, $0.0e+00  }
0x12d: {  	v19 =	vld [tilespmem:s28+$0xFFFFFF30];
	v9 =	vadd.f32 v9, v13;
	v13 =	vmul.f32 v15, v3  }
0x12e: {  	v11 =	vmax.f32 v11, $0.0e+00;
	v14 =	vadd.f32 v18, v14;
	v15 =	vld [tilespmem:s1+$0xFFFFFFB0]  }
0x12f: {  	v11 =	vmul.f32 v11, v4;
	v18 =	vld [tilespmem:s28+$0xFFFFFFB0];
	v12 =	vadd.f32 v13, v12  }
0x130: {  	v13 =	vmax.f32 v14, $0.0e+00;
	v10 =	vadd.f32 v10, v16;
	v14 =	vld [tilespmem:s1+$0x30]  }
0x131: {  	v8 =	vadd.f32 v11, v8;
	v11 =	vmul.f32 v13, v4;
	v13 =	vld [tilespmem:s28+$0x30]  }
0x132: {  	v16 =	vadd.f32 v19, v17;
	v17 =	vld [tilespmem:s1+$0xFFFFFF40];
	v10 =	vmax.f32 v10, $0.0e+00  }
0x133: {  	v19 =	vld [tilespmem:s28+$0xFFFFFF40];
	v9 =	vadd.f32 v11, v9;
	v10 =	vmul.f32 v10, v4  }
0x134: {  	v11 =	vmax.f32 v16, $0.0e+00;
	v15 =	vadd.f32 v18, v15;
	v16 =	vld [tilespmem:s1+$0xFFFFFFC0]  }
0x135: {  	v11 =	vmul.f32 v11, v5;
	v18 =	vld [tilespmem:s28+$0xFFFFFFC0];
	v10 =	vadd.f32 v10, v12  }
0x136: {  	v12 =	vmax.f32 v15, $0.0e+00;
	v13 =	vadd.f32 v13, v14;
	v14 =	vld [tilespmem:s1+$0x40]  }
0x137: {  	v8 =	vadd.f32 v11, v8;
	v11 =	vmul.f32 v12, v5;
	v12 =	vld [tilespmem:s28+$0x40]  }
0x138: {  	v15 =	vadd.f32 v19, v17;
	v17 =	vld [tilespmem:s1+$0xFFFFFF50];
	v13 =	vmax.f32 v13, $0.0e+00  }
0x139: {  	v19 =	vld [tilespmem:s28+$0xFFFFFF50];
	v9 =	vadd.f32 v11, v9;
	v11 =	vmul.f32 v13, v5  }
0x13a: {  	v13 =	vmax.f32 v15, $0.0e+00;
	v15 =	vadd.f32 v18, v16;
	v16 =	vld [tilespmem:s1+$0xFFFFFFD0]  }
0x13b: {  	v13 =	vmul.f32 v13, v6;
	v18 =	vld [tilespmem:s28+$0xFFFFFFD0];
	v10 =	vadd.f32 v11, v10  }
0x13c: {  	v11 =	vmax.f32 v15, $0.0e+00;
	v12 =	vadd.f32 v12, v14;
	v14 =	vld [tilespmem:s1+$0x50]  }
0x13d: {  	v8 =	vadd.f32 v13, v8;
	v11 =	vmul.f32 v11, v6;
	v13 =	vld [tilespmem:s28+$0x50]  }
0x13e: {  	v15 =	vadd.f32 v19, v17;
	v17 =	vld [tilespmem:s1+$0xFFFFFF60];
	v12 =	vmax.f32 v12, $0.0e+00  }
0x13f: {  	v19 =	vld [tilespmem:s28+$0xFFFFFF60];
	v9 =	vadd.f32 v11, v9;
	v11 =	vmul.f32 v12, v6  }
0x140: {  	v12 =	vmax.f32 v15, $0.0e+00;
	v15 =	vadd.f32 v18, v16;
	v16 =	vld [tilespmem:s1+$0xFFFFFFE0]  }
0x141: {  	v12 =	vmul.f32 v12, v7;
	v18 =	vld [tilespmem:s28+$0xFFFFFFE0];
	v20 =	vadd.f32 v11, v10  }
0x142: {  	v10 =	vmax.f32 v15, $0.0e+00;
	v11 =	vadd.f32 v13, v14;
	v14 =	vld [tilespmem:s1+$0x60]  }
0x143: {  	v12 =	vadd.f32 v12, v8;
	v10 =	vmul.f32 v10, v7;
	v21 =	vld [tilespmem:s28+$0x60]  }
0x144: {  	v15 =	vadd.f32 v19, v17;
	v8 =	vld [tilespmem:s1+$0xFFFFFF70];
	v11 =	vmax.f32 v11, $0.0e+00  }
.Ltmp1:
0x145: {  	v13 =	vld [tilespmem:s28+$0xFFFFFF70];
	v10 =	vadd.f32 v10, v9;
	v9 =	vmul.f32 v11, v7;
	(pc) =	sbr.rel @p0 .LBB2_5-.Ltmp1, $4  }
0x146: {  	v15 =	vmax.f32 v15, $0.0e+00;
	v16 =	vadd.f32 v18, v16;
	v11 =	vld [tilespmem:s1+$0xFFFFFFF0]  }
0x147: {  	v17 =	vmul.f32 v15, v1;
	v15 =	vld [tilespmem:s28+$0xFFFFFFF0];
	v9 =	vadd.f32 v9, v20  }
0x148: {  	v16 =	vmax.f32 v16, $0.0e+00;
	v18 =	vadd.f32 v21, v14;
	v14 =	vld [tilespmem:s1+$0x70]  }
0x149: {  	s1 =	sadd.s32 $0x200, s1;
	v12 =	vadd.f32 v17, v12;
	v17 =	vmul.f32 v16, v1;
	v16 =	vld [tilespmem:s28+$0x70]  }
0x14a: {  	_ =	sdelay $0x1  }
0x14b: {  	v8 =	vadd.f32 v13, v8  }
0x14c: {  	v11 =	vadd.f32 v15, v11  }
0x14d: {  	v62 =	vmax.f32 v18, $0.0e+00;
	v8 =	vmax.f32 v8, $0.0e+00;
	v14 =	vadd.f32 v16, v14  }
0x14e: {  	v13 =	vmul.f32 v62, v1;
	v8 =	vmul.f32 v8, v0;
	v11 =	vmax.f32 v11, $0.0e+00  }
0x14f: {  	s25 =	sadd.s32 $0x1, s25;
	v10 =	vadd.f32 v17, v10;
	v11 =	vmul.f32 v11, v0;
	v14 =	vmax.f32 v14, $0.0e+00  }
0x150: {  	p0 =	sne.s32 s25, $0x3E;
	v9 =	vadd.f32 v13, v9;
	v8 =	vadd.f32 v8, v12;
	v63 =	vmul.f32 v14, v0  }
.Ltmp2:
0x151: {  	s1 =	sadd.s32 s4, s26;
	v10 =	vadd.f32 v11, v10;
	(pc) =	sbr.rel @p0 .LBB2_2-.Ltmp2, $4  }
0x152: {  	s1 =	sshll.u32 s1, $0x1;
	[tilespmem:s29+$0xFFFFFFE0] =	vst v8;
	v8 =	vadd.f32 v63, v9  }
0x153: {  	s1 =	sand.u32 $0x1FFFFFE0, s1;
	[tilespmem:s29+$0xFFFFFFF0] =	vst v10  }
0x154: {  	s1 =	sadd.s32 s7, s1;
	[tilespmem:s29+$0x0] =	vst v8  }
0x155: {  	[hbm4b:s1+s3] =	stream.linear.scatter [tilespmem:s22], [sflag:$0x2], $0x500, $0x38;
	[tilespmem:$0xF8A0] =	vst v63  }
0x156: {  	_ =	swait.ge [sflag:s18], $0x2800  }
0x157: {  	[sflag:s18] =	ssyncset.done $0x0  }
0x158: {  	[sflag:s18] =	ssyncadd.s32 $0xFFFFD800  }
0x159: {  	_ =	swait.ge [sflag:s18], $0x2800  }
0x15a: {  	[sflag:s18] =	ssyncset.done $0x0  }
0x15b: {  	[sflag:s18] =	ssyncadd.s32 $0xFFFFD800  }
0x15c: {  	_ =	swait.ge [sflag:s23], $0x500  }
0x15d: {  	[sflag:s23] =	ssyncset.done $0x0  }
0x15e: {  	s1 =	simm.s32 $0x4F20;
	[sflag:s23] =	ssyncadd.s32 $0xFFFFFB00  }
0x15f: {  	s25 =	simm.s32 $0x9F20;
	v8 =	vld [tilespmem:s1+$0x80]  }
0x160: {  	v9 =	vld [tilespmem:s25+$0x80]  }
0x161: {  	v10 =	vld [tilespmem:s1+$0x90]  }
0x162: {  	v11 =	vld [tilespmem:s25+$0x90]  }
0x163: {  	v12 =	vld [tilespmem:s1+$0xA0]  }
0x164: {  	v13 =	vld [tilespmem:s25+$0xA0]  }
0x165: {  	v14 =	vld [tilespmem:s1+$0xB0]  }
0x166: {  	v15 =	vld [tilespmem:s25+$0xB0]  }
0x167: {  	v16 =	vld [tilespmem:s1+$0xC0]  }
0x168: {  	v17 =	vld [tilespmem:s25+$0xC0]  }
0x169: {  	v18 =	vld [tilespmem:s1+$0xD0]  }
0x16a: {  	v19 =	vld [tilespmem:s25+$0xD0]  }
0x16b: {  	v20 =	vld [tilespmem:s1+$0xE0]  }
0x16c: {  	v21 =	vld [tilespmem:s25+$0xE0]  }
0x16d: {  	v22 =	vld [tilespmem:s1+$0xF0]  }
0x16e: {  	v23 =	vld [tilespmem:s25+$0xF0]  }
0x16f: {  	v24 =	vld [tilespmem:s25+$0xFFFFFF00]  }
0x170: {  	v25 =	vld [tilespmem:s1+$0xFFFFFF80]  }
0x171: {  	v26 =	vld [tilespmem:s25+$0xFFFFFF80]  }
0x172: {  	v27 =	vld [tilespmem:s1+$0x0]  }
0x173: {  	v28 =	vld [tilespmem:s1+$0xFFFFFF00]  }
0x174: {  	v29 =	vld [tilespmem:s25+$0xFFFFFF10]  }
0x175: {  	v30 =	vld [tilespmem:s25+$0xFFFFFF90]  }
0x176: {  	v47 =	vld [tilespmem:s1+$0x20]  }
0x177: {  	v48 =	vld [tilespmem:s1+$0xFFFFFF30];
	v8 =	vadd.f32 v9, v8  }
0x178: {  	v50 =	vld [tilespmem:s1+$0xFFFFFFB0]  }
0x179: {  	v52 =	vld [tilespmem:s1+$0x30];
	v10 =	vadd.f32 v11, v10;
	v8 =	vmax.f32 v8, $0.0e+00  }
0x17a: {  	v53 =	vld [tilespmem:s25+$0x30];
	v12 =	vadd.f32 v13, v12;
	v8 =	vmul.f32 v8, v2  }
0x17b: {  	v51 =	vld [tilespmem:s25+$0xFFFFFFB0];
	v14 =	vadd.f32 v15, v14;
	v16 =	vadd.f32 v17, v16;
	v10 =	vmax.f32 v10, $0.0e+00  }
0x17c: {  	v54 =	vld [tilespmem:s25+$0xFFFFFFC0];
	v18 =	vadd.f32 v19, v18;
	v10 =	vmul.f32 v10, v3;
	v8 =	vadd.f32 $0.0e+00, v8  }
0x17d: {  	v9 =	vld [tilespmem:s25+$0x0];
	v20 =	vadd.f32 v21, v20;
	v25 =	vadd.f32 v26, v25;
	v12 =	vmax.f32 v12, $0.0e+00  }
0x17e: {  	v11 =	vld [tilespmem:s1+$0xFFFFFF10];
	v22 =	vadd.f32 v23, v22;
	v8 =	vadd.f32 v10, v8;
	v10 =	vmul.f32 v12, v4  }
0x17f: {  	v13 =	vld [tilespmem:s1+$0xFFFFFF90];
	v24 =	vadd.f32 v24, v28;
	v56 =	vadd.f32 v53, v52;
	v14 =	vmax.f32 v14, $0.0e+00  }
0x180: {  	v15 =	vld [tilespmem:s1+$0x10];
	v16 =	vmax.f32 v16, $0.0e+00;
	v8 =	vadd.f32 v10, v8;
	v10 =	vmul.f32 v14, v5  }
0x181: {  	v17 =	vld [tilespmem:s1+$0xFFFFFF20];
	v18 =	vmax.f32 v18, $0.0e+00;
	v20 =	vmax.f32 v20, $0.0e+00;
	v49 =	vmax.f32 v25, $0.0e+00  }
0x182: {  	v24 =	vmax.f32 v24, $0.0e+00;
	v12 =	vld [tilespmem:s25+$0x10];
	v8 =	vadd.f32 v10, v8;
	v10 =	vmul.f32 v16, v6  }
0x183: {  	v19 =	vld [tilespmem:s1+$0xFFFFFFA0];
	v24 =	vmul.f32 v24, v2;
	v9 =	vadd.f32 v9, v27;
	v11 =	vadd.f32 v29, v11  }
0x184: {  	v13 =	vadd.f32 v30, v13;
	v14 =	vld [tilespmem:s25+$0xFFFFFF20];
	v8 =	vadd.f32 v10, v8;
	v10 =	vmul.f32 v18, v7  }
0x185: {  	v24 =	vadd.f32 $0.0e+00, v24;
	v9 =	vmax.f32 v9, $0.0e+00;
	v11 =	vmax.f32 v11, $0.0e+00;
	v16 =	vld [tilespmem:s25+$0xFFFFFFA0]  }
0x186: {  	v13 =	vmax.f32 v13, $0.0e+00;
	v18 =	vld [tilespmem:s25+$0x20];
	v8 =	vadd.f32 v10, v8;
	v10 =	vmul.f32 v20, v1  }
0x187: {  	v55 =	vld [tilespmem:s1+$0x40];
	v9 =	vmul.f32 v9, v2;
	v11 =	vmul.f32 v11, v3;
	v12 =	vadd.f32 v12, v15  }
0x188: {  	v13 =	vmul.f32 v13, v3;
	v20 =	vld [tilespmem:s25+$0xFFFFFF30];
	v10 =	vadd.f32 v10, v8;
	v8 =	vmul.f32 v49, v2  }
0x189: {  	v9 =	vadd.f32 $0.0e+00, v9;
	v15 =	vld [tilespmem:s1+$0xFFFFFF40];
	v14 =	vadd.f32 v14, v17;
	v12 =	vmax.f32 v12, $0.0e+00  }
0x18a: {  	v12 =	vmul.f32 v12, v3;
	v16 =	vadd.f32 v16, v19;
	v19 =	vld [tilespmem:s1+$0xFFFFFFC0];
	v8 =	vadd.f32 $0.0e+00, v8  }
0x18b: {  	v11 =	vadd.f32 v11, v24;
	v17 =	vld [tilespmem:s25+$0xFFFFFF40];
	v14 =	vmax.f32 v14, $0.0e+00;
	v18 =	vadd.f32 v18, v47  }
0x18c: {  	v57 =	vld [tilespmem:s1+$0xFFFFFFD0];
	v9 =	vadd.f32 v12, v9;
	v8 =	vadd.f32 v13, v8;
	v13 =	vmul.f32 v14, v4  }
0x18d: {  	v58 =	vld [tilespmem:s1+$0x50];
	v16 =	vmax.f32 v16, $0.0e+00;
	v12 =	vadd.f32 v20, v48;
	v18 =	vmax.f32 v18, $0.0e+00  }
0x18e: {  	v59 =	vld [tilespmem:s25+$0x50];
	v14 =	vmul.f32 v16, v4;
	v11 =	vadd.f32 v13, v11;
	v13 =	vmul.f32 v18, v4  }
0x18f: {  	v16 =	vld [tilespmem:s25+$0x40];
	v19 =	vadd.f32 v54, v19;
	v12 =	vmax.f32 v12, $0.0e+00;
	v18 =	vadd.f32 v51, v50  }
0x190: {  	v20 =	vld [tilespmem:s1+$0xFFFFFF50];
	v12 =	vmul.f32 v12, v5;
	v9 =	vadd.f32 v13, v9;
	v13 =	vadd.f32 v17, v15  }
0x191: {  	v8 =	vadd.f32 v14, v8;
	v14 =	vld [tilespmem:s25+$0xFFFFFF50];
	v17 =	vmax.f32 v18, $0.0e+00;
	v18 =	vmax.f32 v56, $0.0e+00  }
0x192: {  	v15 =	vld [tilespmem:s25+$0xFFFFFFD0];
	v11 =	vadd.f32 v12, v11;
	v17 =	vmul.f32 v17, v5;
	v13 =	vmax.f32 v13, $0.0e+00  }
0x193: {  	v18 =	vmul.f32 v18, v5;
	v12 =	vmul.f32 v13, v6;
	v13 =	vmax.f32 v19, $0.0e+00;
	v19 =	vld [tilespmem:s1+$0xFFFFFF60]  }
0x194: {  	v16 =	vadd.f32 v16, v55;
	v8 =	vadd.f32 v17, v8;
	v17 =	vld [tilespmem:s25+$0xFFFFFF60]  }
0x195: {  	v60 =	vld [tilespmem:s25+$0xFFFFFFE0];
	v9 =	vadd.f32 v18, v9;
	v18 =	vmax.f32 v22, $0.0e+00;
	v13 =	vmul.f32 v13, v6  }
0x196: {  	v14 =	vadd.f32 v14, v20;
	v18 =	vmul.f32 v18, v0;
	v12 =	vadd.f32 v12, v11;
	v11 =	vld [tilespmem:s1+$0xFFFFFFE0]  }
0x197: {  	v61 =	vld [tilespmem:s25+$0x60];
	v20 =	vadd.f32 v13, v8;
	v8 =	vmax.f32 v16, $0.0e+00;
	v13 =	vadd.f32 v15, v57  }
0x198: {  	v16 =	vld [tilespmem:s1+$0x60];
	v15 =	vmul.f32 v8, v6;
	v8 =	vmax.f32 v14, $0.0e+00;
	v14 =	vadd.f32 v59, v58  }
0x199: {  	v62 =	vmul.f32 v8, v7;
	v13 =	vmax.f32 v13, $0.0e+00;
	v17 =	vadd.f32 v17, v19;
	v8 =	vld [tilespmem:s1+$0xFFFFFF70]  }
0x19a: {  	v18 =	vadd.f32 v18, v10;
	v9 =	vadd.f32 v15, v9;
	v19 =	vmul.f32 v13, v7;
	v13 =	vld [tilespmem:s25+$0xFFFFFF70]  }
0x19b: {  	v14 =	vmax.f32 v14, $0.0e+00;
	v15 =	vmax.f32 v17, $0.0e+00;
	v17 =	vadd.f32 v60, v11;
	v11 =	vld [tilespmem:s1+$0xFFFFFFF0]  }
0x19c: {  	s26 =	simm.s32 $0xEEC0;
	v14 =	vmul.f32 v14, v7;
	v12 =	vadd.f32 v62, v12;
	v63 =	vmul.f32 v15, v1;
	v15 =	vld [tilespmem:s25+$0xFFFFFFF0]  }
0x19d: {  	[tilespmem:s26+$0x10] =	vst v18;
	v10 =	vadd.f32 v19, v20;
	v18 =	vadd.f32 v61, v16;
	v16 =	vld [tilespmem:s25+$0x70];
	v17 =	vmax.f32 v17, $0.0e+00  }
0x19e: {  	s28 =	simm.s32 $0x0;
	v9 =	vadd.f32 v14, v9;
	v14 =	vld [tilespmem:s1+$0x70];
	s1 =	simm.s32 $0x5120;
	v12 =	vadd.f32 v63, v12;
	v17 =	vmul.f32 v17, v1  }
.LBB2_8:
0x19f: {  	v19 =	vld [tilespmem:s1+$0x80];
	v8 =	vadd.f32 v13, v8;
	v13 =	vmax.f32 v18, $0.0e+00;
	s25 =	sadd.s32 $0x200, s25  }
0x1a0: {  	s28 =	sadd.s32 $0x4, s28;
	v18 =	vld [tilespmem:s25+$0x80];
	v10 =	vadd.f32 v17, v10;
	v13 =	vmul.f32 v13, v1  }
0x1a1: {  	p0 =	slt.u32 s28, $0x4C;
	v17 =	vld [tilespmem:s1+$0x90];
	v8 =	vmax.f32 v8, $0.0e+00;
	v11 =	vadd.f32 v15, v11  }
0x1a2: {  	v15 =	vld [tilespmem:s25+$0x90];
	v8 =	vmul.f32 v8, v0;
	v9 =	vadd.f32 v13, v9  }
0x1a3: {  	v13 =	vld [tilespmem:s1+$0xA0];
	v11 =	vmax.f32 v11, $0.0e+00;
	v14 =	vadd.f32 v16, v14  }
0x1a4: {  	v16 =	vld [tilespmem:s25+$0xA0];
	v8 =	vadd.f32 v8, v12;
	v11 =	vmul.f32 v11, v0  }
0x1a5: {  	v12 =	vadd.f32 v18, v19;
	v18 =	vld [tilespmem:s1+$0xB0];
	v14 =	vmax.f32 v14, $0.0e+00  }
0x1a6: {  	v19 =	vld [tilespmem:s25+$0xB0];
	[tilespmem:s26+$0xFFFFFFE0] =	vst v8;
	v8 =	vadd.f32 v11, v10;
	v10 =	vmul.f32 v14, v0  }
0x1a7: {  	v11 =	vmax.f32 v12, $0.0e+00;
	v12 =	vadd.f32 v15, v17;
	v14 =	vld [tilespmem:s1+$0xC0]  }
0x1a8: {  	v11 =	vmul.f32 v11, v2;
	v15 =	vld [tilespmem:s25+$0xC0];
	[tilespmem:s26+$0xFFFFFFF0] =	vst v8;
	v8 =	vadd.f32 v10, v9  }
0x1a9: {  	v9 =	vmax.f32 v12, $0.0e+00;
	v10 =	vadd.f32 v16, v13;
	v12 =	vld [tilespmem:s1+$0xD0]  }
0x1aa: {  	v11 =	vadd.f32 $0.0e+00, v11;
	v9 =	vmul.f32 v9, v3;
	v13 =	vld [tilespmem:s25+$0xD0];
	[tilespmem:s26+$0x0] =	vst v8  }
0x1ab: {  	v8 =	vmax.f32 v10, $0.0e+00;
	v10 =	vadd.f32 v19, v18;
	v16 =	vld [tilespmem:s1+$0xE0]  }
0x1ac: {  	v9 =	vadd.f32 v9, v11;
	v8 =	vmul.f32 v8, v4;
	v11 =	vld [tilespmem:s25+$0xE0]  }
0x1ad: {  	v10 =	vmax.f32 v10, $0.0e+00;
	v14 =	vadd.f32 v15, v14;
	v15 =	vld [tilespmem:s1+$0xF0]  }
0x1ae: {  	v8 =	vadd.f32 v8, v9;
	v9 =	vmul.f32 v10, v5;
	v10 =	vld [tilespmem:s25+$0xF0]  }
0x1af: {  	v17 =	vld [tilespmem:s25+$0xFFFFFF00];
	v14 =	vmax.f32 v14, $0.0e+00;
	v12 =	vadd.f32 v13, v12  }
0x1b0: {  	v13 =	vld [tilespmem:s1+$0xFFFFFF80];
	v8 =	vadd.f32 v9, v8;
	v9 =	vmul.f32 v14, v6  }
0x1b1: {  	v14 =	vld [tilespmem:s25+$0xFFFFFF80];
	v12 =	vmax.f32 v12, $0.0e+00;
	v11 =	vadd.f32 v11, v16  }
0x1b2: {  	v16 =	vld [tilespmem:s1+$0x0];
	v8 =	vadd.f32 v9, v8;
	v9 =	vmul.f32 v12, v7  }
0x1b3: {  	v12 =	vld [tilespmem:s25+$0x0];
	v11 =	vmax.f32 v11, $0.0e+00;
	v10 =	vadd.f32 v10, v15  }
0x1b4: {  	v15 =	vld [tilespmem:s1+$0xFFFFFF00];
	v8 =	vadd.f32 v9, v8;
	v9 =	vmul.f32 v11, v1  }
0x1b5: {  	v11 =	vld [tilespmem:s1+$0xFFFFFF10];
	v10 =	vmax.f32 v10, $0.0e+00  }
0x1b6: {  	v18 =	vld [tilespmem:s25+$0xFFFFFF10];
	v13 =	vadd.f32 v14, v13;
	v8 =	vadd.f32 v9, v8;
	v9 =	vmul.f32 v10, v0  }
0x1b7: {  	v10 =	vld [tilespmem:s1+$0xFFFFFF90]  }
0x1b8: {  	v13 =	vmax.f32 v13, $0.0e+00;
	v14 =	vld [tilespmem:s25+$0xFFFFFF90];
	v12 =	vadd.f32 v12, v16;
	v8 =	vadd.f32 v9, v8  }
0x1b9: {  	s26 =	sadd.s32 $0x40, s26;
	v9 =	vadd.f32 v17, v15;
	v13 =	vmul.f32 v13, v2;
	v15 =	vld [tilespmem:s1+$0x10]  }
0x1ba: {  	v12 =	vmax.f32 v12, $0.0e+00;
	v16 =	vld [tilespmem:s25+$0x10];
	[tilespmem:s26+$0x10] =	vst v8  }
0x1bb: {  	v8 =	vmax.f32 v9, $0.0e+00;
	v9 =	vadd.f32 v18, v11;
	v11 =	vld [tilespmem:s1+$0xFFFFFF20];
	v12 =	vmul.f32 v12, v2  }
0x1bc: {  	v13 =	vadd.f32 $0.0e+00, v13;
	v8 =	vmul.f32 v8, v2;
	v17 =	vld [tilespmem:s25+$0xFFFFFF20]  }
0x1bd: {  	v9 =	vmax.f32 v9, $0.0e+00;
	v10 =	vadd.f32 v14, v10;
	v14 =	vld [tilespmem:s1+$0xFFFFFFA0];
	v12 =	vadd.f32 $0.0e+00, v12  }
0x1be: {  	v8 =	vadd.f32 $0.0e+00, v8;
	v9 =	vmul.f32 v9, v3;
	v18 =	vld [tilespmem:s25+$0xFFFFFFA0]  }
0x1bf: {  	v10 =	vmax.f32 v10, $0.0e+00;
	v15 =	vadd.f32 v16, v15;
	v16 =	vld [tilespmem:s1+$0x20]  }
0x1c0: {  	v8 =	vadd.f32 v9, v8;
	v9 =	vmul.f32 v10, v3;
	v10 =	vld [tilespmem:s25+$0x20]  }
0x1c1: {  	v11 =	vadd.f32 v17, v11;
	v17 =	vld [tilespmem:s1+$0xFFFFFF30];
	v15 =	vmax.f32 v15, $0.0e+00  }
0x1c2: {  	v19 =	vld [tilespmem:s25+$0xFFFFFF30];
	v9 =	vadd.f32 v9, v13;
	v13 =	vmul.f32 v15, v3  }
0x1c3: {  	v11 =	vmax.f32 v11, $0.0e+00;
	v14 =	vadd.f32 v18, v14;
	v15 =	vld [tilespmem:s1+$0xFFFFFFB0]  }
0x1c4: {  	v11 =	vmul.f32 v11, v4;
	v18 =	vld [tilespmem:s25+$0xFFFFFFB0];
	v12 =	vadd.f32 v13, v12  }
0x1c5: {  	v13 =	vmax.f32 v14, $0.0e+00;
	v10 =	vadd.f32 v10, v16;
	v14 =	vld [tilespmem:s1+$0x30]  }
0x1c6: {  	v8 =	vadd.f32 v11, v8;
	v11 =	vmul.f32 v13, v4;
	v13 =	vld [tilespmem:s25+$0x30]  }
0x1c7: {  	v16 =	vadd.f32 v19, v17;
	v17 =	vld [tilespmem:s1+$0xFFFFFF40];
	v10 =	vmax.f32 v10, $0.0e+00  }
0x1c8: {  	v19 =	vld [tilespmem:s25+$0xFFFFFF40];
	v9 =	vadd.f32 v11, v9;
	v10 =	vmul.f32 v10, v4  }
0x1c9: {  	v11 =	vmax.f32 v16, $0.0e+00;
	v15 =	vadd.f32 v18, v15;
	v16 =	vld [tilespmem:s1+$0xFFFFFFC0]  }
0x1ca: {  	v11 =	vmul.f32 v11, v5;
	v18 =	vld [tilespmem:s25+$0xFFFFFFC0];
	v10 =	vadd.f32 v10, v12  }
0x1cb: {  	v12 =	vmax.f32 v15, $0.0e+00;
	v13 =	vadd.f32 v13, v14;
	v14 =	vld [tilespmem:s1+$0x40]  }
0x1cc: {  	v8 =	vadd.f32 v11, v8;
	v11 =	vmul.f32 v12, v5;
	v12 =	vld [tilespmem:s25+$0x40]  }
0x1cd: {  	v15 =	vadd.f32 v19, v17;
	v17 =	vld [tilespmem:s1+$0xFFFFFF50];
	v13 =	vmax.f32 v13, $0.0e+00  }
0x1ce: {  	v19 =	vld [tilespmem:s25+$0xFFFFFF50];
	v9 =	vadd.f32 v11, v9;
	v11 =	vmul.f32 v13, v5  }
0x1cf: {  	v13 =	vmax.f32 v15, $0.0e+00;
	v15 =	vadd.f32 v18, v16;
	v16 =	vld [tilespmem:s1+$0xFFFFFFD0]  }
0x1d0: {  	v13 =	vmul.f32 v13, v6;
	v18 =	vld [tilespmem:s25+$0xFFFFFFD0];
	v10 =	vadd.f32 v11, v10  }
0x1d1: {  	v11 =	vmax.f32 v15, $0.0e+00;
	v12 =	vadd.f32 v12, v14;
	v14 =	vld [tilespmem:s1+$0x50]  }
0x1d2: {  	v8 =	vadd.f32 v13, v8;
	v11 =	vmul.f32 v11, v6;
	v13 =	vld [tilespmem:s25+$0x50]  }
0x1d3: {  	v15 =	vadd.f32 v19, v17;
	v17 =	vld [tilespmem:s1+$0xFFFFFF60];
	v12 =	vmax.f32 v12, $0.0e+00  }
0x1d4: {  	v19 =	vld [tilespmem:s25+$0xFFFFFF60];
	v9 =	vadd.f32 v11, v9;
	v11 =	vmul.f32 v12, v6  }
0x1d5: {  	v12 =	vmax.f32 v15, $0.0e+00;
	v15 =	vadd.f32 v18, v16;
	v16 =	vld [tilespmem:s1+$0xFFFFFFE0]  }
0x1d6: {  	v12 =	vmul.f32 v12, v7;
	v18 =	vld [tilespmem:s25+$0xFFFFFFE0];
	v20 =	vadd.f32 v11, v10  }
0x1d7: {  	v10 =	vmax.f32 v15, $0.0e+00;
	v11 =	vadd.f32 v13, v14;
	v14 =	vld [tilespmem:s1+$0x60]  }
0x1d8: {  	v12 =	vadd.f32 v12, v8;
	v10 =	vmul.f32 v10, v7;
	v21 =	vld [tilespmem:s25+$0x60]  }
0x1d9: {  	v15 =	vadd.f32 v19, v17;
	v8 =	vld [tilespmem:s1+$0xFFFFFF70];
	v11 =	vmax.f32 v11, $0.0e+00  }
.Ltmp3:
0x1da: {  	v13 =	vld [tilespmem:s25+$0xFFFFFF70];
	v10 =	vadd.f32 v10, v9;
	v9 =	vmul.f32 v11, v7;
	(pc) =	sbr.rel @p0 .LBB2_8-.Ltmp3, $4  }
0x1db: {  	v15 =	vmax.f32 v15, $0.0e+00;
	v16 =	vadd.f32 v18, v16;
	v11 =	vld [tilespmem:s1+$0xFFFFFFF0]  }
0x1dc: {  	v17 =	vmul.f32 v15, v1;
	v15 =	vld [tilespmem:s25+$0xFFFFFFF0];
	v9 =	vadd.f32 v9, v20  }
0x1dd: {  	v16 =	vmax.f32 v16, $0.0e+00;
	v18 =	vadd.f32 v21, v14;
	v14 =	vld [tilespmem:s1+$0x70]  }
0x1de: {  	s1 =	sadd.s32 $0x200, s1;
	v12 =	vadd.f32 v17, v12;
	v17 =	vmul.f32 v16, v1;
	v16 =	vld [tilespmem:s25+$0x70]  }
0x1df: {  	_ =	sdelay $0x1  }
0x1e0: {  	v2 =	vadd.f32 v13, v8  }
0x1e1: {  	v3 =	vadd.f32 v15, v11  }
0x1e2: {  	v4 =	vmax.f32 v18, $0.0e+00;
	v2 =	vmax.f32 v2, $0.0e+00;
	v5 =	vadd.f32 v16, v14  }
0x1e3: {  	v1 =	vmul.f32 v4, v1;
	v2 =	vmul.f32 v2, v0;
	v3 =	vmax.f32 v3, $0.0e+00  }
0x1e4: {  	v62 =	vadd.f32 v17, v10;
	v3 =	vmul.f32 v3, v0;
	v5 =	vmax.f32 v5, $0.0e+00  }
0x1e5: {  	v1 =	vadd.f32 v1, v9;
	v2 =	vadd.f32 v2, v12;
	v63 =	vmul.f32 v5, v0  }
0x1e6: {  	v3 =	vadd.f32 v3, v62  }
0x1e7: {  	[tilespmem:s26+$0xFFFFFFE0] =	vst v2;
	v0 =	vadd.f32 v63, v1  }
0x1e8: {  	[tilespmem:s26+$0xFFFFFFF0] =	vst v3  }
0x1e9: {  	[tilespmem:s26+$0x0] =	vst v0  }
0x1ea: {  	s24 =	sadd.s32 $0x1, s24;
	_ =	swait.ge [sflag:s23], $0x500  }
0x1eb: {  	p0 =	sne.s32 s24, s11;
	[sflag:s23] =	ssyncset.done $0x0  }
.Ltmp4:
0x1ec: {  	[sflag:s23] =	ssyncadd.s32 $0xFFFFFB00;
	(pc) =	sbr.rel @p0 .LBB2_1-.Ltmp4, $4  }
0x1ed: {  	[hbm4b:s10+s3] =	stream.linear.scatter [tilespmem:s21], [sflag:$0x3], $0x500, $0x38;
	[tilespmem:$0xF8A0] =	vst v63  }
0x1ee: {  	_ =	swait.ge [sflag:s12], $0x500  }
0x1ef: {  	[sflag:s12] =	ssyncset.done $0x0  }
0x1f0: {  	[sflag:s12] =	ssyncadd.s32 $0xFFFFFB00  }
0x1f1: {  	_ =	sfence.sel $0x180000  }
0x1f2: {  	[bflag:$0x0] =	sbarrier.arrive $0xFFFF  }
0x1f3: {  	_ =	strace $0x9000004D  }
0x1f4: {  	[bflag:$0x2] =	sbarrier.arrive $0xFFFF  }
0x1f5: {  	p0 =	sne.s32 s0, $0x0;
	s0 =	rddreg [dreg:$0x2]  }
0x1f6: {  	s0 =	sadd.s32 @!p0 $0x100000, s0  }
0x1f7: {  	[sflag:s0] =	ssyncadd.tile.s32 @!p0 $0x1;
	_ =	shalt  }
.Lfunc_end2:
_tile_overlayer_lowered:
.L_overlay_start_2:
0x1f8: {  	(tag) =	ssettag $0x2  }
0x1f9: {  	s0 =	rddreg [dreg:$0x0];
	s2 =	stileid.u32  }
0x1fa: {  	s1 =	rddreg [dreg:$0x1];
	p0 =	sne.s32 s2, $0x0  }
0x1fb: {  	s3 =	rddreg [dreg:$0x2];
	[bflag:$0x3] =	sbarrier.arrive $0xFFFF;
	s2 =	simm.s32 @!p0 $0x1C03  }
0x1fc: {  	[timem:s3], [sflag:s2] =	dma.local @!p0 [hbm:s0], s1  }
0x1fd: {  	s0 =	simm.s32 @!p0 $0x3  }
0x1fe: {  	_ =	swait.ge @!p0 [sflag:s0], s1  }
0x1ff: {  	s1 =	ssub.s32 @!p0 $0x0, s1;
	[sflag:s0] =	ssyncset.done @!p0 $0x0  }
0x200: {  	[sflag:s0] =	ssyncadd.s32 @!p0 s1  }
0x201: {  	[bflag:$0x3] =	sbarrier.arrive $0xFFFF  }
0x202: {  	_ =	shalt  }

// kernel: kernel.9.cloned.1.call-start
scs
__scs_entry_jumppad:
0x0: {  	(pc) =	sbr.rel $0x88, $3  }
0x1: {  	(tag) =	ssettag $0x0;
	lr =	simm.s32 $0x1  }
0x2: {  	[smem:$0x3F96] =	sst lr;
	_ =	strace $0xD0000000  }
0x3: {  	_ = 	snop  }
0x4: {  	_ = 	snop  }
0x5: {  	_ = 	snop  }
0x6: {  	_ = 	snop  }
0x7: {  	_ = 	snop  }
__scs_overlays_trampoline_lowered:
0x8: {  	[smem:$0x3FA5] =	sst s0  }
0x9: {  	[smem:$0x3FA6] =	sst s1  }
0xa: {  	[smem:$0x3FA7] =	sst s2  }
0xb: {  	[smem:$0x3FA8] =	sst s3  }
0xc: {  	[smem:$0x3FA9] =	sst s4  }
0xd: {  	[smem:$0x3FAA] =	sst s5  }
0xe: {  	[smem:$0x3FAB] =	sst s6  }
0xf: {  	[smem:$0x3FAC] =	sst s7  }
0x10: {  	[smem:$0x3FAD] =	sst s8  }
0x11: {  	[smem:$0x3FAE] =	sst s9;
	s0 =	simm.s32 @!p0 $0x0  }
0x12: {  	s1 =	sld [smem:$0x3F94];
	s0 =	simm.s32 @p0 $0x1  }
0x13: {  	[smem:$0x3FAF] =	sst s0;
	s0 =	simm.s32 @!p1 $0x0  }
0x14: {  	s2 =	sld [smem:$0x3F93];
	s0 =	simm.s32 @p1 $0x1  }
0x15: {  	[smem:$0x3FB0] =	sst s0;
	s0 =	simm.s32 @!p2 $0x0  }
0x16: {  	s3 =	sld [smem:$0x3FDB];
	s0 =	simm.s32 @p2 $0x1  }
0x17: {  	s4 =	simm.s32 $0x1BF5;
	[smem:$0x3FB2] =	sst s0  }
0x18: {  	s0 =	sld [smem:$0x3F95];
	_ =	swait.ge [sflag:s4], $0x0  }
0x19: {  	s7 =	sld [smem:$0x3F96]  }
0x1a: {  	s8 =	sadd.s32 $0xFFFFE003, lr  }
0x1b: {  	s9 =	sadd.s32 $0xFFFFFEF7, lr;
	s5 =	simm.s32 $0xFFFFFFFF;
	p2 =	slt.u32 s8, $0xFFFFF086  }
0x1c: {  	p1 =	slt.u32 s9, $0xF7A;
	s5 =	simm.s32 @!p2 $0x0  }
0x1d: {  	s5 =	simm.s32 @p1 $0x1;
	p0 =	seq.s32 s7, s2  }
0x1e: {  	s7 =	smul.u32 @!p0 $0xF7A, s2;
	p2 =	seq.s32 @!p0 s5, $0x0  }
0x1f: {  	s9 =	smul.u32 $0xF7A, s1;
	s8 =	simm.s32 @!p0 $0x1BF5;
	p2 =	por !p2, p0  }
0x20: {  	[sflag:s8] =	ssyncset.s32 @!p0 $0xFFFFF086;
	s6 =	sadd.s32 @!p0 s3, s7;
	s7 =	simm.s32 @!p0 $0x108  }
0x21: {  	s3 =	sadd.s32 s3, s9;
	s6 =	sadd.s32 @!p0 $0x88, s6;
	s7 =	simm.s32 @p2 $0x1082  }
0x22: {  	[simem:s7], [sflag:s8] =	dma.local @!p0 [hbm:s6], $0xF7A  }
0x23: {  	s9 =	sor.u32 $0xD0000000, s2;
	s6 =	simm.s32 $0x108;
	_ =	swait.ge @!p0 [sflag:s8], $0x0  }
0x24: {  	s3 =	sadd.s32 $0x88, s3;
	s6 =	simm.s32 @!p1 $0x1082;
	[sflag:s4] =	ssyncset.s32 $0xFFFFF086  }
0x25: {  	[simem:s6], [sflag:s4] =	dma.local [hbm:s3], $0xF7A  }
0x26: {  	[smem:$0x3F96] =	sst s1;
	(tag) =	ssettag s2;
	_ =	strace s9  }
0x27: {  	s1 =	sld [smem:$0x3FA6]  }
0x28: {  	s2 =	sld [smem:$0x3FA7]  }
0x29: {  	s4 =	sld [smem:$0x3FA9]  }
0x2a: {  	p0 =	seq.s32 s5, $0x0;
	s5 =	sld [smem:$0x3FAA]  }
0x2b: {  	s6 =	sld [smem:$0x3FAB]  }
0x2c: {  	s7 =	sld [smem:$0x3FAC]  }
0x2d: {  	s3 =	simm.s32 $0x108;
	s8 =	sld [smem:$0x3FAD]  }
0x2e: {  	s3 =	simm.s32 @!p0 $0x1082;
	s9 =	sld [smem:$0x3FAE]  }
0x2f: {  	lr =	sadd.s32 s0, s3;
	s0 =	sld [smem:$0x3FA5]  }
0x30: {  	s3 =	sld [smem:$0x3FA8]  }
0x31: {  	[smem:$0x3FB1] =	sst s10  }
0x32: {  	s10 =	sld [smem:$0x3FAF];
	_ =	sdelay $0x3  }
0x33: {  	p0 =	seq.s32 s10, $0x1;
	s10 =	sld [smem:$0x3FB1];
	_ =	sdelay $0x3  }
0x34: {  	[smem:$0x3FB1] =	sst s10  }
0x35: {  	s10 =	sld [smem:$0x3FB0];
	_ =	sdelay $0x3  }
0x36: {  	p1 =	seq.s32 s10, $0x1;
	s10 =	sld [smem:$0x3FB1];
	_ =	sdelay $0x3  }
0x37: {  	[smem:$0x3FB1] =	sst s10  }
0x38: {  	s10 =	sld [smem:$0x3FB2]  }
0x39: {  	_ = 	snop;
	(pc) =	sbr.ind lr, $3  }
0x3a: {  	_ = 	snop  }
0x3b: {  	_ = 	snop  }
0x3c: {  	p2 =	seq.s32 s10, $0x1;
	s10 =	sld [smem:$0x3FB1]  }
0x3d: {  	_ =	shalt  }
0x3e: {  	_ =	shalt  }
0x3f: {  	_ =	shalt  }
0x40: {  	_ =	shalt  }
0x41: {  	_ =	shalt  }
0x42: {  	_ =	shalt  }
0x43: {  	_ =	shalt  }
0x44: {  	_ =	shalt  }
0x45: {  	_ =	shalt  }
0x46: {  	_ =	shalt  }
0x47: {  	_ =	shalt  }
0x48: {  	_ =	shalt  }
0x49: {  	_ =	shalt  }
0x4a: {  	_ =	shalt  }
0x4b: {  	_ =	shalt  }
0x4c: {  	_ =	shalt  }
0x4d: {  	_ =	shalt  }
0x4e: {  	_ =	shalt  }
0x4f: {  	_ =	shalt  }
0x50: {  	_ =	shalt  }
0x51: {  	_ =	shalt  }
0x52: {  	_ =	shalt  }
0x53: {  	_ =	shalt  }
0x54: {  	_ =	shalt  }
0x55: {  	_ =	shalt  }
0x56: {  	_ =	shalt  }
0x57: {  	_ =	shalt  }
0x58: {  	_ =	shalt  }
0x59: {  	_ =	shalt  }
0x5a: {  	_ =	shalt  }
0x5b: {  	_ =	shalt  }
0x5c: {  	_ =	shalt  }
0x5d: {  	_ =	shalt  }
0x5e: {  	_ =	shalt  }
0x5f: {  	_ =	shalt  }
0x60: {  	_ =	shalt  }
0x61: {  	_ =	shalt  }
0x62: {  	_ =	shalt  }
0x63: {  	_ =	shalt  }
0x64: {  	_ =	shalt  }
0x65: {  	_ =	shalt  }
0x66: {  	_ =	shalt  }
0x67: {  	_ =	shalt  }
0x68: {  	_ =	shalt  }
0x69: {  	_ =	shalt  }
0x6a: {  	_ =	shalt  }
0x6b: {  	_ =	shalt  }
0x6c: {  	_ =	shalt  }
0x6d: {  	_ =	shalt  }
0x6e: {  	_ =	shalt  }
0x6f: {  	_ =	shalt  }
0x70: {  	_ =	shalt  }
0x71: {  	_ =	shalt  }
0x72: {  	_ =	shalt  }
0x73: {  	_ =	shalt  }
0x74: {  	_ =	shalt  }
0x75: {  	_ =	shalt  }
0x76: {  	_ =	shalt  }
0x77: {  	_ =	shalt  }
0x78: {  	_ =	shalt  }
0x79: {  	_ =	shalt  }
0x7a: {  	_ =	shalt  }
0x7b: {  	_ =	shalt  }
0x7c: {  	_ =	shalt  }
0x7d: {  	_ =	shalt  }
0x7e: {  	_ =	shalt  }
0x7f: {  	_ =	shalt  }
0x80: {  	_ =	shalt  }
0x81: {  	_ =	shalt  }
0x82: {  	_ =	shalt  }
0x83: {  	_ =	shalt  }
0x84: {  	_ =	shalt  }
0x85: {  	_ =	shalt  }
0x86: {  	_ =	shalt  }
0x87: {  	_ =	shalt  }
.Lfunc_end0:
.L_simem_size_0:
called_computation_lowered:
.L_overlay_start_0:
0x88: {  	s2 =	sld [smem:$0x3FD9]  }
0x89: {  	s3 =	sld [smem:$0x3FFE];
	_ =	sdelay $0x1  }
0x8a: {  	s1 =	srdreg.scid  }
0x8b: {  	s0 =	sand.u32 $0x1, s1  }
0x8c: {  	s16 =	sshll.u32 s0, $0xA;
	s2 =	sadd.s32 s3, s2  }
0x8d: {  	s2 =	sadd.s32 s2, s16  }
0x8e: {  	[smem:$0x3FBD] =	sst s2  }
0x8f: {  	_ = 	snop  }
0x90: {  	(tm) =	ssettm $0x1  }
0x91: {  	s17 =	sld [smem:$0x3FFB];
	_ =	sdelay $0x3  }
0x92: {  	_ =	strace s17  }
0x93: {  	s2 =	sld [smem:$0x3FFC];
	_ =	sdelay $0x3  }
0x94: {  	_ =	strace s2  }
0x95: {  	s2 =	sld [smem:$0x3FFD];
	_ =	sdelay $0x3  }
0x96: {  	_ =	strace s2  }
0x97: {  	_ =	strace $0x8FFFFFFF  }
0x98: {  	s18 =	sld [smem:$0x3FDB];
	_ =	sdelay $0x1  }
0x99: {  	s19 =	simm.s32 $_scs_section_size  }
0x9a: {  	s4 =	simm.s32 $_size__tile_overlayer_lowered;
	s5 =	simm.s32 $_tile_overlayer_lowered  }
0x9b: {  	s22 =	simm.s32 $0x1BFF;
	s21 =	sshll.u32 s5, $0x1;
	s2 =	sadd.s32 s19, s18  }
0x9c: {  	s6 =	simm.s32 $0x0;
	s20 =	sshll.u32 s4, $0x1;
	s4 =	sadd.s32 s21, s2  }
0x9d: {  	[timem:s6], [sflag:s22] =	dma.local [hbm:s4], s20  }
0x9e: {  	_ =	swait.ge [sflag:s22], s20  }
0x9f: {  	s3 =	ssub.s32 $0x0, s20;
	[sflag:s22] =	ssyncset.done $0x0  }
0xa0: {  	[sflag:s22] =	ssyncadd.s32 s3;
	_ =	sdelay $0x1  }
0xa1: {  	s23 =	simm.s32 $0x1B8B  }
0xa2: {  	_ =	swait.ge [sflag:s23], $0x1  }
0xa3: {  	[sflag:s23] =	ssyncset.done $0x0  }
0xa4: {  	s25 =	simm.s32 $0x1B8E;
	s24 =	sld [smem:$0x3FFE];
	[sflag:s23] =	ssyncadd.s32 $0xFFFFFFFF  }
0xa5: {  	s26 =	simm.s32 $execute0_lowered;
	[smem:$0x3FD2] =	sst s25  }
0xa6: {  	s4 =	sshll.u32 s26, $0x1;
	_ =	strace $0x80000046;
	[dreg:$0x1] =	wrdreg $0xFFFFFFFF  }
0xa7: {  	s28 =	simm.s32 $_size_execute0_lowered;
	s2 =	sadd.s32 s2, s4;
	[dreg:$0x0] =	wrdreg $0x0  }
0xa8: {  	s4 =	sshll.u32 s28, $0x1;
	[dreg:$0x2] =	wrdreg s2  }
0xa9: {  	[dreg:$0x3] =	wrdreg s4  }
0xaa: {  	[dreg:$0x4] =	wrdreg $0xC0  }
0xab: {  	_ =	task [dreg:s6], $0x5FFFF  }
0xac: {  	[dreg:$0x1] =	wrdreg $0xFFFFFFFF  }
0xad: {  	[dreg:$0x0] =	wrdreg $0x60  }
0xae: {  	[dreg:$0x2] =	wrdreg s24  }
0xaf: {  	[dreg:$0x3] =	wrdreg $0x76400  }
0xb0: {  	[dreg:$0x4] =	wrdreg $0x1BF400  }
0xb1: {  	[dreg:$0x5] =	wrdreg $0x9  }
0xb2: {  	_ =	task.clear_ibuf [dreg:s6], $0x6FFFF;
	_ =	strace $0x90000046  }
0xb3: {  	s29 =	simm.s32 $0x9;
	_ =	strace $0x80000048  }
0xb4: {  	_ =	swait.ge [sflag:s29], $0x1  }
0xb5: {  	[sflag:s29] =	ssyncadd.s32 $0xFFFFFFFF  }
0xb6: {  	_ =	strace $0x90000048  }
0xb7: {  	_ =	sfence  }
0xb8: {  	s30 =	sld [smem:$0x0];
	_ =	sdelay $0x2  }
0xb9: {  	s31 =	sshll.u32 s1, $0xD;
	s1 =	sshrl.u32 s1, $0x2  }
0xba: {  	s3 =	sand.u32 $0x4000, s31;
	s1 =	sadd.s32 s1, s30  }
0xbb: {  	s0 =	sor.u32 s3, s0;
	s1 =	sshll.u32 s1, $0x11  }
0xbc: {  	s0 =	sor.u32 s1, s0  }
0xbd: {  	s0 =	sadd.s32 $0x8F2B, s0  }
0xbe: {  	[sflag:s0] =	ssyncadd.remote.s32 $0x1  }
0xbf: {  	_ =	sfence.sel $0xFFFF  }
0xc0: {  	[dreg:$0x0] =	wrdreg $0xFFFFFFFF;
	(pc) =	sbr.abs _section_cstart, $3  }
0xc1: {  	[dreg:$0x1] =	wrdreg $0xFFFFFFFF  }
0xc2: {  	_ =	task.clear_ibuf [dreg:s6], $0x2FFFF;
	_ =	strace $0x9FFFFFFF  }
0xc3: {  	(tm) =	ssettm $0x7FFFFFFF  }
tec
execute0_lowered:
.L_overlay_start_1:
0x0: {  	(tag) =	ssettag $0x1  }
0x1: {  	s1 =	rddreg [dreg:$0x0]  }
0x2: {  	s2 =	rddreg [dreg:$0x1];
	s17 =	stileid.u32  }
0x3: {  	s0 =	srdreg.scid;
	s8 =	smul.u32 $0x14000, s17  }
0x4: {  	s3 =	rddreg [dreg:$0x2];
	s4 =	simm.s32 $0x0;
	s9 =	smul.u32 $0x2800, s17  }
0x5: {  	s30 =	simm.s32 $0x370;
	s29 =	simm.s32 $0x0;
	s13 =	smul.u32 $0x280, s17  }
0x6: {  	s7 =	sand.u32 $0x1, s0;
	[smem:$0x7FF] =	sst s4;
	s22 =	smul.u32 $0x4E20, s17  }
0x7: {  	s5 =	sadd.s32 $0x16800, s1;
	s6 =	sadd.s32 $0x2E00, s1;
	s0 =	smul.u32 $0x140000, s7  }
0x8: {  	s19 =	sshll.u32 s17, $0x1;
	s10 =	smul.u32 $0x28000, s7;
	s11 =	ssub.s32 $0x2, s7  }
0x9: {  	_ =	strace $0x80000047;
	s12 =	sshrl.u32 s11, $0x1;
	s14 =	sadd.s32 $0x80, s13  }
0xa: {  	s0 =	sadd.s32 s8, s0;
	s10 =	sadd.s32 s9, s10;
	s16 =	sshll.u32 s14, $0x7  }
0xb: {  	s8 =	sadd.s32 s8, s2;
	s9 =	sadd.s32 s9, s3;
	s0 =	sshrl.u32 s0, $0x3  }
0xc: {  	s10 =	sshrl.u32 s10, $0x3;
	[dreg:$0x4] =	wrdreg s8;
	s21 =	sadd.s32 s16, s2  }
0xd: {  	s8 =	sadd.s32 $0xC0, s13;
	s16 =	sadd.s32 $0x180, s13;
	[dreg:$0xe] =	wrdreg s9  }
0xe: {  	s0 =	sadd.s32 s0, s1;
	s1 =	sadd.s32 s10, s1;
	s10 =	ssub.s32 s11, s12  }
0xf: {  	s11 =	sor.u32 s7, s19;
	s12 =	sor.u32 $0x40, s13;
	[dreg:$0x6] =	wrdreg s21  }
0x10: {  	s23 =	sshll.u32 s8, $0x7;
	s7 =	smul.u32 $0x2710, s7;
	s26 =	sshll.u32 s16, $0x7  }
0x11: {  	s19 =	sadd.s32 $0x1C0, s13;
	s8 =	sshll.u32 s8, $0x4;
	s11 =	smul.u32 $0x2710, s11  }
0x12: {  	s15 =	sshll.u32 s12, $0x7;
	s17 =	sadd.s32 s23, s2;
	s28 =	sshll.u32 s19, $0x7  }
0x13: {  	s12 =	sshll.u32 s12, $0x4;
	s23 =	sshll.u32 s14, $0x4;
	s8 =	sadd.s32 s8, s3  }
0x14: {  	s0 =	sadd.s32 $0x47A00, s0;
	s20 =	sadd.s32 s15, s2;
	[dreg:$0x7] =	wrdreg s17  }
0x15: {  	s15 =	sadd.s32 $0x100, s13;
	s17 =	sadd.s32 $0x140, s13;
	[dreg:$0x11] =	wrdreg s8  }
0x16: {  	s7 =	sadd.s32 s7, s22;
	s22 =	sadd.s32 s12, s3;
	[dreg:$0x19] =	wrdreg s0  }
0x17: {  	s9 =	sadd.s32 s23, s3;
	s12 =	simm.s32 $0x460;
	[dreg:$0x5] =	wrdreg s20  }
0x18: {  	s18 =	sshll.u32 s15, $0x7;
	s25 =	sshll.u32 s17, $0x7;
	[dreg:$0xf] =	wrdreg s22  }
0x19: {  	s20 =	sadd.s32 $0x200, s13;
	s13 =	sadd.s32 $0x240, s13;
	[dreg:$0x10] =	wrdreg s9  }
0x1a: {  	s11 =	sshrl.u32 s11, $0x3;
	s22 =	sadd.s32 $0x4E6B0, s7;
	s24 =	sadd.s32 s18, s2  }
0x1b: {  	s18 =	sadd.s32 s25, s2;
	s31 =	sshll.u32 s20, $0x7;
	s21 =	sshll.u32 s13, $0x7  }
0x1c: {  	s11 =	sadd.s32 s6, s11;
	s23 =	sshrl.u32 s22, $0x3;
	[dreg:$0x8] =	wrdreg s24  }
0x1d: {  	s22 =	simm.s32 $0x640;
	[dreg:$0x9] =	wrdreg s18;
	s18 =	sadd.s32 s26, s2  }
0x1e: {  	s24 =	sshll.u32 s15, $0x4;
	s26 =	sshll.u32 s17, $0x4;
	[dreg:$0x18] =	wrdreg s11  }
0x1f: {  	s17 =	sshll.u32 s13, $0x4;
	s13 =	simm.s32 $0x5F0;
	[dreg:$0xa] =	wrdreg s18  }
0x20: {  	s18 =	sadd.s32 s28, s2;
	s25 =	sadd.s32 s24, s3;
	s28 =	sshll.u32 s16, $0x4  }
0x21: {  	s8 =	sadd.s32 s26, s3;
	s16 =	sshll.u32 s20, $0x4;
	s20 =	sadd.s32 $0x4B0, s7  }
0x22: {  	s24 =	sadd.s32 $0x4E520, s7;
	s7 =	sadd.s32 $0x320, s7;
	[dreg:$0xb] =	wrdreg s18  }
0x23: {  	s26 =	sadd.s32 $0x9C40, s11;
	s18 =	sadd.s32 s31, s2;
	[dreg:$0x12] =	wrdreg s25  }
0x24: {  	s31 =	sshll.u32 s19, $0x4;
	[dreg:$0x13] =	wrdreg s8;
	s14 =	sadd.s32 s28, s3  }
0x25: {  	s8 =	sadd.s32 s16, s3;
	s19 =	sadd.s32 $0x3DA00, s1;
	[dreg:$0x1c] =	wrdreg s7  }
0x26: {  	s0 =	sshrl.u32 s20, $0x3;
	s25 =	sshrl.u32 s24, $0x3;
	[dreg:$0x1d] =	wrdreg s26  }
0x27: {  	s28 =	sadd.s32 $0x32, s11;
	s16 =	simm.s32 $0x320;
	[dreg:$0xc] =	wrdreg s18  }
0x28: {  	s20 =	simm.s32 $0x4B0;
	s24 =	simm.s32 $0x2E40;
	[dreg:$0x14] =	wrdreg s14  }
0x29: {  	s26 =	simm.s32 $0x3;
	s7 =	simm.s32 $0x5A0;
	[dreg:$0x16] =	wrdreg s8  }
0x2a: {  	s18 =	sadd.s32 s21, s2;
	s15 =	sadd.s32 s31, s3;
	[dreg:$0x1a] =	wrdreg s19  }
0x2b: {  	s21 =	smax.u32 s10, $0x1;
	s1 =	sadd.s32 s0, s6;
	s0 =	sadd.s32 s23, s6  }
0x2c: {  	s9 =	sadd.s32 s25, s6;
	[dreg:$0x1e] =	wrdreg s28;
	s31 =	sadd.s32 $0x9C72, s11  }
0x2d: {  	s14 =	simm.s32 $0x4;
	s19 =	simm.s32 $0x190;
	s23 =	simm.s32 $0x1  }
.Ltmp0:
0x2e: {  	s25 =	simm.s32 $0x1B640;
	[dreg:$0xd] =	wrdreg s18;
	(pc) =	sbr.rel .LBB2_1-.Ltmp0, $4  }
0x2f: {  	s10 =	simm.s32 $0x3C0;
	s11 =	simm.s32 $0x140;
	[dreg:$0x15] =	wrdreg s15  }
0x30: {  	s8 =	simm.s32 $0x410;
	s18 =	sadd.s32 s17, s3;
	[dreg:$0x1b] =	wrdreg s21  }
0x31: {  	[dreg:$0x1f] =	wrdreg s31;
	s21 =	simm.s32 $0x50;
	s17 =	simm.s32 $0x500  }
0x32: {  	v0 =	vimm.f32 $0.0e+00;
	v1 =	vimm.f32 $1.000000000e+00;
	s15 =	simm.s32 $0x550;
	[dreg:$0x17] =	wrdreg s18;
	s18 =	simm.s32 $0x2  }
.LBB2_10:
0x33: {  	_ =	swait.ge [sflag:s23], $0x2800  }
0x34: {  	[sflag:s23] =	ssyncset.done $0x0  }
0x35: {  	[sflag:s23] =	ssyncadd.s32 $0xFFFFD800  }
0x36: {  	_ =	swait.ge [sflag:s26], $0x2800  }
0x37: {  	[sflag:s26] =	ssyncset.done $0x0  }
0x38: {  	[sflag:s26] =	ssyncadd.s32 $0xFFFFD800  }
0x39: {  	_ =	swait.ge [sflag:s26], $0x500  }
0x3a: {  	[sflag:s26] =	ssyncset.done $0x0  }
0x3b: {  	[sflag:s26] =	ssyncadd.s32 $0xFFFFFB00  }
0x3c: {  	[tilespmem:s24], [sflag:$0x1] =	stream.indirect.gather [hbm4b:s5+s21], $0x80, s21, s21, $0xb8;
	[tilespmem:$0x1E740] =	vst v63  }
0x3d: {  	_ = 	snop  }
0x3e: {  	[spmem:s2] =	stream.indirect.scatter.add.f32 [tilespmem:s22], [sflag:$0x3], $0x80, s16, s21, $0xb8;
	[tilespmem:$0x1E740] =	vst v63  }
0x3f: {  	_ = 	snop  }
0x40: {  	[spmem:s3] =	stream.indirect.scatter.add.f32 [tilespmem:s25], [sflag:$0x3], $0x10, s16, s21, $0xb8;
	[tilespmem:$0x1E740] =	vst v63  }
0x41: {  	_ =	swait.ge [sflag:s23], $0x2800  }
0x42: {  	[sflag:s23] =	ssyncset.done $0x0  }
0x43: {  	[sflag:s23] =	ssyncadd.s32 $0xFFFFD800  }
0x44: {  	_ =	swait.ge [sflag:s26], $0x2800  }
0x45: {  	[sflag:s26] =	ssyncset.done $0x0  }
0x46: {  	[sflag:s26] =	ssyncadd.s32 $0xFFFFD800  }
0x47: {  	_ =	swait.ge [sflag:s26], $0x500  }
0x48: {  	[sflag:s26] =	ssyncset.done $0x0  }
0x49: {  	s28 =	simm.s32 $0xA0;
	[sflag:s26] =	ssyncadd.s32 $0xFFFFFB00  }
0x4a: {  	[tilespmem:s22], [sflag:$0x1] =	stream.indirect.gather [hbm4b:s5+s21], $0x80, s28, s21, $0xb8;
	[tilespmem:$0x1E740] =	vst v63  }
0x4b: {  	_ = 	snop  }
0x4c: {  	[spmem:s2] =	stream.indirect.scatter.add.f32 [tilespmem:s24], [sflag:$0x3], $0x80, s30, s21, $0xb8;
	[tilespmem:$0x1E740] =	vst v63  }
0x4d: {  	_ = 	snop  }
0x4e: {  	[spmem:s3] =	stream.indirect.scatter.add.f32 [tilespmem:s25], [sflag:$0x3], $0x10, s30, s21, $0xb8;
	[tilespmem:$0x1E740] =	vst v63  }
0x4f: {  	_ =	swait.ge [sflag:s23], $0x2800  }
0x50: {  	[sflag:s23] =	ssyncset.done $0x0  }
0x51: {  	[sflag:s23] =	ssyncadd.s32 $0xFFFFD800  }
0x52: {  	_ =	swait.ge [sflag:s26], $0x2800  }
0x53: {  	[sflag:s26] =	ssyncset.done $0x0  }
0x54: {  	[sflag:s26] =	ssyncadd.s32 $0xFFFFD800  }
0x55: {  	_ =	swait.ge [sflag:s26], $0x500  }
0x56: {  	[sflag:s26] =	ssyncset.done $0x0  }
0x57: {  	s31 =	simm.s32 $0xF0;
	[sflag:s26] =	ssyncadd.s32 $0xFFFFFB00  }
0x58: {  	[tilespmem:s24], [sflag:$0x1] =	stream.indirect.gather [hbm4b:s5+s21], $0x80, s31, s21, $0xb8;
	[tilespmem:$0x1E740] =	vst v63  }
0x59: {  	_ = 	snop  }
0x5a: {  	[spmem:s2] =	stream.indirect.scatter.add.f32 [tilespmem:s22], [sflag:$0x3], $0x80, s10, s21, $0xb8;
	[tilespmem:$0x1E740] =	vst v63  }
0x5b: {  	_ = 	snop  }
0x5c: {  	[spmem:s3] =	stream.indirect.scatter.add.f32 [tilespmem:s25], [sflag:$0x3], $0x10, s10, s21, $0xb8;
	[tilespmem:$0x1E740] =	vst v63  }
0x5d: {  	_ =	swait.ge [sflag:s23], $0x2800  }
0x5e: {  	[sflag:s23] =	ssyncset.done $0x0  }
0x5f: {  	[sflag:s23] =	ssyncadd.s32 $0xFFFFD800  }
0x60: {  	_ =	swait.ge [sflag:s26], $0x2800  }
0x61: {  	[sflag:s26] =	ssyncset.done $0x0  }
0x62: {  	[sflag:s26] =	ssyncadd.s32 $0xFFFFD800  }
0x63: {  	_ =	swait.ge [sflag:s26], $0x500  }
0x64: {  	[sflag:s26] =	ssyncset.done $0x0  }
0x65: {  	[sflag:s26] =	ssyncadd.s32 $0xFFFFFB00  }
0x66: {  	[tilespmem:s22], [sflag:$0x1] =	stream.indirect.gather [hbm4b:s5+s21], $0x80, s11, s21, $0xb8;
	[tilespmem:$0x1E740] =	vst v63  }
0x67: {  	_ = 	snop  }
0x68: {  	[spmem:s2] =	stream.indirect.scatter.add.f32 [tilespmem:s24], [sflag:$0x3], $0x80, s8, s21, $0xb8;
	[tilespmem:$0x1E740] =	vst v63  }
0x69: {  	_ = 	snop  }
0x6a: {  	[spmem:s3] =	stream.indirect.scatter.add.f32 [tilespmem:s25], [sflag:$0x3], $0x10, s8, s21, $0xb8;
	[tilespmem:$0x1E740] =	vst v63  }
0x6b: {  	_ =	swait.ge [sflag:s23], $0x2800  }
0x6c: {  	[sflag:s23] =	ssyncset.done $0x0  }
0x6d: {  	[sflag:s23] =	ssyncadd.s32 $0xFFFFD800  }
0x6e: {  	_ =	swait.ge [sflag:s26], $0x2800  }
0x6f: {  	[sflag:s26] =	ssyncset.done $0x0  }
0x70: {  	[sflag:s26] =	ssyncadd.s32 $0xFFFFD800  }
0x71: {  	_ =	swait.ge [sflag:s26], $0x500  }
0x72: {  	[sflag:s26] =	ssyncset.done $0x0  }
0x73: {  	[sflag:s26] =	ssyncadd.s32 $0xFFFFFB00  }
0x74: {  	[spmem:s2] =	stream.indirect.scatter.add.f32 [tilespmem:s22], [sflag:$0x3], $0x80, s12, s21, $0xb8;
	[tilespmem:$0x1E740] =	vst v63  }
0x75: {  	_ = 	snop  }
0x76: {  	[spmem:s3] =	stream.indirect.scatter.add.f32 [tilespmem:s25], [sflag:$0x3], $0x10, s12, s21, $0xb8;
	[tilespmem:$0x1E740] =	vst v63  }
0x77: {  	_ =	swait.ge [sflag:s26], $0x2800  }
0x78: {  	[sflag:s26] =	ssyncset.done $0x0  }
0x79: {  	[sflag:s26] =	ssyncadd.s32 $0xFFFFD800  }
0x7a: {  	_ =	swait.ge [sflag:s26], $0x500  }
0x7b: {  	[sflag:s26] =	ssyncset.done $0x0  }
0x7c: {  	[sflag:s26] =	ssyncadd.s32 $0xFFFFFB00  }
0x7d: {  	s31 =	stileid.u32;
	[bflag:$0x0] =	sbarrier.arrive $0xFFFF  }
0x7e: {  	s28 =	sshll.u32 s31, $0x6;
	s29 =	rddreg [dreg:$0x4]  }
0x7f: {  	s28 =	sor.u32 $0x1C04, s28;
	s31 =	rddreg [dreg:$0x19];
	s29 =	sshrl.u32 s29, $0x3  }
0x80: {  	[hbm:s31], [sflag:s28] =	dma.local [spmem:s29], $0x2800  }
0x81: {  	_ =	swait.ge [sflag:s14], $0x2800  }
0x82: {  	[sflag:s14] =	ssyncset.done $0x0;
	s29 =	rddreg [dreg:$0xe]  }
0x83: {  	s31 =	rddreg [dreg:$0x1a];
	[sflag:s14] =	ssyncadd.s32 $0xFFFFD800;
	s29 =	sshrl.u32 s29, $0x3  }
0x84: {  	[hbm:s31], [sflag:s28] =	dma.local [spmem:s29], $0x500  }
0x85: {  	_ =	swait.ge [sflag:s14], $0x500  }
0x86: {  	s29 =	sld [smem:$0x7FD];
	_ =	sdelay $0x2  }
0x87: {  	s31 =	rddreg [dreg:$0x1b];
	s29 =	sadd.s32 $0x1, s29  }
0x88: {  	p0 =	sne.s32 s29, s31  }
.Ltmp1:
0x89: {  	_ = 	snop;
	(pc) =	sbr.rel @!p0 .LBB2_11-.Ltmp1, $3  }
0x8a: {  	_ =	sdelay $0x1  }
0x8b: {  	[sflag:s14] =	ssyncset.done $0x0  }
0x8c: {  	[sflag:s14] =	ssyncadd.s32 $0xFFFFFB00  }
.LBB2_1:
0x8d: {  	[smem:$0x7FD] =	sst s29;
	s28 =	simm.s32 $0x0;
	s29 =	simm.s32 $0x200  }
.LBB2_2:
0x8e: {  	p0 =	sne.s32 s29, $0x7E00;
	[tilespmem:s28+$0x56B0] =	vst v0  }
0x8f: {  	[tilespmem:s28+$0x5640] =	vst v0  }
0x90: {  	[tilespmem:s28+$0x5650] =	vst v0  }
.Ltmp2:
0x91: {  	[tilespmem:s28+$0x5660] =	vst v0;
	(pc) =	sbr.rel @p0 .LBB2_2-.Ltmp2, $4  }
0x92: {  	[tilespmem:s28+$0x5670] =	vst v0  }
0x93: {  	[tilespmem:s28+$0x5680] =	vst v0  }
0x94: {  	[tilespmem:s28+$0x5690] =	vst v0  }
0x95: {  	[tilespmem:s28+$0x56A0] =	vst v0;
	s28 =	sshra.s32 s29, $0x2;
	s29 =	sadd.s32 $0x200, s29  }
0x96: {  	[tilespmem:s28+$0x56B0] =	vst v0  }
0x97: {  	[tilespmem:s28+$0x5640] =	vst v0  }
0x98: {  	[tilespmem:s28+$0x5650] =	vst v0  }
0x99: {  	[tilespmem:s28+$0x5660] =	vst v0  }
0x9a: {  	[tilespmem:s28+$0x5670] =	vst v0  }
0x9b: {  	[tilespmem:s28+$0x5680] =	vst v0  }
0x9c: {  	[tilespmem:s28+$0x5690] =	vst v0  }
0x9d: {  	[tilespmem:s28+$0x56A0] =	vst v0;
	s29 =	simm.s32 $0x5640;
	s31 =	rddreg [dreg:$0x4]  }
0x9e: {  	[spmem:s31] =	stream.linear.scatter [tilespmem:s29], [sflag:$0x4], $0x2000, $0x38;
	[tilespmem:$0x1E740] =	vst v63  }
0x9f: {  	_ =	swait.ge [sflag:s14], $0x2000  }
0xa0: {  	[sflag:s14] =	ssyncset.done $0x0  }
0xa1: {  	s28 =	rddreg [dreg:$0x5];
	[sflag:s14] =	ssyncadd.s32 $0xFFFFE000  }
0xa2: {  	[spmem:s28] =	stream.linear.scatter [tilespmem:s29], [sflag:$0x4], $0x2000, $0x38;
	[tilespmem:$0x1E740] =	vst v63  }
0xa3: {  	_ =	swait.ge [sflag:s14], $0x2000  }
0xa4: {  	[sflag:s14] =	ssyncset.done $0x0  }
0xa5: {  	s28 =	rddreg [dreg:$0x6];
	[sflag:s14] =	ssyncadd.s32 $0xFFFFE000  }
0xa6: {  	[spmem:s28] =	stream.linear.scatter [tilespmem:s29], [sflag:$0x4], $0x2000, $0x38;
	[tilespmem:$0x1E740] =	vst v63  }
0xa7: {  	_ =	swait.ge [sflag:s14], $0x2000  }
0xa8: {  	[sflag:s14] =	ssyncset.done $0x0  }
0xa9: {  	s28 =	rddreg [dreg:$0x7];
	[sflag:s14] =	ssyncadd.s32 $0xFFFFE000  }
0xaa: {  	[spmem:s28] =	stream.linear.scatter [tilespmem:s29], [sflag:$0x4], $0x2000, $0x38;
	[tilespmem:$0x1E740] =	vst v63  }
0xab: {  	_ =	swait.ge [sflag:s14], $0x2000  }
0xac: {  	[sflag:s14] =	ssyncset.done $0x0  }
0xad: {  	s28 =	rddreg [dreg:$0x8];
	[sflag:s14] =	ssyncadd.s32 $0xFFFFE000  }
0xae: {  	[spmem:s28] =	stream.linear.scatter [tilespmem:s29], [sflag:$0x4], $0x2000, $0x38;
	[tilespmem:$0x1E740] =	vst v63  }
0xaf: {  	_ =	swait.ge [sflag:s14], $0x2000  }
0xb0: {  	[sflag:s14] =	ssyncset.done $0x0  }
0xb1: {  	s28 =	rddreg [dreg:$0x9];
	[sflag:s14] =	ssyncadd.s32 $0xFFFFE000  }
0xb2: {  	[spmem:s28] =	stream.linear.scatter [tilespmem:s29], [sflag:$0x4], $0x2000, $0x38;
	[tilespmem:$0x1E740] =	vst v63  }
0xb3: {  	_ =	swait.ge [sflag:s14], $0x2000  }
0xb4: {  	[sflag:s14] =	ssyncset.done $0x0  }
0xb5: {  	s28 =	rddreg [dreg:$0xa];
	[sflag:s14] =	ssyncadd.s32 $0xFFFFE000  }
0xb6: {  	[spmem:s28] =	stream.linear.scatter [tilespmem:s29], [sflag:$0x4], $0x2000, $0x38;
	[tilespmem:$0x1E740] =	vst v63  }
0xb7: {  	_ =	swait.ge [sflag:s14], $0x2000  }
0xb8: {  	[sflag:s14] =	ssyncset.done $0x0  }
0xb9: {  	s28 =	rddreg [dreg:$0xb];
	[sflag:s14] =	ssyncadd.s32 $0xFFFFE000  }
0xba: {  	[spmem:s28] =	stream.linear.scatter [tilespmem:s29], [sflag:$0x4], $0x2000, $0x38;
	[tilespmem:$0x1E740] =	vst v63  }
0xbb: {  	_ =	swait.ge [sflag:s14], $0x2000  }
0xbc: {  	[sflag:s14] =	ssyncset.done $0x0  }
0xbd: {  	s28 =	rddreg [dreg:$0xc];
	[sflag:s14] =	ssyncadd.s32 $0xFFFFE000  }
0xbe: {  	[spmem:s28] =	stream.linear.scatter [tilespmem:s29], [sflag:$0x4], $0x2000, $0x38;
	[tilespmem:$0x1E740] =	vst v63  }
0xbf: {  	_ =	swait.ge [sflag:s14], $0x2000  }
0xc0: {  	[sflag:s14] =	ssyncset.done $0x0  }
0xc1: {  	s28 =	rddreg [dreg:$0xd];
	[sflag:s14] =	ssyncadd.s32 $0xFFFFE000  }
0xc2: {  	[spmem:s28] =	stream.linear.scatter [tilespmem:s29], [sflag:$0x4], $0x2000, $0x38;
	[tilespmem:$0x1E740] =	vst v63  }
0xc3: {  	_ =	swait.ge [sflag:s14], $0x2000  }
0xc4: {  	[sflag:s14] =	ssyncset.done $0x0  }
0xc5: {  	s28 =	simm.s32 $0x40;
	s29 =	simm.s32 $0x0;
	[sflag:s14] =	ssyncadd.s32 $0xFFFFE000  }
.LBB2_4:
0xc6: {  	p0 =	sne.s32 s28, $0xFC0;
	[tilespmem:s29+$0x1BB40] =	vst v0;
	s29 =	smov.u32 s28;
	s28 =	sadd.s32 $0x40, s28  }
.Ltmp3:
0xc7: {  	(pc) =	sbr.rel @p0 .LBB2_4-.Ltmp3, $2  }
0xc8: {  	_ =	sdelay $0x2  }
0xc9: {  	s29 =	sshra.s32 s29, $0x2  }
0xca: {  	[tilespmem:s29+$0x1BB40] =	vst v0;
	s28 =	rddreg [dreg:$0xe];
	s29 =	simm.s32 $0x1BB40  }
0xcb: {  	[spmem:s28] =	stream.linear.scatter [tilespmem:s29], [sflag:$0x4], $0x400, $0x38;
	[tilespmem:$0x1E740] =	vst v63  }
0xcc: {  	_ =	swait.ge [sflag:s14], $0x400  }
0xcd: {  	[sflag:s14] =	ssyncset.done $0x0  }
0xce: {  	s28 =	rddreg [dreg:$0xf];
	[sflag:s14] =	ssyncadd.s32 $0xFFFFFC00  }
0xcf: {  	[spmem:s28] =	stream.linear.scatter [tilespmem:s29], [sflag:$0x4], $0x400, $0x38;
	[tilespmem:$0x1E740] =	vst v63  }
0xd0: {  	_ =	swait.ge [sflag:s14], $0x400  }
0xd1: {  	[sflag:s14] =	ssyncset.done $0x0  }
0xd2: {  	s28 =	rddreg [dreg:$0x10];
	[sflag:s14] =	ssyncadd.s32 $0xFFFFFC00  }
0xd3: {  	[spmem:s28] =	stream.linear.scatter [tilespmem:s29], [sflag:$0x4], $0x400, $0x38;
	[tilespmem:$0x1E740] =	vst v63  }
0xd4: {  	_ =	swait.ge [sflag:s14], $0x400  }
0xd5: {  	[sflag:s14] =	ssyncset.done $0x0  }
0xd6: {  	s28 =	rddreg [dreg:$0x11];
	[sflag:s14] =	ssyncadd.s32 $0xFFFFFC00  }
0xd7: {  	[spmem:s28] =	stream.linear.scatter [tilespmem:s29], [sflag:$0x4], $0x400, $0x38;
	[tilespmem:$0x1E740] =	vst v63  }
0xd8: {  	_ =	swait.ge [sflag:s14], $0x400  }
0xd9: {  	[sflag:s14] =	ssyncset.done $0x0  }
0xda: {  	s28 =	rddreg [dreg:$0x12];
	[sflag:s14] =	ssyncadd.s32 $0xFFFFFC00  }
0xdb: {  	[spmem:s28] =	stream.linear.scatter [tilespmem:s29], [sflag:$0x4], $0x400, $0x38;
	[tilespmem:$0x1E740] =	vst v63  }
0xdc: {  	_ =	swait.ge [sflag:s14], $0x400  }
0xdd: {  	[sflag:s14] =	ssyncset.done $0x0  }
0xde: {  	s28 =	rddreg [dreg:$0x13];
	[sflag:s14] =	ssyncadd.s32 $0xFFFFFC00  }
0xdf: {  	[spmem:s28] =	stream.linear.scatter [tilespmem:s29], [sflag:$0x4], $0x400, $0x38;
	[tilespmem:$0x1E740] =	vst v63  }
0xe0: {  	_ =	swait.ge [sflag:s14], $0x400  }
0xe1: {  	[sflag:s14] =	ssyncset.done $0x0  }
0xe2: {  	s28 =	rddreg [dreg:$0x14];
	[sflag:s14] =	ssyncadd.s32 $0xFFFFFC00  }
0xe3: {  	[spmem:s28] =	stream.linear.scatter [tilespmem:s29], [sflag:$0x4], $0x400, $0x38;
	[tilespmem:$0x1E740] =	vst v63  }
0xe4: {  	_ =	swait.ge [sflag:s14], $0x400  }
0xe5: {  	[sflag:s14] =	ssyncset.done $0x0  }
0xe6: {  	s28 =	rddreg [dreg:$0x15];
	[sflag:s14] =	ssyncadd.s32 $0xFFFFFC00  }
0xe7: {  	[spmem:s28] =	stream.linear.scatter [tilespmem:s29], [sflag:$0x4], $0x400, $0x38;
	[tilespmem:$0x1E740] =	vst v63  }
0xe8: {  	_ =	swait.ge [sflag:s14], $0x400  }
0xe9: {  	[sflag:s14] =	ssyncset.done $0x0  }
0xea: {  	s28 =	rddreg [dreg:$0x16];
	[sflag:s14] =	ssyncadd.s32 $0xFFFFFC00  }
0xeb: {  	[spmem:s28] =	stream.linear.scatter [tilespmem:s29], [sflag:$0x4], $0x400, $0x38;
	[tilespmem:$0x1E740] =	vst v63  }
0xec: {  	_ =	swait.ge [sflag:s14], $0x400  }
0xed: {  	[sflag:s14] =	ssyncset.done $0x0  }
0xee: {  	s28 =	rddreg [dreg:$0x17];
	[sflag:s14] =	ssyncadd.s32 $0xFFFFFC00  }
0xef: {  	[spmem:s28] =	stream.linear.scatter [tilespmem:s29], [sflag:$0x4], $0x400, $0x38;
	[tilespmem:$0x1E740] =	vst v63  }
0xf0: {  	_ =	swait.ge [sflag:s14], $0x400  }
0xf1: {  	[sflag:s14] =	ssyncset.done $0x0  }
0xf2: {  	s28 =	simm.s32 $0x40;
	s29 =	simm.s32 $0x0;
	[sflag:s14] =	ssyncadd.s32 $0xFFFFFC00  }
.LBB2_6:
0xf3: {  	p0 =	sne.s32 s28, $0x13C0;
	[tilespmem:s29+$0x1B640] =	vst v1;
	s29 =	smov.u32 s28;
	s28 =	sadd.s32 $0x40, s28  }
.Ltmp4:
0xf4: {  	(pc) =	sbr.rel @p0 .LBB2_6-.Ltmp4, $2  }
0xf5: {  	_ =	sdelay $0x2  }
0xf6: {  	s29 =	sshra.s32 s29, $0x2  }
0xf7: {  	[tilespmem:s29+$0x1B640] =	vst v1  }
0xf8: {  	[bflag:$0x0] =	sbarrier.arrive $0xFFFF  }
0xf9: {  	s28 =	simm.s32 $0x0;
	s29 =	rddreg [dreg:$0x18]  }
0xfa: {  	[tilespmem:s28], [sflag:$0x2] =	stream.linear.gather [hbm4b:s29+s28], $0x190, $0x38;
	[tilespmem:$0x1E740] =	vst v63  }
0xfb: {  	s29 =	rddreg [dreg:$0x1d]  }
0xfc: {  	[tilespmem:s16], [sflag:$0x2] =	stream.linear.gather [hbm4b:s29+s28], $0x190, $0x38;
	[tilespmem:$0x1E740] =	vst v63  }
0xfd: {  	_ =	swait.ge [sflag:s18], $0x190  }
0xfe: {  	[sflag:s18] =	ssyncset.done $0x0  }
0xff: {  	[sflag:s18] =	ssyncadd.s32 $0xFFFFFE70  }
0x100: {  	_ =	swait.ge [sflag:s18], $0x190  }
0x101: {  	[sflag:s18] =	ssyncset.done $0x0  }
0x102: {  	s29 =	rddreg [dreg:$0x1e];
	[sflag:s18] =	ssyncadd.s32 $0xFFFFFE70  }
0x103: {  	[tilespmem:s19], [sflag:$0x2] =	stream.linear.gather [hbm4b:s29+s28], $0x190, $0x38;
	[tilespmem:$0x1E740] =	vst v63  }
0x104: {  	s29 =	rddreg [dreg:$0x1f]  }
0x105: {  	[tilespmem:s20], [sflag:$0x2] =	stream.linear.gather [hbm4b:s29+s28], $0x190, $0x38;
	[tilespmem:$0x1E740] =	vst v63  }
0x106: {  	s29 =	rddreg [dreg:$0x1c]  }
0x107: {  	[tilespmem:s22], [sflag:$0x1] =	stream.indirect.gather [hbm4b:s5+s21], $0x80, s28, s21, $0xb8;
	[tilespmem:$0x1E740] =	vst v63  }
.LBB2_8:
0x108: {  	_ =	swait.ge [sflag:s23], $0x2800  }
0x109: {  	p0 =	seq.s32 s28, $0x0;
	[sflag:s23] =	ssyncset.done $0x0  }
0x10a: {  	s31 =	simm.s32 @!p0 $0x3;
	[sflag:s23] =	ssyncadd.s32 $0xFFFFD800  }
0x10b: {  	_ =	swait.ge @!p0 [sflag:s31], $0x2800  }
0x10c: {  	[sflag:s31] =	ssyncset.done @!p0 $0x0  }
0x10d: {  	[sflag:s31] =	ssyncadd.s32 @!p0 $0xFFFFD800  }
0x10e: {  	_ =	swait.ge @!p0 [sflag:s31], $0x500  }
0x10f: {  	[sflag:s31] =	ssyncset.done @!p0 $0x0  }
0x110: {  	[sflag:s31] =	ssyncadd.s32 @!p0 $0xFFFFFB00  }
0x111: {  	[tilespmem:s24], [sflag:$0x1] =	stream.indirect.gather [hbm4b:s5+s21], $0x80, s21, s21, $0xb8;
	[tilespmem:$0x1E740] =	vst v63  }
0x112: {  	_ = 	snop  }
0x113: {  	[spmem:s2] =	stream.indirect.scatter.add.f32 [tilespmem:s22], [sflag:$0x3], $0x80, s16, s21, $0xb8;
	[tilespmem:$0x1E740] =	vst v63  }
0x114: {  	_ = 	snop  }
0x115: {  	[spmem:s3] =	stream.indirect.scatter.add.f32 [tilespmem:s25], [sflag:$0x3], $0x10, s16, s21, $0xb8;
	[tilespmem:$0x1E740] =	vst v63  }
0x116: {  	_ =	swait.ge [sflag:s23], $0x2800  }
0x117: {  	[sflag:s23] =	ssyncset.done $0x0  }
0x118: {  	[sflag:s23] =	ssyncadd.s32 $0xFFFFD800  }
0x119: {  	_ =	swait.ge [sflag:s26], $0x2800  }
0x11a: {  	[sflag:s26] =	ssyncset.done $0x0  }
0x11b: {  	[sflag:s26] =	ssyncadd.s32 $0xFFFFD800  }
0x11c: {  	_ =	swait.ge [sflag:s26], $0x500  }
0x11d: {  	[sflag:s26] =	ssyncset.done $0x0  }
0x11e: {  	s31 =	simm.s32 $0xA0;
	[sflag:s26] =	ssyncadd.s32 $0xFFFFFB00  }
0x11f: {  	[tilespmem:s22], [sflag:$0x1] =	stream.indirect.gather [hbm4b:s5+s21], $0x80, s31, s21, $0xb8;
	[tilespmem:$0x1E740] =	vst v63  }
0x120: {  	_ = 	snop  }
0x121: {  	[spmem:s2] =	stream.indirect.scatter.add.f32 [tilespmem:s24], [sflag:$0x3], $0x80, s30, s21, $0xb8;
	[tilespmem:$0x1E740] =	vst v63  }
0x122: {  	_ = 	snop  }
0x123: {  	[spmem:s3] =	stream.indirect.scatter.add.f32 [tilespmem:s25], [sflag:$0x3], $0x10, s30, s21, $0xb8;
	[tilespmem:$0x1E740] =	vst v63  }
0x124: {  	_ =	swait.ge [sflag:s23], $0x2800  }
0x125: {  	[sflag:s23] =	ssyncset.done $0x0  }
0x126: {  	[sflag:s23] =	ssyncadd.s32 $0xFFFFD800  }
0x127: {  	_ =	swait.ge [sflag:s26], $0x2800  }
0x128: {  	[sflag:s26] =	ssyncset.done $0x0  }
0x129: {  	[sflag:s26] =	ssyncadd.s32 $0xFFFFD800  }
0x12a: {  	_ =	swait.ge [sflag:s26], $0x500  }
0x12b: {  	[sflag:s26] =	ssyncset.done $0x0  }
0x12c: {  	s31 =	simm.s32 $0xF0;
	[sflag:s26] =	ssyncadd.s32 $0xFFFFFB00  }
0x12d: {  	[tilespmem:s24], [sflag:$0x1] =	stream.indirect.gather [hbm4b:s5+s21], $0x80, s31, s21, $0xb8;
	[tilespmem:$0x1E740] =	vst v63  }
0x12e: {  	_ = 	snop  }
0x12f: {  	[spmem:s2] =	stream.indirect.scatter.add.f32 [tilespmem:s22], [sflag:$0x3], $0x80, s10, s21, $0xb8;
	[tilespmem:$0x1E740] =	vst v63  }
0x130: {  	_ = 	snop  }
0x131: {  	[spmem:s3] =	stream.indirect.scatter.add.f32 [tilespmem:s25], [sflag:$0x3], $0x10, s10, s21, $0xb8;
	[tilespmem:$0x1E740] =	vst v63  }
0x132: {  	_ =	swait.ge [sflag:s18], $0x190  }
0x133: {  	[sflag:s18] =	ssyncset.done $0x0  }
0x134: {  	[sflag:s18] =	ssyncadd.s32 $0xFFFFFE70  }
0x135: {  	_ =	swait.ge [sflag:s18], $0x190  }
0x136: {  	[sflag:s18] =	ssyncset.done $0x0  }
0x137: {  	[sflag:s18] =	ssyncadd.s32 $0xFFFFFE70  }
0x138: {  	_ =	swait.ge [sflag:s23], $0x2800  }
0x139: {  	[sflag:s23] =	ssyncset.done $0x0  }
0x13a: {  	[sflag:s23] =	ssyncadd.s32 $0xFFFFD800  }
0x13b: {  	_ =	swait.ge [sflag:s26], $0x2800  }
0x13c: {  	[sflag:s26] =	ssyncset.done $0x0  }
0x13d: {  	[sflag:s26] =	ssyncadd.s32 $0xFFFFD800  }
0x13e: {  	_ =	swait.ge [sflag:s26], $0x500  }
0x13f: {  	[sflag:s26] =	ssyncset.done $0x0  }
0x140: {  	[sflag:s26] =	ssyncadd.s32 $0xFFFFFB00  }
0x141: {  	[tilespmem:s22], [sflag:$0x1] =	stream.indirect.gather [hbm4b:s5+s21], $0x80, s11, s21, $0xb8;
	[tilespmem:$0x1E740] =	vst v63  }
0x142: {  	_ = 	snop  }
0x143: {  	[spmem:s2] =	stream.indirect.scatter.add.f32 [tilespmem:s24], [sflag:$0x3], $0x80, s8, s21, $0xb8;
	[tilespmem:$0x1E740] =	vst v63  }
0x144: {  	_ = 	snop  }
0x145: {  	[spmem:s3] =	stream.indirect.scatter.add.f32 [tilespmem:s25], [sflag:$0x3], $0x10, s8, s21, $0xb8;
	[tilespmem:$0x1E740] =	vst v63  }
0x146: {  	_ =	swait.ge [sflag:s23], $0x2800  }
0x147: {  	[sflag:s23] =	ssyncset.done $0x0  }
0x148: {  	[sflag:s23] =	ssyncadd.s32 $0xFFFFD800  }
0x149: {  	_ =	swait.ge [sflag:s26], $0x2800  }
0x14a: {  	[sflag:s26] =	ssyncset.done $0x0  }
0x14b: {  	[sflag:s26] =	ssyncadd.s32 $0xFFFFD800  }
0x14c: {  	_ =	swait.ge [sflag:s26], $0x500  }
0x14d: {  	[sflag:s26] =	ssyncset.done $0x0  }
0x14e: {  	[sflag:s26] =	ssyncadd.s32 $0xFFFFFB00  }
0x14f: {  	[tilespmem:s24], [sflag:$0x1] =	stream.indirect.gather [hbm4b:s5+s21], $0x80, s19, s21, $0xb8;
	[tilespmem:$0x1E740] =	vst v63  }
0x150: {  	_ = 	snop  }
0x151: {  	[spmem:s2] =	stream.indirect.scatter.add.f32 [tilespmem:s22], [sflag:$0x3], $0x80, s12, s21, $0xb8;
	[tilespmem:$0x1E740] =	vst v63  }
0x152: {  	s31 =	sshrl.u32 s29, $0x3  }
0x153: {  	[spmem:s3] =	stream.indirect.scatter.add.f32 [tilespmem:s25], [sflag:$0x3], $0x10, s12, s21, $0xb8;
	[tilespmem:$0x1E740] =	vst v63  }
0x154: {  	s31 =	sadd.s32 s6, s31  }
0x155: {  	[tilespmem:s4], [sflag:$0x2] =	stream.linear.gather [hbm4b:s31+s4], $0x190, $0x38;
	[tilespmem:$0x1E740] =	vst v63  }
0x156: {  	s31 =	sadd.s32 s28, s9  }
0x157: {  	[tilespmem:s16], [sflag:$0x2] =	stream.linear.gather [hbm4b:s31+s4], $0x190, $0x38;
	[tilespmem:$0x1E740] =	vst v63  }
0x158: {  	_ =	swait.ge [sflag:s23], $0x2800  }
0x159: {  	[sflag:s23] =	ssyncset.done $0x0  }
0x15a: {  	[sflag:s23] =	ssyncadd.s32 $0xFFFFD800  }
0x15b: {  	_ =	swait.ge [sflag:s26], $0x2800  }
0x15c: {  	[sflag:s26] =	ssyncset.done $0x0  }
0x15d: {  	[sflag:s26] =	ssyncadd.s32 $0xFFFFD800  }
0x15e: {  	_ =	swait.ge [sflag:s26], $0x500  }
0x15f: {  	[sflag:s26] =	ssyncset.done $0x0  }
0x160: {  	s31 =	simm.s32 $0x1E0;
	[sflag:s26] =	ssyncadd.s32 $0xFFFFFB00  }
0x161: {  	[tilespmem:s22], [sflag:$0x1] =	stream.indirect.gather [hbm4b:s5+s21], $0x80, s31, s21, $0xb8;
	[tilespmem:$0x1E740] =	vst v63  }
0x162: {  	_ = 	snop  }
0x163: {  	[spmem:s2] =	stream.indirect.scatter.add.f32 [tilespmem:s24], [sflag:$0x3], $0x80, s20, s21, $0xb8;
	[tilespmem:$0x1E740] =	vst v63  }
0x164: {  	_ = 	snop  }
0x165: {  	[spmem:s3] =	stream.indirect.scatter.add.f32 [tilespmem:s25], [sflag:$0x3], $0x10, s20, s21, $0xb8;
	[tilespmem:$0x1E740] =	vst v63  }
0x166: {  	_ =	swait.ge [sflag:s23], $0x2800  }
0x167: {  	[sflag:s23] =	ssyncset.done $0x0  }
0x168: {  	[sflag:s23] =	ssyncadd.s32 $0xFFFFD800  }
0x169: {  	_ =	swait.ge [sflag:s26], $0x2800  }
0x16a: {  	[sflag:s26] =	ssyncset.done $0x0  }
0x16b: {  	[sflag:s26] =	ssyncadd.s32 $0xFFFFD800  }
0x16c: {  	_ =	swait.ge [sflag:s26], $0x500  }
0x16d: {  	[sflag:s26] =	ssyncset.done $0x0  }
0x16e: {  	s31 =	simm.s32 $0x230;
	[sflag:s26] =	ssyncadd.s32 $0xFFFFFB00  }
0x16f: {  	[tilespmem:s24], [sflag:$0x1] =	stream.indirect.gather [hbm4b:s5+s21], $0x80, s31, s21, $0xb8;
	[tilespmem:$0x1E740] =	vst v63  }
0x170: {  	_ = 	snop  }
0x171: {  	[spmem:s2] =	stream.indirect.scatter.add.f32 [tilespmem:s22], [sflag:$0x3], $0x80, s17, s21, $0xb8;
	[tilespmem:$0x1E740] =	vst v63  }
0x172: {  	_ = 	snop  }
0x173: {  	[spmem:s3] =	stream.indirect.scatter.add.f32 [tilespmem:s25], [sflag:$0x3], $0x10, s17, s21, $0xb8;
	[tilespmem:$0x1E740] =	vst v63  }
0x174: {  	_ =	swait.ge [sflag:s23], $0x2800  }
0x175: {  	[sflag:s23] =	ssyncset.done $0x0  }
0x176: {  	[sflag:s23] =	ssyncadd.s32 $0xFFFFD800  }
0x177: {  	_ =	swait.ge [sflag:s26], $0x2800  }
0x178: {  	[sflag:s26] =	ssyncset.done $0x0  }
0x179: {  	[sflag:s26] =	ssyncadd.s32 $0xFFFFD800  }
0x17a: {  	_ =	swait.ge [sflag:s26], $0x500  }
0x17b: {  	[sflag:s26] =	ssyncset.done $0x0  }
0x17c: {  	s31 =	simm.s32 $0x280;
	[sflag:s26] =	ssyncadd.s32 $0xFFFFFB00  }
0x17d: {  	[tilespmem:s22], [sflag:$0x1] =	stream.indirect.gather [hbm4b:s5+s21], $0x80, s31, s21, $0xb8;
	[tilespmem:$0x1E740] =	vst v63  }
0x17e: {  	_ = 	snop  }
0x17f: {  	[spmem:s2] =	stream.indirect.scatter.add.f32 [tilespmem:s24], [sflag:$0x3], $0x80, s15, s21, $0xb8;
	[tilespmem:$0x1E740] =	vst v63  }
0x180: {  	_ = 	snop  }
0x181: {  	[spmem:s3] =	stream.indirect.scatter.add.f32 [tilespmem:s25], [sflag:$0x3], $0x10, s15, s21, $0xb8;
	[tilespmem:$0x1E740] =	vst v63  }
0x182: {  	_ =	swait.ge [sflag:s18], $0x190  }
0x183: {  	[sflag:s18] =	ssyncset.done $0x0  }
0x184: {  	[sflag:s18] =	ssyncadd.s32 $0xFFFFFE70  }
0x185: {  	_ =	swait.ge [sflag:s18], $0x190  }
0x186: {  	[sflag:s18] =	ssyncset.done $0x0  }
0x187: {  	[sflag:s18] =	ssyncadd.s32 $0xFFFFFE70  }
0x188: {  	_ =	swait.ge [sflag:s23], $0x2800  }
0x189: {  	[sflag:s23] =	ssyncset.done $0x0  }
0x18a: {  	[sflag:s23] =	ssyncadd.s32 $0xFFFFD800  }
0x18b: {  	_ =	swait.ge [sflag:s26], $0x2800  }
0x18c: {  	[sflag:s26] =	ssyncset.done $0x0  }
0x18d: {  	[sflag:s26] =	ssyncadd.s32 $0xFFFFD800  }
0x18e: {  	_ =	swait.ge [sflag:s26], $0x500  }
0x18f: {  	[sflag:s26] =	ssyncset.done $0x0  }
0x190: {  	s31 =	simm.s32 $0x2D0;
	[sflag:s26] =	ssyncadd.s32 $0xFFFFFB00  }
0x191: {  	[tilespmem:s24], [sflag:$0x1] =	stream.indirect.gather [hbm4b:s5+s21], $0x80, s31, s21, $0xb8;
	[tilespmem:$0x1E740] =	vst v63  }
0x192: {  	_ = 	snop  }
0x193: {  	[spmem:s2] =	stream.indirect.scatter.add.f32 [tilespmem:s22], [sflag:$0x3], $0x80, s7, s21, $0xb8;
	[tilespmem:$0x1E740] =	vst v63  }
0x194: {  	_ = 	snop  }
0x195: {  	[spmem:s3] =	stream.indirect.scatter.add.f32 [tilespmem:s25], [sflag:$0x3], $0x10, s7, s21, $0xb8;
	[tilespmem:$0x1E740] =	vst v63  }
0x196: {  	_ =	swait.ge [sflag:s23], $0x2800  }
0x197: {  	[sflag:s23] =	ssyncset.done $0x0  }
0x198: {  	[sflag:s23] =	ssyncadd.s32 $0xFFFFD800  }
0x199: {  	_ =	swait.ge [sflag:s26], $0x2800  }
0x19a: {  	[sflag:s26] =	ssyncset.done $0x0  }
0x19b: {  	[sflag:s26] =	ssyncadd.s32 $0xFFFFD800  }
0x19c: {  	_ =	swait.ge [sflag:s26], $0x500  }
0x19d: {  	[sflag:s26] =	ssyncset.done $0x0  }
0x19e: {  	p0 =	seq.s32 s28, $0x44C;
	[sflag:s26] =	ssyncadd.s32 $0xFFFFFB00  }
0x19f: {  	[tilespmem:s22], [sflag:$0x1] =	stream.indirect.gather [hbm4b:s5+s21], $0x80, s4, s21, $0xb8;
	[tilespmem:$0x1E740] =	vst v63  }
.Ltmp5:
0x1a0: {  	_ = 	snop;
	(pc) =	sbr.rel @p0 .LBB2_10-.Ltmp5, $4  }
0x1a1: {  	_ = 	snop  }
0x1a2: {  	[spmem:s2] =	stream.indirect.scatter.add.f32 [tilespmem:s24], [sflag:$0x3], $0x80, s13, s21, $0xb8;
	[tilespmem:$0x1E740] =	vst v63  }
0x1a3: {  	_ = 	snop  }
0x1a4: {  	[spmem:s3] =	stream.indirect.scatter.add.f32 [tilespmem:s25], [sflag:$0x3], $0x10, s13, s21, $0xb8;
	[tilespmem:$0x1E740] =	vst v63  }
.Ltmp6:
0x1a5: {  	(pc) =	sbr.rel .LBB2_8-.Ltmp6, $4  }
0x1a6: {  	s31 =	sadd.s32 s28, s1  }
0x1a7: {  	[tilespmem:s19], [sflag:$0x2] =	stream.linear.gather [hbm4b:s31+s4], $0x190, $0x38;
	[tilespmem:$0x1E740] =	vst v63  }
0x1a8: {  	s29 =	sadd.s32 $0x320, s29;
	s31 =	sadd.s32 s28, s0;
	s28 =	sadd.s32 $0x64, s28  }
0x1a9: {  	[tilespmem:s20], [sflag:$0x2] =	stream.linear.gather [hbm4b:s31+s4], $0x190, $0x38;
	[tilespmem:$0x1E740] =	vst v63  }
.LBB2_11:
0x1aa: {  	_ =	sfence.sel $0x180000  }
0x1ab: {  	[bflag:$0x0] =	sbarrier.arrive $0xFFFF  }
0x1ac: {  	_ =	strace $0x90000047  }
0x1ad: {  	s0 =	stileid.u32;
	[bflag:$0x2] =	sbarrier.arrive $0xFFFF  }
0x1ae: {  	p0 =	sne.s32 s0, $0x0;
	s0 =	rddreg [dreg:$0x3]  }
0x1af: {  	s0 =	sadd.s32 @!p0 $0x100000, s0  }
0x1b0: {  	[sflag:s0] =	ssyncadd.tile.s32 @!p0 $0x1;
	_ =	shalt  }
.Lfunc_end2:
_tile_overlayer_lowered:
.L_overlay_start_2:
0x1b1: {  	(tag) =	ssettag $0x2  }
0x1b2: {  	s0 =	rddreg [dreg:$0x0];
	s2 =	stileid.u32  }
0x1b3: {  	s1 =	rddreg [dreg:$0x1];
	p0 =	sne.s32 s2, $0x0  }
0x1b4: {  	s3 =	rddreg [dreg:$0x2];
	[bflag:$0x3] =	sbarrier.arrive $0xFFFF;
	s2 =	simm.s32 @!p0 $0x1C04  }
0x1b5: {  	[timem:s3], [sflag:s2] =	dma.local @!p0 [hbm:s0], s1  }
0x1b6: {  	s0 =	simm.s32 @!p0 $0x4  }
0x1b7: {  	_ =	swait.ge @!p0 [sflag:s0], s1  }
0x1b8: {  	s1 =	ssub.s32 @!p0 $0x0, s1;
	[sflag:s0] =	ssyncset.done @!p0 $0x0  }
0x1b9: {  	[sflag:s0] =	ssyncadd.s32 @!p0 s1  }
0x1ba: {  	[bflag:$0x3] =	sbarrier.arrive $0xFFFF  }
0x1bb: {  	_ =	shalt  }

</sc_bundles>
